<compile_context>
chip_gen: v7x
topology: tpu7x:2x2x1
jax: 0.10.2.dev20260603
libtpu: 0.0.44.dev20260713+nightly
codegen_flags: <defaults>
</compile_context>

<pallas_src>
import functools

import jax
import jax.numpy as jnp
from jax import lax
from jax.experimental import pallas as pl
from jax.experimental.pallas import tpu as pltpu
from jax.experimental.pallas import tpu_sc as plsc

_VOCAB = 1000000
_EMBED = 64
_HIDDEN = 256
_OUT = 128
_BATCH = 16384
_BAG = 50

_PAD = 56
_NW = 32
_BAGS_PER_W = _BATCH // _NW
_CHUNK_BAGS = 2
_CHUNK_IDX = _CHUNK_BAGS * _PAD
_CHUNKS = _BAGS_PER_W // _CHUNK_BAGS
_PAIRS = _CHUNKS // 2
_OBUF_BAGS = 128
_PAIRS_PER_FLUSH = _OBUF_BAGS // (2 * _CHUNK_BAGS)

_sc_mesh = plsc.VectorSubcoreMesh(core_axis_name="c", subcore_axis_name="s")


def _sum_bag(rows_v, row0, k):
    vals = [rows_v[row0 + r, pl.ds(16 * k, 16)] for r in range(_BAG)]
    while len(vals) > 1:
        nxt = [vals[i] + vals[i + 1] for i in range(0, len(vals) - 1, 2)]
        if len(vals) % 2:
            nxt.append(vals[-1])
        vals = nxt
    return vals[0]


@functools.partial(
    pl.kernel,
    mesh=_sc_mesh,
    out_type=jax.ShapeDtypeStruct((_BATCH * _EMBED,), jnp.float32),
    scratch_types=[
        pltpu.VMEM((_CHUNKS * _CHUNK_IDX,), jnp.int32),
        pltpu.VMEM((_CHUNK_IDX, _EMBED), jnp.float32),
        pltpu.VMEM((_CHUNK_IDX, _EMBED), jnp.float32),
        pltpu.VMEM((_OBUF_BAGS * _EMBED,), jnp.float32),
        pltpu.SemaphoreType.DMA,
        pltpu.SemaphoreType.DMA,
    ],
    compiler_params=pltpu.CompilerParams(use_tc_tiling_on_sc=False),
)
def _bag_sums(idx_hbm, table_hbm, out_hbm, idx_v, rows0, rows1, obuf_v,
              sem0, sem1):
    nc = 2
    wid = lax.axis_index("s") * nc + lax.axis_index("c")
    idx_base = wid * (_BAGS_PER_W * _PAD)
    out_base = wid * (_BAGS_PER_W * _EMBED)

    pltpu.sync_copy(idx_hbm.at[pl.ds(idx_base, _CHUNKS * _CHUNK_IDX)], idx_v)

    def gather(c, rows, sem):
        src = table_hbm.at[idx_v.at[pl.ds(c * _CHUNK_IDX, _CHUNK_IDX)]]
        return pltpu.async_copy(src, rows, sem)

    def gather_wait(c, rows, sem):
        src = table_hbm.at[idx_v.at[pl.ds(c * _CHUNK_IDX, _CHUNK_IDX)]]
        pltpu.make_async_copy(src, rows, sem).wait()

    def accum(rows, slot):
        for b in range(_CHUNK_BAGS):
            for k in range(4):
                obuf_v[pl.ds((slot + b) * _EMBED + 16 * k, 16)] = (
                    _sum_bag(rows, b * _PAD, k))

    gather(0, rows0, sem0)

    def pair_body(p, _):
        c0 = 2 * p
        gather(c0 + 1, rows1, sem1)
        gather_wait(c0, rows0, sem0)
        slot = 2 * _CHUNK_BAGS * lax.rem(p, _PAIRS_PER_FLUSH)
        accum(rows0, slot)

        @pl.when(p < _PAIRS - 1)
        def _():
            gather(c0 + 2, rows0, sem0)

        gather_wait(c0 + 1, rows1, sem1)
        accum(rows1, slot + _CHUNK_BAGS)

        @pl.when(lax.rem(p, _PAIRS_PER_FLUSH) == _PAIRS_PER_FLUSH - 1)
        def _():
            blk = lax.div(p, _PAIRS_PER_FLUSH)
            pltpu.sync_copy(
                obuf_v,
                out_hbm.at[pl.ds(out_base + blk * (_OBUF_BAGS * _EMBED),
                                 _OBUF_BAGS * _EMBED)])
        return 0

    lax.fori_loop(0, _PAIRS, pair_body, 0)


def _ffnn_body(x_ref, w1_ref, b1_ref, w2_ref, b2_ref, o_ref):
    x = x_ref[...] * (1.0 / _BAG)
    h = jnp.maximum(
        jnp.dot(x, w1_ref[...], preferred_element_type=jnp.float32)
        + b1_ref[...], 0.0)
    logits = (jnp.dot(h, w2_ref[...], preferred_element_type=jnp.float32)
              + b2_ref[...])
    m = jnp.max(logits, axis=1, keepdims=True)
    shifted = logits - m
    lse = jnp.log(jnp.sum(jnp.exp(shifted), axis=1, keepdims=True))
    o_ref[...] = shifted - lse


_BT = 1024

_ffnn = pl.pallas_call(
    _ffnn_body,
    grid=(_BATCH // _BT,),
    in_specs=[
        pl.BlockSpec((_BT, _EMBED), lambda i: (i, 0)),
        pl.BlockSpec((_EMBED, _HIDDEN), lambda i: (0, 0)),
        pl.BlockSpec((1, _HIDDEN), lambda i: (0, 0)),
        pl.BlockSpec((_HIDDEN, _OUT), lambda i: (0, 0)),
        pl.BlockSpec((1, _OUT), lambda i: (0, 0)),
    ],
    out_specs=pl.BlockSpec((_BT, _OUT), lambda i: (i, 0)),
    out_shape=jax.ShapeDtypeStruct((_BATCH, _OUT), jnp.float32),
)


def kernel(indices, table, W1, b1, W2, b2):
    idx32 = indices.astype(jnp.int32)
    idx_p = jnp.concatenate([idx32, idx32[:, : _PAD - _BAG]], axis=1)
    idx_flat = idx_p.reshape(-1)
    sums = _bag_sums(idx_flat, table).reshape(_BATCH, _EMBED)
    return _ffnn(sums, W1, b1.reshape(1, _HIDDEN), W2, b2.reshape(1, _OUT))

# --- scband reference (transcript-rebuilt; emitter-appended) ---
"""Pipeline reference for scband-bow-ffnn-random-5806795784264 (READ-ONLY COPY).

The authoritative reference and input builder live on the scoring server;
editing this copy changes nothing except your own understanding.
"""

import jax, jax.numpy as jnp
import numpy as np

VOCAB = 1000000
EMBED = 64
HIDDEN = 256
OUT = 128
BATCH = 16384
BAG = 50

def setup_inputs(seed: int = 0) -> dict:
    key = jax.random.key(seed)
    k1, k2, k3, k4, k5, k6 = jax.random.split(key, 6)
    indices = jax.random.randint(k1, (BATCH, BAG), 0, VOCAB, dtype=jnp.int64) if jax.config.read('jax_enable_x64') else jax.random.randint(k1, (BATCH, BAG), 0, VOCAB, dtype=jnp.int32)
    table = jax.random.normal(k2, (VOCAB, EMBED), dtype=jnp.float32) * 0.02
    W1 = jax.random.normal(k3, (EMBED, HIDDEN), dtype=jnp.float32) * (1.0 / np.sqrt(EMBED))
    b1 = jnp.zeros((HIDDEN,), dtype=jnp.float32)
    W2 = jax.random.normal(k4, (HIDDEN, OUT), dtype=jnp.float32) * (1.0 / np.sqrt(HIDDEN))
    b2 = jnp.zeros((OUT,), dtype=jnp.float32)
    return {"indices": indices, "table": table, "W1": W1, "b1": b1, "W2": W2, "b2": b2}

def reference(indices, table, W1, b1, W2, b2):
    # EmbeddingBag(mode='mean') over fixed-length bags of BAG tokens per row
    gathered = jnp.take(table, indices, axis=0)          # [B, BAG, EMBED]
    vec = gathered.mean(axis=1)                          # [B, EMBED]
    # FFNN: Linear -> ReLU -> Linear
    h = jnp.maximum(vec @ W1 + b1, 0.0)                  # [B, HIDDEN]
    logits = h @ W2 + b2                                 # [B, OUT]
    return jax.nn.log_softmax(logits, axis=1)

if __name__ == "__main__":
    import jax
    _d = setup_inputs()
    print(jax.jit(kernel)(*tuple(_d.values())))

</pallas_src>

<mosaic_0001>
#map = affine_map<(d0, d1) -> (0)>
#map1 = affine_map<(d0, d1) -> (0, 0)>
module attributes {stable_mosaic.version = 14 : i64} {
  func.func @_bag_sums(%arg0: i32, %arg1: i32, %arg2: memref<917504xi32, #tpu.memory_space<hbm>>, %arg3: memref<1000000x64xf32, #tpu.memory_space<hbm>>, %arg4: memref<1048576xf32, #tpu.memory_space<hbm>>, %arg5: memref<28672xi32, #tpu.memory_space<vmem>>, %arg6: memref<112x64xf32, #tpu.memory_space<vmem>>, %arg7: memref<112x64xf32, #tpu.memory_space<vmem>>, %arg8: memref<8192xf32, #tpu.memory_space<vmem>>, %arg9: memref<!tpu.dma_semaphore, #tpu.memory_space<semaphore_mem>>, %arg10: memref<!tpu.dma_semaphore, #tpu.memory_space<semaphore_mem>>) attributes {dimension_semantics = [#tpu.dimension_semantics<core_parallel>, #tpu.dimension_semantics<subcore_parallel>], iteration_bounds = array<i64: 2, 16>, scalar_prefetch = 0 : i64, scratch_operands = 6 : i64, tpu.core_type = #tpu.core_type<sc_vector_subcore>, window_params = [{transform_indices = #map}, {transform_indices = #map1}, {transform_indices = #map}]} {
    %mul3A = arith.constant 2 : i32
    %mul3A_0 = arith.muli %arg1, %mul3A : i32
    %add3A = arith.addi %mul3A_0, %arg0 : i32
    %mul3A_1 = arith.constant 28672 : i32
    %mul3A_2 = arith.muli %add3A, %mul3A_1 : i32
    %mul3A_3 = arith.constant 32768 : i32
    %mul3A_4 = arith.muli %add3A, %mul3A_3 : i32
    "tpu.region"() ({
      %run_scoped3A = tpu.sem_alloc : memref<!tpu.dma_semaphore, #tpu.memory_space<semaphore_mem>>
      %dma_start3A_15 = tpu.memref_slice %arg2[%mul3A_2] : memref<917504xi32, #tpu.memory_space<hbm>> -> memref<28672xi32, #tpu.memory_space<hbm>>
      %dma_start3A_16 = tpu.memref_slice %arg2[%mul3A_2] : memref<917504xi32, #tpu.memory_space<hbm>> -> memref<28672xi32, #tpu.memory_space<hbm>>
      tpu.enqueue_dma source(%dma_start3A_16 : memref<28672xi32, #tpu.memory_space<hbm>>) target(%arg5 : memref<28672xi32, #tpu.memory_space<vmem>>) target_semaphore(%run_scoped3A : memref<!tpu.dma_semaphore, #tpu.memory_space<semaphore_mem>>)
      %dma_wait3A = tpu.memref_slice %arg2[%mul3A_2] : memref<917504xi32, #tpu.memory_space<hbm>> -> memref<28672xi32, #tpu.memory_space<hbm>>
      %dma_wait3A_17 = tpu.memref_slice %arg2[%mul3A_2] : memref<917504xi32, #tpu.memory_space<hbm>> -> memref<28672xi32, #tpu.memory_space<hbm>>
      tpu.wait_dma2 semaphore(%run_scoped3A : memref<!tpu.dma_semaphore, #tpu.memory_space<semaphore_mem>>) src(%dma_wait3A_17 : memref<28672xi32, #tpu.memory_space<hbm>>) dst(%arg5 : memref<28672xi32, #tpu.memory_space<vmem>>)
      tpu.yield
    }) : () -> ()
    %dma_start3A = arith.constant 0 : i32
    %dma_start3A_5 = tpu.memref_slice %arg5[%dma_start3A] : memref<28672xi32, #tpu.memory_space<vmem>> -> memref<112xi32, #tpu.memory_space<vmem>>
    %dma_start3A_6 = arith.constant 0 : i32
    %dma_start3A_7 = arith.constant 0 : i32
    %dma_start3A_8 = tpu.memref_slice %arg3[%dma_start3A_6, %dma_start3A_7] : memref<1000000x64xf32, #tpu.memory_space<hbm>> -> memref<1000000x64xf32, #tpu.memory_space<hbm>>
    tpu.enqueue_indirect_dma source(%dma_start3A_8 : memref<1000000x64xf32, #tpu.memory_space<hbm>>) target(%arg6 : memref<112x64xf32, #tpu.memory_space<vmem>>) offsets(%dma_start3A_5 : memref<112xi32, #tpu.memory_space<vmem>>) semaphore(%arg9 : memref<!tpu.dma_semaphore, #tpu.memory_space<semaphore_mem>>)
    %scan3A = arith.constant 0 : i32
    %scan3A_9 = arith.constant 0 : i32
    %scan3A_10 = arith.constant 128 : i32
    %scan3A_11 = arith.addi %scan3A_9, %scan3A_10 : i32
    %scan3A_12 = arith.constant 1 : i32
    %scan3A_13 = scf.for %scan3A_15 = %scan3A_9 to %scan3A_11 step %scan3A_12 iter_args(%scan3A_16 = %scan3A) -> (i32)  : i32 {
      %mul3A_17 = arith.constant 2 : i32
      %mul3A_18 = arith.muli %mul3A_17, %scan3A_15 : i32
      %add3A_19 = arith.constant 1 : i32
      %add3A_20 = arith.addi %mul3A_18, %add3A_19 : i32
      %mul3A_21 = arith.constant 112 : i32
      %mul3A_22 = arith.muli %add3A_20, %mul3A_21 : i32
      %dma_start3A_23 = tpu.memref_slice %arg5[%mul3A_22] : memref<28672xi32, #tpu.memory_space<vmem>> -> memref<112xi32, #tpu.memory_space<vmem>>
      %dma_start3A_24 = arith.constant 0 : i32
      %dma_start3A_25 = arith.constant 0 : i32
      %dma_start3A_26 = tpu.memref_slice %arg3[%dma_start3A_24, %dma_start3A_25] : memref<1000000x64xf32, #tpu.memory_space<hbm>> -> memref<1000000x64xf32, #tpu.memory_space<hbm>>
      tpu.enqueue_indirect_dma source(%dma_start3A_26 : memref<1000000x64xf32, #tpu.memory_space<hbm>>) target(%arg7 : memref<112x64xf32, #tpu.memory_space<vmem>>) offsets(%dma_start3A_23 : memref<112xi32, #tpu.memory_space<vmem>>) semaphore(%arg10 : memref<!tpu.dma_semaphore, #tpu.memory_space<semaphore_mem>>)
      %mul3A_27 = arith.constant 112 : i32
      %mul3A_28 = arith.muli %mul3A_18, %mul3A_27 : i32
      %dma_wait3A = tpu.memref_slice %arg5[%mul3A_28] : memref<28672xi32, #tpu.memory_space<vmem>> -> memref<112xi32, #tpu.memory_space<vmem>>
      %dma_wait3A_29 = arith.constant 0 : i32
      %dma_wait3A_30 = arith.constant 0 : i32
      %dma_wait3A_31 = tpu.memref_slice %arg3[%dma_wait3A_29, %dma_wait3A_30] : memref<1000000x64xf32, #tpu.memory_space<hbm>> -> memref<1000000x64xf32, #tpu.memory_space<hbm>>
      tpu.wait_indirect_dma semaphore(%arg9 : memref<!tpu.dma_semaphore, #tpu.memory_space<semaphore_mem>>) src(%dma_wait3A_31 : memref<1000000x64xf32, #tpu.memory_space<hbm>>) dst(%arg6 : memref<112x64xf32, #tpu.memory_space<vmem>>)
      %rem3A = arith.constant 32 : i32
      %rem3A_32 = arith.remsi %scan3A_15, %rem3A : i32
      %mul3A_33 = arith.constant 4 : i32
      %mul3A_34 = arith.muli %mul3A_33, %rem3A_32 : i32
      %get3A = arith.constant 0 : i32
      %get3A_35 = arith.index_cast %get3A : i32 to index
      %get3A_36 = arith.constant 0 : index
      %get3A_37 = tpu.vector_load %arg6[%get3A_35, %get3A_36] {strides = array<i32>} : memref<112x64xf32, #tpu.memory_space<vmem>>, vector<1x16xf32>,
      %get3A_38 = vector.shape_cast %get3A_37 : vector<1x16xf32> to vector<16xf32>
      %get3A_39 = arith.constant 1 : i32
      %get3A_40 = arith.index_cast %get3A_39 : i32 to index
      %get3A_41 = arith.constant 0 : index
      %get3A_42 = tpu.vector_load %arg6[%get3A_40, %get3A_41] {strides = array<i32>} : memref<112x64xf32, #tpu.memory_space<vmem>>, vector<1x16xf32>,
      %get3A_43 = vector.shape_cast %get3A_42 : vector<1x16xf32> to vector<16xf32>
      %get3A_44 = arith.constant 2 : i32
      %get3A_45 = arith.index_cast %get3A_44 : i32 to index
      %get3A_46 = arith.constant 0 : index
      %get3A_47 = tpu.vector_load %arg6[%get3A_45, %get3A_46] {strides = array<i32>} : memref<112x64xf32, #tpu.memory_space<vmem>>, vector<1x16xf32>,
      %get3A_48 = vector.shape_cast %get3A_47 : vector<1x16xf32> to vector<16xf32>
      %get3A_49 = arith.constant 3 : i32
      %get3A_50 = arith.index_cast %get3A_49 : i32 to index
      %get3A_51 = arith.constant 0 : index
      %get3A_52 = tpu.vector_load %arg6[%get3A_50, %get3A_51] {strides = array<i32>} : memref<112x64xf32, #tpu.memory_space<vmem>>, vector<1x16xf32>,
      %get3A_53 = vector.shape_cast %get3A_52 : vector<1x16xf32> to vector<16xf32>
      %get3A_54 = arith.constant 4 : i32
      %get3A_55 = arith.index_cast %get3A_54 : i32 to index
      %get3A_56 = arith.constant 0 : index
      %get3A_57 = tpu.vector_load %arg6[%get3A_55, %get3A_56] {strides = array<i32>} : memref<112x64xf32, #tpu.memory_space<vmem>>, vector<1x16xf32>,
      %get3A_58 = vector.shape_cast %get3A_57 : vector<1x16xf32> to vector<16xf32>
      %get3A_59 = arith.constant 5 : i32
      %get3A_60 = arith.index_cast %get3A_59 : i32 to index
      %get3A_61 = arith.constant 0 : index
      %get3A_62 = tpu.vector_load %arg6[%get3A_60, %get3A_61] {strides = array<i32>} : memref<112x64xf32, #tpu.memory_space<vmem>>, vector<1x16xf32>,
      %get3A_63 = vector.shape_cast %get3A_62 : vector<1x16xf32> to vector<16xf32>
      %get3A_64 = arith.constant 6 : i32
      %get3A_65 = arith.index_cast %get3A_64 : i32 to index
      %get3A_66 = arith.constant 0 : index
      %get3A_67 = tpu.vector_load %arg6[%get3A_65, %get3A_66] {strides = array<i32>} : memref<112x64xf32, #tpu.memory_space<vmem>>, vector<1x16xf32>,
      %get3A_68 = vector.shape_cast %get3A_67 : vector<1x16xf32> to vector<16xf32>
      %get3A_69 = arith.constant 7 : i32
      %get3A_70 = arith.index_cast %get3A_69 : i32 to index
      %get3A_71 = arith.constant 0 : index
      %get3A_72 = tpu.vector_load %arg6[%get3A_70, %get3A_71] {strides = array<i32>} : memref<112x64xf32, #tpu.memory_space<vmem>>, vector<1x16xf32>,
      %get3A_73 = vector.shape_cast %get3A_72 : vector<1x16xf32> to vector<16xf32>
      %get3A_74 = arith.constant 8 : i32
      %get3A_75 = arith.index_cast %get3A_74 : i32 to index
      %get3A_76 = arith.constant 0 : index
      %get3A_77 = tpu.vector_load %arg6[%get3A_75, %get3A_76] {strides = array<i32>} : memref<112x64xf32, #tpu.memory_space<vmem>>, vector<1x16xf32>,
      %get3A_78 = vector.shape_cast %get3A_77 : vector<1x16xf32> to vector<16xf32>
      %get3A_79 = arith.constant 9 : i32
      %get3A_80 = arith.index_cast %get3A_79 : i32 to index
      %get3A_81 = arith.constant 0 : index
      %get3A_82 = tpu.vector_load %arg6[%get3A_80, %get3A_81] {strides = array<i32>} : memref<112x64xf32, #tpu.memory_space<vmem>>, vector<1x16xf32>,
      %get3A_83 = vector.shape_cast %get3A_82 : vector<1x16xf32> to vector<16xf32>
      %get3A_84 = arith.constant 10 : i32
      %get3A_85 = arith.index_cast %get3A_84 : i32 to index
      %get3A_86 = arith.constant 0 : index
      %get3A_87 = tpu.vector_load %arg6[%get3A_85, %get3A_86] {strides = array<i32>} : memref<112x64xf32, #tpu.memory_space<vmem>>, vector<1x16xf32>,
      %get3A_88 = vector.shape_cast %get3A_87 : vector<1x16xf32> to vector<16xf32>
      %get3A_89 = arith.constant 11 : i32
      %get3A_90 = arith.index_cast %get3A_89 : i32 to index
      %get3A_91 = arith.constant 0 : index
      %get3A_92 = tpu.vector_load %arg6[%get3A_90, %get3A_91] {strides = array<i32>} : memref<112x64xf32, #tpu.memory_space<vmem>>, vector<1x16xf32>,
      %get3A_93 = vector.shape_cast %get3A_92 : vector<1x16xf32> to vector<16xf32>
      %get3A_94 = arith.constant 12 : i32
      %get3A_95 = arith.index_cast %get3A_94 : i32 to index
      %get3A_96 = arith.constant 0 : index
      %get3A_97 = tpu.vector_load %arg6[%get3A_95, %get3A_96] {strides = array<i32>} : memref<112x64xf32, #tpu.memory_space<vmem>>, vector<1x16xf32>,
      %get3A_98 = vector.shape_cast %get3A_97 : vector<1x16xf32> to vector<16xf32>
      %get3A_99 = arith.constant 13 : i32
      %get3A_100 = arith.index_cast %get3A_99 : i32 to index
      %get3A_101 = arith.constant 0 : index
      %get3A_102 = tpu.vector_load %arg6[%get3A_100, %get3A_101] {strides = array<i32>} : memref<112x64xf32, #tpu.memory_space<vmem>>, vector<1x16xf32>,
      %get3A_103 = vector.shape_cast %get3A_102 : vector<1x16xf32> to vector<16xf32>
      %get3A_104 = arith.constant 14 : i32
      %get3A_105 = arith.index_cast %get3A_104 : i32 to index
      %get3A_106 = arith.constant 0 : index
      %get3A_107 = tpu.vector_load %arg6[%get3A_105, %get3A_106] {strides = array<i32>} : memref<112x64xf32, #tpu.memory_space<vmem>>, vector<1x16xf32>,
      %get3A_108 = vector.shape_cast %get3A_107 : vector<1x16xf32> to vector<16xf32>
      %get3A_109 = arith.constant 15 : i32
      %get3A_110 = arith.index_cast %get3A_109 : i32 to index
      %get3A_111 = arith.constant 0 : index
      %get3A_112 = tpu.vector_load %arg6[%get3A_110, %get3A_111] {strides = array<i32>} : memref<112x64xf32, #tpu.memory_space<vmem>>, vector<1x16xf32>,
      %get3A_113 = vector.shape_cast %get3A_112 : vector<1x16xf32> to vector<16xf32>
      %get3A_114 = arith.constant 16 : i32
      %get3A_115 = arith.index_cast %get3A_114 : i32 to index
      %get3A_116 = arith.constant 0 : index
      %get3A_117 = tpu.vector_load %arg6[%get3A_115, %get3A_116] {strides = array<i32>} : memref<112x64xf32, #tpu.memory_space<vmem>>, vector<1x16xf32>,
      %get3A_118 = vector.shape_cast %get3A_117 : vector<1x16xf32> to vector<16xf32>
      %get3A_119 = arith.constant 17 : i32
      %get3A_120 = arith.index_cast %get3A_119 : i32 to index
      %get3A_121 = arith.constant 0 : index
      %get3A_122 = tpu.vector_load %arg6[%get3A_120, %get3A_121] {strides = array<i32>} : memref<112x64xf32, #tpu.memory_space<vmem>>, vector<1x16xf32>,
      %get3A_123 = vector.shape_cast %get3A_122 : vector<1x16xf32> to vector<16xf32>
      %get3A_124 = arith.constant 18 : i32
      %get3A_125 = arith.index_cast %get3A_124 : i32 to index
      %get3A_126 = arith.constant 0 : index
      %get3A_127 = tpu.vector_load %arg6[%get3A_125, %get3A_126] {strides = array<i32>} : memref<112x64xf32, #tpu.memory_space<vmem>>, vector<1x16xf32>,
      %get3A_128 = vector.shape_cast %get3A_127 : vector<1x16xf32> to vector<16xf32>
      %get3A_129 = arith.constant 19 : i32
      %get3A_130 = arith.index_cast %get3A_129 : i32 to index
      %get3A_131 = arith.constant 0 : index
      %get3A_132 = tpu.vector_load %arg6[%get3A_130, %get3A_131] {strides = array<i32>} : memref<112x64xf32, #tpu.memory_space<vmem>>, vector<1x16xf32>,
      %get3A_133 = vector.shape_cast %get3A_132 : vector<1x16xf32> to vector<16xf32>
      %get3A_134 = arith.constant 20 : i32
      %get3A_135 = arith.index_cast %get3A_134 : i32 to index
      %get3A_136 = arith.constant 0 : index
      %get3A_137 = tpu.vector_load %arg6[%get3A_135, %get3A_136] {strides = array<i32>} : memref<112x64xf32, #tpu.memory_space<vmem>>, vector<1x16xf32>,
      %get3A_138 = vector.shape_cast %get3A_137 : vector<1x16xf32> to vector<16xf32>
      %get3A_139 = arith.constant 21 : i32
      %get3A_140 = arith.index_cast %get3A_139 : i32 to index
      %get3A_141 = arith.constant 0 : index
      %get3A_142 = tpu.vector_load %arg6[%get3A_140, %get3A_141] {strides = array<i32>} : memref<112x64xf32, #tpu.memory_space<vmem>>, vector<1x16xf32>,
      %get3A_143 = vector.shape_cast %get3A_142 : vector<1x16xf32> to vector<16xf32>
      %get3A_144 = arith.constant 22 : i32
      %get3A_145 = arith.index_cast %get3A_144 : i32 to index
      %get3A_146 = arith.constant 0 : index
      %get3A_147 = tpu.vector_load %arg6[%get3A_145, %get3A_146] {strides = array<i32>} : memref<112x64xf32, #tpu.memory_space<vmem>>, vector<1x16xf32>,
      %get3A_148 = vector.shape_cast %get3A_147 : vector<1x16xf32> to vector<16xf32>
      %get3A_149 = arith.constant 23 : i32
      %get3A_150 = arith.index_cast %get3A_149 : i32 to index
      %get3A_151 = arith.constant 0 : index
      %get3A_152 = tpu.vector_load %arg6[%get3A_150, %get3A_151] {strides = array<i32>} : memref<112x64xf32, #tpu.memory_space<vmem>>, vector<1x16xf32>,
      %get3A_153 = vector.shape_cast %get3A_152 : vector<1x16xf32> to vector<16xf32>
      %get3A_154 = arith.constant 24 : i32
      %get3A_155 = arith.index_cast %get3A_154 : i32 to index
      %get3A_156 = arith.constant 0 : index
      %get3A_157 = tpu.vector_load %arg6[%get3A_155, %get3A_156] {strides = array<i32>} : memref<112x64xf32, #tpu.memory_space<vmem>>, vector<1x16xf32>,
      %get3A_158 = vector.shape_cast %get3A_157 : vector<1x16xf32> to vector<16xf32>
      %get3A_159 = arith.constant 25 : i32
      %get3A_160 = arith.index_cast %get3A_159 : i32 to index
      %get3A_161 = arith.constant 0 : index
      %get3A_162 = tpu.vector_load %arg6[%get3A_160, %get3A_161] {strides = array<i32>} : memref<112x64xf32, #tpu.memory_space<vmem>>, vector<1x16xf32>,
      %get3A_163 = vector.shape_cast %get3A_162 : vector<1x16xf32> to vector<16xf32>
      %get3A_164 = arith.constant 26 : i32
      %get3A_165 = arith.index_cast %get3A_164 : i32 to index
      %get3A_166 = arith.constant 0 : index
      %get3A_167 = tpu.vector_load %arg6[%get3A_165, %get3A_166] {strides = array<i32>} : memref<112x64xf32, #tpu.memory_space<vmem>>, vector<1x16xf32>,
      %get3A_168 = vector.shape_cast %get3A_167 : vector<1x16xf32> to vector<16xf32>
      %get3A_169 = arith.constant 27 : i32
      %get3A_170 = arith.index_cast %get3A_169 : i32 to index
      %get3A_171 = arith.constant 0 : index
      %get3A_172 = tpu.vector_load %arg6[%get3A_170, %get3A_171] {strides = array<i32>} : memref<112x64xf32, #tpu.memory_space<vmem>>, vector<1x16xf32>,
      %get3A_173 = vector.shape_cast %get3A_172 : vector<1x16xf32> to vector<16xf32>
      %get3A_174 = arith.constant 28 : i32
      %get3A_175 = arith.index_cast %get3A_174 : i32 to index
      %get3A_176 = arith.constant 0 : index
      %get3A_177 = tpu.vector_load %arg6[%get3A_175, %get3A_176] {strides = array<i32>} : memref<112x64xf32, #tpu.memory_space<vmem>>, vector<1x16xf32>,
      %get3A_178 = vector.shape_cast %get3A_177 : vector<1x16xf32> to vector<16xf32>
      %get3A_179 = arith.constant 29 : i32
      %get3A_180 = arith.index_cast %get3A_179 : i32 to index
      %get3A_181 = arith.constant 0 : index
      %get3A_182 = tpu.vector_load %arg6[%get3A_180, %get3A_181] {strides = array<i32>} : memref<112x64xf32, #tpu.memory_space<vmem>>, vector<1x16xf32>,
      %get3A_183 = vector.shape_cast %get3A_182 : vector<1x16xf32> to vector<16xf32>
      %get3A_184 = arith.constant 30 : i32
      %get3A_185 = arith.index_cast %get3A_184 : i32 to index
      %get3A_186 = arith.constant 0 : index
      %get3A_187 = tpu.vector_load %arg6[%get3A_185, %get3A_186] {strides = array<i32>} : memref<112x64xf32, #tpu.memory_space<vmem>>, vector<1x16xf32>,
      %get3A_188 = vector.shape_cast %get3A_187 : vector<1x16xf32> to vector<16xf32>
      %get3A_189 = arith.constant 31 : i32
      %get3A_190 = arith.index_cast %get3A_189 : i32 to index
      %get3A_191 = arith.constant 0 : index
      %get3A_192 = tpu.vector_load %arg6[%get3A_190, %get3A_191] {strides = array<i32>} : memref<112x64xf32, #tpu.memory_space<vmem>>, vector<1x16xf32>,
      %get3A_193 = vector.shape_cast %get3A_192 : vector<1x16xf32> to vector<16xf32>
      %get3A_194 = arith.constant 32 : i32
      %get3A_195 = arith.index_cast %get3A_194 : i32 to index
      %get3A_196 = arith.constant 0 : index
      %get3A_197 = tpu.vector_load %arg6[%get3A_195, %get3A_196] {strides = array<i32>} : memref<112x64xf32, #tpu.memory_space<vmem>>, vector<1x16xf32>,
      %get3A_198 = vector.shape_cast %get3A_197 : vector<1x16xf32> to vector<16xf32>
      %get3A_199 = arith.constant 33 : i32
      %get3A_200 = arith.index_cast %get3A_199 : i32 to index
      %get3A_201 = arith.constant 0 : index
      %get3A_202 = tpu.vector_load %arg6[%get3A_200, %get3A_201] {strides = array<i32>} : memref<112x64xf32, #tpu.memory_space<vmem>>, vector<1x16xf32>,
      %get3A_203 = vector.shape_cast %get3A_202 : vector<1x16xf32> to vector<16xf32>
      %get3A_204 = arith.constant 34 : i32
      %get3A_205 = arith.index_cast %get3A_204 : i32 to index
      %get3A_206 = arith.constant 0 : index
      %get3A_207 = tpu.vector_load %arg6[%get3A_205, %get3A_206] {strides = array<i32>} : memref<112x64xf32, #tpu.memory_space<vmem>>, vector<1x16xf32>,
      %get3A_208 = vector.shape_cast %get3A_207 : vector<1x16xf32> to vector<16xf32>
      %get3A_209 = arith.constant 35 : i32
      %get3A_210 = arith.index_cast %get3A_209 : i32 to index
      %get3A_211 = arith.constant 0 : index
      %get3A_212 = tpu.vector_load %arg6[%get3A_210, %get3A_211] {strides = array<i32>} : memref<112x64xf32, #tpu.memory_space<vmem>>, vector<1x16xf32>,
      %get3A_213 = vector.shape_cast %get3A_212 : vector<1x16xf32> to vector<16xf32>
      %get3A_214 = arith.constant 36 : i32
      %get3A_215 = arith.index_cast %get3A_214 : i32 to index
      %get3A_216 = arith.constant 0 : index
      %get3A_217 = tpu.vector_load %arg6[%get3A_215, %get3A_216] {strides = array<i32>} : memref<112x64xf32, #tpu.memory_space<vmem>>, vector<1x16xf32>,
      %get3A_218 = vector.shape_cast %get3A_217 : vector<1x16xf32> to vector<16xf32>
      %get3A_219 = arith.constant 37 : i32
      %get3A_220 = arith.index_cast %get3A_219 : i32 to index
      %get3A_221 = arith.constant 0 : index
      %get3A_222 = tpu.vector_load %arg6[%get3A_220, %get3A_221] {strides = array<i32>} : memref<112x64xf32, #tpu.memory_space<vmem>>, vector<1x16xf32>,
      %get3A_223 = vector.shape_cast %get3A_222 : vector<1x16xf32> to vector<16xf32>
      %get3A_224 = arith.constant 38 : i32
      %get3A_225 = arith.index_cast %get3A_224 : i32 to index
      %get3A_226 = arith.constant 0 : index
      %get3A_227 = tpu.vector_load %arg6[%get3A_225, %get3A_226] {strides = array<i32>} : memref<112x64xf32, #tpu.memory_space<vmem>>, vector<1x16xf32>,
      %get3A_228 = vector.shape_cast %get3A_227 : vector<1x16xf32> to vector<16xf32>
      %get3A_229 = arith.constant 39 : i32
      %get3A_230 = arith.index_cast %get3A_229 : i32 to index
      %get3A_231 = arith.constant 0 : index
      %get3A_232 = tpu.vector_load %arg6[%get3A_230, %get3A_231] {strides = array<i32>} : memref<112x64xf32, #tpu.memory_space<vmem>>, vector<1x16xf32>,
      %get3A_233 = vector.shape_cast %get3A_232 : vector<1x16xf32> to vector<16xf32>
      %get3A_234 = arith.constant 40 : i32
      %get3A_235 = arith.index_cast %get3A_234 : i32 to index
      %get3A_236 = arith.constant 0 : index
      %get3A_237 = tpu.vector_load %arg6[%get3A_235, %get3A_236] {strides = array<i32>} : memref<112x64xf32, #tpu.memory_space<vmem>>, vector<1x16xf32>,
      %get3A_238 = vector.shape_cast %get3A_237 : vector<1x16xf32> to vector<16xf32>
      %get3A_239 = arith.constant 41 : i32
      %get3A_240 = arith.index_cast %get3A_239 : i32 to index
      %get3A_241 = arith.constant 0 : index
      %get3A_242 = tpu.vector_load %arg6[%get3A_240, %get3A_241] {strides = array<i32>} : memref<112x64xf32, #tpu.memory_space<vmem>>, vector<1x16xf32>,
      %get3A_243 = vector.shape_cast %get3A_242 : vector<1x16xf32> to vector<16xf32>
      %get3A_244 = arith.constant 42 : i32
      %get3A_245 = arith.index_cast %get3A_244 : i32 to index
      %get3A_246 = arith.constant 0 : index
      %get3A_247 = tpu.vector_load %arg6[%get3A_245, %get3A_246] {strides = array<i32>} : memref<112x64xf32, #tpu.memory_space<vmem>>, vector<1x16xf32>,
      %get3A_248 = vector.shape_cast %get3A_247 : vector<1x16xf32> to vector<16xf32>
      %get3A_249 = arith.constant 43 : i32
      %get3A_250 = arith.index_cast %get3A_249 : i32 to index
      %get3A_251 = arith.constant 0 : index
      %get3A_252 = tpu.vector_load %arg6[%get3A_250, %get3A_251] {strides = array<i32>} : memref<112x64xf32, #tpu.memory_space<vmem>>, vector<1x16xf32>,
      %get3A_253 = vector.shape_cast %get3A_252 : vector<1x16xf32> to vector<16xf32>
      %get3A_254 = arith.constant 44 : i32
      %get3A_255 = arith.index_cast %get3A_254 : i32 to index
      %get3A_256 = arith.constant 0 : index
      %get3A_257 = tpu.vector_load %arg6[%get3A_255, %get3A_256] {strides = array<i32>} : memref<112x64xf32, #tpu.memory_space<vmem>>, vector<1x16xf32>,
      %get3A_258 = vector.shape_cast %get3A_257 : vector<1x16xf32> to vector<16xf32>
      %get3A_259 = arith.constant 45 : i32
      %get3A_260 = arith.index_cast %get3A_259 : i32 to index
      %get3A_261 = arith.constant 0 : index
      %get3A_262 = tpu.vector_load %arg6[%get3A_260, %get3A_261] {strides = array<i32>} : memref<112x64xf32, #tpu.memory_space<vmem>>, vector<1x16xf32>,
      %get3A_263 = vector.shape_cast %get3A_262 : vector<1x16xf32> to vector<16xf32>
      %get3A_264 = arith.constant 46 : i32
      %get3A_265 = arith.index_cast %get3A_264 : i32 to index
      %get3A_266 = arith.constant 0 : index
      %get3A_267 = tpu.vector_load %arg6[%get3A_265, %get3A_266] {strides = array<i32>} : memref<112x64xf32, #tpu.memory_space<vmem>>, vector<1x16xf32>,
      %get3A_268 = vector.shape_cast %get3A_267 : vector<1x16xf32> to vector<16xf32>
      %get3A_269 = arith.constant 47 : i32
      %get3A_270 = arith.index_cast %get3A_269 : i32 to index
      %get3A_271 = arith.constant 0 : index
      %get3A_272 = tpu.vector_load %arg6[%get3A_270, %get3A_271] {strides = array<i32>} : memref<112x64xf32, #tpu.memory_space<vmem>>, vector<1x16xf32>,
      %get3A_273 = vector.shape_cast %get3A_272 : vector<1x16xf32> to vector<16xf32>
      %get3A_274 = arith.constant 48 : i32
      %get3A_275 = arith.index_cast %get3A_274 : i32 to index
      %get3A_276 = arith.constant 0 : index
      %get3A_277 = tpu.vector_load %arg6[%get3A_275, %get3A_276] {strides = array<i32>} : memref<112x64xf32, #tpu.memory_space<vmem>>, vector<1x16xf32>,
      %get3A_278 = vector.shape_cast %get3A_277 : vector<1x16xf32> to vector<16xf32>
      %get3A_279 = arith.constant 49 : i32
      %get3A_280 = arith.index_cast %get3A_279 : i32 to index
      %get3A_281 = arith.constant 0 : index
      %get3A_282 = tpu.vector_load %arg6[%get3A_280, %get3A_281] {strides = array<i32>} : memref<112x64xf32, #tpu.memory_space<vmem>>, vector<1x16xf32>,
      %get3A_283 = vector.shape_cast %get3A_282 : vector<1x16xf32> to vector<16xf32>
      %add3A_284 = arith.addf %get3A_38, %get3A_43 : vector<16xf32>
      %add3A_285 = arith.addf %get3A_48, %get3A_53 : vector<16xf32>
      %add3A_286 = arith.addf %get3A_58, %get3A_63 : vector<16xf32>
      %add3A_287 = arith.addf %get3A_68, %get3A_73 : vector<16xf32>
      %add3A_288 = arith.addf %get3A_78, %get3A_83 : vector<16xf32>
      %add3A_289 = arith.addf %get3A_88, %get3A_93 : vector<16xf32>
      %add3A_290 = arith.addf %get3A_98, %get3A_103 : vector<16xf32>
      %add3A_291 = arith.addf %get3A_108, %get3A_113 : vector<16xf32>
      %add3A_292 = arith.addf %get3A_118, %get3A_123 : vector<16xf32>
      %add3A_293 = arith.addf %get3A_128, %get3A_133 : vector<16xf32>
      %add3A_294 = arith.addf %get3A_138, %get3A_143 : vector<16xf32>
      %add3A_295 = arith.addf %get3A_148, %get3A_153 : vector<16xf32>
      %add3A_296 = arith.addf %get3A_158, %get3A_163 : vector<16xf32>
      %add3A_297 = arith.addf %get3A_168, %get3A_173 : vector<16xf32>
      %add3A_298 = arith.addf %get3A_178, %get3A_183 : vector<16xf32>
      %add3A_299 = arith.addf %get3A_188, %get3A_193 : vector<16xf32>
      %add3A_300 = arith.addf %get3A_198, %get3A_203 : vector<16xf32>
      %add3A_301 = arith.addf %get3A_208, %get3A_213 : vector<16xf32>
      %add3A_302 = arith.addf %get3A_218, %get3A_223 : vector<16xf32>
      %add3A_303 = arith.addf %get3A_228, %get3A_233 : vector<16xf32>
      %add3A_304 = arith.addf %get3A_238, %get3A_243 : vector<16xf32>
      %add3A_305 = arith.addf %get3A_248, %get3A_253 : vector<16xf32>
      %add3A_306 = arith.addf %get3A_258, %get3A_263 : vector<16xf32>
      %add3A_307 = arith.addf %get3A_268, %get3A_273 : vector<16xf32>
      %add3A_308 = arith.addf %get3A_278, %get3A_283 : vector<16xf32>
      %add3A_309 = arith.addf %add3A_284, %add3A_285 : vector<16xf32>
      %add3A_310 = arith.addf %add3A_286, %add3A_287 : vector<16xf32>
      %add3A_311 = arith.addf %add3A_288, %add3A_289 : vector<16xf32>
      %add3A_312 = arith.addf %add3A_290, %add3A_291 : vector<16xf32>
      %add3A_313 = arith.addf %add3A_292, %add3A_293 : vector<16xf32>
      %add3A_314 = arith.addf %add3A_294, %add3A_295 : vector<16xf32>
      %add3A_315 = arith.addf %add3A_296, %add3A_297 : vector<16xf32>
      %add3A_316 = arith.addf %add3A_298, %add3A_299 : vector<16xf32>
      %add3A_317 = arith.addf %add3A_300, %add3A_301 : vector<16xf32>
      %add3A_318 = arith.addf %add3A_302, %add3A_303 : vector<16xf32>
      %add3A_319 = arith.addf %add3A_304, %add3A_305 : vector<16xf32>
      %add3A_320 = arith.addf %add3A_306, %add3A_307 : vector<16xf32>
      %add3A_321 = arith.addf %add3A_309, %add3A_310 : vector<16xf32>
      %add3A_322 = arith.addf %add3A_311, %add3A_312 : vector<16xf32>
      %add3A_323 = arith.addf %add3A_313, %add3A_314 : vector<16xf32>
      %add3A_324 = arith.addf %add3A_315, %add3A_316 : vector<16xf32>
      %add3A_325 = arith.addf %add3A_317, %add3A_318 : vector<16xf32>
      %add3A_326 = arith.addf %add3A_319, %add3A_320 : vector<16xf32>
      %add3A_327 = arith.addf %add3A_321, %add3A_322 : vector<16xf32>
      %add3A_328 = arith.addf %add3A_323, %add3A_324 : vector<16xf32>
      %add3A_329 = arith.addf %add3A_325, %add3A_326 : vector<16xf32>
      %add3A_330 = arith.addf %add3A_327, %add3A_328 : vector<16xf32>
      %add3A_331 = arith.addf %add3A_329, %add3A_308 : vector<16xf32>
      %add3A_332 = arith.addf %add3A_330, %add3A_331 : vector<16xf32>
      %add3A_333 = arith.constant 0 : i32
      %add3A_334 = arith.addi %mul3A_34, %add3A_333 : i32
      %mul3A_335 = arith.constant 64 : i32
      %mul3A_336 = arith.muli %add3A_334, %mul3A_335 : i32
      %add3A_337 = arith.constant 0 : i32
      %add3A_338 = arith.addi %mul3A_336, %add3A_337 : i32
      %swap3A = arith.index_cast %add3A_338 : i32 to index
      %swap3A_339 = tpu.vector_load %arg8[%swap3A] {strides = array<i32>} : memref<8192xf32, #tpu.memory_space<vmem>>, vector<16xf32>,
      %swap3A_340 = vector.shape_cast %swap3A_339 : vector<16xf32> to vector<16xf32>
      %swap3A_341 = vector.shape_cast %add3A_332 : vector<16xf32> to vector<16xf32>
      tpu.vector_store %arg8[%swap3A], %swap3A_341 {strides = array<i32>} : memref<8192xf32, #tpu.memory_space<vmem>>, vector<16xf32>,
      %get3A_342 = arith.constant 0 : i32
      %get3A_343 = arith.index_cast %get3A_342 : i32 to index
      %get3A_344 = arith.constant 16 : index
      %get3A_345 = tpu.vector_load %arg6[%get3A_343, %get3A_344] {strides = array<i32>} : memref<112x64xf32, #tpu.memory_space<vmem>>, vector<1x16xf32>,
      %get3A_346 = vector.shape_cast %get3A_345 : vector<1x16xf32> to vector<16xf32>
      %get3A_347 = arith.constant 1 : i32
      %get3A_348 = arith.index_cast %get3A_347 : i32 to index
      %get3A_349 = arith.constant 16 : index
      %get3A_350 = tpu.vector_load %arg6[%get3A_348, %get3A_349] {strides = array<i32>} : memref<112x64xf32, #tpu.memory_space<vmem>>, vector<1x16xf32>,
      %get3A_351 = vector.shape_cast %get3A_350 : vector<1x16xf32> to vector<16xf32>
      %get3A_352 = arith.constant 2 : i32
      %get3A_353 = arith.index_cast %get3A_352 : i32 to index
      %get3A_354 = arith.constant 16 : index
      %get3A_355 = tpu.vector_load %arg6[%get3A_353, %get3A_354] {strides = array<i32>} : memref<112x64xf32, #tpu.memory_space<vmem>>, vector<1x16xf32>,
      %get3A_356 = vector.shape_cast %get3A_355 : vector<1x16xf32> to vector<16xf32>
      %get3A_357 = arith.constant 3 : i32
      %get3A_358 = arith.index_cast %get3A_357 : i32 to index
      %get3A_359 = arith.constant 16 : index
      %get3A_360 = tpu.vector_load %arg6[%get3A_358, %get3A_359] {strides = array<i32>} : memref<112x64xf32, #tpu.memory_space<vmem>>, vector<1x16xf32>,
      %get3A_361 = vector.shape_cast %get3A_360 : vector<1x16xf32> to vector<16xf32>
      %get3A_362 = arith.constant 4 : i32
      %get3A_363 = arith.index_cast %get3A_362 : i32 to index
      %get3A_364 = arith.constant 16 : index
      %get3A_365 = tpu.vector_load %arg6[%get3A_363, %get3A_364] {strides = array<i32>} : memref<112x64xf32, #tpu.memory_space<vmem>>, vector<1x16xf32>,
      %get3A_366 = vector.shape_cast %get3A_365 : vector<1x16xf32> to vector<16xf32>
      %get3A_367 = arith.constant 5 : i32
      %get3A_368 = arith.index_cast %get3A_367 : i32 to index
      %get3A_369 = arith.constant 16 : index
      %get3A_370 = tpu.vector_load %arg6[%get3A_368, %get3A_369] {strides = array<i32>} : memref<112x64xf32, #tpu.memory_space<vmem>>, vector<1x16xf32>,
      %get3A_371 = vector.shape_cast %get3A_370 : vector<1x16xf32> to vector<16xf32>
      %get3A_372 = arith.constant 6 : i32
      %get3A_373 = arith.index_cast %get3A_372 : i32 to index
      %get3A_374 = arith.constant 16 : index
      %get3A_375 = tpu.vector_load %arg6[%get3A_373, %get3A_374] {strides = array<i32>} : memref<112x64xf32, #tpu.memory_space<vmem>>, vector<1x16xf32>,
      %get3A_376 = vector.shape_cast %get3A_375 : vector<1x16xf32> to vector<16xf32>
      %get3A_377 = arith.constant 7 : i32
      %get3A_378 = arith.index_cast %get3A_377 : i32 to index
      %get3A_379 = arith.constant 16 : index
      %get3A_380 = tpu.vector_load %arg6[%get3A_378, %get3A_379] {strides = array<i32>} : memref<112x64xf32, #tpu.memory_space<vmem>>, vector<1x16xf32>,
      %get3A_381 = vector.shape_cast %get3A_380 : vector<1x16xf32> to vector<16xf32>
      %get3A_382 = arith.constant 8 : i32
      %get3A_383 = arith.index_cast %get3A_382 : i32 to index
      %get3A_384 = arith.constant 16 : index
      %get3A_385 = tpu.vector_load %arg6[%get3A_383, %get3A_384] {strides = array<i32>} : memref<112x64xf32, #tpu.memory_space<vmem>>, vector<1x16xf32>,
      %get3A_386 = vector.shape_cast %get3A_385 : vector<1x16xf32> to vector<16xf32>
      %get3A_387 = arith.constant 9 : i32
      %get3A_388 = arith.index_cast %get3A_387 : i32 to index
      %get3A_389 = arith.constant 16 : index
      %get3A_390 = tpu.vector_load %arg6[%get3A_388, %get3A_389] {strides = array<i32>} : memref<112x64xf32, #tpu.memory_space<vmem>>, vector<1x16xf32>,
      %get3A_391 = vector.shape_cast %get3A_390 : vector<1x16xf32> to vector<16xf32>
      %get3A_392 = arith.constant 10 : i32
      %get3A_393 = arith.index_cast %get3A_392 : i32 to index
      %get3A_394 = arith.constant 16 : index
      %get3A_395 = tpu.vector_load %arg6[%get3A_393, %get3A_394] {strides = array<i32>} : memref<112x64xf32, #tpu.memory_space<vmem>>, vector<1x16xf32>,
      %get3A_396 = vector.shape_cast %get3A_395 : vector<1x16xf32> to vector<16xf32>
      %get3A_397 = arith.constant 11 : i32
      %get3A_398 = arith.index_cast %get3A_397 : i32 to index
      %get3A_399 = arith.constant 16 : index
      %get3A_400 = tpu.vector_load %arg6[%get3A_398, %get3A_399] {strides = array<i32>} : memref<112x64xf32, #tpu.memory_space<vmem>>, vector<1x16xf32>,
      %get3A_401 = vector.shape_cast %get3A_400 : vector<1x16xf32> to vector<16xf32>
      %get3A_402 = arith.constant 12 : i32
      %get3A_403 = arith.index_cast %get3A_402 : i32 to index
      %get3A_404 = arith.constant 16 : index
      %get3A_405 = tpu.vector_load %arg6[%get3A_403, %get3A_404] {strides = array<i32>} : memref<112x64xf32, #tpu.memory_space<vmem>>, vector<1x16xf32>,
      %get3A_406 = vector.shape_cast %get3A_405 : vector<1x16xf32> to vector<16xf32>
      %get3A_407 = arith.constant 13 : i32
      %get3A_408 = arith.index_cast %get3A_407 : i32 to index
      %get3A_409 = arith.constant 16 : index
      %get3A_410 = tpu.vector_load %arg6[%get3A_408, %get3A_409] {strides = array<i32>} : memref<112x64xf32, #tpu.memory_space<vmem>>, vector<1x16xf32>,
      %get3A_411 = vector.shape_cast %get3A_410 : vector<1x16xf32> to vector<16xf32>
      %get3A_412 = arith.constant 14 : i32
      %get3A_413 = arith.index_cast %get3A_412 : i32 to index
      %get3A_414 = arith.constant 16 : index
      %get3A_415 = tpu.vector_load %arg6[%get3A_413, %get3A_414] {strides = array<i32>} : memref<112x64xf32, #tpu.memory_space<vmem>>, vector<1x16xf32>,
      %get3A_416 = vector.shape_cast %get3A_415 : vector<1x16xf32> to vector<16xf32>
      %get3A_417 = arith.constant 15 : i32
      %get3A_418 = arith.index_cast %get3A_417 : i32 to index
      %get3A_419 = arith.constant 16 : index
      %get3A_420 = tpu.vector_load %arg6[%get3A_418, %get3A_419] {strides = array<i32>} : memref<112x64xf32, #tpu.memory_space<vmem>>, vector<1x16xf32>,
      %get3A_421 = vector.shape_cast %get3A_420 : vector<1x16xf32> to vector<16xf32>
      %get3A_422 = arith.constant 16 : i32
      %get3A_423 = arith.index_cast %get3A_422 : i32 to index
      %get3A_424 = arith.constant 16 : index
      %get3A_425 = tpu.vector_load %arg6[%get3A_423, %get3A_424] {strides = array<i32>} : memref<112x64xf32, #tpu.memory_space<vmem>>, vector<1x16xf32>,
      %get3A_426 = vector.shape_cast %get3A_425 : vector<1x16xf32> to vector<16xf32>
      %get3A_427 = arith.constant 17 : i32
      %get3A_428 = arith.index_cast %get3A_427 : i32 to index
      %get3A_429 = arith.constant 16 : index
      %get3A_430 = tpu.vector_load %arg6[%get3A_428, %get3A_429] {strides = array<i32>} : memref<112x64xf32, #tpu.memory_space<vmem>>, vector<1x16xf32>,
      %get3A_431 = vector.shape_cast %get3A_430 : vector<1x16xf32> to vector<16xf32>
      %get3A_432 = arith.constant 18 : i32
      %get3A_433 = arith.index_cast %get3A_432 : i32 to index
      %get3A_434 = arith.constant 16 : index
      %get3A_435 = tpu.vector_load %arg6[%get3A_433, %get3A_434] {strides = array<i32>} : memref<112x64xf32, #tpu.memory_space<vmem>>, vector<1x16xf32>,
      %get3A_436 = vector.shape_cast %get3A_435 : vector<1x16xf32> to vector<16xf32>
      %get3A_437 = arith.constant 19 : i32
      %get3A_438 = arith.index_cast %get3A_437 : i32 to index
      %get3A_439 = arith.constant 16 : index
      %get3A_440 = tpu.vector_load %arg6[%get3A_438, %get3A_439] {strides = array<i32>} : memref<112x64xf32, #tpu.memory_space<vmem>>, vector<1x16xf32>,
      %get3A_441 = vector.shape_cast %get3A_440 : vector<1x16xf32> to vector<16xf32>
      %get3A_442 = arith.constant 20 : i32
      %get3A_443 = arith.index_cast %get3A_442 : i32 to index
      %get3A_444 = arith.constant 16 : index
      %get3A_445 = tpu.vector_load %arg6[%get3A_443, %get3A_444] {strides = array<i32>} : memref<112x64xf32, #tpu.memory_space<vmem>>, vector<1x16xf32>,
      %get3A_446 = vector.shape_cast %get3A_445 : vector<1x16xf32> to vector<16xf32>
      %get3A_447 = arith.constant 21 : i32
      %get3A_448 = arith.index_cast %get3A_447 : i32 to index
      %get3A_449 = arith.constant 16 : index
      %get3A_450 = tpu.vector_load %arg6[%get3A_448, %get3A_449] {strides = array<i32>} : memref<112x64xf32, #tpu.memory_space<vmem>>, vector<1x16xf32>,
      %get3A_451 = vector.shape_cast %get3A_450 : vector<1x16xf32> to vector<16xf32>
      %get3A_452 = arith.constant 22 : i32
      %get3A_453 = arith.index_cast %get3A_452 : i32 to index
      %get3A_454 = arith.constant 16 : index
      %get3A_455 = tpu.vector_load %arg6[%get3A_453, %get3A_454] {strides = array<i32>} : memref<112x64xf32, #tpu.memory_space<vmem>>, vector<1x16xf32>,
      %get3A_456 = vector.shape_cast %get3A_455 : vector<1x16xf32> to vector<16xf32>
      %get3A_457 = arith.constant 23 : i32
      %get3A_458 = arith.index_cast %get3A_457 : i32 to index
      %get3A_459 = arith.constant 16 : index
      %get3A_460 = tpu.vector_load %arg6[%get3A_458, %get3A_459] {strides = array<i32>} : memref<112x64xf32, #tpu.memory_space<vmem>>, vector<1x16xf32>,
      %get3A_461 = vector.shape_cast %get3A_460 : vector<1x16xf32> to vector<16xf32>
      %get3A_462 = arith.constant 24 : i32
      %get3A_463 = arith.index_cast %get3A_462 : i32 to index
      %get3A_464 = arith.constant 16 : index
      %get3A_465 = tpu.vector_load %arg6[%get3A_463, %get3A_464] {strides = array<i32>} : memref<112x64xf32, #tpu.memory_space<vmem>>, vector<1x16xf32>,
      %get3A_466 = vector.shape_cast %get3A_465 : vector<1x16xf32> to vector<16xf32>
      %get3A_467 = arith.constant 25 : i32
      %get3A_468 = arith.index_cast %get3A_467 : i32 to index
      %get3A_469 = arith.constant 16 : index
      %get3A_470 = tpu.vector_load %arg6[%get3A_468, %get3A_469] {strides = array<i32>} : memref<112x64xf32, #tpu.memory_space<vmem>>, vector<1x16xf32>,
      %get3A_471 = vector.shape_cast %get3A_470 : vector<1x16xf32> to vector<16xf32>
      %get3A_472 = arith.constant 26 : i32
      %get3A_473 = arith.index_cast %get3A_472 : i32 to index
      %get3A_474 = arith.constant 16 : index
      %get3A_475 = tpu.vector_load %arg6[%get3A_473, %get3A_474] {strides = array<i32>} : memref<112x64xf32, #tpu.memory_space<vmem>>, vector<1x16xf32>,
      %get3A_476 = vector.shape_cast %get3A_475 : vector<1x16xf32> to vector<16xf32>
      %get3A_477 = arith.constant 27 : i32
      %get3A_478 = arith.index_cast %get3A_477 : i32 to index
      %get3A_479 = arith.constant 16 : index
      %get3A_480 = tpu.vector_load %arg6[%get3A_478, %get3A_479] {strides = array<i32>} : memref<112x64xf32, #tpu.memory_space<vmem>>, vector<1x16xf32>,
      %get3A_481 = vector.shape_cast %get3A_480 : vector<1x16xf32> to vector<16xf32>
      %get3A_482 = arith.constant 28 : i32
      %get3A_483 = arith.index_cast %get3A_482 : i32 to index
      %get3A_484 = arith.constant 16 : index
      %get3A_485 = tpu.vector_load %arg6[%get3A_483, %get3A_484] {strides = array<i32>} : memref<112x64xf32, #tpu.memory_space<vmem>>, vector<1x16xf32>,
      %get3A_486 = vector.shape_cast %get3A_485 : vector<1x16xf32> to vector<16xf32>
      %get3A_487 = arith.constant 29 : i32
      %get3A_488 = arith.index_cast %get3A_487 : i32 to index
      %get3A_489 = arith.constant 16 : index
      %get3A_490 = tpu.vector_load %arg6[%get3A_488, %get3A_489] {strides = array<i32>} : memref<112x64xf32, #tpu.memory_space<vmem>>, vector<1x16xf32>,
      %get3A_491 = vector.shape_cast %get3A_490 : vector<1x16xf32> to vector<16xf32>
      %get3A_492 = arith.constant 30 : i32
      %get3A_493 = arith.index_cast %get3A_492 : i32 to index
      %get3A_494 = arith.constant 16 : index
      %get3A_495 = tpu.vector_load %arg6[%get3A_493, %get3A_494] {strides = array<i32>} : memref<112x64xf32, #tpu.memory_space<vmem>>, vector<1x16xf32>,
      %get3A_496 = vector.shape_cast %get3A_495 : vector<1x16xf32> to vector<16xf32>
      %get3A_497 = arith.constant 31 : i32
      %get3A_498 = arith.index_cast %get3A_497 : i32 to index
      %get3A_499 = arith.constant 16 : index
      %get3A_500 = tpu.vector_load %arg6[%get3A_498, %get3A_499] {strides = array<i32>} : memref<112x64xf32, #tpu.memory_space<vmem>>, vector<1x16xf32>,
      %get3A_501 = vector.shape_cast %get3A_500 : vector<1x16xf32> to vector<16xf32>
      %get3A_502 = arith.constant 32 : i32
      %get3A_503 = arith.index_cast %get3A_502 : i32 to index
      %get3A_504 = arith.constant 16 : index
      %get3A_505 = tpu.vector_load %arg6[%get3A_503, %get3A_504] {strides = array<i32>} : memref<112x64xf32, #tpu.memory_space<vmem>>, vector<1x16xf32>,
      %get3A_506 = vector.shape_cast %get3A_505 : vector<1x16xf32> to vector<16xf32>
      %get3A_507 = arith.constant 33 : i32
      %get3A_508 = arith.index_cast %get3A_507 : i32 to index
      %get3A_509 = arith.constant 16 : index
      %get3A_510 = tpu.vector_load %arg6[%get3A_508, %get3A_509] {strides = array<i32>} : memref<112x64xf32, #tpu.memory_space<vmem>>, vector<1x16xf32>,
      %get3A_511 = vector.shape_cast %get3A_510 : vector<1x16xf32> to vector<16xf32>
      %get3A_512 = arith.constant 34 : i32
      %get3A_513 = arith.index_cast %get3A_512 : i32 to index
      %get3A_514 = arith.constant 16 : index
      %get3A_515 = tpu.vector_load %arg6[%get3A_513, %get3A_514] {strides = array<i32>} : memref<112x64xf32, #tpu.memory_space<vmem>>, vector<1x16xf32>,
      %get3A_516 = vector.shape_cast %get3A_515 : vector<1x16xf32> to vector<16xf32>
      %get3A_517 = arith.constant 35 : i32
      %get3A_518 = arith.index_cast %get3A_517 : i32 to index
      %get3A_519 = arith.constant 16 : index
      %get3A_520 = tpu.vector_load %arg6[%get3A_518, %get3A_519] {strides = array<i32>} : memref<112x64xf32, #tpu.memory_space<vmem>>, vector<1x16xf32>,
      %get3A_521 = vector.shape_cast %get3A_520 : vector<1x16xf32> to vector<16xf32>
      %get3A_522 = arith.constant 36 : i32
      %get3A_523 = arith.index_cast %get3A_522 : i32 to index
      %get3A_524 = arith.constant 16 : index
      %get3A_525 = tpu.vector_load %arg6[%get3A_523, %get3A_524] {strides = array<i32>} : memref<112x64xf32, #tpu.memory_space<vmem>>, vector<1x16xf32>,
      %get3A_526 = vector.shape_cast %get3A_525 : vector<1x16xf32> to vector<16xf32>
      %get3A_527 = arith.constant 37 : i32
      %get3A_528 = arith.index_cast %get3A_527 : i32 to index
      %get3A_529 = arith.constant 16 : index
      %get3A_530 = tpu.vector_load %arg6[%get3A_528, %get3A_529] {strides = array<i32>} : memref<112x64xf32, #tpu.memory_space<vmem>>, vector<1x16xf32>,
      %get3A_531 = vector.shape_cast %get3A_530 : vector<1x16xf32> to vector<16xf32>
      %get3A_532 = arith.constant 38 : i32
      %get3A_533 = arith.index_cast %get3A_532 : i32 to index
      %get3A_534 = arith.constant 16 : index
      %get3A_535 = tpu.vector_load %arg6[%get3A_533, %get3A_534] {strides = array<i32>} : memref<112x64xf32, #tpu.memory_space<vmem>>, vector<1x16xf32>,
      %get3A_536 = vector.shape_cast %get3A_535 : vector<1x16xf32> to vector<16xf32>
      %get3A_537 = arith.constant 39 : i32
      %get3A_538 = arith.index_cast %get3A_537 : i32 to index
      %get3A_539 = arith.constant 16 : index
      %get3A_540 = tpu.vector_load %arg6[%get3A_538, %get3A_539] {strides = array<i32>} : memref<112x64xf32, #tpu.memory_space<vmem>>, vector<1x16xf32>,
      %get3A_541 = vector.shape_cast %get3A_540 : vector<1x16xf32> to vector<16xf32>
      %get3A_542 = arith.constant 40 : i32
      %get3A_543 = arith.index_cast %get3A_542 : i32 to index
      %get3A_544 = arith.constant 16 : index
      %get3A_545 = tpu.vector_load %arg6[%get3A_543, %get3A_544] {strides = array<i32>} : memref<112x64xf32, #tpu.memory_space<vmem>>, vector<1x16xf32>,
      %get3A_546 = vector.shape_cast %get3A_545 : vector<1x16xf32> to vector<16xf32>
      %get3A_547 = arith.constant 41 : i32
      %get3A_548 = arith.index_cast %get3A_547 : i32 to index
      %get3A_549 = arith.constant 16 : index
      %get3A_550 = tpu.vector_load %arg6[%get3A_548, %get3A_549] {strides = array<i32>} : memref<112x64xf32, #tpu.memory_space<vmem>>, vector<1x16xf32>,
      %get3A_551 = vector.shape_cast %get3A_550 : vector<1x16xf32> to vector<16xf32>
      %get3A_552 = arith.constant 42 : i32
      %get3A_553 = arith.index_cast %get3A_552 : i32 to index
      %get3A_554 = arith.constant 16 : index
      %get3A_555 = tpu.vector_load %arg6[%get3A_553, %get3A_554] {strides = array<i32>} : memref<112x64xf32, #tpu.memory_space<vmem>>, vector<1x16xf32>,
      %get3A_556 = vector.shape_cast %get3A_555 : vector<1x16xf32> to vector<16xf32>
      %get3A_557 = arith.constant 43 : i32
      %get3A_558 = arith.index_cast %get3A_557 : i32 to index
      %get3A_559 = arith.constant 16 : index
      %get3A_560 = tpu.vector_load %arg6[%get3A_558, %get3A_559] {strides = array<i32>} : memref<112x64xf32, #tpu.memory_space<vmem>>, vector<1x16xf32>,
      %get3A_561 = vector.shape_cast %get3A_560 : vector<1x16xf32> to vector<16xf32>
      %get3A_562 = arith.constant 44 : i32
      %get3A_563 = arith.index_cast %get3A_562 : i32 to index
      %get3A_564 = arith.constant 16 : index
      %get3A_565 = tpu.vector_load %arg6[%get3A_563, %get3A_564] {strides = array<i32>} : memref<112x64xf32, #tpu.memory_space<vmem>>, vector<1x16xf32>,
      %get3A_566 = vector.shape_cast %get3A_565 : vector<1x16xf32> to vector<16xf32>
      %get3A_567 = arith.constant 45 : i32
      %get3A_568 = arith.index_cast %get3A_567 : i32 to index
      %get3A_569 = arith.constant 16 : index
      %get3A_570 = tpu.vector_load %arg6[%get3A_568, %get3A_569] {strides = array<i32>} : memref<112x64xf32, #tpu.memory_space<vmem>>, vector<1x16xf32>,
      %get3A_571 = vector.shape_cast %get3A_570 : vector<1x16xf32> to vector<16xf32>
      %get3A_572 = arith.constant 46 : i32
      %get3A_573 = arith.index_cast %get3A_572 : i32 to index
      %get3A_574 = arith.constant 16 : index
      %get3A_575 = tpu.vector_load %arg6[%get3A_573, %get3A_574] {strides = array<i32>} : memref<112x64xf32, #tpu.memory_space<vmem>>, vector<1x16xf32>,
      %get3A_576 = vector.shape_cast %get3A_575 : vector<1x16xf32> to vector<16xf32>
      %get3A_577 = arith.constant 47 : i32
      %get3A_578 = arith.index_cast %get3A_577 : i32 to index
      %get3A_579 = arith.constant 16 : index
      %get3A_580 = tpu.vector_load %arg6[%get3A_578, %get3A_579] {strides = array<i32>} : memref<112x64xf32, #tpu.memory_space<vmem>>, vector<1x16xf32>,
      %get3A_581 = vector.shape_cast %get3A_580 : vector<1x16xf32> to vector<16xf32>
      %get3A_582 = arith.constant 48 : i32
      %get3A_583 = arith.index_cast %get3A_582 : i32 to index
      %get3A_584 = arith.constant 16 : index
      %get3A_585 = tpu.vector_load %arg6[%get3A_583, %get3A_584] {strides = array<i32>} : memref<112x64xf32, #tpu.memory_space<vmem>>, vector<1x16xf32>,
      %get3A_586 = vector.shape_cast %get3A_585 : vector<1x16xf32> to vector<16xf32>
      %get3A_587 = arith.constant 49 : i32
      %get3A_588 = arith.index_cast %get3A_587 : i32 to index
      %get3A_589 = arith.constant 16 : index
      %get3A_590 = tpu.vector_load %arg6[%get3A_588, %get3A_589] {strides = array<i32>} : memref<112x64xf32, #tpu.memory_space<vmem>>, vector<1x16xf32>,
      %get3A_591 = vector.shape_cast %get3A_590 : vector<1x16xf32> to vector<16xf32>
      %add3A_592 = arith.addf %get3A_346, %get3A_351 : vector<16xf32>
      %add3A_593 = arith.addf %get3A_356, %get3A_361 : vector<16xf32>
      %add3A_594 = arith.addf %get3A_366, %get3A_371 : vector<16xf32>
      %add3A_595 = arith.addf %get3A_376, %get3A_381 : vector<16xf32>
      %add3A_596 = arith.addf %get3A_386, %get3A_391 : vector<16xf32>
      %add3A_597 = arith.addf %get3A_396, %get3A_401 : vector<16xf32>
      %add3A_598 = arith.addf %get3A_406, %get3A_411 : vector<16xf32>
      %add3A_599 = arith.addf %get3A_416, %get3A_421 : vector<16xf32>
      %add3A_600 = arith.addf %get3A_426, %get3A_431 : vector<16xf32>
      %add3A_601 = arith.addf %get3A_436, %get3A_441 : vector<16xf32>
      %add3A_602 = arith.addf %get3A_446, %get3A_451 : vector<16xf32>
      %add3A_603 = arith.addf %get3A_456, %get3A_461 : vector<16xf32>
      %add3A_604 = arith.addf %get3A_466, %get3A_471 : vector<16xf32>
      %add3A_605 = arith.addf %get3A_476, %get3A_481 : vector<16xf32>
      %add3A_606 = arith.addf %get3A_486, %get3A_491 : vector<16xf32>
      %add3A_607 = arith.addf %get3A_496, %get3A_501 : vector<16xf32>
      %add3A_608 = arith.addf %get3A_506, %get3A_511 : vector<16xf32>
      %add3A_609 = arith.addf %get3A_516, %get3A_521 : vector<16xf32>
      %add3A_610 = arith.addf %get3A_526, %get3A_531 : vector<16xf32>
      %add3A_611 = arith.addf %get3A_536, %get3A_541 : vector<16xf32>
      %add3A_612 = arith.addf %get3A_546, %get3A_551 : vector<16xf32>
      %add3A_613 = arith.addf %get3A_556, %get3A_561 : vector<16xf32>
      %add3A_614 = arith.addf %get3A_566, %get3A_571 : vector<16xf32>
      %add3A_615 = arith.addf %get3A_576, %get3A_581 : vector<16xf32>
      %add3A_616 = arith.addf %get3A_586, %get3A_591 : vector<16xf32>
      %add3A_617 = arith.addf %add3A_592, %add3A_593 : vector<16xf32>
      %add3A_618 = arith.addf %add3A_594, %add3A_595 : vector<16xf32>
      %add3A_619 = arith.addf %add3A_596, %add3A_597 : vector<16xf32>
      %add3A_620 = arith.addf %add3A_598, %add3A_599 : vector<16xf32>
      %add3A_621 = arith.addf %add3A_600, %add3A_601 : vector<16xf32>
      %add3A_622 = arith.addf %add3A_602, %add3A_603 : vector<16xf32>
      %add3A_623 = arith.addf %add3A_604, %add3A_605 : vector<16xf32>
      %add3A_624 = arith.addf %add3A_606, %add3A_607 : vector<16xf32>
      %add3A_625 = arith.addf %add3A_608, %add3A_609 : vector<16xf32>
      %add3A_626 = arith.addf %add3A_610, %add3A_611 : vector<16xf32>
      %add3A_627 = arith.addf %add3A_612, %add3A_613 : vector<16xf32>
      %add3A_628 = arith.addf %add3A_614, %add3A_615 : vector<16xf32>
      %add3A_629 = arith.addf %add3A_617, %add3A_618 : vector<16xf32>
      %add3A_630 = arith.addf %add3A_619, %add3A_620 : vector<16xf32>
      %add3A_631 = arith.addf %add3A_621, %add3A_622 : vector<16xf32>
      %add3A_632 = arith.addf %add3A_623, %add3A_624 : vector<16xf32>
      %add3A_633 = arith.addf %add3A_625, %add3A_626 : vector<16xf32>
      %add3A_634 = arith.addf %add3A_627, %add3A_628 : vector<16xf32>
      %add3A_635 = arith.addf %add3A_629, %add3A_630 : vector<16xf32>
      %add3A_636 = arith.addf %add3A_631, %add3A_632 : vector<16xf32>
      %add3A_637 = arith.addf %add3A_633, %add3A_634 : vector<16xf32>
      %add3A_638 = arith.addf %add3A_635, %add3A_636 : vector<16xf32>
      %add3A_639 = arith.addf %add3A_637, %add3A_616 : vector<16xf32>
      %add3A_640 = arith.addf %add3A_638, %add3A_639 : vector<16xf32>
      %add3A_641 = arith.constant 0 : i32
      %add3A_642 = arith.addi %mul3A_34, %add3A_641 : i32
      %mul3A_643 = arith.constant 64 : i32
      %mul3A_644 = arith.muli %add3A_642, %mul3A_643 : i32
      %add3A_645 = arith.constant 16 : i32
      %add3A_646 = arith.addi %mul3A_644, %add3A_645 : i32
      %swap3A_647 = arith.index_cast %add3A_646 : i32 to index
      %swap3A_648 = tpu.vector_load %arg8[%swap3A_647] {strides = array<i32>} : memref<8192xf32, #tpu.memory_space<vmem>>, vector<16xf32>,
      %swap3A_649 = vector.shape_cast %swap3A_648 : vector<16xf32> to vector<16xf32>
      %swap3A_650 = vector.shape_cast %add3A_640 : vector<16xf32> to vector<16xf32>
      tpu.vector_store %arg8[%swap3A_647], %swap3A_650 {strides = array<i32>} : memref<8192xf32, #tpu.memory_space<vmem>>, vector<16xf32>,
      %get3A_651 = arith.constant 0 : i32
      %get3A_652 = arith.index_cast %get3A_651 : i32 to index
      %get3A_653 = arith.constant 32 : index
      %get3A_654 = tpu.vector_load %arg6[%get3A_652, %get3A_653] {strides = array<i32>} : memref<112x64xf32, #tpu.memory_space<vmem>>, vector<1x16xf32>,
      %get3A_655 = vector.shape_cast %get3A_654 : vector<1x16xf32> to vector<16xf32>
      %get3A_656 = arith.constant 1 : i32
      %get3A_657 = arith.index_cast %get3A_656 : i32 to index
      %get3A_658 = arith.constant 32 : index
      %get3A_659 = tpu.vector_load %arg6[%get3A_657, %get3A_658] {strides = array<i32>} : memref<112x64xf32, #tpu.memory_space<vmem>>, vector<1x16xf32>,
      %get3A_660 = vector.shape_cast %get3A_659 : vector<1x16xf32> to vector<16xf32>
      %get3A_661 = arith.constant 2 : i32
      %get3A_662 = arith.index_cast %get3A_661 : i32 to index
      %get3A_663 = arith.constant 32 : index
      %get3A_664 = tpu.vector_load %arg6[%get3A_662, %get3A_663] {strides = array<i32>} : memref<112x64xf32, #tpu.memory_space<vmem>>, vector<1x16xf32>,
      %get3A_665 = vector.shape_cast %get3A_664 : vector<1x16xf32> to vector<16xf32>
      %get3A_666 = arith.constant 3 : i32
      %get3A_667 = arith.index_cast %get3A_666 : i32 to index
      %get3A_668 = arith.constant 32 : index
      %get3A_669 = tpu.vector_load %arg6[%get3A_667, %get3A_668] {strides = array<i32>} : memref<112x64xf32, #tpu.memory_space<vmem>>, vector<1x16xf32>,
      %get3A_670 = vector.shape_cast %get3A_669 : vector<1x16xf32> to vector<16xf32>
      %get3A_671 = arith.constant 4 : i32
      %get3A_672 = arith.index_cast %get3A_671 : i32 to index
      %get3A_673 = arith.constant 32 : index
      %get3A_674 = tpu.vector_load %arg6[%get3A_672, %get3A_673] {strides = array<i32>} : memref<112x64xf32, #tpu.memory_space<vmem>>, vector<1x16xf32>,
      %get3A_675 = vector.shape_cast %get3A_674 : vector<1x16xf32> to vector<16xf32>
      %get3A_676 = arith.constant 5 : i32
      %get3A_677 = arith.index_cast %get3A_676 : i32 to index
      %get3A_678 = arith.constant 32 : index
      %get3A_679 = tpu.vector_load %arg6[%get3A_677, %get3A_678] {strides = array<i32>} : memref<112x64xf32, #tpu.memory_space<vmem>>, vector<1x16xf32>,
      %get3A_680 = vector.shape_cast %get3A_679 : vector<1x16xf32> to vector<16xf32>
      %get3A_681 = arith.constant 6 : i32
      %get3A_682 = arith.index_cast %get3A_681 : i32 to index
      %get3A_683 = arith.constant 32 : index
      %get3A_684 = tpu.vector_load %arg6[%get3A_682, %get3A_683] {strides = array<i32>} : memref<112x64xf32, #tpu.memory_space<vmem>>, vector<1x16xf32>,
      %get3A_685 = vector.shape_cast %get3A_684 : vector<1x16xf32> to vector<16xf32>
      %get3A_686 = arith.constant 7 : i32
      %get3A_687 = arith.index_cast %get3A_686 : i32 to index
      %get3A_688 = arith.constant 32 : index
      %get3A_689 = tpu.vector_load %arg6[%get3A_687, %get3A_688] {strides = array<i32>} : memref<112x64xf32, #tpu.memory_space<vmem>>, vector<1x16xf32>,
      %get3A_690 = vector.shape_cast %get3A_689 : vector<1x16xf32> to vector<16xf32>
      %get3A_691 = arith.constant 8 : i32
      %get3A_692 = arith.index_cast %get3A_691 : i32 to index
      %get3A_693 = arith.constant 32 : index
      %get3A_694 = tpu.vector_load %arg6[%get3A_692, %get3A_693] {strides = array<i32>} : memref<112x64xf32, #tpu.memory_space<vmem>>, vector<1x16xf32>,
      %get3A_695 = vector.shape_cast %get3A_694 : vector<1x16xf32> to vector<16xf32>
      %get3A_696 = arith.constant 9 : i32
      %get3A_697 = arith.index_cast %get3A_696 : i32 to index
      %get3A_698 = arith.constant 32 : index
      %get3A_699 = tpu.vector_load %arg6[%get3A_697, %get3A_698] {strides = array<i32>} : memref<112x64xf32, #tpu.memory_space<vmem>>, vector<1x16xf32>,
      %get3A_700 = vector.shape_cast %get3A_699 : vector<1x16xf32> to vector<16xf32>
      %get3A_701 = arith.constant 10 : i32
      %get3A_702 = arith.index_cast %get3A_701 : i32 to index
      %get3A_703 = arith.constant 32 : index
      %get3A_704 = tpu.vector_load %arg6[%get3A_702, %get3A_703] {strides = array<i32>} : memref<112x64xf32, #tpu.memory_space<vmem>>, vector<1x16xf32>,
      %get3A_705 = vector.shape_cast %get3A_704 : vector<1x16xf32> to vector<16xf32>
      %get3A_706 = arith.constant 11 : i32
      %get3A_707 = arith.index_cast %get3A_706 : i32 to index
      %get3A_708 = arith.constant 32 : index
      %get3A_709 = tpu.vector_load %arg6[%get3A_707, %get3A_708] {strides = array<i32>} : memref<112x64xf32, #tpu.memory_space<vmem>>, vector<1x16xf32>,
      %get3A_710 = vector.shape_cast %get3A_709 : vector<1x16xf32> to vector<16xf32>
      %get3A_711 = arith.constant 12 : i32
      %get3A_712 = arith.index_cast %get3A_711 : i32 to index
      %get3A_713 = arith.constant 32 : index
      %get3A_714 = tpu.vector_load %arg6[%get3A_712, %get3A_713] {strides = array<i32>} : memref<112x64xf32, #tpu.memory_space<vmem>>, vector<1x16xf32>,
      %get3A_715 = vector.shape_cast %get3A_714 : vector<1x16xf32> to vector<16xf32>
      %get3A_716 = arith.constant 13 : i32
      %get3A_717 = arith.index_cast %get3A_716 : i32 to index
      %get3A_718 = arith.constant 32 : index
      %get3A_719 = tpu.vector_load %arg6[%get3A_717, %get3A_718] {strides = array<i32>} : memref<112x64xf32, #tpu.memory_space<vmem>>, vector<1x16xf32>,
      %get3A_720 = vector.shape_cast %get3A_719 : vector<1x16xf32> to vector<16xf32>
      %get3A_721 = arith.constant 14 : i32
      %get3A_722 = arith.index_cast %get3A_721 : i32 to index
      %get3A_723 = arith.constant 32 : index
      %get3A_724 = tpu.vector_load %arg6[%get3A_722, %get3A_723] {strides = array<i32>} : memref<112x64xf32, #tpu.memory_space<vmem>>, vector<1x16xf32>,
      %get3A_725 = vector.shape_cast %get3A_724 : vector<1x16xf32> to vector<16xf32>
      %get3A_726 = arith.constant 15 : i32
      %get3A_727 = arith.index_cast %get3A_726 : i32 to index
      %get3A_728 = arith.constant 32 : index
      %get3A_729 = tpu.vector_load %arg6[%get3A_727, %get3A_728] {strides = array<i32>} : memref<112x64xf32, #tpu.memory_space<vmem>>, vector<1x16xf32>,
      %get3A_730 = vector.shape_cast %get3A_729 : vector<1x16xf32> to vector<16xf32>
      %get3A_731 = arith.constant 16 : i32
      %get3A_732 = arith.index_cast %get3A_731 : i32 to index
      %get3A_733 = arith.constant 32 : index
      %get3A_734 = tpu.vector_load %arg6[%get3A_732, %get3A_733] {strides = array<i32>} : memref<112x64xf32, #tpu.memory_space<vmem>>, vector<1x16xf32>,
      %get3A_735 = vector.shape_cast %get3A_734 : vector<1x16xf32> to vector<16xf32>
      %get3A_736 = arith.constant 17 : i32
      %get3A_737 = arith.index_cast %get3A_736 : i32 to index
      %get3A_738 = arith.constant 32 : index
      %get3A_739 = tpu.vector_load %arg6[%get3A_737, %get3A_738] {strides = array<i32>} : memref<112x64xf32, #tpu.memory_space<vmem>>, vector<1x16xf32>,
      %get3A_740 = vector.shape_cast %get3A_739 : vector<1x16xf32> to vector<16xf32>
      %get3A_741 = arith.constant 18 : i32
      %get3A_742 = arith.index_cast %get3A_741 : i32 to index
      %get3A_743 = arith.constant 32 : index
      %get3A_744 = tpu.vector_load %arg6[%get3A_742, %get3A_743] {strides = array<i32>} : memref<112x64xf32, #tpu.memory_space<vmem>>, vector<1x16xf32>,
      %get3A_745 = vector.shape_cast %get3A_744 : vector<1x16xf32> to vector<16xf32>
      %get3A_746 = arith.constant 19 : i32
      %get3A_747 = arith.index_cast %get3A_746 : i32 to index
      %get3A_748 = arith.constant 32 : index
      %get3A_749 = tpu.vector_load %arg6[%get3A_747, %get3A_748] {strides = array<i32>} : memref<112x64xf32, #tpu.memory_space<vmem>>, vector<1x16xf32>,
      %get3A_750 = vector.shape_cast %get3A_749 : vector<1x16xf32> to vector<16xf32>
      %get3A_751 = arith.constant 20 : i32
      %get3A_752 = arith.index_cast %get3A_751 : i32 to index
      %get3A_753 = arith.constant 32 : index
      %get3A_754 = tpu.vector_load %arg6[%get3A_752, %get3A_753] {strides = array<i32>} : memref<112x64xf32, #tpu.memory_space<vmem>>, vector<1x16xf32>,
      %get3A_755 = vector.shape_cast %get3A_754 : vector<1x16xf32> to vector<16xf32>
      %get3A_756 = arith.constant 21 : i32
      %get3A_757 = arith.index_cast %get3A_756 : i32 to index
      %get3A_758 = arith.constant 32 : index
      %get3A_759 = tpu.vector_load %arg6[%get3A_757, %get3A_758] {strides = array<i32>} : memref<112x64xf32, #tpu.memory_space<vmem>>, vector<1x16xf32>,
      %get3A_760 = vector.shape_cast %get3A_759 : vector<1x16xf32> to vector<16xf32>
      %get3A_761 = arith.constant 22 : i32
      %get3A_762 = arith.index_cast %get3A_761 : i32 to index
      %get3A_763 = arith.constant 32 : index
      %get3A_764 = tpu.vector_load %arg6[%get3A_762, %get3A_763] {strides = array<i32>} : memref<112x64xf32, #tpu.memory_space<vmem>>, vector<1x16xf32>,
      %get3A_765 = vector.shape_cast %get3A_764 : vector<1x16xf32> to vector<16xf32>
      %get3A_766 = arith.constant 23 : i32
      %get3A_767 = arith.index_cast %get3A_766 : i32 to index
      %get3A_768 = arith.constant 32 : index
      %get3A_769 = tpu.vector_load %arg6[%get3A_767, %get3A_768] {strides = array<i32>} : memref<112x64xf32, #tpu.memory_space<vmem>>, vector<1x16xf32>,
      %get3A_770 = vector.shape_cast %get3A_769 : vector<1x16xf32> to vector<16xf32>
      %get3A_771 = arith.constant 24 : i32
      %get3A_772 = arith.index_cast %get3A_771 : i32 to index
      %get3A_773 = arith.constant 32 : index
      %get3A_774 = tpu.vector_load %arg6[%get3A_772, %get3A_773] {strides = array<i32>} : memref<112x64xf32, #tpu.memory_space<vmem>>, vector<1x16xf32>,
      %get3A_775 = vector.shape_cast %get3A_774 : vector<1x16xf32> to vector<16xf32>
      %get3A_776 = arith.constant 25 : i32
      %get3A_777 = arith.index_cast %get3A_776 : i32 to index
      %get3A_778 = arith.constant 32 : index
      %get3A_779 = tpu.vector_load %arg6[%get3A_777, %get3A_778] {strides = array<i32>} : memref<112x64xf32, #tpu.memory_space<vmem>>, vector<1x16xf32>,
      %get3A_780 = vector.shape_cast %get3A_779 : vector<1x16xf32> to vector<16xf32>
      %get3A_781 = arith.constant 26 : i32
      %get3A_782 = arith.index_cast %get3A_781 : i32 to index
      %get3A_783 = arith.constant 32 : index
      %get3A_784 = tpu.vector_load %arg6[%get3A_782, %get3A_783] {strides = array<i32>} : memref<112x64xf32, #tpu.memory_space<vmem>>, vector<1x16xf32>,
      %get3A_785 = vector.shape_cast %get3A_784 : vector<1x16xf32> to vector<16xf32>
      %get3A_786 = arith.constant 27 : i32
      %get3A_787 = arith.index_cast %get3A_786 : i32 to index
      %get3A_788 = arith.constant 32 : index
      %get3A_789 = tpu.vector_load %arg6[%get3A_787, %get3A_788] {strides = array<i32>} : memref<112x64xf32, #tpu.memory_space<vmem>>, vector<1x16xf32>,
      %get3A_790 = vector.shape_cast %get3A_789 : vector<1x16xf32> to vector<16xf32>
      %get3A_791 = arith.constant 28 : i32
      %get3A_792 = arith.index_cast %get3A_791 : i32 to index
      %get3A_793 = arith.constant 32 : index
      %get3A_794 = tpu.vector_load %arg6[%get3A_792, %get3A_793] {strides = array<i32>} : memref<112x64xf32, #tpu.memory_space<vmem>>, vector<1x16xf32>,
      %get3A_795 = vector.shape_cast %get3A_794 : vector<1x16xf32> to vector<16xf32>
      %get3A_796 = arith.constant 29 : i32
      %get3A_797 = arith.index_cast %get3A_796 : i32 to index
      %get3A_798 = arith.constant 32 : index
      %get3A_799 = tpu.vector_load %arg6[%get3A_797, %get3A_798] {strides = array<i32>} : memref<112x64xf32, #tpu.memory_space<vmem>>, vector<1x16xf32>,
      %get3A_800 = vector.shape_cast %get3A_799 : vector<1x16xf32> to vector<16xf32>
      %get3A_801 = arith.constant 30 : i32
      %get3A_802 = arith.index_cast %get3A_801 : i32 to index
      %get3A_803 = arith.constant 32 : index
      %get3A_804 = tpu.vector_load %arg6[%get3A_802, %get3A_803] {strides = array<i32>} : memref<112x64xf32, #tpu.memory_space<vmem>>, vector<1x16xf32>,
      %get3A_805 = vector.shape_cast %get3A_804 : vector<1x16xf32> to vector<16xf32>
      %get3A_806 = arith.constant 31 : i32
      %get3A_807 = arith.index_cast %get3A_806 : i32 to index
      %get3A_808 = arith.constant 32 : index
      %get3A_809 = tpu.vector_load %arg6[%get3A_807, %get3A_808] {strides = array<i32>} : memref<112x64xf32, #tpu.memory_space<vmem>>, vector<1x16xf32>,
      %get3A_810 = vector.shape_cast %get3A_809 : vector<1x16xf32> to vector<16xf32>
      %get3A_811 = arith.constant 32 : i32
      %get3A_812 = arith.index_cast %get3A_811 : i32 to index
      %get3A_813 = arith.constant 32 : index
      %get3A_814 = tpu.vector_load %arg6[%get3A_812, %get3A_813] {strides = array<i32>} : memref<112x64xf32, #tpu.memory_space<vmem>>, vector<1x16xf32>,
      %get3A_815 = vector.shape_cast %get3A_814 : vector<1x16xf32> to vector<16xf32>
      %get3A_816 = arith.constant 33 : i32
      %get3A_817 = arith.index_cast %get3A_816 : i32 to index
      %get3A_818 = arith.constant 32 : index
      %get3A_819 = tpu.vector_load %arg6[%get3A_817, %get3A_818] {strides = array<i32>} : memref<112x64xf32, #tpu.memory_space<vmem>>, vector<1x16xf32>,
      %get3A_820 = vector.shape_cast %get3A_819 : vector<1x16xf32> to vector<16xf32>
      %get3A_821 = arith.constant 34 : i32
      %get3A_822 = arith.index_cast %get3A_821 : i32 to index
      %get3A_823 = arith.constant 32 : index
      %get3A_824 = tpu.vector_load %arg6[%get3A_822, %get3A_823] {strides = array<i32>} : memref<112x64xf32, #tpu.memory_space<vmem>>, vector<1x16xf32>,
      %get3A_825 = vector.shape_cast %get3A_824 : vector<1x16xf32> to vector<16xf32>
      %get3A_826 = arith.constant 35 : i32
      %get3A_827 = arith.index_cast %get3A_826 : i32 to index
      %get3A_828 = arith.constant 32 : index
      %get3A_829 = tpu.vector_load %arg6[%get3A_827, %get3A_828] {strides = array<i32>} : memref<112x64xf32, #tpu.memory_space<vmem>>, vector<1x16xf32>,
      %get3A_830 = vector.shape_cast %get3A_829 : vector<1x16xf32> to vector<16xf32>
      %get3A_831 = arith.constant 36 : i32
      %get3A_832 = arith.index_cast %get3A_831 : i32 to index
      %get3A_833 = arith.constant 32 : index
      %get3A_834 = tpu.vector_load %arg6[%get3A_832, %get3A_833] {strides = array<i32>} : memref<112x64xf32, #tpu.memory_space<vmem>>, vector<1x16xf32>,
      %get3A_835 = vector.shape_cast %get3A_834 : vector<1x16xf32> to vector<16xf32>
      %get3A_836 = arith.constant 37 : i32
      %get3A_837 = arith.index_cast %get3A_836 : i32 to index
      %get3A_838 = arith.constant 32 : index
      %get3A_839 = tpu.vector_load %arg6[%get3A_837, %get3A_838] {strides = array<i32>} : memref<112x64xf32, #tpu.memory_space<vmem>>, vector<1x16xf32>,
      %get3A_840 = vector.shape_cast %get3A_839 : vector<1x16xf32> to vector<16xf32>
      %get3A_841 = arith.constant 38 : i32
      %get3A_842 = arith.index_cast %get3A_841 : i32 to index
      %get3A_843 = arith.constant 32 : index
      %get3A_844 = tpu.vector_load %arg6[%get3A_842, %get3A_843] {strides = array<i32>} : memref<112x64xf32, #tpu.memory_space<vmem>>, vector<1x16xf32>,
      %get3A_845 = vector.shape_cast %get3A_844 : vector<1x16xf32> to vector<16xf32>
      %get3A_846 = arith.constant 39 : i32
      %get3A_847 = arith.index_cast %get3A_846 : i32 to index
      %get3A_848 = arith.constant 32 : index
      %get3A_849 = tpu.vector_load %arg6[%get3A_847, %get3A_848] {strides = array<i32>} : memref<112x64xf32, #tpu.memory_space<vmem>>, vector<1x16xf32>,
      %get3A_850 = vector.shape_cast %get3A_849 : vector<1x16xf32> to vector<16xf32>
      %get3A_851 = arith.constant 40 : i32
      %get3A_852 = arith.index_cast %get3A_851 : i32 to index
      %get3A_853 = arith.constant 32 : index
      %get3A_854 = tpu.vector_load %arg6[%get3A_852, %get3A_853] {strides = array<i32>} : memref<112x64xf32, #tpu.memory_space<vmem>>, vector<1x16xf32>,
      %get3A_855 = vector.shape_cast %get3A_854 : vector<1x16xf32> to vector<16xf32>
      %get3A_856 = arith.constant 41 : i32
      %get3A_857 = arith.index_cast %get3A_856 : i32 to index
      %get3A_858 = arith.constant 32 : index
      %get3A_859 = tpu.vector_load %arg6[%get3A_857, %get3A_858] {strides = array<i32>} : memref<112x64xf32, #tpu.memory_space<vmem>>, vector<1x16xf32>,
      %get3A_860 = vector.shape_cast %get3A_859 : vector<1x16xf32> to vector<16xf32>
      %get3A_861 = arith.constant 42 : i32
      %get3A_862 = arith.index_cast %get3A_861 : i32 to index
      %get3A_863 = arith.constant 32 : index
      %get3A_864 = tpu.vector_load %arg6[%get3A_862, %get3A_863] {strides = array<i32>} : memref<112x64xf32, #tpu.memory_space<vmem>>, vector<1x16xf32>,
      %get3A_865 = vector.shape_cast %get3A_864 : vector<1x16xf32> to vector<16xf32>
      %get3A_866 = arith.constant 43 : i32
      %get3A_867 = arith.index_cast %get3A_866 : i32 to index
      %get3A_868 = arith.constant 32 : index
      %get3A_869 = tpu.vector_load %arg6[%get3A_867, %get3A_868] {strides = array<i32>} : memref<112x64xf32, #tpu.memory_space<vmem>>, vector<1x16xf32>,
      %get3A_870 = vector.shape_cast %get3A_869 : vector<1x16xf32> to vector<16xf32>
      %get3A_871 = arith.constant 44 : i32
      %get3A_872 = arith.index_cast %get3A_871 : i32 to index
      %get3A_873 = arith.constant 32 : index
      %get3A_874 = tpu.vector_load %arg6[%get3A_872, %get3A_873] {strides = array<i32>} : memref<112x64xf32, #tpu.memory_space<vmem>>, vector<1x16xf32>,
      %get3A_875 = vector.shape_cast %get3A_874 : vector<1x16xf32> to vector<16xf32>
      %get3A_876 = arith.constant 45 : i32
      %get3A_877 = arith.index_cast %get3A_876 : i32 to index
      %get3A_878 = arith.constant 32 : index
      %get3A_879 = tpu.vector_load %arg6[%get3A_877, %get3A_878] {strides = array<i32>} : memref<112x64xf32, #tpu.memory_space<vmem>>, vector<1x16xf32>,
      %get3A_880 = vector.shape_cast %get3A_879 : vector<1x16xf32> to vector<16xf32>
      %get3A_881 = arith.constant 46 : i32
      %get3A_882 = arith.index_cast %get3A_881 : i32 to index
      %get3A_883 = arith.constant 32 : index
      %get3A_884 = tpu.vector_load %arg6[%get3A_882, %get3A_883] {strides = array<i32>} : memref<112x64xf32, #tpu.memory_space<vmem>>, vector<1x16xf32>,
      %get3A_885 = vector.shape_cast %get3A_884 : vector<1x16xf32> to vector<16xf32>
      %get3A_886 = arith.constant 47 : i32
      %get3A_887 = arith.index_cast %get3A_886 : i32 to index
      %get3A_888 = arith.constant 32 : index
      %get3A_889 = tpu.vector_load %arg6[%get3A_887, %get3A_888] {strides = array<i32>} : memref<112x64xf32, #tpu.memory_space<vmem>>, vector<1x16xf32>,
      %get3A_890 = vector.shape_cast %get3A_889 : vector<1x16xf32> to vector<16xf32>
      %get3A_891 = arith.constant 48 : i32
      %get3A_892 = arith.index_cast %get3A_891 : i32 to index
      %get3A_893 = arith.constant 32 : index
      %get3A_894 = tpu.vector_load %arg6[%get3A_892, %get3A_893] {strides = array<i32>} : memref<112x64xf32, #tpu.memory_space<vmem>>, vector<1x16xf32>,
      %get3A_895 = vector.shape_cast %get3A_894 : vector<1x16xf32> to vector<16xf32>
      %get3A_896 = arith.constant 49 : i32
      %get3A_897 = arith.index_cast %get3A_896 : i32 to index
      %get3A_898 = arith.constant 32 : index
      %get3A_899 = tpu.vector_load %arg6[%get3A_897, %get3A_898] {strides = array<i32>} : memref<112x64xf32, #tpu.memory_space<vmem>>, vector<1x16xf32>,
      %get3A_900 = vector.shape_cast %get3A_899 : vector<1x16xf32> to vector<16xf32>
      %add3A_901 = arith.addf %get3A_655, %get3A_660 : vector<16xf32>
      %add3A_902 = arith.addf %get3A_665, %get3A_670 : vector<16xf32>
      %add3A_903 = arith.addf %get3A_675, %get3A_680 : vector<16xf32>
      %add3A_904 = arith.addf %get3A_685, %get3A_690 : vector<16xf32>
      %add3A_905 = arith.addf %get3A_695, %get3A_700 : vector<16xf32>
      %add3A_906 = arith.addf %get3A_705, %get3A_710 : vector<16xf32>
      %add3A_907 = arith.addf %get3A_715, %get3A_720 : vector<16xf32>
      %add3A_908 = arith.addf %get3A_725, %get3A_730 : vector<16xf32>
      %add3A_909 = arith.addf %get3A_735, %get3A_740 : vector<16xf32>
      %add3A_910 = arith.addf %get3A_745, %get3A_750 : vector<16xf32>
      %add3A_911 = arith.addf %get3A_755, %get3A_760 : vector<16xf32>
      %add3A_912 = arith.addf %get3A_765, %get3A_770 : vector<16xf32>
      %add3A_913 = arith.addf %get3A_775, %get3A_780 : vector<16xf32>
      %add3A_914 = arith.addf %get3A_785, %get3A_790 : vector<16xf32>
      %add3A_915 = arith.addf %get3A_795, %get3A_800 : vector<16xf32>
      %add3A_916 = arith.addf %get3A_805, %get3A_810 : vector<16xf32>
      %add3A_917 = arith.addf %get3A_815, %get3A_820 : vector<16xf32>
      %add3A_918 = arith.addf %get3A_825, %get3A_830 : vector<16xf32>
      %add3A_919 = arith.addf %get3A_835, %get3A_840 : vector<16xf32>
      %add3A_920 = arith.addf %get3A_845, %get3A_850 : vector<16xf32>
      %add3A_921 = arith.addf %get3A_855, %get3A_860 : vector<16xf32>
      %add3A_922 = arith.addf %get3A_865, %get3A_870 : vector<16xf32>
      %add3A_923 = arith.addf %get3A_875, %get3A_880 : vector<16xf32>
      %add3A_924 = arith.addf %get3A_885, %get3A_890 : vector<16xf32>
      %add3A_925 = arith.addf %get3A_895, %get3A_900 : vector<16xf32>
      %add3A_926 = arith.addf %add3A_901, %add3A_902 : vector<16xf32>
      %add3A_927 = arith.addf %add3A_903, %add3A_904 : vector<16xf32>
      %add3A_928 = arith.addf %add3A_905, %add3A_906 : vector<16xf32>
      %add3A_929 = arith.addf %add3A_907, %add3A_908 : vector<16xf32>
      %add3A_930 = arith.addf %add3A_909, %add3A_910 : vector<16xf32>
      %add3A_931 = arith.addf %add3A_911, %add3A_912 : vector<16xf32>
      %add3A_932 = arith.addf %add3A_913, %add3A_914 : vector<16xf32>
      %add3A_933 = arith.addf %add3A_915, %add3A_916 : vector<16xf32>
      %add3A_934 = arith.addf %add3A_917, %add3A_918 : vector<16xf32>
      %add3A_935 = arith.addf %add3A_919, %add3A_920 : vector<16xf32>
      %add3A_936 = arith.addf %add3A_921, %add3A_922 : vector<16xf32>
      %add3A_937 = arith.addf %add3A_923, %add3A_924 : vector<16xf32>
      %add3A_938 = arith.addf %add3A_926, %add3A_927 : vector<16xf32>
      %add3A_939 = arith.addf %add3A_928, %add3A_929 : vector<16xf32>
      %add3A_940 = arith.addf %add3A_930, %add3A_931 : vector<16xf32>
      %add3A_941 = arith.addf %add3A_932, %add3A_933 : vector<16xf32>
      %add3A_942 = arith.addf %add3A_934, %add3A_935 : vector<16xf32>
      %add3A_943 = arith.addf %add3A_936, %add3A_937 : vector<16xf32>
      %add3A_944 = arith.addf %add3A_938, %add3A_939 : vector<16xf32>
      %add3A_945 = arith.addf %add3A_940, %add3A_941 : vector<16xf32>
      %add3A_946 = arith.addf %add3A_942, %add3A_943 : vector<16xf32>
      %add3A_947 = arith.addf %add3A_944, %add3A_945 : vector<16xf32>
      %add3A_948 = arith.addf %add3A_946, %add3A_925 : vector<16xf32>
      %add3A_949 = arith.addf %add3A_947, %add3A_948 : vector<16xf32>
      %add3A_950 = arith.constant 0 : i32
      %add3A_951 = arith.addi %mul3A_34, %add3A_950 : i32
      %mul3A_952 = arith.constant 64 : i32
      %mul3A_953 = arith.muli %add3A_951, %mul3A_952 : i32
      %add3A_954 = arith.constant 32 : i32
      %add3A_955 = arith.addi %mul3A_953, %add3A_954 : i32
      %swap3A_956 = arith.index_cast %add3A_955 : i32 to index
      %swap3A_957 = tpu.vector_load %arg8[%swap3A_956] {strides = array<i32>} : memref<8192xf32, #tpu.memory_space<vmem>>, vector<16xf32>,
      %swap3A_958 = vector.shape_cast %swap3A_957 : vector<16xf32> to vector<16xf32>
      %swap3A_959 = vector.shape_cast %add3A_949 : vector<16xf32> to vector<16xf32>
      tpu.vector_store %arg8[%swap3A_956], %swap3A_959 {strides = array<i32>} : memref<8192xf32, #tpu.memory_space<vmem>>, vector<16xf32>,
      %get3A_960 = arith.constant 0 : i32
      %get3A_961 = arith.index_cast %get3A_960 : i32 to index
      %get3A_962 = arith.constant 48 : index
      %get3A_963 = tpu.vector_load %arg6[%get3A_961, %get3A_962] {strides = array<i32>} : memref<112x64xf32, #tpu.memory_space<vmem>>, vector<1x16xf32>,
      %get3A_964 = vector.shape_cast %get3A_963 : vector<1x16xf32> to vector<16xf32>
      %get3A_965 = arith.constant 1 : i32
      %get3A_966 = arith.index_cast %get3A_965 : i32 to index
      %get3A_967 = arith.constant 48 : index
      %get3A_968 = tpu.vector_load %arg6[%get3A_966, %get3A_967] {strides = array<i32>} : memref<112x64xf32, #tpu.memory_space<vmem>>, vector<1x16xf32>,
      %get3A_969 = vector.shape_cast %get3A_968 : vector<1x16xf32> to vector<16xf32>
      %get3A_970 = arith.constant 2 : i32
      %get3A_971 = arith.index_cast %get3A_970 : i32 to index
      %get3A_972 = arith.constant 48 : index
      %get3A_973 = tpu.vector_load %arg6[%get3A_971, %get3A_972] {strides = array<i32>} : memref<112x64xf32, #tpu.memory_space<vmem>>, vector<1x16xf32>,
      %get3A_974 = vector.shape_cast %get3A_973 : vector<1x16xf32> to vector<16xf32>
      %get3A_975 = arith.constant 3 : i32
      %get3A_976 = arith.index_cast %get3A_975 : i32 to index
      %get3A_977 = arith.constant 48 : index
      %get3A_978 = tpu.vector_load %arg6[%get3A_976, %get3A_977] {strides = array<i32>} : memref<112x64xf32, #tpu.memory_space<vmem>>, vector<1x16xf32>,
      %get3A_979 = vector.shape_cast %get3A_978 : vector<1x16xf32> to vector<16xf32>
      %get3A_980 = arith.constant 4 : i32
      %get3A_981 = arith.index_cast %get3A_980 : i32 to index
      %get3A_982 = arith.constant 48 : index
      %get3A_983 = tpu.vector_load %arg6[%get3A_981, %get3A_982] {strides = array<i32>} : memref<112x64xf32, #tpu.memory_space<vmem>>, vector<1x16xf32>,
      %get3A_984 = vector.shape_cast %get3A_983 : vector<1x16xf32> to vector<16xf32>
      %get3A_985 = arith.constant 5 : i32
      %get3A_986 = arith.index_cast %get3A_985 : i32 to index
      %get3A_987 = arith.constant 48 : index
      %get3A_988 = tpu.vector_load %arg6[%get3A_986, %get3A_987] {strides = array<i32>} : memref<112x64xf32, #tpu.memory_space<vmem>>, vector<1x16xf32>,
      %get3A_989 = vector.shape_cast %get3A_988 : vector<1x16xf32> to vector<16xf32>
      %get3A_990 = arith.constant 6 : i32
      %get3A_991 = arith.index_cast %get3A_990 : i32 to index
      %get3A_992 = arith.constant 48 : index
      %get3A_993 = tpu.vector_load %arg6[%get3A_991, %get3A_992] {strides = array<i32>} : memref<112x64xf32, #tpu.memory_space<vmem>>, vector<1x16xf32>,
      %get3A_994 = vector.shape_cast %get3A_993 : vector<1x16xf32> to vector<16xf32>
      %get3A_995 = arith.constant 7 : i32
      %get3A_996 = arith.index_cast %get3A_995 : i32 to index
      %get3A_997 = arith.constant 48 : index
      %get3A_998 = tpu.vector_load %arg6[%get3A_996, %get3A_997] {strides = array<i32>} : memref<112x64xf32, #tpu.memory_space<vmem>>, vector<1x16xf32>,
      %get3A_999 = vector.shape_cast %get3A_998 : vector<1x16xf32> to vector<16xf32>
      %get3A_1000 = arith.constant 8 : i32
      %get3A_1001 = arith.index_cast %get3A_1000 : i32 to index
      %get3A_1002 = arith.constant 48 : index
      %get3A_1003 = tpu.vector_load %arg6[%get3A_1001, %get3A_1002] {strides = array<i32>} : memref<112x64xf32, #tpu.memory_space<vmem>>, vector<1x16xf32>,
      %get3A_1004 = vector.shape_cast %get3A_1003 : vector<1x16xf32> to vector<16xf32>
      %get3A_1005 = arith.constant 9 : i32
      %get3A_1006 = arith.index_cast %get3A_1005 : i32 to index
      %get3A_1007 = arith.constant 48 : index
      %get3A_1008 = tpu.vector_load %arg6[%get3A_1006, %get3A_1007] {strides = array<i32>} : memref<112x64xf32, #tpu.memory_space<vmem>>, vector<1x16xf32>,
      %get3A_1009 = vector.shape_cast %get3A_1008 : vector<1x16xf32> to vector<16xf32>
      %get3A_1010 = arith.constant 10 : i32
      %get3A_1011 = arith.index_cast %get3A_1010 : i32 to index
      %get3A_1012 = arith.constant 48 : index
      %get3A_1013 = tpu.vector_load %arg6[%get3A_1011, %get3A_1012] {strides = array<i32>} : memref<112x64xf32, #tpu.memory_space<vmem>>, vector<1x16xf32>,
      %get3A_1014 = vector.shape_cast %get3A_1013 : vector<1x16xf32> to vector<16xf32>
      %get3A_1015 = arith.constant 11 : i32
      %get3A_1016 = arith.index_cast %get3A_1015 : i32 to index
      %get3A_1017 = arith.constant 48 : index
      %get3A_1018 = tpu.vector_load %arg6[%get3A_1016, %get3A_1017] {strides = array<i32>} : memref<112x64xf32, #tpu.memory_space<vmem>>, vector<1x16xf32>,
      %get3A_1019 = vector.shape_cast %get3A_1018 : vector<1x16xf32> to vector<16xf32>
      %get3A_1020 = arith.constant 12 : i32
      %get3A_1021 = arith.index_cast %get3A_1020 : i32 to index
      %get3A_1022 = arith.constant 48 : index
      %get3A_1023 = tpu.vector_load %arg6[%get3A_1021, %get3A_1022] {strides = array<i32>} : memref<112x64xf32, #tpu.memory_space<vmem>>, vector<1x16xf32>,
      %get3A_1024 = vector.shape_cast %get3A_1023 : vector<1x16xf32> to vector<16xf32>
      %get3A_1025 = arith.constant 13 : i32
      %get3A_1026 = arith.index_cast %get3A_1025 : i32 to index
      %get3A_1027 = arith.constant 48 : index
      %get3A_1028 = tpu.vector_load %arg6[%get3A_1026, %get3A_1027] {strides = array<i32>} : memref<112x64xf32, #tpu.memory_space<vmem>>, vector<1x16xf32>,
      %get3A_1029 = vector.shape_cast %get3A_1028 : vector<1x16xf32> to vector<16xf32>
      %get3A_1030 = arith.constant 14 : i32
      %get3A_1031 = arith.index_cast %get3A_1030 : i32 to index
      %get3A_1032 = arith.constant 48 : index
      %get3A_1033 = tpu.vector_load %arg6[%get3A_1031, %get3A_1032] {strides = array<i32>} : memref<112x64xf32, #tpu.memory_space<vmem>>, vector<1x16xf32>,
      %get3A_1034 = vector.shape_cast %get3A_1033 : vector<1x16xf32> to vector<16xf32>
      %get3A_1035 = arith.constant 15 : i32
      %get3A_1036 = arith.index_cast %get3A_1035 : i32 to index
      %get3A_1037 = arith.constant 48 : index
      %get3A_1038 = tpu.vector_load %arg6[%get3A_1036, %get3A_1037] {strides = array<i32>} : memref<112x64xf32, #tpu.memory_space<vmem>>, vector<1x16xf32>,
      %get3A_1039 = vector.shape_cast %get3A_1038 : vector<1x16xf32> to vector<16xf32>
      %get3A_1040 = arith.constant 16 : i32
      %get3A_1041 = arith.index_cast %get3A_1040 : i32 to index
      %get3A_1042 = arith.constant 48 : index
      %get3A_1043 = tpu.vector_load %arg6[%get3A_1041, %get3A_1042] {strides = array<i32>} : memref<112x64xf32, #tpu.memory_space<vmem>>, vector<1x16xf32>,
      %get3A_1044 = vector.shape_cast %get3A_1043 : vector<1x16xf32> to vector<16xf32>
      %get3A_1045 = arith.constant 17 : i32
      %get3A_1046 = arith.index_cast %get3A_1045 : i32 to index
      %get3A_1047 = arith.constant 48 : index
      %get3A_1048 = tpu.vector_load %arg6[%get3A_1046, %get3A_1047] {strides = array<i32>} : memref<112x64xf32, #tpu.memory_space<vmem>>, vector<1x16xf32>,
      %get3A_1049 = vector.shape_cast %get3A_1048 : vector<1x16xf32> to vector<16xf32>
      %get3A_1050 = arith.constant 18 : i32
      %get3A_1051 = arith.index_cast %get3A_1050 : i32 to index
      %get3A_1052 = arith.constant 48 : index
      %get3A_1053 = tpu.vector_load %arg6[%get3A_1051, %get3A_1052] {strides = array<i32>} : memref<112x64xf32, #tpu.memory_space<vmem>>, vector<1x16xf32>,
      %get3A_1054 = vector.shape_cast %get3A_1053 : vector<1x16xf32> to vector<16xf32>
      %get3A_1055 = arith.constant 19 : i32
      %get3A_1056 = arith.index_cast %get3A_1055 : i32 to index
      %get3A_1057 = arith.constant 48 : index
      %get3A_1058 = tpu.vector_load %arg6[%get3A_1056, %get3A_1057] {strides = array<i32>} : memref<112x64xf32, #tpu.memory_space<vmem>>, vector<1x16xf32>,
      %get3A_1059 = vector.shape_cast %get3A_1058 : vector<1x16xf32> to vector<16xf32>
      %get3A_1060 = arith.constant 20 : i32
      %get3A_1061 = arith.index_cast %get3A_1060 : i32 to index
      %get3A_1062 = arith.constant 48 : index
      %get3A_1063 = tpu.vector_load %arg6[%get3A_1061, %get3A_1062] {strides = array<i32>} : memref<112x64xf32, #tpu.memory_space<vmem>>, vector<1x16xf32>,
      %get3A_1064 = vector.shape_cast %get3A_1063 : vector<1x16xf32> to vector<16xf32>
      %get3A_1065 = arith.constant 21 : i32
      %get3A_1066 = arith.index_cast %get3A_1065 : i32 to index
      %get3A_1067 = arith.constant 48 : index
      %get3A_1068 = tpu.vector_load %arg6[%get3A_1066, %get3A_1067] {strides = array<i32>} : memref<112x64xf32, #tpu.memory_space<vmem>>, vector<1x16xf32>,
      %get3A_1069 = vector.shape_cast %get3A_1068 : vector<1x16xf32> to vector<16xf32>
      %get3A_1070 = arith.constant 22 : i32
      %get3A_1071 = arith.index_cast %get3A_1070 : i32 to index
      %get3A_1072 = arith.constant 48 : index
      %get3A_1073 = tpu.vector_load %arg6[%get3A_1071, %get3A_1072] {strides = array<i32>} : memref<112x64xf32, #tpu.memory_space<vmem>>, vector<1x16xf32>,
      %get3A_1074 = vector.shape_cast %get3A_1073 : vector<1x16xf32> to vector<16xf32>
      %get3A_1075 = arith.constant 23 : i32
      %get3A_1076 = arith.index_cast %get3A_1075 : i32 to index
      %get3A_1077 = arith.constant 48 : index
      %get3A_1078 = tpu.vector_load %arg6[%get3A_1076, %get3A_1077] {strides = array<i32>} : memref<112x64xf32, #tpu.memory_space<vmem>>, vector<1x16xf32>,
      %get3A_1079 = vector.shape_cast %get3A_1078 : vector<1x16xf32> to vector<16xf32>
      %get3A_1080 = arith.constant 24 : i32
      %get3A_1081 = arith.index_cast %get3A_1080 : i32 to index
      %get3A_1082 = arith.constant 48 : index
      %get3A_1083 = tpu.vector_load %arg6[%get3A_1081, %get3A_1082] {strides = array<i32>} : memref<112x64xf32, #tpu.memory_space<vmem>>, vector<1x16xf32>,
      %get3A_1084 = vector.shape_cast %get3A_1083 : vector<1x16xf32> to vector<16xf32>
      %get3A_1085 = arith.constant 25 : i32
      %get3A_1086 = arith.index_cast %get3A_1085 : i32 to index
      %get3A_1087 = arith.constant 48 : index
      %get3A_1088 = tpu.vector_load %arg6[%get3A_1086, %get3A_1087] {strides = array<i32>} : memref<112x64xf32, #tpu.memory_space<vmem>>, vector<1x16xf32>,
      %get3A_1089 = vector.shape_cast %get3A_1088 : vector<1x16xf32> to vector<16xf32>
      %get3A_1090 = arith.constant 26 : i32
      %get3A_1091 = arith.index_cast %get3A_1090 : i32 to index
      %get3A_1092 = arith.constant 48 : index
      %get3A_1093 = tpu.vector_load %arg6[%get3A_1091, %get3A_1092] {strides = array<i32>} : memref<112x64xf32, #tpu.memory_space<vmem>>, vector<1x16xf32>,
      %get3A_1094 = vector.shape_cast %get3A_1093 : vector<1x16xf32> to vector<16xf32>
      %get3A_1095 = arith.constant 27 : i32
      %get3A_1096 = arith.index_cast %get3A_1095 : i32 to index
      %get3A_1097 = arith.constant 48 : index
      %get3A_1098 = tpu.vector_load %arg6[%get3A_1096, %get3A_1097] {strides = array<i32>} : memref<112x64xf32, #tpu.memory_space<vmem>>, vector<1x16xf32>,
      %get3A_1099 = vector.shape_cast %get3A_1098 : vector<1x16xf32> to vector<16xf32>
      %get3A_1100 = arith.constant 28 : i32
      %get3A_1101 = arith.index_cast %get3A_1100 : i32 to index
      %get3A_1102 = arith.constant 48 : index
      %get3A_1103 = tpu.vector_load %arg6[%get3A_1101, %get3A_1102] {strides = array<i32>} : memref<112x64xf32, #tpu.memory_space<vmem>>, vector<1x16xf32>,
      %get3A_1104 = vector.shape_cast %get3A_1103 : vector<1x16xf32> to vector<16xf32>
      %get3A_1105 = arith.constant 29 : i32
      %get3A_1106 = arith.index_cast %get3A_1105 : i32 to index
      %get3A_1107 = arith.constant 48 : index
      %get3A_1108 = tpu.vector_load %arg6[%get3A_1106, %get3A_1107] {strides = array<i32>} : memref<112x64xf32, #tpu.memory_space<vmem>>, vector<1x16xf32>,
      %get3A_1109 = vector.shape_cast %get3A_1108 : vector<1x16xf32> to vector<16xf32>
      %get3A_1110 = arith.constant 30 : i32
      %get3A_1111 = arith.index_cast %get3A_1110 : i32 to index
      %get3A_1112 = arith.constant 48 : index
      %get3A_1113 = tpu.vector_load %arg6[%get3A_1111, %get3A_1112] {strides = array<i32>} : memref<112x64xf32, #tpu.memory_space<vmem>>, vector<1x16xf32>,
      %get3A_1114 = vector.shape_cast %get3A_1113 : vector<1x16xf32> to vector<16xf32>
      %get3A_1115 = arith.constant 31 : i32
      %get3A_1116 = arith.index_cast %get3A_1115 : i32 to index
      %get3A_1117 = arith.constant 48 : index
      %get3A_1118 = tpu.vector_load %arg6[%get3A_1116, %get3A_1117] {strides = array<i32>} : memref<112x64xf32, #tpu.memory_space<vmem>>, vector<1x16xf32>,
      %get3A_1119 = vector.shape_cast %get3A_1118 : vector<1x16xf32> to vector<16xf32>
      %get3A_1120 = arith.constant 32 : i32
      %get3A_1121 = arith.index_cast %get3A_1120 : i32 to index
      %get3A_1122 = arith.constant 48 : index
      %get3A_1123 = tpu.vector_load %arg6[%get3A_1121, %get3A_1122] {strides = array<i32>} : memref<112x64xf32, #tpu.memory_space<vmem>>, vector<1x16xf32>,
      %get3A_1124 = vector.shape_cast %get3A_1123 : vector<1x16xf32> to vector<16xf32>
      %get3A_1125 = arith.constant 33 : i32
      %get3A_1126 = arith.index_cast %get3A_1125 : i32 to index
      %get3A_1127 = arith.constant 48 : index
      %get3A_1128 = tpu.vector_load %arg6[%get3A_1126, %get3A_1127] {strides = array<i32>} : memref<112x64xf32, #tpu.memory_space<vmem>>, vector<1x16xf32>,
      %get3A_1129 = vector.shape_cast %get3A_1128 : vector<1x16xf32> to vector<16xf32>
      %get3A_1130 = arith.constant 34 : i32
      %get3A_1131 = arith.index_cast %get3A_1130 : i32 to index
      %get3A_1132 = arith.constant 48 : index
      %get3A_1133 = tpu.vector_load %arg6[%get3A_1131, %get3A_1132] {strides = array<i32>} : memref<112x64xf32, #tpu.memory_space<vmem>>, vector<1x16xf32>,
      %get3A_1134 = vector.shape_cast %get3A_1133 : vector<1x16xf32> to vector<16xf32>
      %get3A_1135 = arith.constant 35 : i32
      %get3A_1136 = arith.index_cast %get3A_1135 : i32 to index
      %get3A_1137 = arith.constant 48 : index
      %get3A_1138 = tpu.vector_load %arg6[%get3A_1136, %get3A_1137] {strides = array<i32>} : memref<112x64xf32, #tpu.memory_space<vmem>>, vector<1x16xf32>,
      %get3A_1139 = vector.shape_cast %get3A_1138 : vector<1x16xf32> to vector<16xf32>
      %get3A_1140 = arith.constant 36 : i32
      %get3A_1141 = arith.index_cast %get3A_1140 : i32 to index
      %get3A_1142 = arith.constant 48 : index
      %get3A_1143 = tpu.vector_load %arg6[%get3A_1141, %get3A_1142] {strides = array<i32>} : memref<112x64xf32, #tpu.memory_space<vmem>>, vector<1x16xf32>,
      %get3A_1144 = vector.shape_cast %get3A_1143 : vector<1x16xf32> to vector<16xf32>
      %get3A_1145 = arith.constant 37 : i32
      %get3A_1146 = arith.index_cast %get3A_1145 : i32 to index
      %get3A_1147 = arith.constant 48 : index
      %get3A_1148 = tpu.vector_load %arg6[%get3A_1146, %get3A_1147] {strides = array<i32>} : memref<112x64xf32, #tpu.memory_space<vmem>>, vector<1x16xf32>,
      %get3A_1149 = vector.shape_cast %get3A_1148 : vector<1x16xf32> to vector<16xf32>
      %get3A_1150 = arith.constant 38 : i32
      %get3A_1151 = arith.index_cast %get3A_1150 : i32 to index
      %get3A_1152 = arith.constant 48 : index
      %get3A_1153 = tpu.vector_load %arg6[%get3A_1151, %get3A_1152] {strides = array<i32>} : memref<112x64xf32, #tpu.memory_space<vmem>>, vector<1x16xf32>,
      %get3A_1154 = vector.shape_cast %get3A_1153 : vector<1x16xf32> to vector<16xf32>
      %get3A_1155 = arith.constant 39 : i32
      %get3A_1156 = arith.index_cast %get3A_1155 : i32 to index
      %get3A_1157 = arith.constant 48 : index
      %get3A_1158 = tpu.vector_load %arg6[%get3A_1156, %get3A_1157] {strides = array<i32>} : memref<112x64xf32, #tpu.memory_space<vmem>>, vector<1x16xf32>,
      %get3A_1159 = vector.shape_cast %get3A_1158 : vector<1x16xf32> to vector<16xf32>
      %get3A_1160 = arith.constant 40 : i32
      %get3A_1161 = arith.index_cast %get3A_1160 : i32 to index
      %get3A_1162 = arith.constant 48 : index
      %get3A_1163 = tpu.vector_load %arg6[%get3A_1161, %get3A_1162] {strides = array<i32>} : memref<112x64xf32, #tpu.memory_space<vmem>>, vector<1x16xf32>,
      %get3A_1164 = vector.shape_cast %get3A_1163 : vector<1x16xf32> to vector<16xf32>
      %get3A_1165 = arith.constant 41 : i32
      %get3A_1166 = arith.index_cast %get3A_1165 : i32 to index
      %get3A_1167 = arith.constant 48 : index
      %get3A_1168 = tpu.vector_load %arg6[%get3A_1166, %get3A_1167] {strides = array<i32>} : memref<112x64xf32, #tpu.memory_space<vmem>>, vector<1x16xf32>,
      %get3A_1169 = vector.shape_cast %get3A_1168 : vector<1x16xf32> to vector<16xf32>
      %get3A_1170 = arith.constant 42 : i32
      %get3A_1171 = arith.index_cast %get3A_1170 : i32 to index
      %get3A_1172 = arith.constant 48 : index
      %get3A_1173 = tpu.vector_load %arg6[%get3A_1171, %get3A_1172] {strides = array<i32>} : memref<112x64xf32, #tpu.memory_space<vmem>>, vector<1x16xf32>,
      %get3A_1174 = vector.shape_cast %get3A_1173 : vector<1x16xf32> to vector<16xf32>
      %get3A_1175 = arith.constant 43 : i32
      %get3A_1176 = arith.index_cast %get3A_1175 : i32 to index
      %get3A_1177 = arith.constant 48 : index
      %get3A_1178 = tpu.vector_load %arg6[%get3A_1176, %get3A_1177] {strides = array<i32>} : memref<112x64xf32, #tpu.memory_space<vmem>>, vector<1x16xf32>,
      %get3A_1179 = vector.shape_cast %get3A_1178 : vector<1x16xf32> to vector<16xf32>
      %get3A_1180 = arith.constant 44 : i32
      %get3A_1181 = arith.index_cast %get3A_1180 : i32 to index
      %get3A_1182 = arith.constant 48 : index
      %get3A_1183 = tpu.vector_load %arg6[%get3A_1181, %get3A_1182] {strides = array<i32>} : memref<112x64xf32, #tpu.memory_space<vmem>>, vector<1x16xf32>,
      %get3A_1184 = vector.shape_cast %get3A_1183 : vector<1x16xf32> to vector<16xf32>
      %get3A_1185 = arith.constant 45 : i32
      %get3A_1186 = arith.index_cast %get3A_1185 : i32 to index
      %get3A_1187 = arith.constant 48 : index
      %get3A_1188 = tpu.vector_load %arg6[%get3A_1186, %get3A_1187] {strides = array<i32>} : memref<112x64xf32, #tpu.memory_space<vmem>>, vector<1x16xf32>,
      %get3A_1189 = vector.shape_cast %get3A_1188 : vector<1x16xf32> to vector<16xf32>
      %get3A_1190 = arith.constant 46 : i32
      %get3A_1191 = arith.index_cast %get3A_1190 : i32 to index
      %get3A_1192 = arith.constant 48 : index
      %get3A_1193 = tpu.vector_load %arg6[%get3A_1191, %get3A_1192] {strides = array<i32>} : memref<112x64xf32, #tpu.memory_space<vmem>>, vector<1x16xf32>,
      %get3A_1194 = vector.shape_cast %get3A_1193 : vector<1x16xf32> to vector<16xf32>
      %get3A_1195 = arith.constant 47 : i32
      %get3A_1196 = arith.index_cast %get3A_1195 : i32 to index
      %get3A_1197 = arith.constant 48 : index
      %get3A_1198 = tpu.vector_load %arg6[%get3A_1196, %get3A_1197] {strides = array<i32>} : memref<112x64xf32, #tpu.memory_space<vmem>>, vector<1x16xf32>,
      %get3A_1199 = vector.shape_cast %get3A_1198 : vector<1x16xf32> to vector<16xf32>
      %get3A_1200 = arith.constant 48 : i32
      %get3A_1201 = arith.index_cast %get3A_1200 : i32 to index
      %get3A_1202 = arith.constant 48 : index
      %get3A_1203 = tpu.vector_load %arg6[%get3A_1201, %get3A_1202] {strides = array<i32>} : memref<112x64xf32, #tpu.memory_space<vmem>>, vector<1x16xf32>,
      %get3A_1204 = vector.shape_cast %get3A_1203 : vector<1x16xf32> to vector<16xf32>
      %get3A_1205 = arith.constant 49 : i32
      %get3A_1206 = arith.index_cast %get3A_1205 : i32 to index
      %get3A_1207 = arith.constant 48 : index
      %get3A_1208 = tpu.vector_load %arg6[%get3A_1206, %get3A_1207] {strides = array<i32>} : memref<112x64xf32, #tpu.memory_space<vmem>>, vector<1x16xf32>,
      %get3A_1209 = vector.shape_cast %get3A_1208 : vector<1x16xf32> to vector<16xf32>
      %add3A_1210 = arith.addf %get3A_964, %get3A_969 : vector<16xf32>
      %add3A_1211 = arith.addf %get3A_974, %get3A_979 : vector<16xf32>
      %add3A_1212 = arith.addf %get3A_984, %get3A_989 : vector<16xf32>
      %add3A_1213 = arith.addf %get3A_994, %get3A_999 : vector<16xf32>
      %add3A_1214 = arith.addf %get3A_1004, %get3A_1009 : vector<16xf32>
      %add3A_1215 = arith.addf %get3A_1014, %get3A_1019 : vector<16xf32>
      %add3A_1216 = arith.addf %get3A_1024, %get3A_1029 : vector<16xf32>
      %add3A_1217 = arith.addf %get3A_1034, %get3A_1039 : vector<16xf32>
      %add3A_1218 = arith.addf %get3A_1044, %get3A_1049 : vector<16xf32>
      %add3A_1219 = arith.addf %get3A_1054, %get3A_1059 : vector<16xf32>
      %add3A_1220 = arith.addf %get3A_1064, %get3A_1069 : vector<16xf32>
      %add3A_1221 = arith.addf %get3A_1074, %get3A_1079 : vector<16xf32>
      %add3A_1222 = arith.addf %get3A_1084, %get3A_1089 : vector<16xf32>
      %add3A_1223 = arith.addf %get3A_1094, %get3A_1099 : vector<16xf32>
      %add3A_1224 = arith.addf %get3A_1104, %get3A_1109 : vector<16xf32>
      %add3A_1225 = arith.addf %get3A_1114, %get3A_1119 : vector<16xf32>
      %add3A_1226 = arith.addf %get3A_1124, %get3A_1129 : vector<16xf32>
      %add3A_1227 = arith.addf %get3A_1134, %get3A_1139 : vector<16xf32>
      %add3A_1228 = arith.addf %get3A_1144, %get3A_1149 : vector<16xf32>
      %add3A_1229 = arith.addf %get3A_1154, %get3A_1159 : vector<16xf32>
      %add3A_1230 = arith.addf %get3A_1164, %get3A_1169 : vector<16xf32>
      %add3A_1231 = arith.addf %get3A_1174, %get3A_1179 : vector<16xf32>
      %add3A_1232 = arith.addf %get3A_1184, %get3A_1189 : vector<16xf32>
      %add3A_1233 = arith.addf %get3A_1194, %get3A_1199 : vector<16xf32>
      %add3A_1234 = arith.addf %get3A_1204, %get3A_1209 : vector<16xf32>
      %add3A_1235 = arith.addf %add3A_1210, %add3A_1211 : vector<16xf32>
      %add3A_1236 = arith.addf %add3A_1212, %add3A_1213 : vector<16xf32>
      %add3A_1237 = arith.addf %add3A_1214, %add3A_1215 : vector<16xf32>
      %add3A_1238 = arith.addf %add3A_1216, %add3A_1217 : vector<16xf32>
      %add3A_1239 = arith.addf %add3A_1218, %add3A_1219 : vector<16xf32>
      %add3A_1240 = arith.addf %add3A_1220, %add3A_1221 : vector<16xf32>
      %add3A_1241 = arith.addf %add3A_1222, %add3A_1223 : vector<16xf32>
      %add3A_1242 = arith.addf %add3A_1224, %add3A_1225 : vector<16xf32>
      %add3A_1243 = arith.addf %add3A_1226, %add3A_1227 : vector<16xf32>
      %add3A_1244 = arith.addf %add3A_1228, %add3A_1229 : vector<16xf32>
      %add3A_1245 = arith.addf %add3A_1230, %add3A_1231 : vector<16xf32>
      %add3A_1246 = arith.addf %add3A_1232, %add3A_1233 : vector<16xf32>
      %add3A_1247 = arith.addf %add3A_1235, %add3A_1236 : vector<16xf32>
      %add3A_1248 = arith.addf %add3A_1237, %add3A_1238 : vector<16xf32>
      %add3A_1249 = arith.addf %add3A_1239, %add3A_1240 : vector<16xf32>
      %add3A_1250 = arith.addf %add3A_1241, %add3A_1242 : vector<16xf32>
      %add3A_1251 = arith.addf %add3A_1243, %add3A_1244 : vector<16xf32>
      %add3A_1252 = arith.addf %add3A_1245, %add3A_1246 : vector<16xf32>
      %add3A_1253 = arith.addf %add3A_1247, %add3A_1248 : vector<16xf32>
      %add3A_1254 = arith.addf %add3A_1249, %add3A_1250 : vector<16xf32>
      %add3A_1255 = arith.addf %add3A_1251, %add3A_1252 : vector<16xf32>
      %add3A_1256 = arith.addf %add3A_1253, %add3A_1254 : vector<16xf32>
      %add3A_1257 = arith.addf %add3A_1255, %add3A_1234 : vector<16xf32>
      %add3A_1258 = arith.addf %add3A_1256, %add3A_1257 : vector<16xf32>
      %add3A_1259 = arith.constant 0 : i32
      %add3A_1260 = arith.addi %mul3A_34, %add3A_1259 : i32
      %mul3A_1261 = arith.constant 64 : i32
      %mul3A_1262 = arith.muli %add3A_1260, %mul3A_1261 : i32
      %add3A_1263 = arith.constant 48 : i32
      %add3A_1264 = arith.addi %mul3A_1262, %add3A_1263 : i32
      %swap3A_1265 = arith.index_cast %add3A_1264 : i32 to index
      %swap3A_1266 = tpu.vector_load %arg8[%swap3A_1265] {strides = array<i32>} : memref<8192xf32, #tpu.memory_space<vmem>>, vector<16xf32>,
      %swap3A_1267 = vector.shape_cast %swap3A_1266 : vector<16xf32> to vector<16xf32>
      %swap3A_1268 = vector.shape_cast %add3A_1258 : vector<16xf32> to vector<16xf32>
      tpu.vector_store %arg8[%swap3A_1265], %swap3A_1268 {strides = array<i32>} : memref<8192xf32, #tpu.memory_space<vmem>>, vector<16xf32>,
      %get3A_1269 = arith.constant 56 : i32
      %get3A_1270 = arith.index_cast %get3A_1269 : i32 to index
      %get3A_1271 = arith.constant 0 : index
      %get3A_1272 = tpu.vector_load %arg6[%get3A_1270, %get3A_1271] {strides = array<i32>} : memref<112x64xf32, #tpu.memory_space<vmem>>, vector<1x16xf32>,
      %get3A_1273 = vector.shape_cast %get3A_1272 : vector<1x16xf32> to vector<16xf32>
      %get3A_1274 = arith.constant 57 : i32
      %get3A_1275 = arith.index_cast %get3A_1274 : i32 to index
      %get3A_1276 = arith.constant 0 : index
      %get3A_1277 = tpu.vector_load %arg6[%get3A_1275, %get3A_1276] {strides = array<i32>} : memref<112x64xf32, #tpu.memory_space<vmem>>, vector<1x16xf32>,
      %get3A_1278 = vector.shape_cast %get3A_1277 : vector<1x16xf32> to vector<16xf32>
      %get3A_1279 = arith.constant 58 : i32
      %get3A_1280 = arith.index_cast %get3A_1279 : i32 to index
      %get3A_1281 = arith.constant 0 : index
      %get3A_1282 = tpu.vector_load %arg6[%get3A_1280, %get3A_1281] {strides = array<i32>} : memref<112x64xf32, #tpu.memory_space<vmem>>, vector<1x16xf32>,
      %get3A_1283 = vector.shape_cast %get3A_1282 : vector<1x16xf32> to vector<16xf32>
      %get3A_1284 = arith.constant 59 : i32
      %get3A_1285 = arith.index_cast %get3A_1284 : i32 to index
      %get3A_1286 = arith.constant 0 : index
      %get3A_1287 = tpu.vector_load %arg6[%get3A_1285, %get3A_1286] {strides = array<i32>} : memref<112x64xf32, #tpu.memory_space<vmem>>, vector<1x16xf32>,
      %get3A_1288 = vector.shape_cast %get3A_1287 : vector<1x16xf32> to vector<16xf32>
      %get3A_1289 = arith.constant 60 : i32
      %get3A_1290 = arith.index_cast %get3A_1289 : i32 to index
      %get3A_1291 = arith.constant 0 : index
      %get3A_1292 = tpu.vector_load %arg6[%get3A_1290, %get3A_1291] {strides = array<i32>} : memref<112x64xf32, #tpu.memory_space<vmem>>, vector<1x16xf32>,
      %get3A_1293 = vector.shape_cast %get3A_1292 : vector<1x16xf32> to vector<16xf32>
      %get3A_1294 = arith.constant 61 : i32
      %get3A_1295 = arith.index_cast %get3A_1294 : i32 to index
      %get3A_1296 = arith.constant 0 : index
      %get3A_1297 = tpu.vector_load %arg6[%get3A_1295, %get3A_1296] {strides = array<i32>} : memref<112x64xf32, #tpu.memory_space<vmem>>, vector<1x16xf32>,
      %get3A_1298 = vector.shape_cast %get3A_1297 : vector<1x16xf32> to vector<16xf32>
      %get3A_1299 = arith.constant 62 : i32
      %get3A_1300 = arith.index_cast %get3A_1299 : i32 to index
      %get3A_1301 = arith.constant 0 : index
      %get3A_1302 = tpu.vector_load %arg6[%get3A_1300, %get3A_1301] {strides = array<i32>} : memref<112x64xf32, #tpu.memory_space<vmem>>, vector<1x16xf32>,
      %get3A_1303 = vector.shape_cast %get3A_1302 : vector<1x16xf32> to vector<16xf32>
      %get3A_1304 = arith.constant 63 : i32
      %get3A_1305 = arith.index_cast %get3A_1304 : i32 to index
      %get3A_1306 = arith.constant 0 : index
      %get3A_1307 = tpu.vector_load %arg6[%get3A_1305, %get3A_1306] {strides = array<i32>} : memref<112x64xf32, #tpu.memory_space<vmem>>, vector<1x16xf32>,
      %get3A_1308 = vector.shape_cast %get3A_1307 : vector<1x16xf32> to vector<16xf32>
      %get3A_1309 = arith.constant 64 : i32
      %get3A_1310 = arith.index_cast %get3A_1309 : i32 to index
      %get3A_1311 = arith.constant 0 : index
      %get3A_1312 = tpu.vector_load %arg6[%get3A_1310, %get3A_1311] {strides = array<i32>} : memref<112x64xf32, #tpu.memory_space<vmem>>, vector<1x16xf32>,
      %get3A_1313 = vector.shape_cast %get3A_1312 : vector<1x16xf32> to vector<16xf32>
      %get3A_1314 = arith.constant 65 : i32
      %get3A_1315 = arith.index_cast %get3A_1314 : i32 to index
      %get3A_1316 = arith.constant 0 : index
      %get3A_1317 = tpu.vector_load %arg6[%get3A_1315, %get3A_1316] {strides = array<i32>} : memref<112x64xf32, #tpu.memory_space<vmem>>, vector<1x16xf32>,
      %get3A_1318 = vector.shape_cast %get3A_1317 : vector<1x16xf32> to vector<16xf32>
      %get3A_1319 = arith.constant 66 : i32
      %get3A_1320 = arith.index_cast %get3A_1319 : i32 to index
      %get3A_1321 = arith.constant 0 : index
      %get3A_1322 = tpu.vector_load %arg6[%get3A_1320, %get3A_1321] {strides = array<i32>} : memref<112x64xf32, #tpu.memory_space<vmem>>, vector<1x16xf32>,
      %get3A_1323 = vector.shape_cast %get3A_1322 : vector<1x16xf32> to vector<16xf32>
      %get3A_1324 = arith.constant 67 : i32
      %get3A_1325 = arith.index_cast %get3A_1324 : i32 to index
      %get3A_1326 = arith.constant 0 : index
      %get3A_1327 = tpu.vector_load %arg6[%get3A_1325, %get3A_1326] {strides = array<i32>} : memref<112x64xf32, #tpu.memory_space<vmem>>, vector<1x16xf32>,
      %get3A_1328 = vector.shape_cast %get3A_1327 : vector<1x16xf32> to vector<16xf32>
      %get3A_1329 = arith.constant 68 : i32
      %get3A_1330 = arith.index_cast %get3A_1329 : i32 to index
      %get3A_1331 = arith.constant 0 : index
      %get3A_1332 = tpu.vector_load %arg6[%get3A_1330, %get3A_1331] {strides = array<i32>} : memref<112x64xf32, #tpu.memory_space<vmem>>, vector<1x16xf32>,
      %get3A_1333 = vector.shape_cast %get3A_1332 : vector<1x16xf32> to vector<16xf32>
      %get3A_1334 = arith.constant 69 : i32
      %get3A_1335 = arith.index_cast %get3A_1334 : i32 to index
      %get3A_1336 = arith.constant 0 : index
      %get3A_1337 = tpu.vector_load %arg6[%get3A_1335, %get3A_1336] {strides = array<i32>} : memref<112x64xf32, #tpu.memory_space<vmem>>, vector<1x16xf32>,
      %get3A_1338 = vector.shape_cast %get3A_1337 : vector<1x16xf32> to vector<16xf32>
      %get3A_1339 = arith.constant 70 : i32
      %get3A_1340 = arith.index_cast %get3A_1339 : i32 to index
      %get3A_1341 = arith.constant 0 : index
      %get3A_1342 = tpu.vector_load %arg6[%get3A_1340, %get3A_1341] {strides = array<i32>} : memref<112x64xf32, #tpu.memory_space<vmem>>, vector<1x16xf32>,
      %get3A_1343 = vector.shape_cast %get3A_1342 : vector<1x16xf32> to vector<16xf32>
      %get3A_1344 = arith.constant 71 : i32
      %get3A_1345 = arith.index_cast %get3A_1344 : i32 to index
      %get3A_1346 = arith.constant 0 : index
      %get3A_1347 = tpu.vector_load %arg6[%get3A_1345, %get3A_1346] {strides = array<i32>} : memref<112x64xf32, #tpu.memory_space<vmem>>, vector<1x16xf32>,
      %get3A_1348 = vector.shape_cast %get3A_1347 : vector<1x16xf32> to vector<16xf32>
      %get3A_1349 = arith.constant 72 : i32
      %get3A_1350 = arith.index_cast %get3A_1349 : i32 to index
      %get3A_1351 = arith.constant 0 : index
      %get3A_1352 = tpu.vector_load %arg6[%get3A_1350, %get3A_1351] {strides = array<i32>} : memref<112x64xf32, #tpu.memory_space<vmem>>, vector<1x16xf32>,
      %get3A_1353 = vector.shape_cast %get3A_1352 : vector<1x16xf32> to vector<16xf32>
      %get3A_1354 = arith.constant 73 : i32
      %get3A_1355 = arith.index_cast %get3A_1354 : i32 to index
      %get3A_1356 = arith.constant 0 : index
      %get3A_1357 = tpu.vector_load %arg6[%get3A_1355, %get3A_1356] {strides = array<i32>} : memref<112x64xf32, #tpu.memory_space<vmem>>, vector<1x16xf32>,
      %get3A_1358 = vector.shape_cast %get3A_1357 : vector<1x16xf32> to vector<16xf32>
      %get3A_1359 = arith.constant 74 : i32
      %get3A_1360 = arith.index_cast %get3A_1359 : i32 to index
      %get3A_1361 = arith.constant 0 : index
      %get3A_1362 = tpu.vector_load %arg6[%get3A_1360, %get3A_1361] {strides = array<i32>} : memref<112x64xf32, #tpu.memory_space<vmem>>, vector<1x16xf32>,
      %get3A_1363 = vector.shape_cast %get3A_1362 : vector<1x16xf32> to vector<16xf32>
      %get3A_1364 = arith.constant 75 : i32
      %get3A_1365 = arith.index_cast %get3A_1364 : i32 to index
      %get3A_1366 = arith.constant 0 : index
      %get3A_1367 = tpu.vector_load %arg6[%get3A_1365, %get3A_1366] {strides = array<i32>} : memref<112x64xf32, #tpu.memory_space<vmem>>, vector<1x16xf32>,
      %get3A_1368 = vector.shape_cast %get3A_1367 : vector<1x16xf32> to vector<16xf32>
      %get3A_1369 = arith.constant 76 : i32
      %get3A_1370 = arith.index_cast %get3A_1369 : i32 to index
      %get3A_1371 = arith.constant 0 : index
      %get3A_1372 = tpu.vector_load %arg6[%get3A_1370, %get3A_1371] {strides = array<i32>} : memref<112x64xf32, #tpu.memory_space<vmem>>, vector<1x16xf32>,
      %get3A_1373 = vector.shape_cast %get3A_1372 : vector<1x16xf32> to vector<16xf32>
      %get3A_1374 = arith.constant 77 : i32
      %get3A_1375 = arith.index_cast %get3A_1374 : i32 to index
      %get3A_1376 = arith.constant 0 : index
      %get3A_1377 = tpu.vector_load %arg6[%get3A_1375, %get3A_1376] {strides = array<i32>} : memref<112x64xf32, #tpu.memory_space<vmem>>, vector<1x16xf32>,
      %get3A_1378 = vector.shape_cast %get3A_1377 : vector<1x16xf32> to vector<16xf32>
      %get3A_1379 = arith.constant 78 : i32
      %get3A_1380 = arith.index_cast %get3A_1379 : i32 to index
      %get3A_1381 = arith.constant 0 : index
      %get3A_1382 = tpu.vector_load %arg6[%get3A_1380, %get3A_1381] {strides = array<i32>} : memref<112x64xf32, #tpu.memory_space<vmem>>, vector<1x16xf32>,
      %get3A_1383 = vector.shape_cast %get3A_1382 : vector<1x16xf32> to vector<16xf32>
      %get3A_1384 = arith.constant 79 : i32
      %get3A_1385 = arith.index_cast %get3A_1384 : i32 to index
      %get3A_1386 = arith.constant 0 : index
      %get3A_1387 = tpu.vector_load %arg6[%get3A_1385, %get3A_1386] {strides = array<i32>} : memref<112x64xf32, #tpu.memory_space<vmem>>, vector<1x16xf32>,
      %get3A_1388 = vector.shape_cast %get3A_1387 : vector<1x16xf32> to vector<16xf32>
      %get3A_1389 = arith.constant 80 : i32
      %get3A_1390 = arith.index_cast %get3A_1389 : i32 to index
      %get3A_1391 = arith.constant 0 : index
      %get3A_1392 = tpu.vector_load %arg6[%get3A_1390, %get3A_1391] {strides = array<i32>} : memref<112x64xf32, #tpu.memory_space<vmem>>, vector<1x16xf32>,
      %get3A_1393 = vector.shape_cast %get3A_1392 : vector<1x16xf32> to vector<16xf32>
      %get3A_1394 = arith.constant 81 : i32
      %get3A_1395 = arith.index_cast %get3A_1394 : i32 to index
      %get3A_1396 = arith.constant 0 : index
      %get3A_1397 = tpu.vector_load %arg6[%get3A_1395, %get3A_1396] {strides = array<i32>} : memref<112x64xf32, #tpu.memory_space<vmem>>, vector<1x16xf32>,
      %get3A_1398 = vector.shape_cast %get3A_1397 : vector<1x16xf32> to vector<16xf32>
      %get3A_1399 = arith.constant 82 : i32
      %get3A_1400 = arith.index_cast %get3A_1399 : i32 to index
      %get3A_1401 = arith.constant 0 : index
      %get3A_1402 = tpu.vector_load %arg6[%get3A_1400, %get3A_1401] {strides = array<i32>} : memref<112x64xf32, #tpu.memory_space<vmem>>, vector<1x16xf32>,
      %get3A_1403 = vector.shape_cast %get3A_1402 : vector<1x16xf32> to vector<16xf32>
      %get3A_1404 = arith.constant 83 : i32
      %get3A_1405 = arith.index_cast %get3A_1404 : i32 to index
      %get3A_1406 = arith.constant 0 : index
      %get3A_1407 = tpu.vector_load %arg6[%get3A_1405, %get3A_1406] {strides = array<i32>} : memref<112x64xf32, #tpu.memory_space<vmem>>, vector<1x16xf32>,
      %get3A_1408 = vector.shape_cast %get3A_1407 : vector<1x16xf32> to vector<16xf32>
      %get3A_1409 = arith.constant 84 : i32
      %get3A_1410 = arith.index_cast %get3A_1409 : i32 to index
      %get3A_1411 = arith.constant 0 : index
      %get3A_1412 = tpu.vector_load %arg6[%get3A_1410, %get3A_1411] {strides = array<i32>} : memref<112x64xf32, #tpu.memory_space<vmem>>, vector<1x16xf32>,
      %get3A_1413 = vector.shape_cast %get3A_1412 : vector<1x16xf32> to vector<16xf32>
      %get3A_1414 = arith.constant 85 : i32
      %get3A_1415 = arith.index_cast %get3A_1414 : i32 to index
      %get3A_1416 = arith.constant 0 : index
      %get3A_1417 = tpu.vector_load %arg6[%get3A_1415, %get3A_1416] {strides = array<i32>} : memref<112x64xf32, #tpu.memory_space<vmem>>, vector<1x16xf32>,
      %get3A_1418 = vector.shape_cast %get3A_1417 : vector<1x16xf32> to vector<16xf32>
      %get3A_1419 = arith.constant 86 : i32
      %get3A_1420 = arith.index_cast %get3A_1419 : i32 to index
      %get3A_1421 = arith.constant 0 : index
      %get3A_1422 = tpu.vector_load %arg6[%get3A_1420, %get3A_1421] {strides = array<i32>} : memref<112x64xf32, #tpu.memory_space<vmem>>, vector<1x16xf32>,
      %get3A_1423 = vector.shape_cast %get3A_1422 : vector<1x16xf32> to vector<16xf32>
      %get3A_1424 = arith.constant 87 : i32
      %get3A_1425 = arith.index_cast %get3A_1424 : i32 to index
      %get3A_1426 = arith.constant 0 : index
      %get3A_1427 = tpu.vector_load %arg6[%get3A_1425, %get3A_1426] {strides = array<i32>} : memref<112x64xf32, #tpu.memory_space<vmem>>, vector<1x16xf32>,
      %get3A_1428 = vector.shape_cast %get3A_1427 : vector<1x16xf32> to vector<16xf32>
      %get3A_1429 = arith.constant 88 : i32
      %get3A_1430 = arith.index_cast %get3A_1429 : i32 to index
      %get3A_1431 = arith.constant 0 : index
      %get3A_1432 = tpu.vector_load %arg6[%get3A_1430, %get3A_1431] {strides = array<i32>} : memref<112x64xf32, #tpu.memory_space<vmem>>, vector<1x16xf32>,
      %get3A_1433 = vector.shape_cast %get3A_1432 : vector<1x16xf32> to vector<16xf32>
      %get3A_1434 = arith.constant 89 : i32
      %get3A_1435 = arith.index_cast %get3A_1434 : i32 to index
      %get3A_1436 = arith.constant 0 : index
      %get3A_1437 = tpu.vector_load %arg6[%get3A_1435, %get3A_1436] {strides = array<i32>} : memref<112x64xf32, #tpu.memory_space<vmem>>, vector<1x16xf32>,
      %get3A_1438 = vector.shape_cast %get3A_1437 : vector<1x16xf32> to vector<16xf32>
      %get3A_1439 = arith.constant 90 : i32
      %get3A_1440 = arith.index_cast %get3A_1439 : i32 to index
      %get3A_1441 = arith.constant 0 : index
      %get3A_1442 = tpu.vector_load %arg6[%get3A_1440, %get3A_1441] {strides = array<i32>} : memref<112x64xf32, #tpu.memory_space<vmem>>, vector<1x16xf32>,
      %get3A_1443 = vector.shape_cast %get3A_1442 : vector<1x16xf32> to vector<16xf32>
      %get3A_1444 = arith.constant 91 : i32
      %get3A_1445 = arith.index_cast %get3A_1444 : i32 to index
      %get3A_1446 = arith.constant 0 : index
      %get3A_1447 = tpu.vector_load %arg6[%get3A_1445, %get3A_1446] {strides = array<i32>} : memref<112x64xf32, #tpu.memory_space<vmem>>, vector<1x16xf32>,
      %get3A_1448 = vector.shape_cast %get3A_1447 : vector<1x16xf32> to vector<16xf32>
      %get3A_1449 = arith.constant 92 : i32
      %get3A_1450 = arith.index_cast %get3A_1449 : i32 to index
      %get3A_1451 = arith.constant 0 : index
      %get3A_1452 = tpu.vector_load %arg6[%get3A_1450, %get3A_1451] {strides = array<i32>} : memref<112x64xf32, #tpu.memory_space<vmem>>, vector<1x16xf32>,
      %get3A_1453 = vector.shape_cast %get3A_1452 : vector<1x16xf32> to vector<16xf32>
      %get3A_1454 = arith.constant 93 : i32
      %get3A_1455 = arith.index_cast %get3A_1454 : i32 to index
      %get3A_1456 = arith.constant 0 : index
      %get3A_1457 = tpu.vector_load %arg6[%get3A_1455, %get3A_1456] {strides = array<i32>} : memref<112x64xf32, #tpu.memory_space<vmem>>, vector<1x16xf32>,
      %get3A_1458 = vector.shape_cast %get3A_1457 : vector<1x16xf32> to vector<16xf32>
      %get3A_1459 = arith.constant 94 : i32
      %get3A_1460 = arith.index_cast %get3A_1459 : i32 to index
      %get3A_1461 = arith.constant 0 : index
      %get3A_1462 = tpu.vector_load %arg6[%get3A_1460, %get3A_1461] {strides = array<i32>} : memref<112x64xf32, #tpu.memory_space<vmem>>, vector<1x16xf32>,
      %get3A_1463 = vector.shape_cast %get3A_1462 : vector<1x16xf32> to vector<16xf32>
      %get3A_1464 = arith.constant 95 : i32
      %get3A_1465 = arith.index_cast %get3A_1464 : i32 to index
      %get3A_1466 = arith.constant 0 : index
      %get3A_1467 = tpu.vector_load %arg6[%get3A_1465, %get3A_1466] {strides = array<i32>} : memref<112x64xf32, #tpu.memory_space<vmem>>, vector<1x16xf32>,
      %get3A_1468 = vector.shape_cast %get3A_1467 : vector<1x16xf32> to vector<16xf32>
      %get3A_1469 = arith.constant 96 : i32
      %get3A_1470 = arith.index_cast %get3A_1469 : i32 to index
      %get3A_1471 = arith.constant 0 : index
      %get3A_1472 = tpu.vector_load %arg6[%get3A_1470, %get3A_1471] {strides = array<i32>} : memref<112x64xf32, #tpu.memory_space<vmem>>, vector<1x16xf32>,
      %get3A_1473 = vector.shape_cast %get3A_1472 : vector<1x16xf32> to vector<16xf32>
      %get3A_1474 = arith.constant 97 : i32
      %get3A_1475 = arith.index_cast %get3A_1474 : i32 to index
      %get3A_1476 = arith.constant 0 : index
      %get3A_1477 = tpu.vector_load %arg6[%get3A_1475, %get3A_1476] {strides = array<i32>} : memref<112x64xf32, #tpu.memory_space<vmem>>, vector<1x16xf32>,
      %get3A_1478 = vector.shape_cast %get3A_1477 : vector<1x16xf32> to vector<16xf32>
      %get3A_1479 = arith.constant 98 : i32
      %get3A_1480 = arith.index_cast %get3A_1479 : i32 to index
      %get3A_1481 = arith.constant 0 : index
      %get3A_1482 = tpu.vector_load %arg6[%get3A_1480, %get3A_1481] {strides = array<i32>} : memref<112x64xf32, #tpu.memory_space<vmem>>, vector<1x16xf32>,
      %get3A_1483 = vector.shape_cast %get3A_1482 : vector<1x16xf32> to vector<16xf32>
      %get3A_1484 = arith.constant 99 : i32
      %get3A_1485 = arith.index_cast %get3A_1484 : i32 to index
      %get3A_1486 = arith.constant 0 : index
      %get3A_1487 = tpu.vector_load %arg6[%get3A_1485, %get3A_1486] {strides = array<i32>} : memref<112x64xf32, #tpu.memory_space<vmem>>, vector<1x16xf32>,
      %get3A_1488 = vector.shape_cast %get3A_1487 : vector<1x16xf32> to vector<16xf32>
      %get3A_1489 = arith.constant 100 : i32
      %get3A_1490 = arith.index_cast %get3A_1489 : i32 to index
      %get3A_1491 = arith.constant 0 : index
      %get3A_1492 = tpu.vector_load %arg6[%get3A_1490, %get3A_1491] {strides = array<i32>} : memref<112x64xf32, #tpu.memory_space<vmem>>, vector<1x16xf32>,
      %get3A_1493 = vector.shape_cast %get3A_1492 : vector<1x16xf32> to vector<16xf32>
      %get3A_1494 = arith.constant 101 : i32
      %get3A_1495 = arith.index_cast %get3A_1494 : i32 to index
      %get3A_1496 = arith.constant 0 : index
      %get3A_1497 = tpu.vector_load %arg6[%get3A_1495, %get3A_1496] {strides = array<i32>} : memref<112x64xf32, #tpu.memory_space<vmem>>, vector<1x16xf32>,
      %get3A_1498 = vector.shape_cast %get3A_1497 : vector<1x16xf32> to vector<16xf32>
      %get3A_1499 = arith.constant 102 : i32
      %get3A_1500 = arith.index_cast %get3A_1499 : i32 to index
      %get3A_1501 = arith.constant 0 : index
      %get3A_1502 = tpu.vector_load %arg6[%get3A_1500, %get3A_1501] {strides = array<i32>} : memref<112x64xf32, #tpu.memory_space<vmem>>, vector<1x16xf32>,
      %get3A_1503 = vector.shape_cast %get3A_1502 : vector<1x16xf32> to vector<16xf32>
      %get3A_1504 = arith.constant 103 : i32
      %get3A_1505 = arith.index_cast %get3A_1504 : i32 to index
      %get3A_1506 = arith.constant 0 : index
      %get3A_1507 = tpu.vector_load %arg6[%get3A_1505, %get3A_1506] {strides = array<i32>} : memref<112x64xf32, #tpu.memory_space<vmem>>, vector<1x16xf32>,
      %get3A_1508 = vector.shape_cast %get3A_1507 : vector<1x16xf32> to vector<16xf32>
      %get3A_1509 = arith.constant 104 : i32
      %get3A_1510 = arith.index_cast %get3A_1509 : i32 to index
      %get3A_1511 = arith.constant 0 : index
      %get3A_1512 = tpu.vector_load %arg6[%get3A_1510, %get3A_1511] {strides = array<i32>} : memref<112x64xf32, #tpu.memory_space<vmem>>, vector<1x16xf32>,
      %get3A_1513 = vector.shape_cast %get3A_1512 : vector<1x16xf32> to vector<16xf32>
      %get3A_1514 = arith.constant 105 : i32
      %get3A_1515 = arith.index_cast %get3A_1514 : i32 to index
      %get3A_1516 = arith.constant 0 : index
      %get3A_1517 = tpu.vector_load %arg6[%get3A_1515, %get3A_1516] {strides = array<i32>} : memref<112x64xf32, #tpu.memory_space<vmem>>, vector<1x16xf32>,
      %get3A_1518 = vector.shape_cast %get3A_1517 : vector<1x16xf32> to vector<16xf32>
      %add3A_1519 = arith.addf %get3A_1273, %get3A_1278 : vector<16xf32>
      %add3A_1520 = arith.addf %get3A_1283, %get3A_1288 : vector<16xf32>
      %add3A_1521 = arith.addf %get3A_1293, %get3A_1298 : vector<16xf32>
      %add3A_1522 = arith.addf %get3A_1303, %get3A_1308 : vector<16xf32>
      %add3A_1523 = arith.addf %get3A_1313, %get3A_1318 : vector<16xf32>
      %add3A_1524 = arith.addf %get3A_1323, %get3A_1328 : vector<16xf32>
      %add3A_1525 = arith.addf %get3A_1333, %get3A_1338 : vector<16xf32>
      %add3A_1526 = arith.addf %get3A_1343, %get3A_1348 : vector<16xf32>
      %add3A_1527 = arith.addf %get3A_1353, %get3A_1358 : vector<16xf32>
      %add3A_1528 = arith.addf %get3A_1363, %get3A_1368 : vector<16xf32>
      %add3A_1529 = arith.addf %get3A_1373, %get3A_1378 : vector<16xf32>
      %add3A_1530 = arith.addf %get3A_1383, %get3A_1388 : vector<16xf32>
      %add3A_1531 = arith.addf %get3A_1393, %get3A_1398 : vector<16xf32>
      %add3A_1532 = arith.addf %get3A_1403, %get3A_1408 : vector<16xf32>
      %add3A_1533 = arith.addf %get3A_1413, %get3A_1418 : vector<16xf32>
      %add3A_1534 = arith.addf %get3A_1423, %get3A_1428 : vector<16xf32>
      %add3A_1535 = arith.addf %get3A_1433, %get3A_1438 : vector<16xf32>
      %add3A_1536 = arith.addf %get3A_1443, %get3A_1448 : vector<16xf32>
      %add3A_1537 = arith.addf %get3A_1453, %get3A_1458 : vector<16xf32>
      %add3A_1538 = arith.addf %get3A_1463, %get3A_1468 : vector<16xf32>
      %add3A_1539 = arith.addf %get3A_1473, %get3A_1478 : vector<16xf32>
      %add3A_1540 = arith.addf %get3A_1483, %get3A_1488 : vector<16xf32>
      %add3A_1541 = arith.addf %get3A_1493, %get3A_1498 : vector<16xf32>
      %add3A_1542 = arith.addf %get3A_1503, %get3A_1508 : vector<16xf32>
      %add3A_1543 = arith.addf %get3A_1513, %get3A_1518 : vector<16xf32>
      %add3A_1544 = arith.addf %add3A_1519, %add3A_1520 : vector<16xf32>
      %add3A_1545 = arith.addf %add3A_1521, %add3A_1522 : vector<16xf32>
      %add3A_1546 = arith.addf %add3A_1523, %add3A_1524 : vector<16xf32>
      %add3A_1547 = arith.addf %add3A_1525, %add3A_1526 : vector<16xf32>
      %add3A_1548 = arith.addf %add3A_1527, %add3A_1528 : vector<16xf32>
      %add3A_1549 = arith.addf %add3A_1529, %add3A_1530 : vector<16xf32>
      %add3A_1550 = arith.addf %add3A_1531, %add3A_1532 : vector<16xf32>
      %add3A_1551 = arith.addf %add3A_1533, %add3A_1534 : vector<16xf32>
      %add3A_1552 = arith.addf %add3A_1535, %add3A_1536 : vector<16xf32>
      %add3A_1553 = arith.addf %add3A_1537, %add3A_1538 : vector<16xf32>
      %add3A_1554 = arith.addf %add3A_1539, %add3A_1540 : vector<16xf32>
      %add3A_1555 = arith.addf %add3A_1541, %add3A_1542 : vector<16xf32>
      %add3A_1556 = arith.addf %add3A_1544, %add3A_1545 : vector<16xf32>
      %add3A_1557 = arith.addf %add3A_1546, %add3A_1547 : vector<16xf32>
      %add3A_1558 = arith.addf %add3A_1548, %add3A_1549 : vector<16xf32>
      %add3A_1559 = arith.addf %add3A_1550, %add3A_1551 : vector<16xf32>
      %add3A_1560 = arith.addf %add3A_1552, %add3A_1553 : vector<16xf32>
      %add3A_1561 = arith.addf %add3A_1554, %add3A_1555 : vector<16xf32>
      %add3A_1562 = arith.addf %add3A_1556, %add3A_1557 : vector<16xf32>
      %add3A_1563 = arith.addf %add3A_1558, %add3A_1559 : vector<16xf32>
      %add3A_1564 = arith.addf %add3A_1560, %add3A_1561 : vector<16xf32>
      %add3A_1565 = arith.addf %add3A_1562, %add3A_1563 : vector<16xf32>
      %add3A_1566 = arith.addf %add3A_1564, %add3A_1543 : vector<16xf32>
      %add3A_1567 = arith.addf %add3A_1565, %add3A_1566 : vector<16xf32>
      %add3A_1568 = arith.constant 1 : i32
      %add3A_1569 = arith.addi %mul3A_34, %add3A_1568 : i32
      %mul3A_1570 = arith.constant 64 : i32
      %mul3A_1571 = arith.muli %add3A_1569, %mul3A_1570 : i32
      %add3A_1572 = arith.constant 0 : i32
      %add3A_1573 = arith.addi %mul3A_1571, %add3A_1572 : i32
      %swap3A_1574 = arith.index_cast %add3A_1573 : i32 to index
      %swap3A_1575 = tpu.vector_load %arg8[%swap3A_1574] {strides = array<i32>} : memref<8192xf32, #tpu.memory_space<vmem>>, vector<16xf32>,
      %swap3A_1576 = vector.shape_cast %swap3A_1575 : vector<16xf32> to vector<16xf32>
      %swap3A_1577 = vector.shape_cast %add3A_1567 : vector<16xf32> to vector<16xf32>
      tpu.vector_store %arg8[%swap3A_1574], %swap3A_1577 {strides = array<i32>} : memref<8192xf32, #tpu.memory_space<vmem>>, vector<16xf32>,
      %get3A_1578 = arith.constant 56 : i32
      %get3A_1579 = arith.index_cast %get3A_1578 : i32 to index
      %get3A_1580 = arith.constant 16 : index
      %get3A_1581 = tpu.vector_load %arg6[%get3A_1579, %get3A_1580] {strides = array<i32>} : memref<112x64xf32, #tpu.memory_space<vmem>>, vector<1x16xf32>,
      %get3A_1582 = vector.shape_cast %get3A_1581 : vector<1x16xf32> to vector<16xf32>
      %get3A_1583 = arith.constant 57 : i32
      %get3A_1584 = arith.index_cast %get3A_1583 : i32 to index
      %get3A_1585 = arith.constant 16 : index
      %get3A_1586 = tpu.vector_load %arg6[%get3A_1584, %get3A_1585] {strides = array<i32>} : memref<112x64xf32, #tpu.memory_space<vmem>>, vector<1x16xf32>,
      %get3A_1587 = vector.shape_cast %get3A_1586 : vector<1x16xf32> to vector<16xf32>
      %get3A_1588 = arith.constant 58 : i32
      %get3A_1589 = arith.index_cast %get3A_1588 : i32 to index
      %get3A_1590 = arith.constant 16 : index
      %get3A_1591 = tpu.vector_load %arg6[%get3A_1589, %get3A_1590] {strides = array<i32>} : memref<112x64xf32, #tpu.memory_space<vmem>>, vector<1x16xf32>,
      %get3A_1592 = vector.shape_cast %get3A_1591 : vector<1x16xf32> to vector<16xf32>
      %get3A_1593 = arith.constant 59 : i32
      %get3A_1594 = arith.index_cast %get3A_1593 : i32 to index
      %get3A_1595 = arith.constant 16 : index
      %get3A_1596 = tpu.vector_load %arg6[%get3A_1594, %get3A_1595] {strides = array<i32>} : memref<112x64xf32, #tpu.memory_space<vmem>>, vector<1x16xf32>,
      %get3A_1597 = vector.shape_cast %get3A_1596 : vector<1x16xf32> to vector<16xf32>
      %get3A_1598 = arith.constant 60 : i32
      %get3A_1599 = arith.index_cast %get3A_1598 : i32 to index
      %get3A_1600 = arith.constant 16 : index
      %get3A_1601 = tpu.vector_load %arg6[%get3A_1599, %get3A_1600] {strides = array<i32>} : memref<112x64xf32, #tpu.memory_space<vmem>>, vector<1x16xf32>,
      %get3A_1602 = vector.shape_cast %get3A_1601 : vector<1x16xf32> to vector<16xf32>
      %get3A_1603 = arith.constant 61 : i32
      %get3A_1604 = arith.index_cast %get3A_1603 : i32 to index
      %get3A_1605 = arith.constant 16 : index
      %get3A_1606 = tpu.vector_load %arg6[%get3A_1604, %get3A_1605] {strides = array<i32>} : memref<112x64xf32, #tpu.memory_space<vmem>>, vector<1x16xf32>,
      %get3A_1607 = vector.shape_cast %get3A_1606 : vector<1x16xf32> to vector<16xf32>
      %get3A_1608 = arith.constant 62 : i32
      %get3A_1609 = arith.index_cast %get3A_1608 : i32 to index
      %get3A_1610 = arith.constant 16 : index
      %get3A_1611 = tpu.vector_load %arg6[%get3A_1609, %get3A_1610] {strides = array<i32>} : memref<112x64xf32, #tpu.memory_space<vmem>>, vector<1x16xf32>,
      %get3A_1612 = vector.shape_cast %get3A_1611 : vector<1x16xf32> to vector<16xf32>
      %get3A_1613 = arith.constant 63 : i32
      %get3A_1614 = arith.index_cast %get3A_1613 : i32 to index
      %get3A_1615 = arith.constant 16 : index
      %get3A_1616 = tpu.vector_load %arg6[%get3A_1614, %get3A_1615] {strides = array<i32>} : memref<112x64xf32, #tpu.memory_space<vmem>>, vector<1x16xf32>,
      %get3A_1617 = vector.shape_cast %get3A_1616 : vector<1x16xf32> to vector<16xf32>
      %get3A_1618 = arith.constant 64 : i32
      %get3A_1619 = arith.index_cast %get3A_1618 : i32 to index
      %get3A_1620 = arith.constant 16 : index
      %get3A_1621 = tpu.vector_load %arg6[%get3A_1619, %get3A_1620] {strides = array<i32>} : memref<112x64xf32, #tpu.memory_space<vmem>>, vector<1x16xf32>,
      %get3A_1622 = vector.shape_cast %get3A_1621 : vector<1x16xf32> to vector<16xf32>
      %get3A_1623 = arith.constant 65 : i32
      %get3A_1624 = arith.index_cast %get3A_1623 : i32 to index
      %get3A_1625 = arith.constant 16 : index
      %get3A_1626 = tpu.vector_load %arg6[%get3A_1624, %get3A_1625] {strides = array<i32>} : memref<112x64xf32, #tpu.memory_space<vmem>>, vector<1x16xf32>,
      %get3A_1627 = vector.shape_cast %get3A_1626 : vector<1x16xf32> to vector<16xf32>
      %get3A_1628 = arith.constant 66 : i32
      %get3A_1629 = arith.index_cast %get3A_1628 : i32 to index
      %get3A_1630 = arith.constant 16 : index
      %get3A_1631 = tpu.vector_load %arg6[%get3A_1629, %get3A_1630] {strides = array<i32>} : memref<112x64xf32, #tpu.memory_space<vmem>>, vector<1x16xf32>,
      %get3A_1632 = vector.shape_cast %get3A_1631 : vector<1x16xf32> to vector<16xf32>
      %get3A_1633 = arith.constant 67 : i32
      %get3A_1634 = arith.index_cast %get3A_1633 : i32 to index
      %get3A_1635 = arith.constant 16 : index
      %get3A_1636 = tpu.vector_load %arg6[%get3A_1634, %get3A_1635] {strides = array<i32>} : memref<112x64xf32, #tpu.memory_space<vmem>>, vector<1x16xf32>,
      %get3A_1637 = vector.shape_cast %get3A_1636 : vector<1x16xf32> to vector<16xf32>
      %get3A_1638 = arith.constant 68 : i32
      %get3A_1639 = arith.index_cast %get3A_1638 : i32 to index
      %get3A_1640 = arith.constant 16 : index
      %get3A_1641 = tpu.vector_load %arg6[%get3A_1639, %get3A_1640] {strides = array<i32>} : memref<112x64xf32, #tpu.memory_space<vmem>>, vector<1x16xf32>,
      %get3A_1642 = vector.shape_cast %get3A_1641 : vector<1x16xf32> to vector<16xf32>
      %get3A_1643 = arith.constant 69 : i32
      %get3A_1644 = arith.index_cast %get3A_1643 : i32 to index
      %get3A_1645 = arith.constant 16 : index
      %get3A_1646 = tpu.vector_load %arg6[%get3A_1644, %get3A_1645] {strides = array<i32>} : memref<112x64xf32, #tpu.memory_space<vmem>>, vector<1x16xf32>,
      %get3A_1647 = vector.shape_cast %get3A_1646 : vector<1x16xf32> to vector<16xf32>
      %get3A_1648 = arith.constant 70 : i32
      %get3A_1649 = arith.index_cast %get3A_1648 : i32 to index
      %get3A_1650 = arith.constant 16 : index
      %get3A_1651 = tpu.vector_load %arg6[%get3A_1649, %get3A_1650] {strides = array<i32>} : memref<112x64xf32, #tpu.memory_space<vmem>>, vector<1x16xf32>,
      %get3A_1652 = vector.shape_cast %get3A_1651 : vector<1x16xf32> to vector<16xf32>
      %get3A_1653 = arith.constant 71 : i32
      %get3A_1654 = arith.index_cast %get3A_1653 : i32 to index
      %get3A_1655 = arith.constant 16 : index
      %get3A_1656 = tpu.vector_load %arg6[%get3A_1654, %get3A_1655] {strides = array<i32>} : memref<112x64xf32, #tpu.memory_space<vmem>>, vector<1x16xf32>,
      %get3A_1657 = vector.shape_cast %get3A_1656 : vector<1x16xf32> to vector<16xf32>
      %get3A_1658 = arith.constant 72 : i32
      %get3A_1659 = arith.index_cast %get3A_1658 : i32 to index
      %get3A_1660 = arith.constant 16 : index
      %get3A_1661 = tpu.vector_load %arg6[%get3A_1659, %get3A_1660] {strides = array<i32>} : memref<112x64xf32, #tpu.memory_space<vmem>>, vector<1x16xf32>,
      %get3A_1662 = vector.shape_cast %get3A_1661 : vector<1x16xf32> to vector<16xf32>
      %get3A_1663 = arith.constant 73 : i32
      %get3A_1664 = arith.index_cast %get3A_1663 : i32 to index
      %get3A_1665 = arith.constant 16 : index
      %get3A_1666 = tpu.vector_load %arg6[%get3A_1664, %get3A_1665] {strides = array<i32>} : memref<112x64xf32, #tpu.memory_space<vmem>>, vector<1x16xf32>,
      %get3A_1667 = vector.shape_cast %get3A_1666 : vector<1x16xf32> to vector<16xf32>
      %get3A_1668 = arith.constant 74 : i32
      %get3A_1669 = arith.index_cast %get3A_1668 : i32 to index
      %get3A_1670 = arith.constant 16 : index
      %get3A_1671 = tpu.vector_load %arg6[%get3A_1669, %get3A_1670] {strides = array<i32>} : memref<112x64xf32, #tpu.memory_space<vmem>>, vector<1x16xf32>,
      %get3A_1672 = vector.shape_cast %get3A_1671 : vector<1x16xf32> to vector<16xf32>
      %get3A_1673 = arith.constant 75 : i32
      %get3A_1674 = arith.index_cast %get3A_1673 : i32 to index
      %get3A_1675 = arith.constant 16 : index
      %get3A_1676 = tpu.vector_load %arg6[%get3A_1674, %get3A_1675] {strides = array<i32>} : memref<112x64xf32, #tpu.memory_space<vmem>>, vector<1x16xf32>,
      %get3A_1677 = vector.shape_cast %get3A_1676 : vector<1x16xf32> to vector<16xf32>
      %get3A_1678 = arith.constant 76 : i32
      %get3A_1679 = arith.index_cast %get3A_1678 : i32 to index
      %get3A_1680 = arith.constant 16 : index
      %get3A_1681 = tpu.vector_load %arg6[%get3A_1679, %get3A_1680] {strides = array<i32>} : memref<112x64xf32, #tpu.memory_space<vmem>>, vector<1x16xf32>,
      %get3A_1682 = vector.shape_cast %get3A_1681 : vector<1x16xf32> to vector<16xf32>
      %get3A_1683 = arith.constant 77 : i32
      %get3A_1684 = arith.index_cast %get3A_1683 : i32 to index
      %get3A_1685 = arith.constant 16 : index
      %get3A_1686 = tpu.vector_load %arg6[%get3A_1684, %get3A_1685] {strides = array<i32>} : memref<112x64xf32, #tpu.memory_space<vmem>>, vector<1x16xf32>,
      %get3A_1687 = vector.shape_cast %get3A_1686 : vector<1x16xf32> to vector<16xf32>
      %get3A_1688 = arith.constant 78 : i32
      %get3A_1689 = arith.index_cast %get3A_1688 : i32 to index
      %get3A_1690 = arith.constant 16 : index
      %get3A_1691 = tpu.vector_load %arg6[%get3A_1689, %get3A_1690] {strides = array<i32>} : memref<112x64xf32, #tpu.memory_space<vmem>>, vector<1x16xf32>,
      %get3A_1692 = vector.shape_cast %get3A_1691 : vector<1x16xf32> to vector<16xf32>
      %get3A_1693 = arith.constant 79 : i32
      %get3A_1694 = arith.index_cast %get3A_1693 : i32 to index
      %get3A_1695 = arith.constant 16 : index
      %get3A_1696 = tpu.vector_load %arg6[%get3A_1694, %get3A_1695] {strides = array<i32>} : memref<112x64xf32, #tpu.memory_space<vmem>>, vector<1x16xf32>,
      %get3A_1697 = vector.shape_cast %get3A_1696 : vector<1x16xf32> to vector<16xf32>
      %get3A_1698 = arith.constant 80 : i32
      %get3A_1699 = arith.index_cast %get3A_1698 : i32 to index
      %get3A_1700 = arith.constant 16 : index
      %get3A_1701 = tpu.vector_load %arg6[%get3A_1699, %get3A_1700] {strides = array<i32>} : memref<112x64xf32, #tpu.memory_space<vmem>>, vector<1x16xf32>,
      %get3A_1702 = vector.shape_cast %get3A_1701 : vector<1x16xf32> to vector<16xf32>
      %get3A_1703 = arith.constant 81 : i32
      %get3A_1704 = arith.index_cast %get3A_1703 : i32 to index
      %get3A_1705 = arith.constant 16 : index
      %get3A_1706 = tpu.vector_load %arg6[%get3A_1704, %get3A_1705] {strides = array<i32>} : memref<112x64xf32, #tpu.memory_space<vmem>>, vector<1x16xf32>,
      %get3A_1707 = vector.shape_cast %get3A_1706 : vector<1x16xf32> to vector<16xf32>
      %get3A_1708 = arith.constant 82 : i32
      %get3A_1709 = arith.index_cast %get3A_1708 : i32 to index
      %get3A_1710 = arith.constant 16 : index
      %get3A_1711 = tpu.vector_load %arg6[%get3A_1709, %get3A_1710] {strides = array<i32>} : memref<112x64xf32, #tpu.memory_space<vmem>>, vector<1x16xf32>,
      %get3A_1712 = vector.shape_cast %get3A_1711 : vector<1x16xf32> to vector<16xf32>
      %get3A_1713 = arith.constant 83 : i32
      %get3A_1714 = arith.index_cast %get3A_1713 : i32 to index
      %get3A_1715 = arith.constant 16 : index
      %get3A_1716 = tpu.vector_load %arg6[%get3A_1714, %get3A_1715] {strides = array<i32>} : memref<112x64xf32, #tpu.memory_space<vmem>>, vector<1x16xf32>,
      %get3A_1717 = vector.shape_cast %get3A_1716 : vector<1x16xf32> to vector<16xf32>
      %get3A_1718 = arith.constant 84 : i32
      %get3A_1719 = arith.index_cast %get3A_1718 : i32 to index
      %get3A_1720 = arith.constant 16 : index
      %get3A_1721 = tpu.vector_load %arg6[%get3A_1719, %get3A_1720] {strides = array<i32>} : memref<112x64xf32, #tpu.memory_space<vmem>>, vector<1x16xf32>,
      %get3A_1722 = vector.shape_cast %get3A_1721 : vector<1x16xf32> to vector<16xf32>
      %get3A_1723 = arith.constant 85 : i32
      %get3A_1724 = arith.index_cast %get3A_1723 : i32 to index
      %get3A_1725 = arith.constant 16 : index
      %get3A_1726 = tpu.vector_load %arg6[%get3A_1724, %get3A_1725] {strides = array<i32>} : memref<112x64xf32, #tpu.memory_space<vmem>>, vector<1x16xf32>,
      %get3A_1727 = vector.shape_cast %get3A_1726 : vector<1x16xf32> to vector<16xf32>
      %get3A_1728 = arith.constant 86 : i32
      %get3A_1729 = arith.index_cast %get3A_1728 : i32 to index
      %get3A_1730 = arith.constant 16 : index
      %get3A_1731 = tpu.vector_load %arg6[%get3A_1729, %get3A_1730] {strides = array<i32>} : memref<112x64xf32, #tpu.memory_space<vmem>>, vector<1x16xf32>,
      %get3A_1732 = vector.shape_cast %get3A_1731 : vector<1x16xf32> to vector<16xf32>
      %get3A_1733 = arith.constant 87 : i32
      %get3A_1734 = arith.index_cast %get3A_1733 : i32 to index
      %get3A_1735 = arith.constant 16 : index
      %get3A_1736 = tpu.vector_load %arg6[%get3A_1734, %get3A_1735] {strides = array<i32>} : memref<112x64xf32, #tpu.memory_space<vmem>>, vector<1x16xf32>,
      %get3A_1737 = vector.shape_cast %get3A_1736 : vector<1x16xf32> to vector<16xf32>
      %get3A_1738 = arith.constant 88 : i32
      %get3A_1739 = arith.index_cast %get3A_1738 : i32 to index
      %get3A_1740 = arith.constant 16 : index
      %get3A_1741 = tpu.vector_load %arg6[%get3A_1739, %get3A_1740] {strides = array<i32>} : memref<112x64xf32, #tpu.memory_space<vmem>>, vector<1x16xf32>,
      %get3A_1742 = vector.shape_cast %get3A_1741 : vector<1x16xf32> to vector<16xf32>
      %get3A_1743 = arith.constant 89 : i32
      %get3A_1744 = arith.index_cast %get3A_1743 : i32 to index
      %get3A_1745 = arith.constant 16 : index
      %get3A_1746 = tpu.vector_load %arg6[%get3A_1744, %get3A_1745] {strides = array<i32>} : memref<112x64xf32, #tpu.memory_space<vmem>>, vector<1x16xf32>,
      %get3A_1747 = vector.shape_cast %get3A_1746 : vector<1x16xf32> to vector<16xf32>
      %get3A_1748 = arith.constant 90 : i32
      %get3A_1749 = arith.index_cast %get3A_1748 : i32 to index
      %get3A_1750 = arith.constant 16 : index
      %get3A_1751 = tpu.vector_load %arg6[%get3A_1749, %get3A_1750] {strides = array<i32>} : memref<112x64xf32, #tpu.memory_space<vmem>>, vector<1x16xf32>,
      %get3A_1752 = vector.shape_cast %get3A_1751 : vector<1x16xf32> to vector<16xf32>
      %get3A_1753 = arith.constant 91 : i32
      %get3A_1754 = arith.index_cast %get3A_1753 : i32 to index
      %get3A_1755 = arith.constant 16 : index
      %get3A_1756 = tpu.vector_load %arg6[%get3A_1754, %get3A_1755] {strides = array<i32>} : memref<112x64xf32, #tpu.memory_space<vmem>>, vector<1x16xf32>,
      %get3A_1757 = vector.shape_cast %get3A_1756 : vector<1x16xf32> to vector<16xf32>
      %get3A_1758 = arith.constant 92 : i32
      %get3A_1759 = arith.index_cast %get3A_1758 : i32 to index
      %get3A_1760 = arith.constant 16 : index
      %get3A_1761 = tpu.vector_load %arg6[%get3A_1759, %get3A_1760] {strides = array<i32>} : memref<112x64xf32, #tpu.memory_space<vmem>>, vector<1x16xf32>,
      %get3A_1762 = vector.shape_cast %get3A_1761 : vector<1x16xf32> to vector<16xf32>
      %get3A_1763 = arith.constant 93 : i32
      %get3A_1764 = arith.index_cast %get3A_1763 : i32 to index
      %get3A_1765 = arith.constant 16 : index
      %get3A_1766 = tpu.vector_load %arg6[%get3A_1764, %get3A_1765] {strides = array<i32>} : memref<112x64xf32, #tpu.memory_space<vmem>>, vector<1x16xf32>,
      %get3A_1767 = vector.shape_cast %get3A_1766 : vector<1x16xf32> to vector<16xf32>
      %get3A_1768 = arith.constant 94 : i32
      %get3A_1769 = arith.index_cast %get3A_1768 : i32 to index
      %get3A_1770 = arith.constant 16 : index
      %get3A_1771 = tpu.vector_load %arg6[%get3A_1769, %get3A_1770] {strides = array<i32>} : memref<112x64xf32, #tpu.memory_space<vmem>>, vector<1x16xf32>,
      %get3A_1772 = vector.shape_cast %get3A_1771 : vector<1x16xf32> to vector<16xf32>
      %get3A_1773 = arith.constant 95 : i32
      %get3A_1774 = arith.index_cast %get3A_1773 : i32 to index
      %get3A_1775 = arith.constant 16 : index
      %get3A_1776 = tpu.vector_load %arg6[%get3A_1774, %get3A_1775] {strides = array<i32>} : memref<112x64xf32, #tpu.memory_space<vmem>>, vector<1x16xf32>,
      %get3A_1777 = vector.shape_cast %get3A_1776 : vector<1x16xf32> to vector<16xf32>
      %get3A_1778 = arith.constant 96 : i32
      %get3A_1779 = arith.index_cast %get3A_1778 : i32 to index
      %get3A_1780 = arith.constant 16 : index
      %get3A_1781 = tpu.vector_load %arg6[%get3A_1779, %get3A_1780] {strides = array<i32>} : memref<112x64xf32, #tpu.memory_space<vmem>>, vector<1x16xf32>,
      %get3A_1782 = vector.shape_cast %get3A_1781 : vector<1x16xf32> to vector<16xf32>
      %get3A_1783 = arith.constant 97 : i32
      %get3A_1784 = arith.index_cast %get3A_1783 : i32 to index
      %get3A_1785 = arith.constant 16 : index
      %get3A_1786 = tpu.vector_load %arg6[%get3A_1784, %get3A_1785] {strides = array<i32>} : memref<112x64xf32, #tpu.memory_space<vmem>>, vector<1x16xf32>,
      %get3A_1787 = vector.shape_cast %get3A_1786 : vector<1x16xf32> to vector<16xf32>
      %get3A_1788 = arith.constant 98 : i32
      %get3A_1789 = arith.index_cast %get3A_1788 : i32 to index
      %get3A_1790 = arith.constant 16 : index
      %get3A_1791 = tpu.vector_load %arg6[%get3A_1789, %get3A_1790] {strides = array<i32>} : memref<112x64xf32, #tpu.memory_space<vmem>>, vector<1x16xf32>,
      %get3A_1792 = vector.shape_cast %get3A_1791 : vector<1x16xf32> to vector<16xf32>
      %get3A_1793 = arith.constant 99 : i32
      %get3A_1794 = arith.index_cast %get3A_1793 : i32 to index
      %get3A_1795 = arith.constant 16 : index
      %get3A_1796 = tpu.vector_load %arg6[%get3A_1794, %get3A_1795] {strides = array<i32>} : memref<112x64xf32, #tpu.memory_space<vmem>>, vector<1x16xf32>,
      %get3A_1797 = vector.shape_cast %get3A_1796 : vector<1x16xf32> to vector<16xf32>
      %get3A_1798 = arith.constant 100 : i32
      %get3A_1799 = arith.index_cast %get3A_1798 : i32 to index
      %get3A_1800 = arith.constant 16 : index
      %get3A_1801 = tpu.vector_load %arg6[%get3A_1799, %get3A_1800] {strides = array<i32>} : memref<112x64xf32, #tpu.memory_space<vmem>>, vector<1x16xf32>,
      %get3A_1802 = vector.shape_cast %get3A_1801 : vector<1x16xf32> to vector<16xf32>
      %get3A_1803 = arith.constant 101 : i32
      %get3A_1804 = arith.index_cast %get3A_1803 : i32 to index
      %get3A_1805 = arith.constant 16 : index
      %get3A_1806 = tpu.vector_load %arg6[%get3A_1804, %get3A_1805] {strides = array<i32>} : memref<112x64xf32, #tpu.memory_space<vmem>>, vector<1x16xf32>,
      %get3A_1807 = vector.shape_cast %get3A_1806 : vector<1x16xf32> to vector<16xf32>
      %get3A_1808 = arith.constant 102 : i32
      %get3A_1809 = arith.index_cast %get3A_1808 : i32 to index
      %get3A_1810 = arith.constant 16 : index
      %get3A_1811 = tpu.vector_load %arg6[%get3A_1809, %get3A_1810] {strides = array<i32>} : memref<112x64xf32, #tpu.memory_space<vmem>>, vector<1x16xf32>,
      %get3A_1812 = vector.shape_cast %get3A_1811 : vector<1x16xf32> to vector<16xf32>
      %get3A_1813 = arith.constant 103 : i32
      %get3A_1814 = arith.index_cast %get3A_1813 : i32 to index
      %get3A_1815 = arith.constant 16 : index
      %get3A_1816 = tpu.vector_load %arg6[%get3A_1814, %get3A_1815] {strides = array<i32>} : memref<112x64xf32, #tpu.memory_space<vmem>>, vector<1x16xf32>,
      %get3A_1817 = vector.shape_cast %get3A_1816 : vector<1x16xf32> to vector<16xf32>
      %get3A_1818 = arith.constant 104 : i32
      %get3A_1819 = arith.index_cast %get3A_1818 : i32 to index
      %get3A_1820 = arith.constant 16 : index
      %get3A_1821 = tpu.vector_load %arg6[%get3A_1819, %get3A_1820] {strides = array<i32>} : memref<112x64xf32, #tpu.memory_space<vmem>>, vector<1x16xf32>,
      %get3A_1822 = vector.shape_cast %get3A_1821 : vector<1x16xf32> to vector<16xf32>
      %get3A_1823 = arith.constant 105 : i32
      %get3A_1824 = arith.index_cast %get3A_1823 : i32 to index
      %get3A_1825 = arith.constant 16 : index
      %get3A_1826 = tpu.vector_load %arg6[%get3A_1824, %get3A_1825] {strides = array<i32>} : memref<112x64xf32, #tpu.memory_space<vmem>>, vector<1x16xf32>,
      %get3A_1827 = vector.shape_cast %get3A_1826 : vector<1x16xf32> to vector<16xf32>
      %add3A_1828 = arith.addf %get3A_1582, %get3A_1587 : vector<16xf32>
      %add3A_1829 = arith.addf %get3A_1592, %get3A_1597 : vector<16xf32>
      %add3A_1830 = arith.addf %get3A_1602, %get3A_1607 : vector<16xf32>
      %add3A_1831 = arith.addf %get3A_1612, %get3A_1617 : vector<16xf32>
      %add3A_1832 = arith.addf %get3A_1622, %get3A_1627 : vector<16xf32>
      %add3A_1833 = arith.addf %get3A_1632, %get3A_1637 : vector<16xf32>
      %add3A_1834 = arith.addf %get3A_1642, %get3A_1647 : vector<16xf32>
      %add3A_1835 = arith.addf %get3A_1652, %get3A_1657 : vector<16xf32>
      %add3A_1836 = arith.addf %get3A_1662, %get3A_1667 : vector<16xf32>
      %add3A_1837 = arith.addf %get3A_1672, %get3A_1677 : vector<16xf32>
      %add3A_1838 = arith.addf %get3A_1682, %get3A_1687 : vector<16xf32>
      %add3A_1839 = arith.addf %get3A_1692, %get3A_1697 : vector<16xf32>
      %add3A_1840 = arith.addf %get3A_1702, %get3A_1707 : vector<16xf32>
      %add3A_1841 = arith.addf %get3A_1712, %get3A_1717 : vector<16xf32>
      %add3A_1842 = arith.addf %get3A_1722, %get3A_1727 : vector<16xf32>
      %add3A_1843 = arith.addf %get3A_1732, %get3A_1737 : vector<16xf32>
      %add3A_1844 = arith.addf %get3A_1742, %get3A_1747 : vector<16xf32>
      %add3A_1845 = arith.addf %get3A_1752, %get3A_1757 : vector<16xf32>
      %add3A_1846 = arith.addf %get3A_1762, %get3A_1767 : vector<16xf32>
      %add3A_1847 = arith.addf %get3A_1772, %get3A_1777 : vector<16xf32>
      %add3A_1848 = arith.addf %get3A_1782, %get3A_1787 : vector<16xf32>
      %add3A_1849 = arith.addf %get3A_1792, %get3A_1797 : vector<16xf32>
      %add3A_1850 = arith.addf %get3A_1802, %get3A_1807 : vector<16xf32>
      %add3A_1851 = arith.addf %get3A_1812, %get3A_1817 : vector<16xf32>
      %add3A_1852 = arith.addf %get3A_1822, %get3A_1827 : vector<16xf32>
      %add3A_1853 = arith.addf %add3A_1828, %add3A_1829 : vector<16xf32>
      %add3A_1854 = arith.addf %add3A_1830, %add3A_1831 : vector<16xf32>
      %add3A_1855 = arith.addf %add3A_1832, %add3A_1833 : vector<16xf32>
      %add3A_1856 = arith.addf %add3A_1834, %add3A_1835 : vector<16xf32>
      %add3A_1857 = arith.addf %add3A_1836, %add3A_1837 : vector<16xf32>
      %add3A_1858 = arith.addf %add3A_1838, %add3A_1839 : vector<16xf32>
      %add3A_1859 = arith.addf %add3A_1840, %add3A_1841 : vector<16xf32>
      %add3A_1860 = arith.addf %add3A_1842, %add3A_1843 : vector<16xf32>
      %add3A_1861 = arith.addf %add3A_1844, %add3A_1845 : vector<16xf32>
      %add3A_1862 = arith.addf %add3A_1846, %add3A_1847 : vector<16xf32>
      %add3A_1863 = arith.addf %add3A_1848, %add3A_1849 : vector<16xf32>
      %add3A_1864 = arith.addf %add3A_1850, %add3A_1851 : vector<16xf32>
      %add3A_1865 = arith.addf %add3A_1853, %add3A_1854 : vector<16xf32>
      %add3A_1866 = arith.addf %add3A_1855, %add3A_1856 : vector<16xf32>
      %add3A_1867 = arith.addf %add3A_1857, %add3A_1858 : vector<16xf32>
      %add3A_1868 = arith.addf %add3A_1859, %add3A_1860 : vector<16xf32>
      %add3A_1869 = arith.addf %add3A_1861, %add3A_1862 : vector<16xf32>
      %add3A_1870 = arith.addf %add3A_1863, %add3A_1864 : vector<16xf32>
      %add3A_1871 = arith.addf %add3A_1865, %add3A_1866 : vector<16xf32>
      %add3A_1872 = arith.addf %add3A_1867, %add3A_1868 : vector<16xf32>
      %add3A_1873 = arith.addf %add3A_1869, %add3A_1870 : vector<16xf32>
      %add3A_1874 = arith.addf %add3A_1871, %add3A_1872 : vector<16xf32>
      %add3A_1875 = arith.addf %add3A_1873, %add3A_1852 : vector<16xf32>
      %add3A_1876 = arith.addf %add3A_1874, %add3A_1875 : vector<16xf32>
      %add3A_1877 = arith.constant 1 : i32
      %add3A_1878 = arith.addi %mul3A_34, %add3A_1877 : i32
      %mul3A_1879 = arith.constant 64 : i32
      %mul3A_1880 = arith.muli %add3A_1878, %mul3A_1879 : i32
      %add3A_1881 = arith.constant 16 : i32
      %add3A_1882 = arith.addi %mul3A_1880, %add3A_1881 : i32
      %swap3A_1883 = arith.index_cast %add3A_1882 : i32 to index
      %swap3A_1884 = tpu.vector_load %arg8[%swap3A_1883] {strides = array<i32>} : memref<8192xf32, #tpu.memory_space<vmem>>, vector<16xf32>,
      %swap3A_1885 = vector.shape_cast %swap3A_1884 : vector<16xf32> to vector<16xf32>
      %swap3A_1886 = vector.shape_cast %add3A_1876 : vector<16xf32> to vector<16xf32>
      tpu.vector_store %arg8[%swap3A_1883], %swap3A_1886 {strides = array<i32>} : memref<8192xf32, #tpu.memory_space<vmem>>, vector<16xf32>,
      %get3A_1887 = arith.constant 56 : i32
      %get3A_1888 = arith.index_cast %get3A_1887 : i32 to index
      %get3A_1889 = arith.constant 32 : index
      %get3A_1890 = tpu.vector_load %arg6[%get3A_1888, %get3A_1889] {strides = array<i32>} : memref<112x64xf32, #tpu.memory_space<vmem>>, vector<1x16xf32>,
      %get3A_1891 = vector.shape_cast %get3A_1890 : vector<1x16xf32> to vector<16xf32>
      %get3A_1892 = arith.constant 57 : i32
      %get3A_1893 = arith.index_cast %get3A_1892 : i32 to index
      %get3A_1894 = arith.constant 32 : index
      %get3A_1895 = tpu.vector_load %arg6[%get3A_1893, %get3A_1894] {strides = array<i32>} : memref<112x64xf32, #tpu.memory_space<vmem>>, vector<1x16xf32>,
      %get3A_1896 = vector.shape_cast %get3A_1895 : vector<1x16xf32> to vector<16xf32>
      %get3A_1897 = arith.constant 58 : i32
      %get3A_1898 = arith.index_cast %get3A_1897 : i32 to index
      %get3A_1899 = arith.constant 32 : index
      %get3A_1900 = tpu.vector_load %arg6[%get3A_1898, %get3A_1899] {strides = array<i32>} : memref<112x64xf32, #tpu.memory_space<vmem>>, vector<1x16xf32>,
      %get3A_1901 = vector.shape_cast %get3A_1900 : vector<1x16xf32> to vector<16xf32>
      %get3A_1902 = arith.constant 59 : i32
      %get3A_1903 = arith.index_cast %get3A_1902 : i32 to index
      %get3A_1904 = arith.constant 32 : index
      %get3A_1905 = tpu.vector_load %arg6[%get3A_1903, %get3A_1904] {strides = array<i32>} : memref<112x64xf32, #tpu.memory_space<vmem>>, vector<1x16xf32>,
      %get3A_1906 = vector.shape_cast %get3A_1905 : vector<1x16xf32> to vector<16xf32>
      %get3A_1907 = arith.constant 60 : i32
      %get3A_1908 = arith.index_cast %get3A_1907 : i32 to index
      %get3A_1909 = arith.constant 32 : index
      %get3A_1910 = tpu.vector_load %arg6[%get3A_1908, %get3A_1909] {strides = array<i32>} : memref<112x64xf32, #tpu.memory_space<vmem>>, vector<1x16xf32>,
      %get3A_1911 = vector.shape_cast %get3A_1910 : vector<1x16xf32> to vector<16xf32>
      %get3A_1912 = arith.constant 61 : i32
      %get3A_1913 = arith.index_cast %get3A_1912 : i32 to index
      %get3A_1914 = arith.constant 32 : index
      %get3A_1915 = tpu.vector_load %arg6[%get3A_1913, %get3A_1914] {strides = array<i32>} : memref<112x64xf32, #tpu.memory_space<vmem>>, vector<1x16xf32>,
      %get3A_1916 = vector.shape_cast %get3A_1915 : vector<1x16xf32> to vector<16xf32>
      %get3A_1917 = arith.constant 62 : i32
      %get3A_1918 = arith.index_cast %get3A_1917 : i32 to index
      %get3A_1919 = arith.constant 32 : index
      %get3A_1920 = tpu.vector_load %arg6[%get3A_1918, %get3A_1919] {strides = array<i32>} : memref<112x64xf32, #tpu.memory_space<vmem>>, vector<1x16xf32>,
      %get3A_1921 = vector.shape_cast %get3A_1920 : vector<1x16xf32> to vector<16xf32>
      %get3A_1922 = arith.constant 63 : i32
      %get3A_1923 = arith.index_cast %get3A_1922 : i32 to index
      %get3A_1924 = arith.constant 32 : index
      %get3A_1925 = tpu.vector_load %arg6[%get3A_1923, %get3A_1924] {strides = array<i32>} : memref<112x64xf32, #tpu.memory_space<vmem>>, vector<1x16xf32>,
      %get3A_1926 = vector.shape_cast %get3A_1925 : vector<1x16xf32> to vector<16xf32>
      %get3A_1927 = arith.constant 64 : i32
      %get3A_1928 = arith.index_cast %get3A_1927 : i32 to index
      %get3A_1929 = arith.constant 32 : index
      %get3A_1930 = tpu.vector_load %arg6[%get3A_1928, %get3A_1929] {strides = array<i32>} : memref<112x64xf32, #tpu.memory_space<vmem>>, vector<1x16xf32>,
      %get3A_1931 = vector.shape_cast %get3A_1930 : vector<1x16xf32> to vector<16xf32>
      %get3A_1932 = arith.constant 65 : i32
      %get3A_1933 = arith.index_cast %get3A_1932 : i32 to index
      %get3A_1934 = arith.constant 32 : index
      %get3A_1935 = tpu.vector_load %arg6[%get3A_1933, %get3A_1934] {strides = array<i32>} : memref<112x64xf32, #tpu.memory_space<vmem>>, vector<1x16xf32>,
      %get3A_1936 = vector.shape_cast %get3A_1935 : vector<1x16xf32> to vector<16xf32>
      %get3A_1937 = arith.constant 66 : i32
      %get3A_1938 = arith.index_cast %get3A_1937 : i32 to index
      %get3A_1939 = arith.constant 32 : index
      %get3A_1940 = tpu.vector_load %arg6[%get3A_1938, %get3A_1939] {strides = array<i32>} : memref<112x64xf32, #tpu.memory_space<vmem>>, vector<1x16xf32>,
      %get3A_1941 = vector.shape_cast %get3A_1940 : vector<1x16xf32> to vector<16xf32>
      %get3A_1942 = arith.constant 67 : i32
      %get3A_1943 = arith.index_cast %get3A_1942 : i32 to index
      %get3A_1944 = arith.constant 32 : index
      %get3A_1945 = tpu.vector_load %arg6[%get3A_1943, %get3A_1944] {strides = array<i32>} : memref<112x64xf32, #tpu.memory_space<vmem>>, vector<1x16xf32>,
      %get3A_1946 = vector.shape_cast %get3A_1945 : vector<1x16xf32> to vector<16xf32>
      %get3A_1947 = arith.constant 68 : i32
      %get3A_1948 = arith.index_cast %get3A_1947 : i32 to index
      %get3A_1949 = arith.constant 32 : index
      %get3A_1950 = tpu.vector_load %arg6[%get3A_1948, %get3A_1949] {strides = array<i32>} : memref<112x64xf32, #tpu.memory_space<vmem>>, vector<1x16xf32>,
      %get3A_1951 = vector.shape_cast %get3A_1950 : vector<1x16xf32> to vector<16xf32>
      %get3A_1952 = arith.constant 69 : i32
      %get3A_1953 = arith.index_cast %get3A_1952 : i32 to index
      %get3A_1954 = arith.constant 32 : index
      %get3A_1955 = tpu.vector_load %arg6[%get3A_1953, %get3A_1954] {strides = array<i32>} : memref<112x64xf32, #tpu.memory_space<vmem>>, vector<1x16xf32>,
      %get3A_1956 = vector.shape_cast %get3A_1955 : vector<1x16xf32> to vector<16xf32>
      %get3A_1957 = arith.constant 70 : i32
      %get3A_1958 = arith.index_cast %get3A_1957 : i32 to index
      %get3A_1959 = arith.constant 32 : index
      %get3A_1960 = tpu.vector_load %arg6[%get3A_1958, %get3A_1959] {strides = array<i32>} : memref<112x64xf32, #tpu.memory_space<vmem>>, vector<1x16xf32>,
      %get3A_1961 = vector.shape_cast %get3A_1960 : vector<1x16xf32> to vector<16xf32>
      %get3A_1962 = arith.constant 71 : i32
      %get3A_1963 = arith.index_cast %get3A_1962 : i32 to index
      %get3A_1964 = arith.constant 32 : index
      %get3A_1965 = tpu.vector_load %arg6[%get3A_1963, %get3A_1964] {strides = array<i32>} : memref<112x64xf32, #tpu.memory_space<vmem>>, vector<1x16xf32>,
      %get3A_1966 = vector.shape_cast %get3A_1965 : vector<1x16xf32> to vector<16xf32>
      %get3A_1967 = arith.constant 72 : i32
      %get3A_1968 = arith.index_cast %get3A_1967 : i32 to index
      %get3A_1969 = arith.constant 32 : index
      %get3A_1970 = tpu.vector_load %arg6[%get3A_1968, %get3A_1969] {strides = array<i32>} : memref<112x64xf32, #tpu.memory_space<vmem>>, vector<1x16xf32>,
      %get3A_1971 = vector.shape_cast %get3A_1970 : vector<1x16xf32> to vector<16xf32>
      %get3A_1972 = arith.constant 73 : i32
      %get3A_1973 = arith.index_cast %get3A_1972 : i32 to index
      %get3A_1974 = arith.constant 32 : index
      %get3A_1975 = tpu.vector_load %arg6[%get3A_1973, %get3A_1974] {strides = array<i32>} : memref<112x64xf32, #tpu.memory_space<vmem>>, vector<1x16xf32>,
      %get3A_1976 = vector.shape_cast %get3A_1975 : vector<1x16xf32> to vector<16xf32>
      %get3A_1977 = arith.constant 74 : i32
      %get3A_1978 = arith.index_cast %get3A_1977 : i32 to index
      %get3A_1979 = arith.constant 32 : index
      %get3A_1980 = tpu.vector_load %arg6[%get3A_1978, %get3A_1979] {strides = array<i32>} : memref<112x64xf32, #tpu.memory_space<vmem>>, vector<1x16xf32>,
      %get3A_1981 = vector.shape_cast %get3A_1980 : vector<1x16xf32> to vector<16xf32>
      %get3A_1982 = arith.constant 75 : i32
      %get3A_1983 = arith.index_cast %get3A_1982 : i32 to index
      %get3A_1984 = arith.constant 32 : index
      %get3A_1985 = tpu.vector_load %arg6[%get3A_1983, %get3A_1984] {strides = array<i32>} : memref<112x64xf32, #tpu.memory_space<vmem>>, vector<1x16xf32>,
      %get3A_1986 = vector.shape_cast %get3A_1985 : vector<1x16xf32> to vector<16xf32>
      %get3A_1987 = arith.constant 76 : i32
      %get3A_1988 = arith.index_cast %get3A_1987 : i32 to index
      %get3A_1989 = arith.constant 32 : index
      %get3A_1990 = tpu.vector_load %arg6[%get3A_1988, %get3A_1989] {strides = array<i32>} : memref<112x64xf32, #tpu.memory_space<vmem>>, vector<1x16xf32>,
      %get3A_1991 = vector.shape_cast %get3A_1990 : vector<1x16xf32> to vector<16xf32>
      %get3A_1992 = arith.constant 77 : i32
      %get3A_1993 = arith.index_cast %get3A_1992 : i32 to index
      %get3A_1994 = arith.constant 32 : index
      %get3A_1995 = tpu.vector_load %arg6[%get3A_1993, %get3A_1994] {strides = array<i32>} : memref<112x64xf32, #tpu.memory_space<vmem>>, vector<1x16xf32>,
      %get3A_1996 = vector.shape_cast %get3A_1995 : vector<1x16xf32> to vector<16xf32>
      %get3A_1997 = arith.constant 78 : i32
      %get3A_1998 = arith.index_cast %get3A_1997 : i32 to index
      %get3A_1999 = arith.constant 32 : index
      %get3A_2000 = tpu.vector_load %arg6[%get3A_1998, %get3A_1999] {strides = array<i32>} : memref<112x64xf32, #tpu.memory_space<vmem>>, vector<1x16xf32>,
      %get3A_2001 = vector.shape_cast %get3A_2000 : vector<1x16xf32> to vector<16xf32>
      %get3A_2002 = arith.constant 79 : i32
      %get3A_2003 = arith.index_cast %get3A_2002 : i32 to index
      %get3A_2004 = arith.constant 32 : index
      %get3A_2005 = tpu.vector_load %arg6[%get3A_2003, %get3A_2004] {strides = array<i32>} : memref<112x64xf32, #tpu.memory_space<vmem>>, vector<1x16xf32>,
      %get3A_2006 = vector.shape_cast %get3A_2005 : vector<1x16xf32> to vector<16xf32>
      %get3A_2007 = arith.constant 80 : i32
      %get3A_2008 = arith.index_cast %get3A_2007 : i32 to index
      %get3A_2009 = arith.constant 32 : index
      %get3A_2010 = tpu.vector_load %arg6[%get3A_2008, %get3A_2009] {strides = array<i32>} : memref<112x64xf32, #tpu.memory_space<vmem>>, vector<1x16xf32>,
      %get3A_2011 = vector.shape_cast %get3A_2010 : vector<1x16xf32> to vector<16xf32>
      %get3A_2012 = arith.constant 81 : i32
      %get3A_2013 = arith.index_cast %get3A_2012 : i32 to index
      %get3A_2014 = arith.constant 32 : index
      %get3A_2015 = tpu.vector_load %arg6[%get3A_2013, %get3A_2014] {strides = array<i32>} : memref<112x64xf32, #tpu.memory_space<vmem>>, vector<1x16xf32>,
      %get3A_2016 = vector.shape_cast %get3A_2015 : vector<1x16xf32> to vector<16xf32>
      %get3A_2017 = arith.constant 82 : i32
      %get3A_2018 = arith.index_cast %get3A_2017 : i32 to index
      %get3A_2019 = arith.constant 32 : index
      %get3A_2020 = tpu.vector_load %arg6[%get3A_2018, %get3A_2019] {strides = array<i32>} : memref<112x64xf32, #tpu.memory_space<vmem>>, vector<1x16xf32>,
      %get3A_2021 = vector.shape_cast %get3A_2020 : vector<1x16xf32> to vector<16xf32>
      %get3A_2022 = arith.constant 83 : i32
      %get3A_2023 = arith.index_cast %get3A_2022 : i32 to index
      %get3A_2024 = arith.constant 32 : index
      %get3A_2025 = tpu.vector_load %arg6[%get3A_2023, %get3A_2024] {strides = array<i32>} : memref<112x64xf32, #tpu.memory_space<vmem>>, vector<1x16xf32>,
      %get3A_2026 = vector.shape_cast %get3A_2025 : vector<1x16xf32> to vector<16xf32>
      %get3A_2027 = arith.constant 84 : i32
      %get3A_2028 = arith.index_cast %get3A_2027 : i32 to index
      %get3A_2029 = arith.constant 32 : index
      %get3A_2030 = tpu.vector_load %arg6[%get3A_2028, %get3A_2029] {strides = array<i32>} : memref<112x64xf32, #tpu.memory_space<vmem>>, vector<1x16xf32>,
      %get3A_2031 = vector.shape_cast %get3A_2030 : vector<1x16xf32> to vector<16xf32>
      %get3A_2032 = arith.constant 85 : i32
      %get3A_2033 = arith.index_cast %get3A_2032 : i32 to index
      %get3A_2034 = arith.constant 32 : index
      %get3A_2035 = tpu.vector_load %arg6[%get3A_2033, %get3A_2034] {strides = array<i32>} : memref<112x64xf32, #tpu.memory_space<vmem>>, vector<1x16xf32>,
      %get3A_2036 = vector.shape_cast %get3A_2035 : vector<1x16xf32> to vector<16xf32>
      %get3A_2037 = arith.constant 86 : i32
      %get3A_2038 = arith.index_cast %get3A_2037 : i32 to index
      %get3A_2039 = arith.constant 32 : index
      %get3A_2040 = tpu.vector_load %arg6[%get3A_2038, %get3A_2039] {strides = array<i32>} : memref<112x64xf32, #tpu.memory_space<vmem>>, vector<1x16xf32>,
      %get3A_2041 = vector.shape_cast %get3A_2040 : vector<1x16xf32> to vector<16xf32>
      %get3A_2042 = arith.constant 87 : i32
      %get3A_2043 = arith.index_cast %get3A_2042 : i32 to index
      %get3A_2044 = arith.constant 32 : index
      %get3A_2045 = tpu.vector_load %arg6[%get3A_2043, %get3A_2044] {strides = array<i32>} : memref<112x64xf32, #tpu.memory_space<vmem>>, vector<1x16xf32>,
      %get3A_2046 = vector.shape_cast %get3A_2045 : vector<1x16xf32> to vector<16xf32>
      %get3A_2047 = arith.constant 88 : i32
      %get3A_2048 = arith.index_cast %get3A_2047 : i32 to index
      %get3A_2049 = arith.constant 32 : index
      %get3A_2050 = tpu.vector_load %arg6[%get3A_2048, %get3A_2049] {strides = array<i32>} : memref<112x64xf32, #tpu.memory_space<vmem>>, vector<1x16xf32>,
      %get3A_2051 = vector.shape_cast %get3A_2050 : vector<1x16xf32> to vector<16xf32>
      %get3A_2052 = arith.constant 89 : i32
      %get3A_2053 = arith.index_cast %get3A_2052 : i32 to index
      %get3A_2054 = arith.constant 32 : index
      %get3A_2055 = tpu.vector_load %arg6[%get3A_2053, %get3A_2054] {strides = array<i32>} : memref<112x64xf32, #tpu.memory_space<vmem>>, vector<1x16xf32>,
      %get3A_2056 = vector.shape_cast %get3A_2055 : vector<1x16xf32> to vector<16xf32>
      %get3A_2057 = arith.constant 90 : i32
      %get3A_2058 = arith.index_cast %get3A_2057 : i32 to index
      %get3A_2059 = arith.constant 32 : index
      %get3A_2060 = tpu.vector_load %arg6[%get3A_2058, %get3A_2059] {strides = array<i32>} : memref<112x64xf32, #tpu.memory_space<vmem>>, vector<1x16xf32>,
      %get3A_2061 = vector.shape_cast %get3A_2060 : vector<1x16xf32> to vector<16xf32>
      %get3A_2062 = arith.constant 91 : i32
      %get3A_2063 = arith.index_cast %get3A_2062 : i32 to index
      %get3A_2064 = arith.constant 32 : index
      %get3A_2065 = tpu.vector_load %arg6[%get3A_2063, %get3A_2064] {strides = array<i32>} : memref<112x64xf32, #tpu.memory_space<vmem>>, vector<1x16xf32>,
      %get3A_2066 = vector.shape_cast %get3A_2065 : vector<1x16xf32> to vector<16xf32>
      %get3A_2067 = arith.constant 92 : i32
      %get3A_2068 = arith.index_cast %get3A_2067 : i32 to index
      %get3A_2069 = arith.constant 32 : index
      %get3A_2070 = tpu.vector_load %arg6[%get3A_2068, %get3A_2069] {strides = array<i32>} : memref<112x64xf32, #tpu.memory_space<vmem>>, vector<1x16xf32>,
      %get3A_2071 = vector.shape_cast %get3A_2070 : vector<1x16xf32> to vector<16xf32>
      %get3A_2072 = arith.constant 93 : i32
      %get3A_2073 = arith.index_cast %get3A_2072 : i32 to index
      %get3A_2074 = arith.constant 32 : index
      %get3A_2075 = tpu.vector_load %arg6[%get3A_2073, %get3A_2074] {strides = array<i32>} : memref<112x64xf32, #tpu.memory_space<vmem>>, vector<1x16xf32>,
      %get3A_2076 = vector.shape_cast %get3A_2075 : vector<1x16xf32> to vector<16xf32>
      %get3A_2077 = arith.constant 94 : i32
      %get3A_2078 = arith.index_cast %get3A_2077 : i32 to index
      %get3A_2079 = arith.constant 32 : index
      %get3A_2080 = tpu.vector_load %arg6[%get3A_2078, %get3A_2079] {strides = array<i32>} : memref<112x64xf32, #tpu.memory_space<vmem>>, vector<1x16xf32>,
      %get3A_2081 = vector.shape_cast %get3A_2080 : vector<1x16xf32> to vector<16xf32>
      %get3A_2082 = arith.constant 95 : i32
      %get3A_2083 = arith.index_cast %get3A_2082 : i32 to index
      %get3A_2084 = arith.constant 32 : index
      %get3A_2085 = tpu.vector_load %arg6[%get3A_2083, %get3A_2084] {strides = array<i32>} : memref<112x64xf32, #tpu.memory_space<vmem>>, vector<1x16xf32>,
      %get3A_2086 = vector.shape_cast %get3A_2085 : vector<1x16xf32> to vector<16xf32>
      %get3A_2087 = arith.constant 96 : i32
      %get3A_2088 = arith.index_cast %get3A_2087 : i32 to index
      %get3A_2089 = arith.constant 32 : index
      %get3A_2090 = tpu.vector_load %arg6[%get3A_2088, %get3A_2089] {strides = array<i32>} : memref<112x64xf32, #tpu.memory_space<vmem>>, vector<1x16xf32>,
      %get3A_2091 = vector.shape_cast %get3A_2090 : vector<1x16xf32> to vector<16xf32>
      %get3A_2092 = arith.constant 97 : i32
      %get3A_2093 = arith.index_cast %get3A_2092 : i32 to index
      %get3A_2094 = arith.constant 32 : index
      %get3A_2095 = tpu.vector_load %arg6[%get3A_2093, %get3A_2094] {strides = array<i32>} : memref<112x64xf32, #tpu.memory_space<vmem>>, vector<1x16xf32>,
      %get3A_2096 = vector.shape_cast %get3A_2095 : vector<1x16xf32> to vector<16xf32>
      %get3A_2097 = arith.constant 98 : i32
      %get3A_2098 = arith.index_cast %get3A_2097 : i32 to index
      %get3A_2099 = arith.constant 32 : index
      %get3A_2100 = tpu.vector_load %arg6[%get3A_2098, %get3A_2099] {strides = array<i32>} : memref<112x64xf32, #tpu.memory_space<vmem>>, vector<1x16xf32>,
      %get3A_2101 = vector.shape_cast %get3A_2100 : vector<1x16xf32> to vector<16xf32>
      %get3A_2102 = arith.constant 99 : i32
      %get3A_2103 = arith.index_cast %get3A_2102 : i32 to index
      %get3A_2104 = arith.constant 32 : index
      %get3A_2105 = tpu.vector_load %arg6[%get3A_2103, %get3A_2104] {strides = array<i32>} : memref<112x64xf32, #tpu.memory_space<vmem>>, vector<1x16xf32>,
      %get3A_2106 = vector.shape_cast %get3A_2105 : vector<1x16xf32> to vector<16xf32>
      %get3A_2107 = arith.constant 100 : i32
      %get3A_2108 = arith.index_cast %get3A_2107 : i32 to index
      %get3A_2109 = arith.constant 32 : index
      %get3A_2110 = tpu.vector_load %arg6[%get3A_2108, %get3A_2109] {strides = array<i32>} : memref<112x64xf32, #tpu.memory_space<vmem>>, vector<1x16xf32>,
      %get3A_2111 = vector.shape_cast %get3A_2110 : vector<1x16xf32> to vector<16xf32>
      %get3A_2112 = arith.constant 101 : i32
      %get3A_2113 = arith.index_cast %get3A_2112 : i32 to index
      %get3A_2114 = arith.constant 32 : index
      %get3A_2115 = tpu.vector_load %arg6[%get3A_2113, %get3A_2114] {strides = array<i32>} : memref<112x64xf32, #tpu.memory_space<vmem>>, vector<1x16xf32>,
      %get3A_2116 = vector.shape_cast %get3A_2115 : vector<1x16xf32> to vector<16xf32>
      %get3A_2117 = arith.constant 102 : i32
      %get3A_2118 = arith.index_cast %get3A_2117 : i32 to index
      %get3A_2119 = arith.constant 32 : index
      %get3A_2120 = tpu.vector_load %arg6[%get3A_2118, %get3A_2119] {strides = array<i32>} : memref<112x64xf32, #tpu.memory_space<vmem>>, vector<1x16xf32>,
      %get3A_2121 = vector.shape_cast %get3A_2120 : vector<1x16xf32> to vector<16xf32>
      %get3A_2122 = arith.constant 103 : i32
      %get3A_2123 = arith.index_cast %get3A_2122 : i32 to index
      %get3A_2124 = arith.constant 32 : index
      %get3A_2125 = tpu.vector_load %arg6[%get3A_2123, %get3A_2124] {strides = array<i32>} : memref<112x64xf32, #tpu.memory_space<vmem>>, vector<1x16xf32>,
      %get3A_2126 = vector.shape_cast %get3A_2125 : vector<1x16xf32> to vector<16xf32>
      %get3A_2127 = arith.constant 104 : i32
      %get3A_2128 = arith.index_cast %get3A_2127 : i32 to index
      %get3A_2129 = arith.constant 32 : index
      %get3A_2130 = tpu.vector_load %arg6[%get3A_2128, %get3A_2129] {strides = array<i32>} : memref<112x64xf32, #tpu.memory_space<vmem>>, vector<1x16xf32>,
      %get3A_2131 = vector.shape_cast %get3A_2130 : vector<1x16xf32> to vector<16xf32>
      %get3A_2132 = arith.constant 105 : i32
      %get3A_2133 = arith.index_cast %get3A_2132 : i32 to index
      %get3A_2134 = arith.constant 32 : index
      %get3A_2135 = tpu.vector_load %arg6[%get3A_2133, %get3A_2134] {strides = array<i32>} : memref<112x64xf32, #tpu.memory_space<vmem>>, vector<1x16xf32>,
      %get3A_2136 = vector.shape_cast %get3A_2135 : vector<1x16xf32> to vector<16xf32>
      %add3A_2137 = arith.addf %get3A_1891, %get3A_1896 : vector<16xf32>
      %add3A_2138 = arith.addf %get3A_1901, %get3A_1906 : vector<16xf32>
      %add3A_2139 = arith.addf %get3A_1911, %get3A_1916 : vector<16xf32>
      %add3A_2140 = arith.addf %get3A_1921, %get3A_1926 : vector<16xf32>
      %add3A_2141 = arith.addf %get3A_1931, %get3A_1936 : vector<16xf32>
      %add3A_2142 = arith.addf %get3A_1941, %get3A_1946 : vector<16xf32>
      %add3A_2143 = arith.addf %get3A_1951, %get3A_1956 : vector<16xf32>
      %add3A_2144 = arith.addf %get3A_1961, %get3A_1966 : vector<16xf32>
      %add3A_2145 = arith.addf %get3A_1971, %get3A_1976 : vector<16xf32>
      %add3A_2146 = arith.addf %get3A_1981, %get3A_1986 : vector<16xf32>
      %add3A_2147 = arith.addf %get3A_1991, %get3A_1996 : vector<16xf32>
      %add3A_2148 = arith.addf %get3A_2001, %get3A_2006 : vector<16xf32>
      %add3A_2149 = arith.addf %get3A_2011, %get3A_2016 : vector<16xf32>
      %add3A_2150 = arith.addf %get3A_2021, %get3A_2026 : vector<16xf32>
      %add3A_2151 = arith.addf %get3A_2031, %get3A_2036 : vector<16xf32>
      %add3A_2152 = arith.addf %get3A_2041, %get3A_2046 : vector<16xf32>
      %add3A_2153 = arith.addf %get3A_2051, %get3A_2056 : vector<16xf32>
      %add3A_2154 = arith.addf %get3A_2061, %get3A_2066 : vector<16xf32>
      %add3A_2155 = arith.addf %get3A_2071, %get3A_2076 : vector<16xf32>
      %add3A_2156 = arith.addf %get3A_2081, %get3A_2086 : vector<16xf32>
      %add3A_2157 = arith.addf %get3A_2091, %get3A_2096 : vector<16xf32>
      %add3A_2158 = arith.addf %get3A_2101, %get3A_2106 : vector<16xf32>
      %add3A_2159 = arith.addf %get3A_2111, %get3A_2116 : vector<16xf32>
      %add3A_2160 = arith.addf %get3A_2121, %get3A_2126 : vector<16xf32>
      %add3A_2161 = arith.addf %get3A_2131, %get3A_2136 : vector<16xf32>
      %add3A_2162 = arith.addf %add3A_2137, %add3A_2138 : vector<16xf32>
      %add3A_2163 = arith.addf %add3A_2139, %add3A_2140 : vector<16xf32>
      %add3A_2164 = arith.addf %add3A_2141, %add3A_2142 : vector<16xf32>
      %add3A_2165 = arith.addf %add3A_2143, %add3A_2144 : vector<16xf32>
      %add3A_2166 = arith.addf %add3A_2145, %add3A_2146 : vector<16xf32>
      %add3A_2167 = arith.addf %add3A_2147, %add3A_2148 : vector<16xf32>
      %add3A_2168 = arith.addf %add3A_2149, %add3A_2150 : vector<16xf32>
      %add3A_2169 = arith.addf %add3A_2151, %add3A_2152 : vector<16xf32>
      %add3A_2170 = arith.addf %add3A_2153, %add3A_2154 : vector<16xf32>
      %add3A_2171 = arith.addf %add3A_2155, %add3A_2156 : vector<16xf32>
      %add3A_2172 = arith.addf %add3A_2157, %add3A_2158 : vector<16xf32>
      %add3A_2173 = arith.addf %add3A_2159, %add3A_2160 : vector<16xf32>
      %add3A_2174 = arith.addf %add3A_2162, %add3A_2163 : vector<16xf32>
      %add3A_2175 = arith.addf %add3A_2164, %add3A_2165 : vector<16xf32>
      %add3A_2176 = arith.addf %add3A_2166, %add3A_2167 : vector<16xf32>
      %add3A_2177 = arith.addf %add3A_2168, %add3A_2169 : vector<16xf32>
      %add3A_2178 = arith.addf %add3A_2170, %add3A_2171 : vector<16xf32>
      %add3A_2179 = arith.addf %add3A_2172, %add3A_2173 : vector<16xf32>
      %add3A_2180 = arith.addf %add3A_2174, %add3A_2175 : vector<16xf32>
      %add3A_2181 = arith.addf %add3A_2176, %add3A_2177 : vector<16xf32>
      %add3A_2182 = arith.addf %add3A_2178, %add3A_2179 : vector<16xf32>
      %add3A_2183 = arith.addf %add3A_2180, %add3A_2181 : vector<16xf32>
      %add3A_2184 = arith.addf %add3A_2182, %add3A_2161 : vector<16xf32>
      %add3A_2185 = arith.addf %add3A_2183, %add3A_2184 : vector<16xf32>
      %add3A_2186 = arith.constant 1 : i32
      %add3A_2187 = arith.addi %mul3A_34, %add3A_2186 : i32
      %mul3A_2188 = arith.constant 64 : i32
      %mul3A_2189 = arith.muli %add3A_2187, %mul3A_2188 : i32
      %add3A_2190 = arith.constant 32 : i32
      %add3A_2191 = arith.addi %mul3A_2189, %add3A_2190 : i32
      %swap3A_2192 = arith.index_cast %add3A_2191 : i32 to index
      %swap3A_2193 = tpu.vector_load %arg8[%swap3A_2192] {strides = array<i32>} : memref<8192xf32, #tpu.memory_space<vmem>>, vector<16xf32>,
      %swap3A_2194 = vector.shape_cast %swap3A_2193 : vector<16xf32> to vector<16xf32>
      %swap3A_2195 = vector.shape_cast %add3A_2185 : vector<16xf32> to vector<16xf32>
      tpu.vector_store %arg8[%swap3A_2192], %swap3A_2195 {strides = array<i32>} : memref<8192xf32, #tpu.memory_space<vmem>>, vector<16xf32>,
      %get3A_2196 = arith.constant 56 : i32
      %get3A_2197 = arith.index_cast %get3A_2196 : i32 to index
      %get3A_2198 = arith.constant 48 : index
      %get3A_2199 = tpu.vector_load %arg6[%get3A_2197, %get3A_2198] {strides = array<i32>} : memref<112x64xf32, #tpu.memory_space<vmem>>, vector<1x16xf32>,
      %get3A_2200 = vector.shape_cast %get3A_2199 : vector<1x16xf32> to vector<16xf32>
      %get3A_2201 = arith.constant 57 : i32
      %get3A_2202 = arith.index_cast %get3A_2201 : i32 to index
      %get3A_2203 = arith.constant 48 : index
      %get3A_2204 = tpu.vector_load %arg6[%get3A_2202, %get3A_2203] {strides = array<i32>} : memref<112x64xf32, #tpu.memory_space<vmem>>, vector<1x16xf32>,
      %get3A_2205 = vector.shape_cast %get3A_2204 : vector<1x16xf32> to vector<16xf32>
      %get3A_2206 = arith.constant 58 : i32
      %get3A_2207 = arith.index_cast %get3A_2206 : i32 to index
      %get3A_2208 = arith.constant 48 : index
      %get3A_2209 = tpu.vector_load %arg6[%get3A_2207, %get3A_2208] {strides = array<i32>} : memref<112x64xf32, #tpu.memory_space<vmem>>, vector<1x16xf32>,
      %get3A_2210 = vector.shape_cast %get3A_2209 : vector<1x16xf32> to vector<16xf32>
      %get3A_2211 = arith.constant 59 : i32
      %get3A_2212 = arith.index_cast %get3A_2211 : i32 to index
      %get3A_2213 = arith.constant 48 : index
      %get3A_2214 = tpu.vector_load %arg6[%get3A_2212, %get3A_2213] {strides = array<i32>} : memref<112x64xf32, #tpu.memory_space<vmem>>, vector<1x16xf32>,
      %get3A_2215 = vector.shape_cast %get3A_2214 : vector<1x16xf32> to vector<16xf32>
      %get3A_2216 = arith.constant 60 : i32
      %get3A_2217 = arith.index_cast %get3A_2216 : i32 to index
      %get3A_2218 = arith.constant 48 : index
      %get3A_2219 = tpu.vector_load %arg6[%get3A_2217, %get3A_2218] {strides = array<i32>} : memref<112x64xf32, #tpu.memory_space<vmem>>, vector<1x16xf32>,
      %get3A_2220 = vector.shape_cast %get3A_2219 : vector<1x16xf32> to vector<16xf32>
      %get3A_2221 = arith.constant 61 : i32
      %get3A_2222 = arith.index_cast %get3A_2221 : i32 to index
      %get3A_2223 = arith.constant 48 : index
      %get3A_2224 = tpu.vector_load %arg6[%get3A_2222, %get3A_2223] {strides = array<i32>} : memref<112x64xf32, #tpu.memory_space<vmem>>, vector<1x16xf32>,
      %get3A_2225 = vector.shape_cast %get3A_2224 : vector<1x16xf32> to vector<16xf32>
      %get3A_2226 = arith.constant 62 : i32
      %get3A_2227 = arith.index_cast %get3A_2226 : i32 to index
      %get3A_2228 = arith.constant 48 : index
      %get3A_2229 = tpu.vector_load %arg6[%get3A_2227, %get3A_2228] {strides = array<i32>} : memref<112x64xf32, #tpu.memory_space<vmem>>, vector<1x16xf32>,
      %get3A_2230 = vector.shape_cast %get3A_2229 : vector<1x16xf32> to vector<16xf32>
      %get3A_2231 = arith.constant 63 : i32
      %get3A_2232 = arith.index_cast %get3A_2231 : i32 to index
      %get3A_2233 = arith.constant 48 : index
      %get3A_2234 = tpu.vector_load %arg6[%get3A_2232, %get3A_2233] {strides = array<i32>} : memref<112x64xf32, #tpu.memory_space<vmem>>, vector<1x16xf32>,
      %get3A_2235 = vector.shape_cast %get3A_2234 : vector<1x16xf32> to vector<16xf32>
      %get3A_2236 = arith.constant 64 : i32
      %get3A_2237 = arith.index_cast %get3A_2236 : i32 to index
      %get3A_2238 = arith.constant 48 : index
      %get3A_2239 = tpu.vector_load %arg6[%get3A_2237, %get3A_2238] {strides = array<i32>} : memref<112x64xf32, #tpu.memory_space<vmem>>, vector<1x16xf32>,
      %get3A_2240 = vector.shape_cast %get3A_2239 : vector<1x16xf32> to vector<16xf32>
      %get3A_2241 = arith.constant 65 : i32
      %get3A_2242 = arith.index_cast %get3A_2241 : i32 to index
      %get3A_2243 = arith.constant 48 : index
      %get3A_2244 = tpu.vector_load %arg6[%get3A_2242, %get3A_2243] {strides = array<i32>} : memref<112x64xf32, #tpu.memory_space<vmem>>, vector<1x16xf32>,
      %get3A_2245 = vector.shape_cast %get3A_2244 : vector<1x16xf32> to vector<16xf32>
      %get3A_2246 = arith.constant 66 : i32
      %get3A_2247 = arith.index_cast %get3A_2246 : i32 to index
      %get3A_2248 = arith.constant 48 : index
      %get3A_2249 = tpu.vector_load %arg6[%get3A_2247, %get3A_2248] {strides = array<i32>} : memref<112x64xf32, #tpu.memory_space<vmem>>, vector<1x16xf32>,
      %get3A_2250 = vector.shape_cast %get3A_2249 : vector<1x16xf32> to vector<16xf32>
      %get3A_2251 = arith.constant 67 : i32
      %get3A_2252 = arith.index_cast %get3A_2251 : i32 to index
      %get3A_2253 = arith.constant 48 : index
      %get3A_2254 = tpu.vector_load %arg6[%get3A_2252, %get3A_2253] {strides = array<i32>} : memref<112x64xf32, #tpu.memory_space<vmem>>, vector<1x16xf32>,
      %get3A_2255 = vector.shape_cast %get3A_2254 : vector<1x16xf32> to vector<16xf32>
      %get3A_2256 = arith.constant 68 : i32
      %get3A_2257 = arith.index_cast %get3A_2256 : i32 to index
      %get3A_2258 = arith.constant 48 : index
      %get3A_2259 = tpu.vector_load %arg6[%get3A_2257, %get3A_2258] {strides = array<i32>} : memref<112x64xf32, #tpu.memory_space<vmem>>, vector<1x16xf32>,
      %get3A_2260 = vector.shape_cast %get3A_2259 : vector<1x16xf32> to vector<16xf32>
      %get3A_2261 = arith.constant 69 : i32
      %get3A_2262 = arith.index_cast %get3A_2261 : i32 to index
      %get3A_2263 = arith.constant 48 : index
      %get3A_2264 = tpu.vector_load %arg6[%get3A_2262, %get3A_2263] {strides = array<i32>} : memref<112x64xf32, #tpu.memory_space<vmem>>, vector<1x16xf32>,
      %get3A_2265 = vector.shape_cast %get3A_2264 : vector<1x16xf32> to vector<16xf32>
      %get3A_2266 = arith.constant 70 : i32
      %get3A_2267 = arith.index_cast %get3A_2266 : i32 to index
      %get3A_2268 = arith.constant 48 : index
      %get3A_2269 = tpu.vector_load %arg6[%get3A_2267, %get3A_2268] {strides = array<i32>} : memref<112x64xf32, #tpu.memory_space<vmem>>, vector<1x16xf32>,
      %get3A_2270 = vector.shape_cast %get3A_2269 : vector<1x16xf32> to vector<16xf32>
      %get3A_2271 = arith.constant 71 : i32
      %get3A_2272 = arith.index_cast %get3A_2271 : i32 to index
      %get3A_2273 = arith.constant 48 : index
      %get3A_2274 = tpu.vector_load %arg6[%get3A_2272, %get3A_2273] {strides = array<i32>} : memref<112x64xf32, #tpu.memory_space<vmem>>, vector<1x16xf32>,
      %get3A_2275 = vector.shape_cast %get3A_2274 : vector<1x16xf32> to vector<16xf32>
      %get3A_2276 = arith.constant 72 : i32
      %get3A_2277 = arith.index_cast %get3A_2276 : i32 to index
      %get3A_2278 = arith.constant 48 : index
      %get3A_2279 = tpu.vector_load %arg6[%get3A_2277, %get3A_2278] {strides = array<i32>} : memref<112x64xf32, #tpu.memory_space<vmem>>, vector<1x16xf32>,
      %get3A_2280 = vector.shape_cast %get3A_2279 : vector<1x16xf32> to vector<16xf32>
      %get3A_2281 = arith.constant 73 : i32
      %get3A_2282 = arith.index_cast %get3A_2281 : i32 to index
      %get3A_2283 = arith.constant 48 : index
      %get3A_2284 = tpu.vector_load %arg6[%get3A_2282, %get3A_2283] {strides = array<i32>} : memref<112x64xf32, #tpu.memory_space<vmem>>, vector<1x16xf32>,
      %get3A_2285 = vector.shape_cast %get3A_2284 : vector<1x16xf32> to vector<16xf32>
      %get3A_2286 = arith.constant 74 : i32
      %get3A_2287 = arith.index_cast %get3A_2286 : i32 to index
      %get3A_2288 = arith.constant 48 : index
      %get3A_2289 = tpu.vector_load %arg6[%get3A_2287, %get3A_2288] {strides = array<i32>} : memref<112x64xf32, #tpu.memory_space<vmem>>, vector<1x16xf32>,
      %get3A_2290 = vector.shape_cast %get3A_2289 : vector<1x16xf32> to vector<16xf32>
      %get3A_2291 = arith.constant 75 : i32
      %get3A_2292 = arith.index_cast %get3A_2291 : i32 to index
      %get3A_2293 = arith.constant 48 : index
      %get3A_2294 = tpu.vector_load %arg6[%get3A_2292, %get3A_2293] {strides = array<i32>} : memref<112x64xf32, #tpu.memory_space<vmem>>, vector<1x16xf32>,
      %get3A_2295 = vector.shape_cast %get3A_2294 : vector<1x16xf32> to vector<16xf32>
      %get3A_2296 = arith.constant 76 : i32
      %get3A_2297 = arith.index_cast %get3A_2296 : i32 to index
      %get3A_2298 = arith.constant 48 : index
      %get3A_2299 = tpu.vector_load %arg6[%get3A_2297, %get3A_2298] {strides = array<i32>} : memref<112x64xf32, #tpu.memory_space<vmem>>, vector<1x16xf32>,
      %get3A_2300 = vector.shape_cast %get3A_2299 : vector<1x16xf32> to vector<16xf32>
      %get3A_2301 = arith.constant 77 : i32
      %get3A_2302 = arith.index_cast %get3A_2301 : i32 to index
      %get3A_2303 = arith.constant 48 : index
      %get3A_2304 = tpu.vector_load %arg6[%get3A_2302, %get3A_2303] {strides = array<i32>} : memref<112x64xf32, #tpu.memory_space<vmem>>, vector<1x16xf32>,
      %get3A_2305 = vector.shape_cast %get3A_2304 : vector<1x16xf32> to vector<16xf32>
      %get3A_2306 = arith.constant 78 : i32
      %get3A_2307 = arith.index_cast %get3A_2306 : i32 to index
      %get3A_2308 = arith.constant 48 : index
      %get3A_2309 = tpu.vector_load %arg6[%get3A_2307, %get3A_2308] {strides = array<i32>} : memref<112x64xf32, #tpu.memory_space<vmem>>, vector<1x16xf32>,
      %get3A_2310 = vector.shape_cast %get3A_2309 : vector<1x16xf32> to vector<16xf32>
      %get3A_2311 = arith.constant 79 : i32
      %get3A_2312 = arith.index_cast %get3A_2311 : i32 to index
      %get3A_2313 = arith.constant 48 : index
      %get3A_2314 = tpu.vector_load %arg6[%get3A_2312, %get3A_2313] {strides = array<i32>} : memref<112x64xf32, #tpu.memory_space<vmem>>, vector<1x16xf32>,
      %get3A_2315 = vector.shape_cast %get3A_2314 : vector<1x16xf32> to vector<16xf32>
      %get3A_2316 = arith.constant 80 : i32
      %get3A_2317 = arith.index_cast %get3A_2316 : i32 to index
      %get3A_2318 = arith.constant 48 : index
      %get3A_2319 = tpu.vector_load %arg6[%get3A_2317, %get3A_2318] {strides = array<i32>} : memref<112x64xf32, #tpu.memory_space<vmem>>, vector<1x16xf32>,
      %get3A_2320 = vector.shape_cast %get3A_2319 : vector<1x16xf32> to vector<16xf32>
      %get3A_2321 = arith.constant 81 : i32
      %get3A_2322 = arith.index_cast %get3A_2321 : i32 to index
      %get3A_2323 = arith.constant 48 : index
      %get3A_2324 = tpu.vector_load %arg6[%get3A_2322, %get3A_2323] {strides = array<i32>} : memref<112x64xf32, #tpu.memory_space<vmem>>, vector<1x16xf32>,
      %get3A_2325 = vector.shape_cast %get3A_2324 : vector<1x16xf32> to vector<16xf32>
      %get3A_2326 = arith.constant 82 : i32
      %get3A_2327 = arith.index_cast %get3A_2326 : i32 to index
      %get3A_2328 = arith.constant 48 : index
      %get3A_2329 = tpu.vector_load %arg6[%get3A_2327, %get3A_2328] {strides = array<i32>} : memref<112x64xf32, #tpu.memory_space<vmem>>, vector<1x16xf32>,
      %get3A_2330 = vector.shape_cast %get3A_2329 : vector<1x16xf32> to vector<16xf32>
      %get3A_2331 = arith.constant 83 : i32
      %get3A_2332 = arith.index_cast %get3A_2331 : i32 to index
      %get3A_2333 = arith.constant 48 : index
      %get3A_2334 = tpu.vector_load %arg6[%get3A_2332, %get3A_2333] {strides = array<i32>} : memref<112x64xf32, #tpu.memory_space<vmem>>, vector<1x16xf32>,
      %get3A_2335 = vector.shape_cast %get3A_2334 : vector<1x16xf32> to vector<16xf32>
      %get3A_2336 = arith.constant 84 : i32
      %get3A_2337 = arith.index_cast %get3A_2336 : i32 to index
      %get3A_2338 = arith.constant 48 : index
      %get3A_2339 = tpu.vector_load %arg6[%get3A_2337, %get3A_2338] {strides = array<i32>} : memref<112x64xf32, #tpu.memory_space<vmem>>, vector<1x16xf32>,
      %get3A_2340 = vector.shape_cast %get3A_2339 : vector<1x16xf32> to vector<16xf32>
      %get3A_2341 = arith.constant 85 : i32
      %get3A_2342 = arith.index_cast %get3A_2341 : i32 to index
      %get3A_2343 = arith.constant 48 : index
      %get3A_2344 = tpu.vector_load %arg6[%get3A_2342, %get3A_2343] {strides = array<i32>} : memref<112x64xf32, #tpu.memory_space<vmem>>, vector<1x16xf32>,
      %get3A_2345 = vector.shape_cast %get3A_2344 : vector<1x16xf32> to vector<16xf32>
      %get3A_2346 = arith.constant 86 : i32
      %get3A_2347 = arith.index_cast %get3A_2346 : i32 to index
      %get3A_2348 = arith.constant 48 : index
      %get3A_2349 = tpu.vector_load %arg6[%get3A_2347, %get3A_2348] {strides = array<i32>} : memref<112x64xf32, #tpu.memory_space<vmem>>, vector<1x16xf32>,
      %get3A_2350 = vector.shape_cast %get3A_2349 : vector<1x16xf32> to vector<16xf32>
      %get3A_2351 = arith.constant 87 : i32
      %get3A_2352 = arith.index_cast %get3A_2351 : i32 to index
      %get3A_2353 = arith.constant 48 : index
      %get3A_2354 = tpu.vector_load %arg6[%get3A_2352, %get3A_2353] {strides = array<i32>} : memref<112x64xf32, #tpu.memory_space<vmem>>, vector<1x16xf32>,
      %get3A_2355 = vector.shape_cast %get3A_2354 : vector<1x16xf32> to vector<16xf32>
      %get3A_2356 = arith.constant 88 : i32
      %get3A_2357 = arith.index_cast %get3A_2356 : i32 to index
      %get3A_2358 = arith.constant 48 : index
      %get3A_2359 = tpu.vector_load %arg6[%get3A_2357, %get3A_2358] {strides = array<i32>} : memref<112x64xf32, #tpu.memory_space<vmem>>, vector<1x16xf32>,
      %get3A_2360 = vector.shape_cast %get3A_2359 : vector<1x16xf32> to vector<16xf32>
      %get3A_2361 = arith.constant 89 : i32
      %get3A_2362 = arith.index_cast %get3A_2361 : i32 to index
      %get3A_2363 = arith.constant 48 : index
      %get3A_2364 = tpu.vector_load %arg6[%get3A_2362, %get3A_2363] {strides = array<i32>} : memref<112x64xf32, #tpu.memory_space<vmem>>, vector<1x16xf32>,
      %get3A_2365 = vector.shape_cast %get3A_2364 : vector<1x16xf32> to vector<16xf32>
      %get3A_2366 = arith.constant 90 : i32
      %get3A_2367 = arith.index_cast %get3A_2366 : i32 to index
      %get3A_2368 = arith.constant 48 : index
      %get3A_2369 = tpu.vector_load %arg6[%get3A_2367, %get3A_2368] {strides = array<i32>} : memref<112x64xf32, #tpu.memory_space<vmem>>, vector<1x16xf32>,
      %get3A_2370 = vector.shape_cast %get3A_2369 : vector<1x16xf32> to vector<16xf32>
      %get3A_2371 = arith.constant 91 : i32
      %get3A_2372 = arith.index_cast %get3A_2371 : i32 to index
      %get3A_2373 = arith.constant 48 : index
      %get3A_2374 = tpu.vector_load %arg6[%get3A_2372, %get3A_2373] {strides = array<i32>} : memref<112x64xf32, #tpu.memory_space<vmem>>, vector<1x16xf32>,
      %get3A_2375 = vector.shape_cast %get3A_2374 : vector<1x16xf32> to vector<16xf32>
      %get3A_2376 = arith.constant 92 : i32
      %get3A_2377 = arith.index_cast %get3A_2376 : i32 to index
      %get3A_2378 = arith.constant 48 : index
      %get3A_2379 = tpu.vector_load %arg6[%get3A_2377, %get3A_2378] {strides = array<i32>} : memref<112x64xf32, #tpu.memory_space<vmem>>, vector<1x16xf32>,
      %get3A_2380 = vector.shape_cast %get3A_2379 : vector<1x16xf32> to vector<16xf32>
      %get3A_2381 = arith.constant 93 : i32
      %get3A_2382 = arith.index_cast %get3A_2381 : i32 to index
      %get3A_2383 = arith.constant 48 : index
      %get3A_2384 = tpu.vector_load %arg6[%get3A_2382, %get3A_2383] {strides = array<i32>} : memref<112x64xf32, #tpu.memory_space<vmem>>, vector<1x16xf32>,
      %get3A_2385 = vector.shape_cast %get3A_2384 : vector<1x16xf32> to vector<16xf32>
      %get3A_2386 = arith.constant 94 : i32
      %get3A_2387 = arith.index_cast %get3A_2386 : i32 to index
      %get3A_2388 = arith.constant 48 : index
      %get3A_2389 = tpu.vector_load %arg6[%get3A_2387, %get3A_2388] {strides = array<i32>} : memref<112x64xf32, #tpu.memory_space<vmem>>, vector<1x16xf32>,
      %get3A_2390 = vector.shape_cast %get3A_2389 : vector<1x16xf32> to vector<16xf32>
      %get3A_2391 = arith.constant 95 : i32
      %get3A_2392 = arith.index_cast %get3A_2391 : i32 to index
      %get3A_2393 = arith.constant 48 : index
      %get3A_2394 = tpu.vector_load %arg6[%get3A_2392, %get3A_2393] {strides = array<i32>} : memref<112x64xf32, #tpu.memory_space<vmem>>, vector<1x16xf32>,
      %get3A_2395 = vector.shape_cast %get3A_2394 : vector<1x16xf32> to vector<16xf32>
      %get3A_2396 = arith.constant 96 : i32
      %get3A_2397 = arith.index_cast %get3A_2396 : i32 to index
      %get3A_2398 = arith.constant 48 : index
      %get3A_2399 = tpu.vector_load %arg6[%get3A_2397, %get3A_2398] {strides = array<i32>} : memref<112x64xf32, #tpu.memory_space<vmem>>, vector<1x16xf32>,
      %get3A_2400 = vector.shape_cast %get3A_2399 : vector<1x16xf32> to vector<16xf32>
      %get3A_2401 = arith.constant 97 : i32
      %get3A_2402 = arith.index_cast %get3A_2401 : i32 to index
      %get3A_2403 = arith.constant 48 : index
      %get3A_2404 = tpu.vector_load %arg6[%get3A_2402, %get3A_2403] {strides = array<i32>} : memref<112x64xf32, #tpu.memory_space<vmem>>, vector<1x16xf32>,
      %get3A_2405 = vector.shape_cast %get3A_2404 : vector<1x16xf32> to vector<16xf32>
      %get3A_2406 = arith.constant 98 : i32
      %get3A_2407 = arith.index_cast %get3A_2406 : i32 to index
      %get3A_2408 = arith.constant 48 : index
      %get3A_2409 = tpu.vector_load %arg6[%get3A_2407, %get3A_2408] {strides = array<i32>} : memref<112x64xf32, #tpu.memory_space<vmem>>, vector<1x16xf32>,
      %get3A_2410 = vector.shape_cast %get3A_2409 : vector<1x16xf32> to vector<16xf32>
      %get3A_2411 = arith.constant 99 : i32
      %get3A_2412 = arith.index_cast %get3A_2411 : i32 to index
      %get3A_2413 = arith.constant 48 : index
      %get3A_2414 = tpu.vector_load %arg6[%get3A_2412, %get3A_2413] {strides = array<i32>} : memref<112x64xf32, #tpu.memory_space<vmem>>, vector<1x16xf32>,
      %get3A_2415 = vector.shape_cast %get3A_2414 : vector<1x16xf32> to vector<16xf32>
      %get3A_2416 = arith.constant 100 : i32
      %get3A_2417 = arith.index_cast %get3A_2416 : i32 to index
      %get3A_2418 = arith.constant 48 : index
      %get3A_2419 = tpu.vector_load %arg6[%get3A_2417, %get3A_2418] {strides = array<i32>} : memref<112x64xf32, #tpu.memory_space<vmem>>, vector<1x16xf32>,
      %get3A_2420 = vector.shape_cast %get3A_2419 : vector<1x16xf32> to vector<16xf32>
      %get3A_2421 = arith.constant 101 : i32
      %get3A_2422 = arith.index_cast %get3A_2421 : i32 to index
      %get3A_2423 = arith.constant 48 : index
      %get3A_2424 = tpu.vector_load %arg6[%get3A_2422, %get3A_2423] {strides = array<i32>} : memref<112x64xf32, #tpu.memory_space<vmem>>, vector<1x16xf32>,
      %get3A_2425 = vector.shape_cast %get3A_2424 : vector<1x16xf32> to vector<16xf32>
      %get3A_2426 = arith.constant 102 : i32
      %get3A_2427 = arith.index_cast %get3A_2426 : i32 to index
      %get3A_2428 = arith.constant 48 : index
      %get3A_2429 = tpu.vector_load %arg6[%get3A_2427, %get3A_2428] {strides = array<i32>} : memref<112x64xf32, #tpu.memory_space<vmem>>, vector<1x16xf32>,
      %get3A_2430 = vector.shape_cast %get3A_2429 : vector<1x16xf32> to vector<16xf32>
      %get3A_2431 = arith.constant 103 : i32
      %get3A_2432 = arith.index_cast %get3A_2431 : i32 to index
      %get3A_2433 = arith.constant 48 : index
      %get3A_2434 = tpu.vector_load %arg6[%get3A_2432, %get3A_2433] {strides = array<i32>} : memref<112x64xf32, #tpu.memory_space<vmem>>, vector<1x16xf32>,
      %get3A_2435 = vector.shape_cast %get3A_2434 : vector<1x16xf32> to vector<16xf32>
      %get3A_2436 = arith.constant 104 : i32
      %get3A_2437 = arith.index_cast %get3A_2436 : i32 to index
      %get3A_2438 = arith.constant 48 : index
      %get3A_2439 = tpu.vector_load %arg6[%get3A_2437, %get3A_2438] {strides = array<i32>} : memref<112x64xf32, #tpu.memory_space<vmem>>, vector<1x16xf32>,
      %get3A_2440 = vector.shape_cast %get3A_2439 : vector<1x16xf32> to vector<16xf32>
      %get3A_2441 = arith.constant 105 : i32
      %get3A_2442 = arith.index_cast %get3A_2441 : i32 to index
      %get3A_2443 = arith.constant 48 : index
      %get3A_2444 = tpu.vector_load %arg6[%get3A_2442, %get3A_2443] {strides = array<i32>} : memref<112x64xf32, #tpu.memory_space<vmem>>, vector<1x16xf32>,
      %get3A_2445 = vector.shape_cast %get3A_2444 : vector<1x16xf32> to vector<16xf32>
      %add3A_2446 = arith.addf %get3A_2200, %get3A_2205 : vector<16xf32>
      %add3A_2447 = arith.addf %get3A_2210, %get3A_2215 : vector<16xf32>
      %add3A_2448 = arith.addf %get3A_2220, %get3A_2225 : vector<16xf32>
      %add3A_2449 = arith.addf %get3A_2230, %get3A_2235 : vector<16xf32>
      %add3A_2450 = arith.addf %get3A_2240, %get3A_2245 : vector<16xf32>
      %add3A_2451 = arith.addf %get3A_2250, %get3A_2255 : vector<16xf32>
      %add3A_2452 = arith.addf %get3A_2260, %get3A_2265 : vector<16xf32>
      %add3A_2453 = arith.addf %get3A_2270, %get3A_2275 : vector<16xf32>
      %add3A_2454 = arith.addf %get3A_2280, %get3A_2285 : vector<16xf32>
      %add3A_2455 = arith.addf %get3A_2290, %get3A_2295 : vector<16xf32>
      %add3A_2456 = arith.addf %get3A_2300, %get3A_2305 : vector<16xf32>
      %add3A_2457 = arith.addf %get3A_2310, %get3A_2315 : vector<16xf32>
      %add3A_2458 = arith.addf %get3A_2320, %get3A_2325 : vector<16xf32>
      %add3A_2459 = arith.addf %get3A_2330, %get3A_2335 : vector<16xf32>
      %add3A_2460 = arith.addf %get3A_2340, %get3A_2345 : vector<16xf32>
      %add3A_2461 = arith.addf %get3A_2350, %get3A_2355 : vector<16xf32>
      %add3A_2462 = arith.addf %get3A_2360, %get3A_2365 : vector<16xf32>
      %add3A_2463 = arith.addf %get3A_2370, %get3A_2375 : vector<16xf32>
      %add3A_2464 = arith.addf %get3A_2380, %get3A_2385 : vector<16xf32>
      %add3A_2465 = arith.addf %get3A_2390, %get3A_2395 : vector<16xf32>
      %add3A_2466 = arith.addf %get3A_2400, %get3A_2405 : vector<16xf32>
      %add3A_2467 = arith.addf %get3A_2410, %get3A_2415 : vector<16xf32>
      %add3A_2468 = arith.addf %get3A_2420, %get3A_2425 : vector<16xf32>
      %add3A_2469 = arith.addf %get3A_2430, %get3A_2435 : vector<16xf32>
      %add3A_2470 = arith.addf %get3A_2440, %get3A_2445 : vector<16xf32>
      %add3A_2471 = arith.addf %add3A_2446, %add3A_2447 : vector<16xf32>
      %add3A_2472 = arith.addf %add3A_2448, %add3A_2449 : vector<16xf32>
      %add3A_2473 = arith.addf %add3A_2450, %add3A_2451 : vector<16xf32>
      %add3A_2474 = arith.addf %add3A_2452, %add3A_2453 : vector<16xf32>
      %add3A_2475 = arith.addf %add3A_2454, %add3A_2455 : vector<16xf32>
      %add3A_2476 = arith.addf %add3A_2456, %add3A_2457 : vector<16xf32>
      %add3A_2477 = arith.addf %add3A_2458, %add3A_2459 : vector<16xf32>
      %add3A_2478 = arith.addf %add3A_2460, %add3A_2461 : vector<16xf32>
      %add3A_2479 = arith.addf %add3A_2462, %add3A_2463 : vector<16xf32>
      %add3A_2480 = arith.addf %add3A_2464, %add3A_2465 : vector<16xf32>
      %add3A_2481 = arith.addf %add3A_2466, %add3A_2467 : vector<16xf32>
      %add3A_2482 = arith.addf %add3A_2468, %add3A_2469 : vector<16xf32>
      %add3A_2483 = arith.addf %add3A_2471, %add3A_2472 : vector<16xf32>
      %add3A_2484 = arith.addf %add3A_2473, %add3A_2474 : vector<16xf32>
      %add3A_2485 = arith.addf %add3A_2475, %add3A_2476 : vector<16xf32>
      %add3A_2486 = arith.addf %add3A_2477, %add3A_2478 : vector<16xf32>
      %add3A_2487 = arith.addf %add3A_2479, %add3A_2480 : vector<16xf32>
      %add3A_2488 = arith.addf %add3A_2481, %add3A_2482 : vector<16xf32>
      %add3A_2489 = arith.addf %add3A_2483, %add3A_2484 : vector<16xf32>
      %add3A_2490 = arith.addf %add3A_2485, %add3A_2486 : vector<16xf32>
      %add3A_2491 = arith.addf %add3A_2487, %add3A_2488 : vector<16xf32>
      %add3A_2492 = arith.addf %add3A_2489, %add3A_2490 : vector<16xf32>
      %add3A_2493 = arith.addf %add3A_2491, %add3A_2470 : vector<16xf32>
      %add3A_2494 = arith.addf %add3A_2492, %add3A_2493 : vector<16xf32>
      %add3A_2495 = arith.constant 1 : i32
      %add3A_2496 = arith.addi %mul3A_34, %add3A_2495 : i32
      %mul3A_2497 = arith.constant 64 : i32
      %mul3A_2498 = arith.muli %add3A_2496, %mul3A_2497 : i32
      %add3A_2499 = arith.constant 48 : i32
      %add3A_2500 = arith.addi %mul3A_2498, %add3A_2499 : i32
      %swap3A_2501 = arith.index_cast %add3A_2500 : i32 to index
      %swap3A_2502 = tpu.vector_load %arg8[%swap3A_2501] {strides = array<i32>} : memref<8192xf32, #tpu.memory_space<vmem>>, vector<16xf32>,
      %swap3A_2503 = vector.shape_cast %swap3A_2502 : vector<16xf32> to vector<16xf32>
      %swap3A_2504 = vector.shape_cast %add3A_2494 : vector<16xf32> to vector<16xf32>
      tpu.vector_store %arg8[%swap3A_2501], %swap3A_2504 {strides = array<i32>} : memref<8192xf32, #tpu.memory_space<vmem>>, vector<16xf32>,
      %lt3A = arith.constant 127 : i32
      %lt3A_2505 = arith.cmpi slt, %scan3A_15, %lt3A : i32
      %convert_element_type3A = arith.extui %lt3A_2505 : i1 to i32
      %cond3A = arith.constant 0 : i32
      %cond3A_2506 = arith.cmpi ne, %convert_element_type3A, %cond3A : i32
      scf.if %cond3A_2506 {
        %add3A_4996 = arith.constant 2 : i32
        %add3A_4997 = arith.addi %mul3A_18, %add3A_4996 : i32
        %mul3A_4998 = arith.constant 112 : i32
        %mul3A_4999 = arith.muli %add3A_4997, %mul3A_4998 : i32
        %dma_start3A_5000 = tpu.memref_slice %arg5[%mul3A_4999] : memref<28672xi32, #tpu.memory_space<vmem>> -> memref<112xi32, #tpu.memory_space<vmem>>
        %dma_start3A_5001 = arith.constant 0 : i32
        %dma_start3A_5002 = arith.constant 0 : i32
        %dma_start3A_5003 = tpu.memref_slice %arg3[%dma_start3A_5001, %dma_start3A_5002] : memref<1000000x64xf32, #tpu.memory_space<hbm>> -> memref<1000000x64xf32, #tpu.memory_space<hbm>>
        tpu.enqueue_indirect_dma source(%dma_start3A_5003 : memref<1000000x64xf32, #tpu.memory_space<hbm>>) target(%arg6 : memref<112x64xf32, #tpu.memory_space<vmem>>) offsets(%dma_start3A_5000 : memref<112xi32, #tpu.memory_space<vmem>>) semaphore(%arg9 : memref<!tpu.dma_semaphore, #tpu.memory_space<semaphore_mem>>)
      } else {
      }
      %add3A_2507 = arith.constant 1 : i32
      %add3A_2508 = arith.addi %mul3A_18, %add3A_2507 : i32
      %mul3A_2509 = arith.constant 112 : i32
      %mul3A_2510 = arith.muli %add3A_2508, %mul3A_2509 : i32
      %dma_wait3A_2511 = tpu.memref_slice %arg5[%mul3A_2510] : memref<28672xi32, #tpu.memory_space<vmem>> -> memref<112xi32, #tpu.memory_space<vmem>>
      %dma_wait3A_2512 = arith.constant 0 : i32
      %dma_wait3A_2513 = arith.constant 0 : i32
      %dma_wait3A_2514 = tpu.memref_slice %arg3[%dma_wait3A_2512, %dma_wait3A_2513] : memref<1000000x64xf32, #tpu.memory_space<hbm>> -> memref<1000000x64xf32, #tpu.memory_space<hbm>>
      tpu.wait_indirect_dma semaphore(%arg10 : memref<!tpu.dma_semaphore, #tpu.memory_space<semaphore_mem>>) src(%dma_wait3A_2514 : memref<1000000x64xf32, #tpu.memory_space<hbm>>) dst(%arg7 : memref<112x64xf32, #tpu.memory_space<vmem>>)
      %add3A_2515 = arith.constant 2 : i32
      %add3A_2516 = arith.addi %mul3A_34, %add3A_2515 : i32
      %get3A_2517 = arith.constant 0 : i32
      %get3A_2518 = arith.index_cast %get3A_2517 : i32 to index
      %get3A_2519 = arith.constant 0 : index
      %get3A_2520 = tpu.vector_load %arg7[%get3A_2518, %get3A_2519] {strides = array<i32>} : memref<112x64xf32, #tpu.memory_space<vmem>>, vector<1x16xf32>,
      %get3A_2521 = vector.shape_cast %get3A_2520 : vector<1x16xf32> to vector<16xf32>
      %get3A_2522 = arith.constant 1 : i32
      %get3A_2523 = arith.index_cast %get3A_2522 : i32 to index
      %get3A_2524 = arith.constant 0 : index
      %get3A_2525 = tpu.vector_load %arg7[%get3A_2523, %get3A_2524] {strides = array<i32>} : memref<112x64xf32, #tpu.memory_space<vmem>>, vector<1x16xf32>,
      %get3A_2526 = vector.shape_cast %get3A_2525 : vector<1x16xf32> to vector<16xf32>
      %get3A_2527 = arith.constant 2 : i32
      %get3A_2528 = arith.index_cast %get3A_2527 : i32 to index
      %get3A_2529 = arith.constant 0 : index
      %get3A_2530 = tpu.vector_load %arg7[%get3A_2528, %get3A_2529] {strides = array<i32>} : memref<112x64xf32, #tpu.memory_space<vmem>>, vector<1x16xf32>,
      %get3A_2531 = vector.shape_cast %get3A_2530 : vector<1x16xf32> to vector<16xf32>
      %get3A_2532 = arith.constant 3 : i32
      %get3A_2533 = arith.index_cast %get3A_2532 : i32 to index
      %get3A_2534 = arith.constant 0 : index
      %get3A_2535 = tpu.vector_load %arg7[%get3A_2533, %get3A_2534] {strides = array<i32>} : memref<112x64xf32, #tpu.memory_space<vmem>>, vector<1x16xf32>,
      %get3A_2536 = vector.shape_cast %get3A_2535 : vector<1x16xf32> to vector<16xf32>
      %get3A_2537 = arith.constant 4 : i32
      %get3A_2538 = arith.index_cast %get3A_2537 : i32 to index
      %get3A_2539 = arith.constant 0 : index
      %get3A_2540 = tpu.vector_load %arg7[%get3A_2538, %get3A_2539] {strides = array<i32>} : memref<112x64xf32, #tpu.memory_space<vmem>>, vector<1x16xf32>,
      %get3A_2541 = vector.shape_cast %get3A_2540 : vector<1x16xf32> to vector<16xf32>
      %get3A_2542 = arith.constant 5 : i32
      %get3A_2543 = arith.index_cast %get3A_2542 : i32 to index
      %get3A_2544 = arith.constant 0 : index
      %get3A_2545 = tpu.vector_load %arg7[%get3A_2543, %get3A_2544] {strides = array<i32>} : memref<112x64xf32, #tpu.memory_space<vmem>>, vector<1x16xf32>,
      %get3A_2546 = vector.shape_cast %get3A_2545 : vector<1x16xf32> to vector<16xf32>
      %get3A_2547 = arith.constant 6 : i32
      %get3A_2548 = arith.index_cast %get3A_2547 : i32 to index
      %get3A_2549 = arith.constant 0 : index
      %get3A_2550 = tpu.vector_load %arg7[%get3A_2548, %get3A_2549] {strides = array<i32>} : memref<112x64xf32, #tpu.memory_space<vmem>>, vector<1x16xf32>,
      %get3A_2551 = vector.shape_cast %get3A_2550 : vector<1x16xf32> to vector<16xf32>
      %get3A_2552 = arith.constant 7 : i32
      %get3A_2553 = arith.index_cast %get3A_2552 : i32 to index
      %get3A_2554 = arith.constant 0 : index
      %get3A_2555 = tpu.vector_load %arg7[%get3A_2553, %get3A_2554] {strides = array<i32>} : memref<112x64xf32, #tpu.memory_space<vmem>>, vector<1x16xf32>,
      %get3A_2556 = vector.shape_cast %get3A_2555 : vector<1x16xf32> to vector<16xf32>
      %get3A_2557 = arith.constant 8 : i32
      %get3A_2558 = arith.index_cast %get3A_2557 : i32 to index
      %get3A_2559 = arith.constant 0 : index
      %get3A_2560 = tpu.vector_load %arg7[%get3A_2558, %get3A_2559] {strides = array<i32>} : memref<112x64xf32, #tpu.memory_space<vmem>>, vector<1x16xf32>,
      %get3A_2561 = vector.shape_cast %get3A_2560 : vector<1x16xf32> to vector<16xf32>
      %get3A_2562 = arith.constant 9 : i32
      %get3A_2563 = arith.index_cast %get3A_2562 : i32 to index
      %get3A_2564 = arith.constant 0 : index
      %get3A_2565 = tpu.vector_load %arg7[%get3A_2563, %get3A_2564] {strides = array<i32>} : memref<112x64xf32, #tpu.memory_space<vmem>>, vector<1x16xf32>,
      %get3A_2566 = vector.shape_cast %get3A_2565 : vector<1x16xf32> to vector<16xf32>
      %get3A_2567 = arith.constant 10 : i32
      %get3A_2568 = arith.index_cast %get3A_2567 : i32 to index
      %get3A_2569 = arith.constant 0 : index
      %get3A_2570 = tpu.vector_load %arg7[%get3A_2568, %get3A_2569] {strides = array<i32>} : memref<112x64xf32, #tpu.memory_space<vmem>>, vector<1x16xf32>,
      %get3A_2571 = vector.shape_cast %get3A_2570 : vector<1x16xf32> to vector<16xf32>
      %get3A_2572 = arith.constant 11 : i32
      %get3A_2573 = arith.index_cast %get3A_2572 : i32 to index
      %get3A_2574 = arith.constant 0 : index
      %get3A_2575 = tpu.vector_load %arg7[%get3A_2573, %get3A_2574] {strides = array<i32>} : memref<112x64xf32, #tpu.memory_space<vmem>>, vector<1x16xf32>,
      %get3A_2576 = vector.shape_cast %get3A_2575 : vector<1x16xf32> to vector<16xf32>
      %get3A_2577 = arith.constant 12 : i32
      %get3A_2578 = arith.index_cast %get3A_2577 : i32 to index
      %get3A_2579 = arith.constant 0 : index
      %get3A_2580 = tpu.vector_load %arg7[%get3A_2578, %get3A_2579] {strides = array<i32>} : memref<112x64xf32, #tpu.memory_space<vmem>>, vector<1x16xf32>,
      %get3A_2581 = vector.shape_cast %get3A_2580 : vector<1x16xf32> to vector<16xf32>
      %get3A_2582 = arith.constant 13 : i32
      %get3A_2583 = arith.index_cast %get3A_2582 : i32 to index
      %get3A_2584 = arith.constant 0 : index
      %get3A_2585 = tpu.vector_load %arg7[%get3A_2583, %get3A_2584] {strides = array<i32>} : memref<112x64xf32, #tpu.memory_space<vmem>>, vector<1x16xf32>,
      %get3A_2586 = vector.shape_cast %get3A_2585 : vector<1x16xf32> to vector<16xf32>
      %get3A_2587 = arith.constant 14 : i32
      %get3A_2588 = arith.index_cast %get3A_2587 : i32 to index
      %get3A_2589 = arith.constant 0 : index
      %get3A_2590 = tpu.vector_load %arg7[%get3A_2588, %get3A_2589] {strides = array<i32>} : memref<112x64xf32, #tpu.memory_space<vmem>>, vector<1x16xf32>,
      %get3A_2591 = vector.shape_cast %get3A_2590 : vector<1x16xf32> to vector<16xf32>
      %get3A_2592 = arith.constant 15 : i32
      %get3A_2593 = arith.index_cast %get3A_2592 : i32 to index
      %get3A_2594 = arith.constant 0 : index
      %get3A_2595 = tpu.vector_load %arg7[%get3A_2593, %get3A_2594] {strides = array<i32>} : memref<112x64xf32, #tpu.memory_space<vmem>>, vector<1x16xf32>,
      %get3A_2596 = vector.shape_cast %get3A_2595 : vector<1x16xf32> to vector<16xf32>
      %get3A_2597 = arith.constant 16 : i32
      %get3A_2598 = arith.index_cast %get3A_2597 : i32 to index
      %get3A_2599 = arith.constant 0 : index
      %get3A_2600 = tpu.vector_load %arg7[%get3A_2598, %get3A_2599] {strides = array<i32>} : memref<112x64xf32, #tpu.memory_space<vmem>>, vector<1x16xf32>,
      %get3A_2601 = vector.shape_cast %get3A_2600 : vector<1x16xf32> to vector<16xf32>
      %get3A_2602 = arith.constant 17 : i32
      %get3A_2603 = arith.index_cast %get3A_2602 : i32 to index
      %get3A_2604 = arith.constant 0 : index
      %get3A_2605 = tpu.vector_load %arg7[%get3A_2603, %get3A_2604] {strides = array<i32>} : memref<112x64xf32, #tpu.memory_space<vmem>>, vector<1x16xf32>,
      %get3A_2606 = vector.shape_cast %get3A_2605 : vector<1x16xf32> to vector<16xf32>
      %get3A_2607 = arith.constant 18 : i32
      %get3A_2608 = arith.index_cast %get3A_2607 : i32 to index
      %get3A_2609 = arith.constant 0 : index
      %get3A_2610 = tpu.vector_load %arg7[%get3A_2608, %get3A_2609] {strides = array<i32>} : memref<112x64xf32, #tpu.memory_space<vmem>>, vector<1x16xf32>,
      %get3A_2611 = vector.shape_cast %get3A_2610 : vector<1x16xf32> to vector<16xf32>
      %get3A_2612 = arith.constant 19 : i32
      %get3A_2613 = arith.index_cast %get3A_2612 : i32 to index
      %get3A_2614 = arith.constant 0 : index
      %get3A_2615 = tpu.vector_load %arg7[%get3A_2613, %get3A_2614] {strides = array<i32>} : memref<112x64xf32, #tpu.memory_space<vmem>>, vector<1x16xf32>,
      %get3A_2616 = vector.shape_cast %get3A_2615 : vector<1x16xf32> to vector<16xf32>
      %get3A_2617 = arith.constant 20 : i32
      %get3A_2618 = arith.index_cast %get3A_2617 : i32 to index
      %get3A_2619 = arith.constant 0 : index
      %get3A_2620 = tpu.vector_load %arg7[%get3A_2618, %get3A_2619] {strides = array<i32>} : memref<112x64xf32, #tpu.memory_space<vmem>>, vector<1x16xf32>,
      %get3A_2621 = vector.shape_cast %get3A_2620 : vector<1x16xf32> to vector<16xf32>
      %get3A_2622 = arith.constant 21 : i32
      %get3A_2623 = arith.index_cast %get3A_2622 : i32 to index
      %get3A_2624 = arith.constant 0 : index
      %get3A_2625 = tpu.vector_load %arg7[%get3A_2623, %get3A_2624] {strides = array<i32>} : memref<112x64xf32, #tpu.memory_space<vmem>>, vector<1x16xf32>,
      %get3A_2626 = vector.shape_cast %get3A_2625 : vector<1x16xf32> to vector<16xf32>
      %get3A_2627 = arith.constant 22 : i32
      %get3A_2628 = arith.index_cast %get3A_2627 : i32 to index
      %get3A_2629 = arith.constant 0 : index
      %get3A_2630 = tpu.vector_load %arg7[%get3A_2628, %get3A_2629] {strides = array<i32>} : memref<112x64xf32, #tpu.memory_space<vmem>>, vector<1x16xf32>,
      %get3A_2631 = vector.shape_cast %get3A_2630 : vector<1x16xf32> to vector<16xf32>
      %get3A_2632 = arith.constant 23 : i32
      %get3A_2633 = arith.index_cast %get3A_2632 : i32 to index
      %get3A_2634 = arith.constant 0 : index
      %get3A_2635 = tpu.vector_load %arg7[%get3A_2633, %get3A_2634] {strides = array<i32>} : memref<112x64xf32, #tpu.memory_space<vmem>>, vector<1x16xf32>,
      %get3A_2636 = vector.shape_cast %get3A_2635 : vector<1x16xf32> to vector<16xf32>
      %get3A_2637 = arith.constant 24 : i32
      %get3A_2638 = arith.index_cast %get3A_2637 : i32 to index
      %get3A_2639 = arith.constant 0 : index
      %get3A_2640 = tpu.vector_load %arg7[%get3A_2638, %get3A_2639] {strides = array<i32>} : memref<112x64xf32, #tpu.memory_space<vmem>>, vector<1x16xf32>,
      %get3A_2641 = vector.shape_cast %get3A_2640 : vector<1x16xf32> to vector<16xf32>
      %get3A_2642 = arith.constant 25 : i32
      %get3A_2643 = arith.index_cast %get3A_2642 : i32 to index
      %get3A_2644 = arith.constant 0 : index
      %get3A_2645 = tpu.vector_load %arg7[%get3A_2643, %get3A_2644] {strides = array<i32>} : memref<112x64xf32, #tpu.memory_space<vmem>>, vector<1x16xf32>,
      %get3A_2646 = vector.shape_cast %get3A_2645 : vector<1x16xf32> to vector<16xf32>
      %get3A_2647 = arith.constant 26 : i32
      %get3A_2648 = arith.index_cast %get3A_2647 : i32 to index
      %get3A_2649 = arith.constant 0 : index
      %get3A_2650 = tpu.vector_load %arg7[%get3A_2648, %get3A_2649] {strides = array<i32>} : memref<112x64xf32, #tpu.memory_space<vmem>>, vector<1x16xf32>,
      %get3A_2651 = vector.shape_cast %get3A_2650 : vector<1x16xf32> to vector<16xf32>
      %get3A_2652 = arith.constant 27 : i32
      %get3A_2653 = arith.index_cast %get3A_2652 : i32 to index
      %get3A_2654 = arith.constant 0 : index
      %get3A_2655 = tpu.vector_load %arg7[%get3A_2653, %get3A_2654] {strides = array<i32>} : memref<112x64xf32, #tpu.memory_space<vmem>>, vector<1x16xf32>,
      %get3A_2656 = vector.shape_cast %get3A_2655 : vector<1x16xf32> to vector<16xf32>
      %get3A_2657 = arith.constant 28 : i32
      %get3A_2658 = arith.index_cast %get3A_2657 : i32 to index
      %get3A_2659 = arith.constant 0 : index
      %get3A_2660 = tpu.vector_load %arg7[%get3A_2658, %get3A_2659] {strides = array<i32>} : memref<112x64xf32, #tpu.memory_space<vmem>>, vector<1x16xf32>,
      %get3A_2661 = vector.shape_cast %get3A_2660 : vector<1x16xf32> to vector<16xf32>
      %get3A_2662 = arith.constant 29 : i32
      %get3A_2663 = arith.index_cast %get3A_2662 : i32 to index
      %get3A_2664 = arith.constant 0 : index
      %get3A_2665 = tpu.vector_load %arg7[%get3A_2663, %get3A_2664] {strides = array<i32>} : memref<112x64xf32, #tpu.memory_space<vmem>>, vector<1x16xf32>,
      %get3A_2666 = vector.shape_cast %get3A_2665 : vector<1x16xf32> to vector<16xf32>
      %get3A_2667 = arith.constant 30 : i32
      %get3A_2668 = arith.index_cast %get3A_2667 : i32 to index
      %get3A_2669 = arith.constant 0 : index
      %get3A_2670 = tpu.vector_load %arg7[%get3A_2668, %get3A_2669] {strides = array<i32>} : memref<112x64xf32, #tpu.memory_space<vmem>>, vector<1x16xf32>,
      %get3A_2671 = vector.shape_cast %get3A_2670 : vector<1x16xf32> to vector<16xf32>
      %get3A_2672 = arith.constant 31 : i32
      %get3A_2673 = arith.index_cast %get3A_2672 : i32 to index
      %get3A_2674 = arith.constant 0 : index
      %get3A_2675 = tpu.vector_load %arg7[%get3A_2673, %get3A_2674] {strides = array<i32>} : memref<112x64xf32, #tpu.memory_space<vmem>>, vector<1x16xf32>,
      %get3A_2676 = vector.shape_cast %get3A_2675 : vector<1x16xf32> to vector<16xf32>
      %get3A_2677 = arith.constant 32 : i32
      %get3A_2678 = arith.index_cast %get3A_2677 : i32 to index
      %get3A_2679 = arith.constant 0 : index
      %get3A_2680 = tpu.vector_load %arg7[%get3A_2678, %get3A_2679] {strides = array<i32>} : memref<112x64xf32, #tpu.memory_space<vmem>>, vector<1x16xf32>,
      %get3A_2681 = vector.shape_cast %get3A_2680 : vector<1x16xf32> to vector<16xf32>
      %get3A_2682 = arith.constant 33 : i32
      %get3A_2683 = arith.index_cast %get3A_2682 : i32 to index
      %get3A_2684 = arith.constant 0 : index
      %get3A_2685 = tpu.vector_load %arg7[%get3A_2683, %get3A_2684] {strides = array<i32>} : memref<112x64xf32, #tpu.memory_space<vmem>>, vector<1x16xf32>,
      %get3A_2686 = vector.shape_cast %get3A_2685 : vector<1x16xf32> to vector<16xf32>
      %get3A_2687 = arith.constant 34 : i32
      %get3A_2688 = arith.index_cast %get3A_2687 : i32 to index
      %get3A_2689 = arith.constant 0 : index
      %get3A_2690 = tpu.vector_load %arg7[%get3A_2688, %get3A_2689] {strides = array<i32>} : memref<112x64xf32, #tpu.memory_space<vmem>>, vector<1x16xf32>,
      %get3A_2691 = vector.shape_cast %get3A_2690 : vector<1x16xf32> to vector<16xf32>
      %get3A_2692 = arith.constant 35 : i32
      %get3A_2693 = arith.index_cast %get3A_2692 : i32 to index
      %get3A_2694 = arith.constant 0 : index
      %get3A_2695 = tpu.vector_load %arg7[%get3A_2693, %get3A_2694] {strides = array<i32>} : memref<112x64xf32, #tpu.memory_space<vmem>>, vector<1x16xf32>,
      %get3A_2696 = vector.shape_cast %get3A_2695 : vector<1x16xf32> to vector<16xf32>
      %get3A_2697 = arith.constant 36 : i32
      %get3A_2698 = arith.index_cast %get3A_2697 : i32 to index
      %get3A_2699 = arith.constant 0 : index
      %get3A_2700 = tpu.vector_load %arg7[%get3A_2698, %get3A_2699] {strides = array<i32>} : memref<112x64xf32, #tpu.memory_space<vmem>>, vector<1x16xf32>,
      %get3A_2701 = vector.shape_cast %get3A_2700 : vector<1x16xf32> to vector<16xf32>
      %get3A_2702 = arith.constant 37 : i32
      %get3A_2703 = arith.index_cast %get3A_2702 : i32 to index
      %get3A_2704 = arith.constant 0 : index
      %get3A_2705 = tpu.vector_load %arg7[%get3A_2703, %get3A_2704] {strides = array<i32>} : memref<112x64xf32, #tpu.memory_space<vmem>>, vector<1x16xf32>,
      %get3A_2706 = vector.shape_cast %get3A_2705 : vector<1x16xf32> to vector<16xf32>
      %get3A_2707 = arith.constant 38 : i32
      %get3A_2708 = arith.index_cast %get3A_2707 : i32 to index
      %get3A_2709 = arith.constant 0 : index
      %get3A_2710 = tpu.vector_load %arg7[%get3A_2708, %get3A_2709] {strides = array<i32>} : memref<112x64xf32, #tpu.memory_space<vmem>>, vector<1x16xf32>,
      %get3A_2711 = vector.shape_cast %get3A_2710 : vector<1x16xf32> to vector<16xf32>
      %get3A_2712 = arith.constant 39 : i32
      %get3A_2713 = arith.index_cast %get3A_2712 : i32 to index
      %get3A_2714 = arith.constant 0 : index
      %get3A_2715 = tpu.vector_load %arg7[%get3A_2713, %get3A_2714] {strides = array<i32>} : memref<112x64xf32, #tpu.memory_space<vmem>>, vector<1x16xf32>,
      %get3A_2716 = vector.shape_cast %get3A_2715 : vector<1x16xf32> to vector<16xf32>
      %get3A_2717 = arith.constant 40 : i32
      %get3A_2718 = arith.index_cast %get3A_2717 : i32 to index
      %get3A_2719 = arith.constant 0 : index
      %get3A_2720 = tpu.vector_load %arg7[%get3A_2718, %get3A_2719] {strides = array<i32>} : memref<112x64xf32, #tpu.memory_space<vmem>>, vector<1x16xf32>,
      %get3A_2721 = vector.shape_cast %get3A_2720 : vector<1x16xf32> to vector<16xf32>
      %get3A_2722 = arith.constant 41 : i32
      %get3A_2723 = arith.index_cast %get3A_2722 : i32 to index
      %get3A_2724 = arith.constant 0 : index
      %get3A_2725 = tpu.vector_load %arg7[%get3A_2723, %get3A_2724] {strides = array<i32>} : memref<112x64xf32, #tpu.memory_space<vmem>>, vector<1x16xf32>,
      %get3A_2726 = vector.shape_cast %get3A_2725 : vector<1x16xf32> to vector<16xf32>
      %get3A_2727 = arith.constant 42 : i32
      %get3A_2728 = arith.index_cast %get3A_2727 : i32 to index
      %get3A_2729 = arith.constant 0 : index
      %get3A_2730 = tpu.vector_load %arg7[%get3A_2728, %get3A_2729] {strides = array<i32>} : memref<112x64xf32, #tpu.memory_space<vmem>>, vector<1x16xf32>,
      %get3A_2731 = vector.shape_cast %get3A_2730 : vector<1x16xf32> to vector<16xf32>
      %get3A_2732 = arith.constant 43 : i32
      %get3A_2733 = arith.index_cast %get3A_2732 : i32 to index
      %get3A_2734 = arith.constant 0 : index
      %get3A_2735 = tpu.vector_load %arg7[%get3A_2733, %get3A_2734] {strides = array<i32>} : memref<112x64xf32, #tpu.memory_space<vmem>>, vector<1x16xf32>,
      %get3A_2736 = vector.shape_cast %get3A_2735 : vector<1x16xf32> to vector<16xf32>
      %get3A_2737 = arith.constant 44 : i32
      %get3A_2738 = arith.index_cast %get3A_2737 : i32 to index
      %get3A_2739 = arith.constant 0 : index
      %get3A_2740 = tpu.vector_load %arg7[%get3A_2738, %get3A_2739] {strides = array<i32>} : memref<112x64xf32, #tpu.memory_space<vmem>>, vector<1x16xf32>,
      %get3A_2741 = vector.shape_cast %get3A_2740 : vector<1x16xf32> to vector<16xf32>
      %get3A_2742 = arith.constant 45 : i32
      %get3A_2743 = arith.index_cast %get3A_2742 : i32 to index
      %get3A_2744 = arith.constant 0 : index
      %get3A_2745 = tpu.vector_load %arg7[%get3A_2743, %get3A_2744] {strides = array<i32>} : memref<112x64xf32, #tpu.memory_space<vmem>>, vector<1x16xf32>,
      %get3A_2746 = vector.shape_cast %get3A_2745 : vector<1x16xf32> to vector<16xf32>
      %get3A_2747 = arith.constant 46 : i32
      %get3A_2748 = arith.index_cast %get3A_2747 : i32 to index
      %get3A_2749 = arith.constant 0 : index
      %get3A_2750 = tpu.vector_load %arg7[%get3A_2748, %get3A_2749] {strides = array<i32>} : memref<112x64xf32, #tpu.memory_space<vmem>>, vector<1x16xf32>,
      %get3A_2751 = vector.shape_cast %get3A_2750 : vector<1x16xf32> to vector<16xf32>
      %get3A_2752 = arith.constant 47 : i32
      %get3A_2753 = arith.index_cast %get3A_2752 : i32 to index
      %get3A_2754 = arith.constant 0 : index
      %get3A_2755 = tpu.vector_load %arg7[%get3A_2753, %get3A_2754] {strides = array<i32>} : memref<112x64xf32, #tpu.memory_space<vmem>>, vector<1x16xf32>,
      %get3A_2756 = vector.shape_cast %get3A_2755 : vector<1x16xf32> to vector<16xf32>
      %get3A_2757 = arith.constant 48 : i32
      %get3A_2758 = arith.index_cast %get3A_2757 : i32 to index
      %get3A_2759 = arith.constant 0 : index
      %get3A_2760 = tpu.vector_load %arg7[%get3A_2758, %get3A_2759] {strides = array<i32>} : memref<112x64xf32, #tpu.memory_space<vmem>>, vector<1x16xf32>,
      %get3A_2761 = vector.shape_cast %get3A_2760 : vector<1x16xf32> to vector<16xf32>
      %get3A_2762 = arith.constant 49 : i32
      %get3A_2763 = arith.index_cast %get3A_2762 : i32 to index
      %get3A_2764 = arith.constant 0 : index
      %get3A_2765 = tpu.vector_load %arg7[%get3A_2763, %get3A_2764] {strides = array<i32>} : memref<112x64xf32, #tpu.memory_space<vmem>>, vector<1x16xf32>,
      %get3A_2766 = vector.shape_cast %get3A_2765 : vector<1x16xf32> to vector<16xf32>
      %add3A_2767 = arith.addf %get3A_2521, %get3A_2526 : vector<16xf32>
      %add3A_2768 = arith.addf %get3A_2531, %get3A_2536 : vector<16xf32>
      %add3A_2769 = arith.addf %get3A_2541, %get3A_2546 : vector<16xf32>
      %add3A_2770 = arith.addf %get3A_2551, %get3A_2556 : vector<16xf32>
      %add3A_2771 = arith.addf %get3A_2561, %get3A_2566 : vector<16xf32>
      %add3A_2772 = arith.addf %get3A_2571, %get3A_2576 : vector<16xf32>
      %add3A_2773 = arith.addf %get3A_2581, %get3A_2586 : vector<16xf32>
      %add3A_2774 = arith.addf %get3A_2591, %get3A_2596 : vector<16xf32>
      %add3A_2775 = arith.addf %get3A_2601, %get3A_2606 : vector<16xf32>
      %add3A_2776 = arith.addf %get3A_2611, %get3A_2616 : vector<16xf32>
      %add3A_2777 = arith.addf %get3A_2621, %get3A_2626 : vector<16xf32>
      %add3A_2778 = arith.addf %get3A_2631, %get3A_2636 : vector<16xf32>
      %add3A_2779 = arith.addf %get3A_2641, %get3A_2646 : vector<16xf32>
      %add3A_2780 = arith.addf %get3A_2651, %get3A_2656 : vector<16xf32>
      %add3A_2781 = arith.addf %get3A_2661, %get3A_2666 : vector<16xf32>
      %add3A_2782 = arith.addf %get3A_2671, %get3A_2676 : vector<16xf32>
      %add3A_2783 = arith.addf %get3A_2681, %get3A_2686 : vector<16xf32>
      %add3A_2784 = arith.addf %get3A_2691, %get3A_2696 : vector<16xf32>
      %add3A_2785 = arith.addf %get3A_2701, %get3A_2706 : vector<16xf32>
      %add3A_2786 = arith.addf %get3A_2711, %get3A_2716 : vector<16xf32>
      %add3A_2787 = arith.addf %get3A_2721, %get3A_2726 : vector<16xf32>
      %add3A_2788 = arith.addf %get3A_2731, %get3A_2736 : vector<16xf32>
      %add3A_2789 = arith.addf %get3A_2741, %get3A_2746 : vector<16xf32>
      %add3A_2790 = arith.addf %get3A_2751, %get3A_2756 : vector<16xf32>
      %add3A_2791 = arith.addf %get3A_2761, %get3A_2766 : vector<16xf32>
      %add3A_2792 = arith.addf %add3A_2767, %add3A_2768 : vector<16xf32>
      %add3A_2793 = arith.addf %add3A_2769, %add3A_2770 : vector<16xf32>
      %add3A_2794 = arith.addf %add3A_2771, %add3A_2772 : vector<16xf32>
      %add3A_2795 = arith.addf %add3A_2773, %add3A_2774 : vector<16xf32>
      %add3A_2796 = arith.addf %add3A_2775, %add3A_2776 : vector<16xf32>
      %add3A_2797 = arith.addf %add3A_2777, %add3A_2778 : vector<16xf32>
      %add3A_2798 = arith.addf %add3A_2779, %add3A_2780 : vector<16xf32>
      %add3A_2799 = arith.addf %add3A_2781, %add3A_2782 : vector<16xf32>
      %add3A_2800 = arith.addf %add3A_2783, %add3A_2784 : vector<16xf32>
      %add3A_2801 = arith.addf %add3A_2785, %add3A_2786 : vector<16xf32>
      %add3A_2802 = arith.addf %add3A_2787, %add3A_2788 : vector<16xf32>
      %add3A_2803 = arith.addf %add3A_2789, %add3A_2790 : vector<16xf32>
      %add3A_2804 = arith.addf %add3A_2792, %add3A_2793 : vector<16xf32>
      %add3A_2805 = arith.addf %add3A_2794, %add3A_2795 : vector<16xf32>
      %add3A_2806 = arith.addf %add3A_2796, %add3A_2797 : vector<16xf32>
      %add3A_2807 = arith.addf %add3A_2798, %add3A_2799 : vector<16xf32>
      %add3A_2808 = arith.addf %add3A_2800, %add3A_2801 : vector<16xf32>
      %add3A_2809 = arith.addf %add3A_2802, %add3A_2803 : vector<16xf32>
      %add3A_2810 = arith.addf %add3A_2804, %add3A_2805 : vector<16xf32>
      %add3A_2811 = arith.addf %add3A_2806, %add3A_2807 : vector<16xf32>
      %add3A_2812 = arith.addf %add3A_2808, %add3A_2809 : vector<16xf32>
      %add3A_2813 = arith.addf %add3A_2810, %add3A_2811 : vector<16xf32>
      %add3A_2814 = arith.addf %add3A_2812, %add3A_2791 : vector<16xf32>
      %add3A_2815 = arith.addf %add3A_2813, %add3A_2814 : vector<16xf32>
      %add3A_2816 = arith.constant 0 : i32
      %add3A_2817 = arith.addi %add3A_2516, %add3A_2816 : i32
      %mul3A_2818 = arith.constant 64 : i32
      %mul3A_2819 = arith.muli %add3A_2817, %mul3A_2818 : i32
      %add3A_2820 = arith.constant 0 : i32
      %add3A_2821 = arith.addi %mul3A_2819, %add3A_2820 : i32
      %swap3A_2822 = arith.index_cast %add3A_2821 : i32 to index
      %swap3A_2823 = tpu.vector_load %arg8[%swap3A_2822] {strides = array<i32>} : memref<8192xf32, #tpu.memory_space<vmem>>, vector<16xf32>,
      %swap3A_2824 = vector.shape_cast %swap3A_2823 : vector<16xf32> to vector<16xf32>
      %swap3A_2825 = vector.shape_cast %add3A_2815 : vector<16xf32> to vector<16xf32>
      tpu.vector_store %arg8[%swap3A_2822], %swap3A_2825 {strides = array<i32>} : memref<8192xf32, #tpu.memory_space<vmem>>, vector<16xf32>,
      %get3A_2826 = arith.constant 0 : i32
      %get3A_2827 = arith.index_cast %get3A_2826 : i32 to index
      %get3A_2828 = arith.constant 16 : index
      %get3A_2829 = tpu.vector_load %arg7[%get3A_2827, %get3A_2828] {strides = array<i32>} : memref<112x64xf32, #tpu.memory_space<vmem>>, vector<1x16xf32>,
      %get3A_2830 = vector.shape_cast %get3A_2829 : vector<1x16xf32> to vector<16xf32>
      %get3A_2831 = arith.constant 1 : i32
      %get3A_2832 = arith.index_cast %get3A_2831 : i32 to index
      %get3A_2833 = arith.constant 16 : index
      %get3A_2834 = tpu.vector_load %arg7[%get3A_2832, %get3A_2833] {strides = array<i32>} : memref<112x64xf32, #tpu.memory_space<vmem>>, vector<1x16xf32>,
      %get3A_2835 = vector.shape_cast %get3A_2834 : vector<1x16xf32> to vector<16xf32>
      %get3A_2836 = arith.constant 2 : i32
      %get3A_2837 = arith.index_cast %get3A_2836 : i32 to index
      %get3A_2838 = arith.constant 16 : index
      %get3A_2839 = tpu.vector_load %arg7[%get3A_2837, %get3A_2838] {strides = array<i32>} : memref<112x64xf32, #tpu.memory_space<vmem>>, vector<1x16xf32>,
      %get3A_2840 = vector.shape_cast %get3A_2839 : vector<1x16xf32> to vector<16xf32>
      %get3A_2841 = arith.constant 3 : i32
      %get3A_2842 = arith.index_cast %get3A_2841 : i32 to index
      %get3A_2843 = arith.constant 16 : index
      %get3A_2844 = tpu.vector_load %arg7[%get3A_2842, %get3A_2843] {strides = array<i32>} : memref<112x64xf32, #tpu.memory_space<vmem>>, vector<1x16xf32>,
      %get3A_2845 = vector.shape_cast %get3A_2844 : vector<1x16xf32> to vector<16xf32>
      %get3A_2846 = arith.constant 4 : i32
      %get3A_2847 = arith.index_cast %get3A_2846 : i32 to index
      %get3A_2848 = arith.constant 16 : index
      %get3A_2849 = tpu.vector_load %arg7[%get3A_2847, %get3A_2848] {strides = array<i32>} : memref<112x64xf32, #tpu.memory_space<vmem>>, vector<1x16xf32>,
      %get3A_2850 = vector.shape_cast %get3A_2849 : vector<1x16xf32> to vector<16xf32>
      %get3A_2851 = arith.constant 5 : i32
      %get3A_2852 = arith.index_cast %get3A_2851 : i32 to index
      %get3A_2853 = arith.constant 16 : index
      %get3A_2854 = tpu.vector_load %arg7[%get3A_2852, %get3A_2853] {strides = array<i32>} : memref<112x64xf32, #tpu.memory_space<vmem>>, vector<1x16xf32>,
      %get3A_2855 = vector.shape_cast %get3A_2854 : vector<1x16xf32> to vector<16xf32>
      %get3A_2856 = arith.constant 6 : i32
      %get3A_2857 = arith.index_cast %get3A_2856 : i32 to index
      %get3A_2858 = arith.constant 16 : index
      %get3A_2859 = tpu.vector_load %arg7[%get3A_2857, %get3A_2858] {strides = array<i32>} : memref<112x64xf32, #tpu.memory_space<vmem>>, vector<1x16xf32>,
      %get3A_2860 = vector.shape_cast %get3A_2859 : vector<1x16xf32> to vector<16xf32>
      %get3A_2861 = arith.constant 7 : i32
      %get3A_2862 = arith.index_cast %get3A_2861 : i32 to index
      %get3A_2863 = arith.constant 16 : index
      %get3A_2864 = tpu.vector_load %arg7[%get3A_2862, %get3A_2863] {strides = array<i32>} : memref<112x64xf32, #tpu.memory_space<vmem>>, vector<1x16xf32>,
      %get3A_2865 = vector.shape_cast %get3A_2864 : vector<1x16xf32> to vector<16xf32>
      %get3A_2866 = arith.constant 8 : i32
      %get3A_2867 = arith.index_cast %get3A_2866 : i32 to index
      %get3A_2868 = arith.constant 16 : index
      %get3A_2869 = tpu.vector_load %arg7[%get3A_2867, %get3A_2868] {strides = array<i32>} : memref<112x64xf32, #tpu.memory_space<vmem>>, vector<1x16xf32>,
      %get3A_2870 = vector.shape_cast %get3A_2869 : vector<1x16xf32> to vector<16xf32>
      %get3A_2871 = arith.constant 9 : i32
      %get3A_2872 = arith.index_cast %get3A_2871 : i32 to index
      %get3A_2873 = arith.constant 16 : index
      %get3A_2874 = tpu.vector_load %arg7[%get3A_2872, %get3A_2873] {strides = array<i32>} : memref<112x64xf32, #tpu.memory_space<vmem>>, vector<1x16xf32>,
      %get3A_2875 = vector.shape_cast %get3A_2874 : vector<1x16xf32> to vector<16xf32>
      %get3A_2876 = arith.constant 10 : i32
      %get3A_2877 = arith.index_cast %get3A_2876 : i32 to index
      %get3A_2878 = arith.constant 16 : index
      %get3A_2879 = tpu.vector_load %arg7[%get3A_2877, %get3A_2878] {strides = array<i32>} : memref<112x64xf32, #tpu.memory_space<vmem>>, vector<1x16xf32>,
      %get3A_2880 = vector.shape_cast %get3A_2879 : vector<1x16xf32> to vector<16xf32>
      %get3A_2881 = arith.constant 11 : i32
      %get3A_2882 = arith.index_cast %get3A_2881 : i32 to index
      %get3A_2883 = arith.constant 16 : index
      %get3A_2884 = tpu.vector_load %arg7[%get3A_2882, %get3A_2883] {strides = array<i32>} : memref<112x64xf32, #tpu.memory_space<vmem>>, vector<1x16xf32>,
      %get3A_2885 = vector.shape_cast %get3A_2884 : vector<1x16xf32> to vector<16xf32>
      %get3A_2886 = arith.constant 12 : i32
      %get3A_2887 = arith.index_cast %get3A_2886 : i32 to index
      %get3A_2888 = arith.constant 16 : index
      %get3A_2889 = tpu.vector_load %arg7[%get3A_2887, %get3A_2888] {strides = array<i32>} : memref<112x64xf32, #tpu.memory_space<vmem>>, vector<1x16xf32>,
      %get3A_2890 = vector.shape_cast %get3A_2889 : vector<1x16xf32> to vector<16xf32>
      %get3A_2891 = arith.constant 13 : i32
      %get3A_2892 = arith.index_cast %get3A_2891 : i32 to index
      %get3A_2893 = arith.constant 16 : index
      %get3A_2894 = tpu.vector_load %arg7[%get3A_2892, %get3A_2893] {strides = array<i32>} : memref<112x64xf32, #tpu.memory_space<vmem>>, vector<1x16xf32>,
      %get3A_2895 = vector.shape_cast %get3A_2894 : vector<1x16xf32> to vector<16xf32>
      %get3A_2896 = arith.constant 14 : i32
      %get3A_2897 = arith.index_cast %get3A_2896 : i32 to index
      %get3A_2898 = arith.constant 16 : index
      %get3A_2899 = tpu.vector_load %arg7[%get3A_2897, %get3A_2898] {strides = array<i32>} : memref<112x64xf32, #tpu.memory_space<vmem>>, vector<1x16xf32>,
      %get3A_2900 = vector.shape_cast %get3A_2899 : vector<1x16xf32> to vector<16xf32>
      %get3A_2901 = arith.constant 15 : i32
      %get3A_2902 = arith.index_cast %get3A_2901 : i32 to index
      %get3A_2903 = arith.constant 16 : index
      %get3A_2904 = tpu.vector_load %arg7[%get3A_2902, %get3A_2903] {strides = array<i32>} : memref<112x64xf32, #tpu.memory_space<vmem>>, vector<1x16xf32>,
      %get3A_2905 = vector.shape_cast %get3A_2904 : vector<1x16xf32> to vector<16xf32>
      %get3A_2906 = arith.constant 16 : i32
      %get3A_2907 = arith.index_cast %get3A_2906 : i32 to index
      %get3A_2908 = arith.constant 16 : index
      %get3A_2909 = tpu.vector_load %arg7[%get3A_2907, %get3A_2908] {strides = array<i32>} : memref<112x64xf32, #tpu.memory_space<vmem>>, vector<1x16xf32>,
      %get3A_2910 = vector.shape_cast %get3A_2909 : vector<1x16xf32> to vector<16xf32>
      %get3A_2911 = arith.constant 17 : i32
      %get3A_2912 = arith.index_cast %get3A_2911 : i32 to index
      %get3A_2913 = arith.constant 16 : index
      %get3A_2914 = tpu.vector_load %arg7[%get3A_2912, %get3A_2913] {strides = array<i32>} : memref<112x64xf32, #tpu.memory_space<vmem>>, vector<1x16xf32>,
      %get3A_2915 = vector.shape_cast %get3A_2914 : vector<1x16xf32> to vector<16xf32>
      %get3A_2916 = arith.constant 18 : i32
      %get3A_2917 = arith.index_cast %get3A_2916 : i32 to index
      %get3A_2918 = arith.constant 16 : index
      %get3A_2919 = tpu.vector_load %arg7[%get3A_2917, %get3A_2918] {strides = array<i32>} : memref<112x64xf32, #tpu.memory_space<vmem>>, vector<1x16xf32>,
      %get3A_2920 = vector.shape_cast %get3A_2919 : vector<1x16xf32> to vector<16xf32>
      %get3A_2921 = arith.constant 19 : i32
      %get3A_2922 = arith.index_cast %get3A_2921 : i32 to index
      %get3A_2923 = arith.constant 16 : index
      %get3A_2924 = tpu.vector_load %arg7[%get3A_2922, %get3A_2923] {strides = array<i32>} : memref<112x64xf32, #tpu.memory_space<vmem>>, vector<1x16xf32>,
      %get3A_2925 = vector.shape_cast %get3A_2924 : vector<1x16xf32> to vector<16xf32>
      %get3A_2926 = arith.constant 20 : i32
      %get3A_2927 = arith.index_cast %get3A_2926 : i32 to index
      %get3A_2928 = arith.constant 16 : index
      %get3A_2929 = tpu.vector_load %arg7[%get3A_2927, %get3A_2928] {strides = array<i32>} : memref<112x64xf32, #tpu.memory_space<vmem>>, vector<1x16xf32>,
      %get3A_2930 = vector.shape_cast %get3A_2929 : vector<1x16xf32> to vector<16xf32>
      %get3A_2931 = arith.constant 21 : i32
      %get3A_2932 = arith.index_cast %get3A_2931 : i32 to index
      %get3A_2933 = arith.constant 16 : index
      %get3A_2934 = tpu.vector_load %arg7[%get3A_2932, %get3A_2933] {strides = array<i32>} : memref<112x64xf32, #tpu.memory_space<vmem>>, vector<1x16xf32>,
      %get3A_2935 = vector.shape_cast %get3A_2934 : vector<1x16xf32> to vector<16xf32>
      %get3A_2936 = arith.constant 22 : i32
      %get3A_2937 = arith.index_cast %get3A_2936 : i32 to index
      %get3A_2938 = arith.constant 16 : index
      %get3A_2939 = tpu.vector_load %arg7[%get3A_2937, %get3A_2938] {strides = array<i32>} : memref<112x64xf32, #tpu.memory_space<vmem>>, vector<1x16xf32>,
      %get3A_2940 = vector.shape_cast %get3A_2939 : vector<1x16xf32> to vector<16xf32>
      %get3A_2941 = arith.constant 23 : i32
      %get3A_2942 = arith.index_cast %get3A_2941 : i32 to index
      %get3A_2943 = arith.constant 16 : index
      %get3A_2944 = tpu.vector_load %arg7[%get3A_2942, %get3A_2943] {strides = array<i32>} : memref<112x64xf32, #tpu.memory_space<vmem>>, vector<1x16xf32>,
      %get3A_2945 = vector.shape_cast %get3A_2944 : vector<1x16xf32> to vector<16xf32>
      %get3A_2946 = arith.constant 24 : i32
      %get3A_2947 = arith.index_cast %get3A_2946 : i32 to index
      %get3A_2948 = arith.constant 16 : index
      %get3A_2949 = tpu.vector_load %arg7[%get3A_2947, %get3A_2948] {strides = array<i32>} : memref<112x64xf32, #tpu.memory_space<vmem>>, vector<1x16xf32>,
      %get3A_2950 = vector.shape_cast %get3A_2949 : vector<1x16xf32> to vector<16xf32>
      %get3A_2951 = arith.constant 25 : i32
      %get3A_2952 = arith.index_cast %get3A_2951 : i32 to index
      %get3A_2953 = arith.constant 16 : index
      %get3A_2954 = tpu.vector_load %arg7[%get3A_2952, %get3A_2953] {strides = array<i32>} : memref<112x64xf32, #tpu.memory_space<vmem>>, vector<1x16xf32>,
      %get3A_2955 = vector.shape_cast %get3A_2954 : vector<1x16xf32> to vector<16xf32>
      %get3A_2956 = arith.constant 26 : i32
      %get3A_2957 = arith.index_cast %get3A_2956 : i32 to index
      %get3A_2958 = arith.constant 16 : index
      %get3A_2959 = tpu.vector_load %arg7[%get3A_2957, %get3A_2958] {strides = array<i32>} : memref<112x64xf32, #tpu.memory_space<vmem>>, vector<1x16xf32>,
      %get3A_2960 = vector.shape_cast %get3A_2959 : vector<1x16xf32> to vector<16xf32>
      %get3A_2961 = arith.constant 27 : i32
      %get3A_2962 = arith.index_cast %get3A_2961 : i32 to index
      %get3A_2963 = arith.constant 16 : index
      %get3A_2964 = tpu.vector_load %arg7[%get3A_2962, %get3A_2963] {strides = array<i32>} : memref<112x64xf32, #tpu.memory_space<vmem>>, vector<1x16xf32>,
      %get3A_2965 = vector.shape_cast %get3A_2964 : vector<1x16xf32> to vector<16xf32>
      %get3A_2966 = arith.constant 28 : i32
      %get3A_2967 = arith.index_cast %get3A_2966 : i32 to index
      %get3A_2968 = arith.constant 16 : index
      %get3A_2969 = tpu.vector_load %arg7[%get3A_2967, %get3A_2968] {strides = array<i32>} : memref<112x64xf32, #tpu.memory_space<vmem>>, vector<1x16xf32>,
      %get3A_2970 = vector.shape_cast %get3A_2969 : vector<1x16xf32> to vector<16xf32>
      %get3A_2971 = arith.constant 29 : i32
      %get3A_2972 = arith.index_cast %get3A_2971 : i32 to index
      %get3A_2973 = arith.constant 16 : index
      %get3A_2974 = tpu.vector_load %arg7[%get3A_2972, %get3A_2973] {strides = array<i32>} : memref<112x64xf32, #tpu.memory_space<vmem>>, vector<1x16xf32>,
      %get3A_2975 = vector.shape_cast %get3A_2974 : vector<1x16xf32> to vector<16xf32>
      %get3A_2976 = arith.constant 30 : i32
      %get3A_2977 = arith.index_cast %get3A_2976 : i32 to index
      %get3A_2978 = arith.constant 16 : index
      %get3A_2979 = tpu.vector_load %arg7[%get3A_2977, %get3A_2978] {strides = array<i32>} : memref<112x64xf32, #tpu.memory_space<vmem>>, vector<1x16xf32>,
      %get3A_2980 = vector.shape_cast %get3A_2979 : vector<1x16xf32> to vector<16xf32>
      %get3A_2981 = arith.constant 31 : i32
      %get3A_2982 = arith.index_cast %get3A_2981 : i32 to index
      %get3A_2983 = arith.constant 16 : index
      %get3A_2984 = tpu.vector_load %arg7[%get3A_2982, %get3A_2983] {strides = array<i32>} : memref<112x64xf32, #tpu.memory_space<vmem>>, vector<1x16xf32>,
      %get3A_2985 = vector.shape_cast %get3A_2984 : vector<1x16xf32> to vector<16xf32>
      %get3A_2986 = arith.constant 32 : i32
      %get3A_2987 = arith.index_cast %get3A_2986 : i32 to index
      %get3A_2988 = arith.constant 16 : index
      %get3A_2989 = tpu.vector_load %arg7[%get3A_2987, %get3A_2988] {strides = array<i32>} : memref<112x64xf32, #tpu.memory_space<vmem>>, vector<1x16xf32>,
      %get3A_2990 = vector.shape_cast %get3A_2989 : vector<1x16xf32> to vector<16xf32>
      %get3A_2991 = arith.constant 33 : i32
      %get3A_2992 = arith.index_cast %get3A_2991 : i32 to index
      %get3A_2993 = arith.constant 16 : index
      %get3A_2994 = tpu.vector_load %arg7[%get3A_2992, %get3A_2993] {strides = array<i32>} : memref<112x64xf32, #tpu.memory_space<vmem>>, vector<1x16xf32>,
      %get3A_2995 = vector.shape_cast %get3A_2994 : vector<1x16xf32> to vector<16xf32>
      %get3A_2996 = arith.constant 34 : i32
      %get3A_2997 = arith.index_cast %get3A_2996 : i32 to index
      %get3A_2998 = arith.constant 16 : index
      %get3A_2999 = tpu.vector_load %arg7[%get3A_2997, %get3A_2998] {strides = array<i32>} : memref<112x64xf32, #tpu.memory_space<vmem>>, vector<1x16xf32>,
      %get3A_3000 = vector.shape_cast %get3A_2999 : vector<1x16xf32> to vector<16xf32>
      %get3A_3001 = arith.constant 35 : i32
      %get3A_3002 = arith.index_cast %get3A_3001 : i32 to index
      %get3A_3003 = arith.constant 16 : index
      %get3A_3004 = tpu.vector_load %arg7[%get3A_3002, %get3A_3003] {strides = array<i32>} : memref<112x64xf32, #tpu.memory_space<vmem>>, vector<1x16xf32>,
      %get3A_3005 = vector.shape_cast %get3A_3004 : vector<1x16xf32> to vector<16xf32>
      %get3A_3006 = arith.constant 36 : i32
      %get3A_3007 = arith.index_cast %get3A_3006 : i32 to index
      %get3A_3008 = arith.constant 16 : index
      %get3A_3009 = tpu.vector_load %arg7[%get3A_3007, %get3A_3008] {strides = array<i32>} : memref<112x64xf32, #tpu.memory_space<vmem>>, vector<1x16xf32>,
      %get3A_3010 = vector.shape_cast %get3A_3009 : vector<1x16xf32> to vector<16xf32>
      %get3A_3011 = arith.constant 37 : i32
      %get3A_3012 = arith.index_cast %get3A_3011 : i32 to index
      %get3A_3013 = arith.constant 16 : index
      %get3A_3014 = tpu.vector_load %arg7[%get3A_3012, %get3A_3013] {strides = array<i32>} : memref<112x64xf32, #tpu.memory_space<vmem>>, vector<1x16xf32>,
      %get3A_3015 = vector.shape_cast %get3A_3014 : vector<1x16xf32> to vector<16xf32>
      %get3A_3016 = arith.constant 38 : i32
      %get3A_3017 = arith.index_cast %get3A_3016 : i32 to index
      %get3A_3018 = arith.constant 16 : index
      %get3A_3019 = tpu.vector_load %arg7[%get3A_3017, %get3A_3018] {strides = array<i32>} : memref<112x64xf32, #tpu.memory_space<vmem>>, vector<1x16xf32>,
      %get3A_3020 = vector.shape_cast %get3A_3019 : vector<1x16xf32> to vector<16xf32>
      %get3A_3021 = arith.constant 39 : i32
      %get3A_3022 = arith.index_cast %get3A_3021 : i32 to index
      %get3A_3023 = arith.constant 16 : index
      %get3A_3024 = tpu.vector_load %arg7[%get3A_3022, %get3A_3023] {strides = array<i32>} : memref<112x64xf32, #tpu.memory_space<vmem>>, vector<1x16xf32>,
      %get3A_3025 = vector.shape_cast %get3A_3024 : vector<1x16xf32> to vector<16xf32>
      %get3A_3026 = arith.constant 40 : i32
      %get3A_3027 = arith.index_cast %get3A_3026 : i32 to index
      %get3A_3028 = arith.constant 16 : index
      %get3A_3029 = tpu.vector_load %arg7[%get3A_3027, %get3A_3028] {strides = array<i32>} : memref<112x64xf32, #tpu.memory_space<vmem>>, vector<1x16xf32>,
      %get3A_3030 = vector.shape_cast %get3A_3029 : vector<1x16xf32> to vector<16xf32>
      %get3A_3031 = arith.constant 41 : i32
      %get3A_3032 = arith.index_cast %get3A_3031 : i32 to index
      %get3A_3033 = arith.constant 16 : index
      %get3A_3034 = tpu.vector_load %arg7[%get3A_3032, %get3A_3033] {strides = array<i32>} : memref<112x64xf32, #tpu.memory_space<vmem>>, vector<1x16xf32>,
      %get3A_3035 = vector.shape_cast %get3A_3034 : vector<1x16xf32> to vector<16xf32>
      %get3A_3036 = arith.constant 42 : i32
      %get3A_3037 = arith.index_cast %get3A_3036 : i32 to index
      %get3A_3038 = arith.constant 16 : index
      %get3A_3039 = tpu.vector_load %arg7[%get3A_3037, %get3A_3038] {strides = array<i32>} : memref<112x64xf32, #tpu.memory_space<vmem>>, vector<1x16xf32>,
      %get3A_3040 = vector.shape_cast %get3A_3039 : vector<1x16xf32> to vector<16xf32>
      %get3A_3041 = arith.constant 43 : i32
      %get3A_3042 = arith.index_cast %get3A_3041 : i32 to index
      %get3A_3043 = arith.constant 16 : index
      %get3A_3044 = tpu.vector_load %arg7[%get3A_3042, %get3A_3043] {strides = array<i32>} : memref<112x64xf32, #tpu.memory_space<vmem>>, vector<1x16xf32>,
      %get3A_3045 = vector.shape_cast %get3A_3044 : vector<1x16xf32> to vector<16xf32>
      %get3A_3046 = arith.constant 44 : i32
      %get3A_3047 = arith.index_cast %get3A_3046 : i32 to index
      %get3A_3048 = arith.constant 16 : index
      %get3A_3049 = tpu.vector_load %arg7[%get3A_3047, %get3A_3048] {strides = array<i32>} : memref<112x64xf32, #tpu.memory_space<vmem>>, vector<1x16xf32>,
      %get3A_3050 = vector.shape_cast %get3A_3049 : vector<1x16xf32> to vector<16xf32>
      %get3A_3051 = arith.constant 45 : i32
      %get3A_3052 = arith.index_cast %get3A_3051 : i32 to index
      %get3A_3053 = arith.constant 16 : index
      %get3A_3054 = tpu.vector_load %arg7[%get3A_3052, %get3A_3053] {strides = array<i32>} : memref<112x64xf32, #tpu.memory_space<vmem>>, vector<1x16xf32>,
      %get3A_3055 = vector.shape_cast %get3A_3054 : vector<1x16xf32> to vector<16xf32>
      %get3A_3056 = arith.constant 46 : i32
      %get3A_3057 = arith.index_cast %get3A_3056 : i32 to index
      %get3A_3058 = arith.constant 16 : index
      %get3A_3059 = tpu.vector_load %arg7[%get3A_3057, %get3A_3058] {strides = array<i32>} : memref<112x64xf32, #tpu.memory_space<vmem>>, vector<1x16xf32>,
      %get3A_3060 = vector.shape_cast %get3A_3059 : vector<1x16xf32> to vector<16xf32>
      %get3A_3061 = arith.constant 47 : i32
      %get3A_3062 = arith.index_cast %get3A_3061 : i32 to index
      %get3A_3063 = arith.constant 16 : index
      %get3A_3064 = tpu.vector_load %arg7[%get3A_3062, %get3A_3063] {strides = array<i32>} : memref<112x64xf32, #tpu.memory_space<vmem>>, vector<1x16xf32>,
      %get3A_3065 = vector.shape_cast %get3A_3064 : vector<1x16xf32> to vector<16xf32>
      %get3A_3066 = arith.constant 48 : i32
      %get3A_3067 = arith.index_cast %get3A_3066 : i32 to index
      %get3A_3068 = arith.constant 16 : index
      %get3A_3069 = tpu.vector_load %arg7[%get3A_3067, %get3A_3068] {strides = array<i32>} : memref<112x64xf32, #tpu.memory_space<vmem>>, vector<1x16xf32>,
      %get3A_3070 = vector.shape_cast %get3A_3069 : vector<1x16xf32> to vector<16xf32>
      %get3A_3071 = arith.constant 49 : i32
      %get3A_3072 = arith.index_cast %get3A_3071 : i32 to index
      %get3A_3073 = arith.constant 16 : index
      %get3A_3074 = tpu.vector_load %arg7[%get3A_3072, %get3A_3073] {strides = array<i32>} : memref<112x64xf32, #tpu.memory_space<vmem>>, vector<1x16xf32>,
      %get3A_3075 = vector.shape_cast %get3A_3074 : vector<1x16xf32> to vector<16xf32>
      %add3A_3076 = arith.addf %get3A_2830, %get3A_2835 : vector<16xf32>
      %add3A_3077 = arith.addf %get3A_2840, %get3A_2845 : vector<16xf32>
      %add3A_3078 = arith.addf %get3A_2850, %get3A_2855 : vector<16xf32>
      %add3A_3079 = arith.addf %get3A_2860, %get3A_2865 : vector<16xf32>
      %add3A_3080 = arith.addf %get3A_2870, %get3A_2875 : vector<16xf32>
      %add3A_3081 = arith.addf %get3A_2880, %get3A_2885 : vector<16xf32>
      %add3A_3082 = arith.addf %get3A_2890, %get3A_2895 : vector<16xf32>
      %add3A_3083 = arith.addf %get3A_2900, %get3A_2905 : vector<16xf32>
      %add3A_3084 = arith.addf %get3A_2910, %get3A_2915 : vector<16xf32>
      %add3A_3085 = arith.addf %get3A_2920, %get3A_2925 : vector<16xf32>
      %add3A_3086 = arith.addf %get3A_2930, %get3A_2935 : vector<16xf32>
      %add3A_3087 = arith.addf %get3A_2940, %get3A_2945 : vector<16xf32>
      %add3A_3088 = arith.addf %get3A_2950, %get3A_2955 : vector<16xf32>
      %add3A_3089 = arith.addf %get3A_2960, %get3A_2965 : vector<16xf32>
      %add3A_3090 = arith.addf %get3A_2970, %get3A_2975 : vector<16xf32>
      %add3A_3091 = arith.addf %get3A_2980, %get3A_2985 : vector<16xf32>
      %add3A_3092 = arith.addf %get3A_2990, %get3A_2995 : vector<16xf32>
      %add3A_3093 = arith.addf %get3A_3000, %get3A_3005 : vector<16xf32>
      %add3A_3094 = arith.addf %get3A_3010, %get3A_3015 : vector<16xf32>
      %add3A_3095 = arith.addf %get3A_3020, %get3A_3025 : vector<16xf32>
      %add3A_3096 = arith.addf %get3A_3030, %get3A_3035 : vector<16xf32>
      %add3A_3097 = arith.addf %get3A_3040, %get3A_3045 : vector<16xf32>
      %add3A_3098 = arith.addf %get3A_3050, %get3A_3055 : vector<16xf32>
      %add3A_3099 = arith.addf %get3A_3060, %get3A_3065 : vector<16xf32>
      %add3A_3100 = arith.addf %get3A_3070, %get3A_3075 : vector<16xf32>
      %add3A_3101 = arith.addf %add3A_3076, %add3A_3077 : vector<16xf32>
      %add3A_3102 = arith.addf %add3A_3078, %add3A_3079 : vector<16xf32>
      %add3A_3103 = arith.addf %add3A_3080, %add3A_3081 : vector<16xf32>
      %add3A_3104 = arith.addf %add3A_3082, %add3A_3083 : vector<16xf32>
      %add3A_3105 = arith.addf %add3A_3084, %add3A_3085 : vector<16xf32>
      %add3A_3106 = arith.addf %add3A_3086, %add3A_3087 : vector<16xf32>
      %add3A_3107 = arith.addf %add3A_3088, %add3A_3089 : vector<16xf32>
      %add3A_3108 = arith.addf %add3A_3090, %add3A_3091 : vector<16xf32>
      %add3A_3109 = arith.addf %add3A_3092, %add3A_3093 : vector<16xf32>
      %add3A_3110 = arith.addf %add3A_3094, %add3A_3095 : vector<16xf32>
      %add3A_3111 = arith.addf %add3A_3096, %add3A_3097 : vector<16xf32>
      %add3A_3112 = arith.addf %add3A_3098, %add3A_3099 : vector<16xf32>
      %add3A_3113 = arith.addf %add3A_3101, %add3A_3102 : vector<16xf32>
      %add3A_3114 = arith.addf %add3A_3103, %add3A_3104 : vector<16xf32>
      %add3A_3115 = arith.addf %add3A_3105, %add3A_3106 : vector<16xf32>
      %add3A_3116 = arith.addf %add3A_3107, %add3A_3108 : vector<16xf32>
      %add3A_3117 = arith.addf %add3A_3109, %add3A_3110 : vector<16xf32>
      %add3A_3118 = arith.addf %add3A_3111, %add3A_3112 : vector<16xf32>
      %add3A_3119 = arith.addf %add3A_3113, %add3A_3114 : vector<16xf32>
      %add3A_3120 = arith.addf %add3A_3115, %add3A_3116 : vector<16xf32>
      %add3A_3121 = arith.addf %add3A_3117, %add3A_3118 : vector<16xf32>
      %add3A_3122 = arith.addf %add3A_3119, %add3A_3120 : vector<16xf32>
      %add3A_3123 = arith.addf %add3A_3121, %add3A_3100 : vector<16xf32>
      %add3A_3124 = arith.addf %add3A_3122, %add3A_3123 : vector<16xf32>
      %add3A_3125 = arith.constant 0 : i32
      %add3A_3126 = arith.addi %add3A_2516, %add3A_3125 : i32
      %mul3A_3127 = arith.constant 64 : i32
      %mul3A_3128 = arith.muli %add3A_3126, %mul3A_3127 : i32
      %add3A_3129 = arith.constant 16 : i32
      %add3A_3130 = arith.addi %mul3A_3128, %add3A_3129 : i32
      %swap3A_3131 = arith.index_cast %add3A_3130 : i32 to index
      %swap3A_3132 = tpu.vector_load %arg8[%swap3A_3131] {strides = array<i32>} : memref<8192xf32, #tpu.memory_space<vmem>>, vector<16xf32>,
      %swap3A_3133 = vector.shape_cast %swap3A_3132 : vector<16xf32> to vector<16xf32>
      %swap3A_3134 = vector.shape_cast %add3A_3124 : vector<16xf32> to vector<16xf32>
      tpu.vector_store %arg8[%swap3A_3131], %swap3A_3134 {strides = array<i32>} : memref<8192xf32, #tpu.memory_space<vmem>>, vector<16xf32>,
      %get3A_3135 = arith.constant 0 : i32
      %get3A_3136 = arith.index_cast %get3A_3135 : i32 to index
      %get3A_3137 = arith.constant 32 : index
      %get3A_3138 = tpu.vector_load %arg7[%get3A_3136, %get3A_3137] {strides = array<i32>} : memref<112x64xf32, #tpu.memory_space<vmem>>, vector<1x16xf32>,
      %get3A_3139 = vector.shape_cast %get3A_3138 : vector<1x16xf32> to vector<16xf32>
      %get3A_3140 = arith.constant 1 : i32
      %get3A_3141 = arith.index_cast %get3A_3140 : i32 to index
      %get3A_3142 = arith.constant 32 : index
      %get3A_3143 = tpu.vector_load %arg7[%get3A_3141, %get3A_3142] {strides = array<i32>} : memref<112x64xf32, #tpu.memory_space<vmem>>, vector<1x16xf32>,
      %get3A_3144 = vector.shape_cast %get3A_3143 : vector<1x16xf32> to vector<16xf32>
      %get3A_3145 = arith.constant 2 : i32
      %get3A_3146 = arith.index_cast %get3A_3145 : i32 to index
      %get3A_3147 = arith.constant 32 : index
      %get3A_3148 = tpu.vector_load %arg7[%get3A_3146, %get3A_3147] {strides = array<i32>} : memref<112x64xf32, #tpu.memory_space<vmem>>, vector<1x16xf32>,
      %get3A_3149 = vector.shape_cast %get3A_3148 : vector<1x16xf32> to vector<16xf32>
      %get3A_3150 = arith.constant 3 : i32
      %get3A_3151 = arith.index_cast %get3A_3150 : i32 to index
      %get3A_3152 = arith.constant 32 : index
      %get3A_3153 = tpu.vector_load %arg7[%get3A_3151, %get3A_3152] {strides = array<i32>} : memref<112x64xf32, #tpu.memory_space<vmem>>, vector<1x16xf32>,
      %get3A_3154 = vector.shape_cast %get3A_3153 : vector<1x16xf32> to vector<16xf32>
      %get3A_3155 = arith.constant 4 : i32
      %get3A_3156 = arith.index_cast %get3A_3155 : i32 to index
      %get3A_3157 = arith.constant 32 : index
      %get3A_3158 = tpu.vector_load %arg7[%get3A_3156, %get3A_3157] {strides = array<i32>} : memref<112x64xf32, #tpu.memory_space<vmem>>, vector<1x16xf32>,
      %get3A_3159 = vector.shape_cast %get3A_3158 : vector<1x16xf32> to vector<16xf32>
      %get3A_3160 = arith.constant 5 : i32
      %get3A_3161 = arith.index_cast %get3A_3160 : i32 to index
      %get3A_3162 = arith.constant 32 : index
      %get3A_3163 = tpu.vector_load %arg7[%get3A_3161, %get3A_3162] {strides = array<i32>} : memref<112x64xf32, #tpu.memory_space<vmem>>, vector<1x16xf32>,
      %get3A_3164 = vector.shape_cast %get3A_3163 : vector<1x16xf32> to vector<16xf32>
      %get3A_3165 = arith.constant 6 : i32
      %get3A_3166 = arith.index_cast %get3A_3165 : i32 to index
      %get3A_3167 = arith.constant 32 : index
      %get3A_3168 = tpu.vector_load %arg7[%get3A_3166, %get3A_3167] {strides = array<i32>} : memref<112x64xf32, #tpu.memory_space<vmem>>, vector<1x16xf32>,
      %get3A_3169 = vector.shape_cast %get3A_3168 : vector<1x16xf32> to vector<16xf32>
      %get3A_3170 = arith.constant 7 : i32
      %get3A_3171 = arith.index_cast %get3A_3170 : i32 to index
      %get3A_3172 = arith.constant 32 : index
      %get3A_3173 = tpu.vector_load %arg7[%get3A_3171, %get3A_3172] {strides = array<i32>} : memref<112x64xf32, #tpu.memory_space<vmem>>, vector<1x16xf32>,
      %get3A_3174 = vector.shape_cast %get3A_3173 : vector<1x16xf32> to vector<16xf32>
      %get3A_3175 = arith.constant 8 : i32
      %get3A_3176 = arith.index_cast %get3A_3175 : i32 to index
      %get3A_3177 = arith.constant 32 : index
      %get3A_3178 = tpu.vector_load %arg7[%get3A_3176, %get3A_3177] {strides = array<i32>} : memref<112x64xf32, #tpu.memory_space<vmem>>, vector<1x16xf32>,
      %get3A_3179 = vector.shape_cast %get3A_3178 : vector<1x16xf32> to vector<16xf32>
      %get3A_3180 = arith.constant 9 : i32
      %get3A_3181 = arith.index_cast %get3A_3180 : i32 to index
      %get3A_3182 = arith.constant 32 : index
      %get3A_3183 = tpu.vector_load %arg7[%get3A_3181, %get3A_3182] {strides = array<i32>} : memref<112x64xf32, #tpu.memory_space<vmem>>, vector<1x16xf32>,
      %get3A_3184 = vector.shape_cast %get3A_3183 : vector<1x16xf32> to vector<16xf32>
      %get3A_3185 = arith.constant 10 : i32
      %get3A_3186 = arith.index_cast %get3A_3185 : i32 to index
      %get3A_3187 = arith.constant 32 : index
      %get3A_3188 = tpu.vector_load %arg7[%get3A_3186, %get3A_3187] {strides = array<i32>} : memref<112x64xf32, #tpu.memory_space<vmem>>, vector<1x16xf32>,
      %get3A_3189 = vector.shape_cast %get3A_3188 : vector<1x16xf32> to vector<16xf32>
      %get3A_3190 = arith.constant 11 : i32
      %get3A_3191 = arith.index_cast %get3A_3190 : i32 to index
      %get3A_3192 = arith.constant 32 : index
      %get3A_3193 = tpu.vector_load %arg7[%get3A_3191, %get3A_3192] {strides = array<i32>} : memref<112x64xf32, #tpu.memory_space<vmem>>, vector<1x16xf32>,
      %get3A_3194 = vector.shape_cast %get3A_3193 : vector<1x16xf32> to vector<16xf32>
      %get3A_3195 = arith.constant 12 : i32
      %get3A_3196 = arith.index_cast %get3A_3195 : i32 to index
      %get3A_3197 = arith.constant 32 : index
      %get3A_3198 = tpu.vector_load %arg7[%get3A_3196, %get3A_3197] {strides = array<i32>} : memref<112x64xf32, #tpu.memory_space<vmem>>, vector<1x16xf32>,
      %get3A_3199 = vector.shape_cast %get3A_3198 : vector<1x16xf32> to vector<16xf32>
      %get3A_3200 = arith.constant 13 : i32
      %get3A_3201 = arith.index_cast %get3A_3200 : i32 to index
      %get3A_3202 = arith.constant 32 : index
      %get3A_3203 = tpu.vector_load %arg7[%get3A_3201, %get3A_3202] {strides = array<i32>} : memref<112x64xf32, #tpu.memory_space<vmem>>, vector<1x16xf32>,
      %get3A_3204 = vector.shape_cast %get3A_3203 : vector<1x16xf32> to vector<16xf32>
      %get3A_3205 = arith.constant 14 : i32
      %get3A_3206 = arith.index_cast %get3A_3205 : i32 to index
      %get3A_3207 = arith.constant 32 : index
      %get3A_3208 = tpu.vector_load %arg7[%get3A_3206, %get3A_3207] {strides = array<i32>} : memref<112x64xf32, #tpu.memory_space<vmem>>, vector<1x16xf32>,
      %get3A_3209 = vector.shape_cast %get3A_3208 : vector<1x16xf32> to vector<16xf32>
      %get3A_3210 = arith.constant 15 : i32
      %get3A_3211 = arith.index_cast %get3A_3210 : i32 to index
      %get3A_3212 = arith.constant 32 : index
      %get3A_3213 = tpu.vector_load %arg7[%get3A_3211, %get3A_3212] {strides = array<i32>} : memref<112x64xf32, #tpu.memory_space<vmem>>, vector<1x16xf32>,
      %get3A_3214 = vector.shape_cast %get3A_3213 : vector<1x16xf32> to vector<16xf32>
      %get3A_3215 = arith.constant 16 : i32
      %get3A_3216 = arith.index_cast %get3A_3215 : i32 to index
      %get3A_3217 = arith.constant 32 : index
      %get3A_3218 = tpu.vector_load %arg7[%get3A_3216, %get3A_3217] {strides = array<i32>} : memref<112x64xf32, #tpu.memory_space<vmem>>, vector<1x16xf32>,
      %get3A_3219 = vector.shape_cast %get3A_3218 : vector<1x16xf32> to vector<16xf32>
      %get3A_3220 = arith.constant 17 : i32
      %get3A_3221 = arith.index_cast %get3A_3220 : i32 to index
      %get3A_3222 = arith.constant 32 : index
      %get3A_3223 = tpu.vector_load %arg7[%get3A_3221, %get3A_3222] {strides = array<i32>} : memref<112x64xf32, #tpu.memory_space<vmem>>, vector<1x16xf32>,
      %get3A_3224 = vector.shape_cast %get3A_3223 : vector<1x16xf32> to vector<16xf32>
      %get3A_3225 = arith.constant 18 : i32
      %get3A_3226 = arith.index_cast %get3A_3225 : i32 to index
      %get3A_3227 = arith.constant 32 : index
      %get3A_3228 = tpu.vector_load %arg7[%get3A_3226, %get3A_3227] {strides = array<i32>} : memref<112x64xf32, #tpu.memory_space<vmem>>, vector<1x16xf32>,
      %get3A_3229 = vector.shape_cast %get3A_3228 : vector<1x16xf32> to vector<16xf32>
      %get3A_3230 = arith.constant 19 : i32
      %get3A_3231 = arith.index_cast %get3A_3230 : i32 to index
      %get3A_3232 = arith.constant 32 : index
      %get3A_3233 = tpu.vector_load %arg7[%get3A_3231, %get3A_3232] {strides = array<i32>} : memref<112x64xf32, #tpu.memory_space<vmem>>, vector<1x16xf32>,
      %get3A_3234 = vector.shape_cast %get3A_3233 : vector<1x16xf32> to vector<16xf32>
      %get3A_3235 = arith.constant 20 : i32
      %get3A_3236 = arith.index_cast %get3A_3235 : i32 to index
      %get3A_3237 = arith.constant 32 : index
      %get3A_3238 = tpu.vector_load %arg7[%get3A_3236, %get3A_3237] {strides = array<i32>} : memref<112x64xf32, #tpu.memory_space<vmem>>, vector<1x16xf32>,
      %get3A_3239 = vector.shape_cast %get3A_3238 : vector<1x16xf32> to vector<16xf32>
      %get3A_3240 = arith.constant 21 : i32
      %get3A_3241 = arith.index_cast %get3A_3240 : i32 to index
      %get3A_3242 = arith.constant 32 : index
      %get3A_3243 = tpu.vector_load %arg7[%get3A_3241, %get3A_3242] {strides = array<i32>} : memref<112x64xf32, #tpu.memory_space<vmem>>, vector<1x16xf32>,
      %get3A_3244 = vector.shape_cast %get3A_3243 : vector<1x16xf32> to vector<16xf32>
      %get3A_3245 = arith.constant 22 : i32
      %get3A_3246 = arith.index_cast %get3A_3245 : i32 to index
      %get3A_3247 = arith.constant 32 : index
      %get3A_3248 = tpu.vector_load %arg7[%get3A_3246, %get3A_3247] {strides = array<i32>} : memref<112x64xf32, #tpu.memory_space<vmem>>, vector<1x16xf32>,
      %get3A_3249 = vector.shape_cast %get3A_3248 : vector<1x16xf32> to vector<16xf32>
      %get3A_3250 = arith.constant 23 : i32
      %get3A_3251 = arith.index_cast %get3A_3250 : i32 to index
      %get3A_3252 = arith.constant 32 : index
      %get3A_3253 = tpu.vector_load %arg7[%get3A_3251, %get3A_3252] {strides = array<i32>} : memref<112x64xf32, #tpu.memory_space<vmem>>, vector<1x16xf32>,
      %get3A_3254 = vector.shape_cast %get3A_3253 : vector<1x16xf32> to vector<16xf32>
      %get3A_3255 = arith.constant 24 : i32
      %get3A_3256 = arith.index_cast %get3A_3255 : i32 to index
      %get3A_3257 = arith.constant 32 : index
      %get3A_3258 = tpu.vector_load %arg7[%get3A_3256, %get3A_3257] {strides = array<i32>} : memref<112x64xf32, #tpu.memory_space<vmem>>, vector<1x16xf32>,
      %get3A_3259 = vector.shape_cast %get3A_3258 : vector<1x16xf32> to vector<16xf32>
      %get3A_3260 = arith.constant 25 : i32
      %get3A_3261 = arith.index_cast %get3A_3260 : i32 to index
      %get3A_3262 = arith.constant 32 : index
      %get3A_3263 = tpu.vector_load %arg7[%get3A_3261, %get3A_3262] {strides = array<i32>} : memref<112x64xf32, #tpu.memory_space<vmem>>, vector<1x16xf32>,
      %get3A_3264 = vector.shape_cast %get3A_3263 : vector<1x16xf32> to vector<16xf32>
      %get3A_3265 = arith.constant 26 : i32
      %get3A_3266 = arith.index_cast %get3A_3265 : i32 to index
      %get3A_3267 = arith.constant 32 : index
      %get3A_3268 = tpu.vector_load %arg7[%get3A_3266, %get3A_3267] {strides = array<i32>} : memref<112x64xf32, #tpu.memory_space<vmem>>, vector<1x16xf32>,
      %get3A_3269 = vector.shape_cast %get3A_3268 : vector<1x16xf32> to vector<16xf32>
      %get3A_3270 = arith.constant 27 : i32
      %get3A_3271 = arith.index_cast %get3A_3270 : i32 to index
      %get3A_3272 = arith.constant 32 : index
      %get3A_3273 = tpu.vector_load %arg7[%get3A_3271, %get3A_3272] {strides = array<i32>} : memref<112x64xf32, #tpu.memory_space<vmem>>, vector<1x16xf32>,
      %get3A_3274 = vector.shape_cast %get3A_3273 : vector<1x16xf32> to vector<16xf32>
      %get3A_3275 = arith.constant 28 : i32
      %get3A_3276 = arith.index_cast %get3A_3275 : i32 to index
      %get3A_3277 = arith.constant 32 : index
      %get3A_3278 = tpu.vector_load %arg7[%get3A_3276, %get3A_3277] {strides = array<i32>} : memref<112x64xf32, #tpu.memory_space<vmem>>, vector<1x16xf32>,
      %get3A_3279 = vector.shape_cast %get3A_3278 : vector<1x16xf32> to vector<16xf32>
      %get3A_3280 = arith.constant 29 : i32
      %get3A_3281 = arith.index_cast %get3A_3280 : i32 to index
      %get3A_3282 = arith.constant 32 : index
      %get3A_3283 = tpu.vector_load %arg7[%get3A_3281, %get3A_3282] {strides = array<i32>} : memref<112x64xf32, #tpu.memory_space<vmem>>, vector<1x16xf32>,
      %get3A_3284 = vector.shape_cast %get3A_3283 : vector<1x16xf32> to vector<16xf32>
      %get3A_3285 = arith.constant 30 : i32
      %get3A_3286 = arith.index_cast %get3A_3285 : i32 to index
      %get3A_3287 = arith.constant 32 : index
      %get3A_3288 = tpu.vector_load %arg7[%get3A_3286, %get3A_3287] {strides = array<i32>} : memref<112x64xf32, #tpu.memory_space<vmem>>, vector<1x16xf32>,
      %get3A_3289 = vector.shape_cast %get3A_3288 : vector<1x16xf32> to vector<16xf32>
      %get3A_3290 = arith.constant 31 : i32
      %get3A_3291 = arith.index_cast %get3A_3290 : i32 to index
      %get3A_3292 = arith.constant 32 : index
      %get3A_3293 = tpu.vector_load %arg7[%get3A_3291, %get3A_3292] {strides = array<i32>} : memref<112x64xf32, #tpu.memory_space<vmem>>, vector<1x16xf32>,
      %get3A_3294 = vector.shape_cast %get3A_3293 : vector<1x16xf32> to vector<16xf32>
      %get3A_3295 = arith.constant 32 : i32
      %get3A_3296 = arith.index_cast %get3A_3295 : i32 to index
      %get3A_3297 = arith.constant 32 : index
      %get3A_3298 = tpu.vector_load %arg7[%get3A_3296, %get3A_3297] {strides = array<i32>} : memref<112x64xf32, #tpu.memory_space<vmem>>, vector<1x16xf32>,
      %get3A_3299 = vector.shape_cast %get3A_3298 : vector<1x16xf32> to vector<16xf32>
      %get3A_3300 = arith.constant 33 : i32
      %get3A_3301 = arith.index_cast %get3A_3300 : i32 to index
      %get3A_3302 = arith.constant 32 : index
      %get3A_3303 = tpu.vector_load %arg7[%get3A_3301, %get3A_3302] {strides = array<i32>} : memref<112x64xf32, #tpu.memory_space<vmem>>, vector<1x16xf32>,
      %get3A_3304 = vector.shape_cast %get3A_3303 : vector<1x16xf32> to vector<16xf32>
      %get3A_3305 = arith.constant 34 : i32
      %get3A_3306 = arith.index_cast %get3A_3305 : i32 to index
      %get3A_3307 = arith.constant 32 : index
      %get3A_3308 = tpu.vector_load %arg7[%get3A_3306, %get3A_3307] {strides = array<i32>} : memref<112x64xf32, #tpu.memory_space<vmem>>, vector<1x16xf32>,
      %get3A_3309 = vector.shape_cast %get3A_3308 : vector<1x16xf32> to vector<16xf32>
      %get3A_3310 = arith.constant 35 : i32
      %get3A_3311 = arith.index_cast %get3A_3310 : i32 to index
      %get3A_3312 = arith.constant 32 : index
      %get3A_3313 = tpu.vector_load %arg7[%get3A_3311, %get3A_3312] {strides = array<i32>} : memref<112x64xf32, #tpu.memory_space<vmem>>, vector<1x16xf32>,
      %get3A_3314 = vector.shape_cast %get3A_3313 : vector<1x16xf32> to vector<16xf32>
      %get3A_3315 = arith.constant 36 : i32
      %get3A_3316 = arith.index_cast %get3A_3315 : i32 to index
      %get3A_3317 = arith.constant 32 : index
      %get3A_3318 = tpu.vector_load %arg7[%get3A_3316, %get3A_3317] {strides = array<i32>} : memref<112x64xf32, #tpu.memory_space<vmem>>, vector<1x16xf32>,
      %get3A_3319 = vector.shape_cast %get3A_3318 : vector<1x16xf32> to vector<16xf32>
      %get3A_3320 = arith.constant 37 : i32
      %get3A_3321 = arith.index_cast %get3A_3320 : i32 to index
      %get3A_3322 = arith.constant 32 : index
      %get3A_3323 = tpu.vector_load %arg7[%get3A_3321, %get3A_3322] {strides = array<i32>} : memref<112x64xf32, #tpu.memory_space<vmem>>, vector<1x16xf32>,
      %get3A_3324 = vector.shape_cast %get3A_3323 : vector<1x16xf32> to vector<16xf32>
      %get3A_3325 = arith.constant 38 : i32
      %get3A_3326 = arith.index_cast %get3A_3325 : i32 to index
      %get3A_3327 = arith.constant 32 : index
      %get3A_3328 = tpu.vector_load %arg7[%get3A_3326, %get3A_3327] {strides = array<i32>} : memref<112x64xf32, #tpu.memory_space<vmem>>, vector<1x16xf32>,
      %get3A_3329 = vector.shape_cast %get3A_3328 : vector<1x16xf32> to vector<16xf32>
      %get3A_3330 = arith.constant 39 : i32
      %get3A_3331 = arith.index_cast %get3A_3330 : i32 to index
      %get3A_3332 = arith.constant 32 : index
      %get3A_3333 = tpu.vector_load %arg7[%get3A_3331, %get3A_3332] {strides = array<i32>} : memref<112x64xf32, #tpu.memory_space<vmem>>, vector<1x16xf32>,
      %get3A_3334 = vector.shape_cast %get3A_3333 : vector<1x16xf32> to vector<16xf32>
      %get3A_3335 = arith.constant 40 : i32
      %get3A_3336 = arith.index_cast %get3A_3335 : i32 to index
      %get3A_3337 = arith.constant 32 : index
      %get3A_3338 = tpu.vector_load %arg7[%get3A_3336, %get3A_3337] {strides = array<i32>} : memref<112x64xf32, #tpu.memory_space<vmem>>, vector<1x16xf32>,
      %get3A_3339 = vector.shape_cast %get3A_3338 : vector<1x16xf32> to vector<16xf32>
      %get3A_3340 = arith.constant 41 : i32
      %get3A_3341 = arith.index_cast %get3A_3340 : i32 to index
      %get3A_3342 = arith.constant 32 : index
      %get3A_3343 = tpu.vector_load %arg7[%get3A_3341, %get3A_3342] {strides = array<i32>} : memref<112x64xf32, #tpu.memory_space<vmem>>, vector<1x16xf32>,
      %get3A_3344 = vector.shape_cast %get3A_3343 : vector<1x16xf32> to vector<16xf32>
      %get3A_3345 = arith.constant 42 : i32
      %get3A_3346 = arith.index_cast %get3A_3345 : i32 to index
      %get3A_3347 = arith.constant 32 : index
      %get3A_3348 = tpu.vector_load %arg7[%get3A_3346, %get3A_3347] {strides = array<i32>} : memref<112x64xf32, #tpu.memory_space<vmem>>, vector<1x16xf32>,
      %get3A_3349 = vector.shape_cast %get3A_3348 : vector<1x16xf32> to vector<16xf32>
      %get3A_3350 = arith.constant 43 : i32
      %get3A_3351 = arith.index_cast %get3A_3350 : i32 to index
      %get3A_3352 = arith.constant 32 : index
      %get3A_3353 = tpu.vector_load %arg7[%get3A_3351, %get3A_3352] {strides = array<i32>} : memref<112x64xf32, #tpu.memory_space<vmem>>, vector<1x16xf32>,
      %get3A_3354 = vector.shape_cast %get3A_3353 : vector<1x16xf32> to vector<16xf32>
      %get3A_3355 = arith.constant 44 : i32
      %get3A_3356 = arith.index_cast %get3A_3355 : i32 to index
      %get3A_3357 = arith.constant 32 : index
      %get3A_3358 = tpu.vector_load %arg7[%get3A_3356, %get3A_3357] {strides = array<i32>} : memref<112x64xf32, #tpu.memory_space<vmem>>, vector<1x16xf32>,
      %get3A_3359 = vector.shape_cast %get3A_3358 : vector<1x16xf32> to vector<16xf32>
      %get3A_3360 = arith.constant 45 : i32
      %get3A_3361 = arith.index_cast %get3A_3360 : i32 to index
      %get3A_3362 = arith.constant 32 : index
      %get3A_3363 = tpu.vector_load %arg7[%get3A_3361, %get3A_3362] {strides = array<i32>} : memref<112x64xf32, #tpu.memory_space<vmem>>, vector<1x16xf32>,
      %get3A_3364 = vector.shape_cast %get3A_3363 : vector<1x16xf32> to vector<16xf32>
      %get3A_3365 = arith.constant 46 : i32
      %get3A_3366 = arith.index_cast %get3A_3365 : i32 to index
      %get3A_3367 = arith.constant 32 : index
      %get3A_3368 = tpu.vector_load %arg7[%get3A_3366, %get3A_3367] {strides = array<i32>} : memref<112x64xf32, #tpu.memory_space<vmem>>, vector<1x16xf32>,
      %get3A_3369 = vector.shape_cast %get3A_3368 : vector<1x16xf32> to vector<16xf32>
      %get3A_3370 = arith.constant 47 : i32
      %get3A_3371 = arith.index_cast %get3A_3370 : i32 to index
      %get3A_3372 = arith.constant 32 : index
      %get3A_3373 = tpu.vector_load %arg7[%get3A_3371, %get3A_3372] {strides = array<i32>} : memref<112x64xf32, #tpu.memory_space<vmem>>, vector<1x16xf32>,
      %get3A_3374 = vector.shape_cast %get3A_3373 : vector<1x16xf32> to vector<16xf32>
      %get3A_3375 = arith.constant 48 : i32
      %get3A_3376 = arith.index_cast %get3A_3375 : i32 to index
      %get3A_3377 = arith.constant 32 : index
      %get3A_3378 = tpu.vector_load %arg7[%get3A_3376, %get3A_3377] {strides = array<i32>} : memref<112x64xf32, #tpu.memory_space<vmem>>, vector<1x16xf32>,
      %get3A_3379 = vector.shape_cast %get3A_3378 : vector<1x16xf32> to vector<16xf32>
      %get3A_3380 = arith.constant 49 : i32
      %get3A_3381 = arith.index_cast %get3A_3380 : i32 to index
      %get3A_3382 = arith.constant 32 : index
      %get3A_3383 = tpu.vector_load %arg7[%get3A_3381, %get3A_3382] {strides = array<i32>} : memref<112x64xf32, #tpu.memory_space<vmem>>, vector<1x16xf32>,
      %get3A_3384 = vector.shape_cast %get3A_3383 : vector<1x16xf32> to vector<16xf32>
      %add3A_3385 = arith.addf %get3A_3139, %get3A_3144 : vector<16xf32>
      %add3A_3386 = arith.addf %get3A_3149, %get3A_3154 : vector<16xf32>
      %add3A_3387 = arith.addf %get3A_3159, %get3A_3164 : vector<16xf32>
      %add3A_3388 = arith.addf %get3A_3169, %get3A_3174 : vector<16xf32>
      %add3A_3389 = arith.addf %get3A_3179, %get3A_3184 : vector<16xf32>
      %add3A_3390 = arith.addf %get3A_3189, %get3A_3194 : vector<16xf32>
      %add3A_3391 = arith.addf %get3A_3199, %get3A_3204 : vector<16xf32>
      %add3A_3392 = arith.addf %get3A_3209, %get3A_3214 : vector<16xf32>
      %add3A_3393 = arith.addf %get3A_3219, %get3A_3224 : vector<16xf32>
      %add3A_3394 = arith.addf %get3A_3229, %get3A_3234 : vector<16xf32>
      %add3A_3395 = arith.addf %get3A_3239, %get3A_3244 : vector<16xf32>
      %add3A_3396 = arith.addf %get3A_3249, %get3A_3254 : vector<16xf32>
      %add3A_3397 = arith.addf %get3A_3259, %get3A_3264 : vector<16xf32>
      %add3A_3398 = arith.addf %get3A_3269, %get3A_3274 : vector<16xf32>
      %add3A_3399 = arith.addf %get3A_3279, %get3A_3284 : vector<16xf32>
      %add3A_3400 = arith.addf %get3A_3289, %get3A_3294 : vector<16xf32>
      %add3A_3401 = arith.addf %get3A_3299, %get3A_3304 : vector<16xf32>
      %add3A_3402 = arith.addf %get3A_3309, %get3A_3314 : vector<16xf32>
      %add3A_3403 = arith.addf %get3A_3319, %get3A_3324 : vector<16xf32>
      %add3A_3404 = arith.addf %get3A_3329, %get3A_3334 : vector<16xf32>
      %add3A_3405 = arith.addf %get3A_3339, %get3A_3344 : vector<16xf32>
      %add3A_3406 = arith.addf %get3A_3349, %get3A_3354 : vector<16xf32>
      %add3A_3407 = arith.addf %get3A_3359, %get3A_3364 : vector<16xf32>
      %add3A_3408 = arith.addf %get3A_3369, %get3A_3374 : vector<16xf32>
      %add3A_3409 = arith.addf %get3A_3379, %get3A_3384 : vector<16xf32>
      %add3A_3410 = arith.addf %add3A_3385, %add3A_3386 : vector<16xf32>
      %add3A_3411 = arith.addf %add3A_3387, %add3A_3388 : vector<16xf32>
      %add3A_3412 = arith.addf %add3A_3389, %add3A_3390 : vector<16xf32>
      %add3A_3413 = arith.addf %add3A_3391, %add3A_3392 : vector<16xf32>
      %add3A_3414 = arith.addf %add3A_3393, %add3A_3394 : vector<16xf32>
      %add3A_3415 = arith.addf %add3A_3395, %add3A_3396 : vector<16xf32>
      %add3A_3416 = arith.addf %add3A_3397, %add3A_3398 : vector<16xf32>
      %add3A_3417 = arith.addf %add3A_3399, %add3A_3400 : vector<16xf32>
      %add3A_3418 = arith.addf %add3A_3401, %add3A_3402 : vector<16xf32>
      %add3A_3419 = arith.addf %add3A_3403, %add3A_3404 : vector<16xf32>
      %add3A_3420 = arith.addf %add3A_3405, %add3A_3406 : vector<16xf32>
      %add3A_3421 = arith.addf %add3A_3407, %add3A_3408 : vector<16xf32>
      %add3A_3422 = arith.addf %add3A_3410, %add3A_3411 : vector<16xf32>
      %add3A_3423 = arith.addf %add3A_3412, %add3A_3413 : vector<16xf32>
      %add3A_3424 = arith.addf %add3A_3414, %add3A_3415 : vector<16xf32>
      %add3A_3425 = arith.addf %add3A_3416, %add3A_3417 : vector<16xf32>
      %add3A_3426 = arith.addf %add3A_3418, %add3A_3419 : vector<16xf32>
      %add3A_3427 = arith.addf %add3A_3420, %add3A_3421 : vector<16xf32>
      %add3A_3428 = arith.addf %add3A_3422, %add3A_3423 : vector<16xf32>
      %add3A_3429 = arith.addf %add3A_3424, %add3A_3425 : vector<16xf32>
      %add3A_3430 = arith.addf %add3A_3426, %add3A_3427 : vector<16xf32>
      %add3A_3431 = arith.addf %add3A_3428, %add3A_3429 : vector<16xf32>
      %add3A_3432 = arith.addf %add3A_3430, %add3A_3409 : vector<16xf32>
      %add3A_3433 = arith.addf %add3A_3431, %add3A_3432 : vector<16xf32>
      %add3A_3434 = arith.constant 0 : i32
      %add3A_3435 = arith.addi %add3A_2516, %add3A_3434 : i32
      %mul3A_3436 = arith.constant 64 : i32
      %mul3A_3437 = arith.muli %add3A_3435, %mul3A_3436 : i32
      %add3A_3438 = arith.constant 32 : i32
      %add3A_3439 = arith.addi %mul3A_3437, %add3A_3438 : i32
      %swap3A_3440 = arith.index_cast %add3A_3439 : i32 to index
      %swap3A_3441 = tpu.vector_load %arg8[%swap3A_3440] {strides = array<i32>} : memref<8192xf32, #tpu.memory_space<vmem>>, vector<16xf32>,
      %swap3A_3442 = vector.shape_cast %swap3A_3441 : vector<16xf32> to vector<16xf32>
      %swap3A_3443 = vector.shape_cast %add3A_3433 : vector<16xf32> to vector<16xf32>
      tpu.vector_store %arg8[%swap3A_3440], %swap3A_3443 {strides = array<i32>} : memref<8192xf32, #tpu.memory_space<vmem>>, vector<16xf32>,
      %get3A_3444 = arith.constant 0 : i32
      %get3A_3445 = arith.index_cast %get3A_3444 : i32 to index
      %get3A_3446 = arith.constant 48 : index
      %get3A_3447 = tpu.vector_load %arg7[%get3A_3445, %get3A_3446] {strides = array<i32>} : memref<112x64xf32, #tpu.memory_space<vmem>>, vector<1x16xf32>,
      %get3A_3448 = vector.shape_cast %get3A_3447 : vector<1x16xf32> to vector<16xf32>
      %get3A_3449 = arith.constant 1 : i32
      %get3A_3450 = arith.index_cast %get3A_3449 : i32 to index
      %get3A_3451 = arith.constant 48 : index
      %get3A_3452 = tpu.vector_load %arg7[%get3A_3450, %get3A_3451] {strides = array<i32>} : memref<112x64xf32, #tpu.memory_space<vmem>>, vector<1x16xf32>,
      %get3A_3453 = vector.shape_cast %get3A_3452 : vector<1x16xf32> to vector<16xf32>
      %get3A_3454 = arith.constant 2 : i32
      %get3A_3455 = arith.index_cast %get3A_3454 : i32 to index
      %get3A_3456 = arith.constant 48 : index
      %get3A_3457 = tpu.vector_load %arg7[%get3A_3455, %get3A_3456] {strides = array<i32>} : memref<112x64xf32, #tpu.memory_space<vmem>>, vector<1x16xf32>,
      %get3A_3458 = vector.shape_cast %get3A_3457 : vector<1x16xf32> to vector<16xf32>
      %get3A_3459 = arith.constant 3 : i32
      %get3A_3460 = arith.index_cast %get3A_3459 : i32 to index
      %get3A_3461 = arith.constant 48 : index
      %get3A_3462 = tpu.vector_load %arg7[%get3A_3460, %get3A_3461] {strides = array<i32>} : memref<112x64xf32, #tpu.memory_space<vmem>>, vector<1x16xf32>,
      %get3A_3463 = vector.shape_cast %get3A_3462 : vector<1x16xf32> to vector<16xf32>
      %get3A_3464 = arith.constant 4 : i32
      %get3A_3465 = arith.index_cast %get3A_3464 : i32 to index
      %get3A_3466 = arith.constant 48 : index
      %get3A_3467 = tpu.vector_load %arg7[%get3A_3465, %get3A_3466] {strides = array<i32>} : memref<112x64xf32, #tpu.memory_space<vmem>>, vector<1x16xf32>,
      %get3A_3468 = vector.shape_cast %get3A_3467 : vector<1x16xf32> to vector<16xf32>
      %get3A_3469 = arith.constant 5 : i32
      %get3A_3470 = arith.index_cast %get3A_3469 : i32 to index
      %get3A_3471 = arith.constant 48 : index
      %get3A_3472 = tpu.vector_load %arg7[%get3A_3470, %get3A_3471] {strides = array<i32>} : memref<112x64xf32, #tpu.memory_space<vmem>>, vector<1x16xf32>,
      %get3A_3473 = vector.shape_cast %get3A_3472 : vector<1x16xf32> to vector<16xf32>
      %get3A_3474 = arith.constant 6 : i32
      %get3A_3475 = arith.index_cast %get3A_3474 : i32 to index
      %get3A_3476 = arith.constant 48 : index
      %get3A_3477 = tpu.vector_load %arg7[%get3A_3475, %get3A_3476] {strides = array<i32>} : memref<112x64xf32, #tpu.memory_space<vmem>>, vector<1x16xf32>,
      %get3A_3478 = vector.shape_cast %get3A_3477 : vector<1x16xf32> to vector<16xf32>
      %get3A_3479 = arith.constant 7 : i32
      %get3A_3480 = arith.index_cast %get3A_3479 : i32 to index
      %get3A_3481 = arith.constant 48 : index
      %get3A_3482 = tpu.vector_load %arg7[%get3A_3480, %get3A_3481] {strides = array<i32>} : memref<112x64xf32, #tpu.memory_space<vmem>>, vector<1x16xf32>,
      %get3A_3483 = vector.shape_cast %get3A_3482 : vector<1x16xf32> to vector<16xf32>
      %get3A_3484 = arith.constant 8 : i32
      %get3A_3485 = arith.index_cast %get3A_3484 : i32 to index
      %get3A_3486 = arith.constant 48 : index
      %get3A_3487 = tpu.vector_load %arg7[%get3A_3485, %get3A_3486] {strides = array<i32>} : memref<112x64xf32, #tpu.memory_space<vmem>>, vector<1x16xf32>,
      %get3A_3488 = vector.shape_cast %get3A_3487 : vector<1x16xf32> to vector<16xf32>
      %get3A_3489 = arith.constant 9 : i32
      %get3A_3490 = arith.index_cast %get3A_3489 : i32 to index
      %get3A_3491 = arith.constant 48 : index
      %get3A_3492 = tpu.vector_load %arg7[%get3A_3490, %get3A_3491] {strides = array<i32>} : memref<112x64xf32, #tpu.memory_space<vmem>>, vector<1x16xf32>,
      %get3A_3493 = vector.shape_cast %get3A_3492 : vector<1x16xf32> to vector<16xf32>
      %get3A_3494 = arith.constant 10 : i32
      %get3A_3495 = arith.index_cast %get3A_3494 : i32 to index
      %get3A_3496 = arith.constant 48 : index
      %get3A_3497 = tpu.vector_load %arg7[%get3A_3495, %get3A_3496] {strides = array<i32>} : memref<112x64xf32, #tpu.memory_space<vmem>>, vector<1x16xf32>,
      %get3A_3498 = vector.shape_cast %get3A_3497 : vector<1x16xf32> to vector<16xf32>
      %get3A_3499 = arith.constant 11 : i32
      %get3A_3500 = arith.index_cast %get3A_3499 : i32 to index
      %get3A_3501 = arith.constant 48 : index
      %get3A_3502 = tpu.vector_load %arg7[%get3A_3500, %get3A_3501] {strides = array<i32>} : memref<112x64xf32, #tpu.memory_space<vmem>>, vector<1x16xf32>,
      %get3A_3503 = vector.shape_cast %get3A_3502 : vector<1x16xf32> to vector<16xf32>
      %get3A_3504 = arith.constant 12 : i32
      %get3A_3505 = arith.index_cast %get3A_3504 : i32 to index
      %get3A_3506 = arith.constant 48 : index
      %get3A_3507 = tpu.vector_load %arg7[%get3A_3505, %get3A_3506] {strides = array<i32>} : memref<112x64xf32, #tpu.memory_space<vmem>>, vector<1x16xf32>,
      %get3A_3508 = vector.shape_cast %get3A_3507 : vector<1x16xf32> to vector<16xf32>
      %get3A_3509 = arith.constant 13 : i32
      %get3A_3510 = arith.index_cast %get3A_3509 : i32 to index
      %get3A_3511 = arith.constant 48 : index
      %get3A_3512 = tpu.vector_load %arg7[%get3A_3510, %get3A_3511] {strides = array<i32>} : memref<112x64xf32, #tpu.memory_space<vmem>>, vector<1x16xf32>,
      %get3A_3513 = vector.shape_cast %get3A_3512 : vector<1x16xf32> to vector<16xf32>
      %get3A_3514 = arith.constant 14 : i32
      %get3A_3515 = arith.index_cast %get3A_3514 : i32 to index
      %get3A_3516 = arith.constant 48 : index
      %get3A_3517 = tpu.vector_load %arg7[%get3A_3515, %get3A_3516] {strides = array<i32>} : memref<112x64xf32, #tpu.memory_space<vmem>>, vector<1x16xf32>,
      %get3A_3518 = vector.shape_cast %get3A_3517 : vector<1x16xf32> to vector<16xf32>
      %get3A_3519 = arith.constant 15 : i32
      %get3A_3520 = arith.index_cast %get3A_3519 : i32 to index
      %get3A_3521 = arith.constant 48 : index
      %get3A_3522 = tpu.vector_load %arg7[%get3A_3520, %get3A_3521] {strides = array<i32>} : memref<112x64xf32, #tpu.memory_space<vmem>>, vector<1x16xf32>,
      %get3A_3523 = vector.shape_cast %get3A_3522 : vector<1x16xf32> to vector<16xf32>
      %get3A_3524 = arith.constant 16 : i32
      %get3A_3525 = arith.index_cast %get3A_3524 : i32 to index
      %get3A_3526 = arith.constant 48 : index
      %get3A_3527 = tpu.vector_load %arg7[%get3A_3525, %get3A_3526] {strides = array<i32>} : memref<112x64xf32, #tpu.memory_space<vmem>>, vector<1x16xf32>,
      %get3A_3528 = vector.shape_cast %get3A_3527 : vector<1x16xf32> to vector<16xf32>
      %get3A_3529 = arith.constant 17 : i32
      %get3A_3530 = arith.index_cast %get3A_3529 : i32 to index
      %get3A_3531 = arith.constant 48 : index
      %get3A_3532 = tpu.vector_load %arg7[%get3A_3530, %get3A_3531] {strides = array<i32>} : memref<112x64xf32, #tpu.memory_space<vmem>>, vector<1x16xf32>,
      %get3A_3533 = vector.shape_cast %get3A_3532 : vector<1x16xf32> to vector<16xf32>
      %get3A_3534 = arith.constant 18 : i32
      %get3A_3535 = arith.index_cast %get3A_3534 : i32 to index
      %get3A_3536 = arith.constant 48 : index
      %get3A_3537 = tpu.vector_load %arg7[%get3A_3535, %get3A_3536] {strides = array<i32>} : memref<112x64xf32, #tpu.memory_space<vmem>>, vector<1x16xf32>,
      %get3A_3538 = vector.shape_cast %get3A_3537 : vector<1x16xf32> to vector<16xf32>
      %get3A_3539 = arith.constant 19 : i32
      %get3A_3540 = arith.index_cast %get3A_3539 : i32 to index
      %get3A_3541 = arith.constant 48 : index
      %get3A_3542 = tpu.vector_load %arg7[%get3A_3540, %get3A_3541] {strides = array<i32>} : memref<112x64xf32, #tpu.memory_space<vmem>>, vector<1x16xf32>,
      %get3A_3543 = vector.shape_cast %get3A_3542 : vector<1x16xf32> to vector<16xf32>
      %get3A_3544 = arith.constant 20 : i32
      %get3A_3545 = arith.index_cast %get3A_3544 : i32 to index
      %get3A_3546 = arith.constant 48 : index
      %get3A_3547 = tpu.vector_load %arg7[%get3A_3545, %get3A_3546] {strides = array<i32>} : memref<112x64xf32, #tpu.memory_space<vmem>>, vector<1x16xf32>,
      %get3A_3548 = vector.shape_cast %get3A_3547 : vector<1x16xf32> to vector<16xf32>
      %get3A_3549 = arith.constant 21 : i32
      %get3A_3550 = arith.index_cast %get3A_3549 : i32 to index
      %get3A_3551 = arith.constant 48 : index
      %get3A_3552 = tpu.vector_load %arg7[%get3A_3550, %get3A_3551] {strides = array<i32>} : memref<112x64xf32, #tpu.memory_space<vmem>>, vector<1x16xf32>,
      %get3A_3553 = vector.shape_cast %get3A_3552 : vector<1x16xf32> to vector<16xf32>
      %get3A_3554 = arith.constant 22 : i32
      %get3A_3555 = arith.index_cast %get3A_3554 : i32 to index
      %get3A_3556 = arith.constant 48 : index
      %get3A_3557 = tpu.vector_load %arg7[%get3A_3555, %get3A_3556] {strides = array<i32>} : memref<112x64xf32, #tpu.memory_space<vmem>>, vector<1x16xf32>,
      %get3A_3558 = vector.shape_cast %get3A_3557 : vector<1x16xf32> to vector<16xf32>
      %get3A_3559 = arith.constant 23 : i32
      %get3A_3560 = arith.index_cast %get3A_3559 : i32 to index
      %get3A_3561 = arith.constant 48 : index
      %get3A_3562 = tpu.vector_load %arg7[%get3A_3560, %get3A_3561] {strides = array<i32>} : memref<112x64xf32, #tpu.memory_space<vmem>>, vector<1x16xf32>,
      %get3A_3563 = vector.shape_cast %get3A_3562 : vector<1x16xf32> to vector<16xf32>
      %get3A_3564 = arith.constant 24 : i32
      %get3A_3565 = arith.index_cast %get3A_3564 : i32 to index
      %get3A_3566 = arith.constant 48 : index
      %get3A_3567 = tpu.vector_load %arg7[%get3A_3565, %get3A_3566] {strides = array<i32>} : memref<112x64xf32, #tpu.memory_space<vmem>>, vector<1x16xf32>,
      %get3A_3568 = vector.shape_cast %get3A_3567 : vector<1x16xf32> to vector<16xf32>
      %get3A_3569 = arith.constant 25 : i32
      %get3A_3570 = arith.index_cast %get3A_3569 : i32 to index
      %get3A_3571 = arith.constant 48 : index
      %get3A_3572 = tpu.vector_load %arg7[%get3A_3570, %get3A_3571] {strides = array<i32>} : memref<112x64xf32, #tpu.memory_space<vmem>>, vector<1x16xf32>,
      %get3A_3573 = vector.shape_cast %get3A_3572 : vector<1x16xf32> to vector<16xf32>
      %get3A_3574 = arith.constant 26 : i32
      %get3A_3575 = arith.index_cast %get3A_3574 : i32 to index
      %get3A_3576 = arith.constant 48 : index
      %get3A_3577 = tpu.vector_load %arg7[%get3A_3575, %get3A_3576] {strides = array<i32>} : memref<112x64xf32, #tpu.memory_space<vmem>>, vector<1x16xf32>,
      %get3A_3578 = vector.shape_cast %get3A_3577 : vector<1x16xf32> to vector<16xf32>
      %get3A_3579 = arith.constant 27 : i32
      %get3A_3580 = arith.index_cast %get3A_3579 : i32 to index
      %get3A_3581 = arith.constant 48 : index
      %get3A_3582 = tpu.vector_load %arg7[%get3A_3580, %get3A_3581] {strides = array<i32>} : memref<112x64xf32, #tpu.memory_space<vmem>>, vector<1x16xf32>,
      %get3A_3583 = vector.shape_cast %get3A_3582 : vector<1x16xf32> to vector<16xf32>
      %get3A_3584 = arith.constant 28 : i32
      %get3A_3585 = arith.index_cast %get3A_3584 : i32 to index
      %get3A_3586 = arith.constant 48 : index
      %get3A_3587 = tpu.vector_load %arg7[%get3A_3585, %get3A_3586] {strides = array<i32>} : memref<112x64xf32, #tpu.memory_space<vmem>>, vector<1x16xf32>,
      %get3A_3588 = vector.shape_cast %get3A_3587 : vector<1x16xf32> to vector<16xf32>
      %get3A_3589 = arith.constant 29 : i32
      %get3A_3590 = arith.index_cast %get3A_3589 : i32 to index
      %get3A_3591 = arith.constant 48 : index
      %get3A_3592 = tpu.vector_load %arg7[%get3A_3590, %get3A_3591] {strides = array<i32>} : memref<112x64xf32, #tpu.memory_space<vmem>>, vector<1x16xf32>,
      %get3A_3593 = vector.shape_cast %get3A_3592 : vector<1x16xf32> to vector<16xf32>
      %get3A_3594 = arith.constant 30 : i32
      %get3A_3595 = arith.index_cast %get3A_3594 : i32 to index
      %get3A_3596 = arith.constant 48 : index
      %get3A_3597 = tpu.vector_load %arg7[%get3A_3595, %get3A_3596] {strides = array<i32>} : memref<112x64xf32, #tpu.memory_space<vmem>>, vector<1x16xf32>,
      %get3A_3598 = vector.shape_cast %get3A_3597 : vector<1x16xf32> to vector<16xf32>
      %get3A_3599 = arith.constant 31 : i32
      %get3A_3600 = arith.index_cast %get3A_3599 : i32 to index
      %get3A_3601 = arith.constant 48 : index
      %get3A_3602 = tpu.vector_load %arg7[%get3A_3600, %get3A_3601] {strides = array<i32>} : memref<112x64xf32, #tpu.memory_space<vmem>>, vector<1x16xf32>,
      %get3A_3603 = vector.shape_cast %get3A_3602 : vector<1x16xf32> to vector<16xf32>
      %get3A_3604 = arith.constant 32 : i32
      %get3A_3605 = arith.index_cast %get3A_3604 : i32 to index
      %get3A_3606 = arith.constant 48 : index
      %get3A_3607 = tpu.vector_load %arg7[%get3A_3605, %get3A_3606] {strides = array<i32>} : memref<112x64xf32, #tpu.memory_space<vmem>>, vector<1x16xf32>,
      %get3A_3608 = vector.shape_cast %get3A_3607 : vector<1x16xf32> to vector<16xf32>
      %get3A_3609 = arith.constant 33 : i32
      %get3A_3610 = arith.index_cast %get3A_3609 : i32 to index
      %get3A_3611 = arith.constant 48 : index
      %get3A_3612 = tpu.vector_load %arg7[%get3A_3610, %get3A_3611] {strides = array<i32>} : memref<112x64xf32, #tpu.memory_space<vmem>>, vector<1x16xf32>,
      %get3A_3613 = vector.shape_cast %get3A_3612 : vector<1x16xf32> to vector<16xf32>
      %get3A_3614 = arith.constant 34 : i32
      %get3A_3615 = arith.index_cast %get3A_3614 : i32 to index
      %get3A_3616 = arith.constant 48 : index
      %get3A_3617 = tpu.vector_load %arg7[%get3A_3615, %get3A_3616] {strides = array<i32>} : memref<112x64xf32, #tpu.memory_space<vmem>>, vector<1x16xf32>,
      %get3A_3618 = vector.shape_cast %get3A_3617 : vector<1x16xf32> to vector<16xf32>
      %get3A_3619 = arith.constant 35 : i32
      %get3A_3620 = arith.index_cast %get3A_3619 : i32 to index
      %get3A_3621 = arith.constant 48 : index
      %get3A_3622 = tpu.vector_load %arg7[%get3A_3620, %get3A_3621] {strides = array<i32>} : memref<112x64xf32, #tpu.memory_space<vmem>>, vector<1x16xf32>,
      %get3A_3623 = vector.shape_cast %get3A_3622 : vector<1x16xf32> to vector<16xf32>
      %get3A_3624 = arith.constant 36 : i32
      %get3A_3625 = arith.index_cast %get3A_3624 : i32 to index
      %get3A_3626 = arith.constant 48 : index
      %get3A_3627 = tpu.vector_load %arg7[%get3A_3625, %get3A_3626] {strides = array<i32>} : memref<112x64xf32, #tpu.memory_space<vmem>>, vector<1x16xf32>,
      %get3A_3628 = vector.shape_cast %get3A_3627 : vector<1x16xf32> to vector<16xf32>
      %get3A_3629 = arith.constant 37 : i32
      %get3A_3630 = arith.index_cast %get3A_3629 : i32 to index
      %get3A_3631 = arith.constant 48 : index
      %get3A_3632 = tpu.vector_load %arg7[%get3A_3630, %get3A_3631] {strides = array<i32>} : memref<112x64xf32, #tpu.memory_space<vmem>>, vector<1x16xf32>,
      %get3A_3633 = vector.shape_cast %get3A_3632 : vector<1x16xf32> to vector<16xf32>
      %get3A_3634 = arith.constant 38 : i32
      %get3A_3635 = arith.index_cast %get3A_3634 : i32 to index
      %get3A_3636 = arith.constant 48 : index
      %get3A_3637 = tpu.vector_load %arg7[%get3A_3635, %get3A_3636] {strides = array<i32>} : memref<112x64xf32, #tpu.memory_space<vmem>>, vector<1x16xf32>,
      %get3A_3638 = vector.shape_cast %get3A_3637 : vector<1x16xf32> to vector<16xf32>
      %get3A_3639 = arith.constant 39 : i32
      %get3A_3640 = arith.index_cast %get3A_3639 : i32 to index
      %get3A_3641 = arith.constant 48 : index
      %get3A_3642 = tpu.vector_load %arg7[%get3A_3640, %get3A_3641] {strides = array<i32>} : memref<112x64xf32, #tpu.memory_space<vmem>>, vector<1x16xf32>,
      %get3A_3643 = vector.shape_cast %get3A_3642 : vector<1x16xf32> to vector<16xf32>
      %get3A_3644 = arith.constant 40 : i32
      %get3A_3645 = arith.index_cast %get3A_3644 : i32 to index
      %get3A_3646 = arith.constant 48 : index
      %get3A_3647 = tpu.vector_load %arg7[%get3A_3645, %get3A_3646] {strides = array<i32>} : memref<112x64xf32, #tpu.memory_space<vmem>>, vector<1x16xf32>,
      %get3A_3648 = vector.shape_cast %get3A_3647 : vector<1x16xf32> to vector<16xf32>
      %get3A_3649 = arith.constant 41 : i32
      %get3A_3650 = arith.index_cast %get3A_3649 : i32 to index
      %get3A_3651 = arith.constant 48 : index
      %get3A_3652 = tpu.vector_load %arg7[%get3A_3650, %get3A_3651] {strides = array<i32>} : memref<112x64xf32, #tpu.memory_space<vmem>>, vector<1x16xf32>,
      %get3A_3653 = vector.shape_cast %get3A_3652 : vector<1x16xf32> to vector<16xf32>
      %get3A_3654 = arith.constant 42 : i32
      %get3A_3655 = arith.index_cast %get3A_3654 : i32 to index
      %get3A_3656 = arith.constant 48 : index
      %get3A_3657 = tpu.vector_load %arg7[%get3A_3655, %get3A_3656] {strides = array<i32>} : memref<112x64xf32, #tpu.memory_space<vmem>>, vector<1x16xf32>,
      %get3A_3658 = vector.shape_cast %get3A_3657 : vector<1x16xf32> to vector<16xf32>
      %get3A_3659 = arith.constant 43 : i32
      %get3A_3660 = arith.index_cast %get3A_3659 : i32 to index
      %get3A_3661 = arith.constant 48 : index
      %get3A_3662 = tpu.vector_load %arg7[%get3A_3660, %get3A_3661] {strides = array<i32>} : memref<112x64xf32, #tpu.memory_space<vmem>>, vector<1x16xf32>,
      %get3A_3663 = vector.shape_cast %get3A_3662 : vector<1x16xf32> to vector<16xf32>
      %get3A_3664 = arith.constant 44 : i32
      %get3A_3665 = arith.index_cast %get3A_3664 : i32 to index
      %get3A_3666 = arith.constant 48 : index
      %get3A_3667 = tpu.vector_load %arg7[%get3A_3665, %get3A_3666] {strides = array<i32>} : memref<112x64xf32, #tpu.memory_space<vmem>>, vector<1x16xf32>,
      %get3A_3668 = vector.shape_cast %get3A_3667 : vector<1x16xf32> to vector<16xf32>
      %get3A_3669 = arith.constant 45 : i32
      %get3A_3670 = arith.index_cast %get3A_3669 : i32 to index
      %get3A_3671 = arith.constant 48 : index
      %get3A_3672 = tpu.vector_load %arg7[%get3A_3670, %get3A_3671] {strides = array<i32>} : memref<112x64xf32, #tpu.memory_space<vmem>>, vector<1x16xf32>,
      %get3A_3673 = vector.shape_cast %get3A_3672 : vector<1x16xf32> to vector<16xf32>
      %get3A_3674 = arith.constant 46 : i32
      %get3A_3675 = arith.index_cast %get3A_3674 : i32 to index
      %get3A_3676 = arith.constant 48 : index
      %get3A_3677 = tpu.vector_load %arg7[%get3A_3675, %get3A_3676] {strides = array<i32>} : memref<112x64xf32, #tpu.memory_space<vmem>>, vector<1x16xf32>,
      %get3A_3678 = vector.shape_cast %get3A_3677 : vector<1x16xf32> to vector<16xf32>
      %get3A_3679 = arith.constant 47 : i32
      %get3A_3680 = arith.index_cast %get3A_3679 : i32 to index
      %get3A_3681 = arith.constant 48 : index
      %get3A_3682 = tpu.vector_load %arg7[%get3A_3680, %get3A_3681] {strides = array<i32>} : memref<112x64xf32, #tpu.memory_space<vmem>>, vector<1x16xf32>,
      %get3A_3683 = vector.shape_cast %get3A_3682 : vector<1x16xf32> to vector<16xf32>
      %get3A_3684 = arith.constant 48 : i32
      %get3A_3685 = arith.index_cast %get3A_3684 : i32 to index
      %get3A_3686 = arith.constant 48 : index
      %get3A_3687 = tpu.vector_load %arg7[%get3A_3685, %get3A_3686] {strides = array<i32>} : memref<112x64xf32, #tpu.memory_space<vmem>>, vector<1x16xf32>,
      %get3A_3688 = vector.shape_cast %get3A_3687 : vector<1x16xf32> to vector<16xf32>
      %get3A_3689 = arith.constant 49 : i32
      %get3A_3690 = arith.index_cast %get3A_3689 : i32 to index
      %get3A_3691 = arith.constant 48 : index
      %get3A_3692 = tpu.vector_load %arg7[%get3A_3690, %get3A_3691] {strides = array<i32>} : memref<112x64xf32, #tpu.memory_space<vmem>>, vector<1x16xf32>,
      %get3A_3693 = vector.shape_cast %get3A_3692 : vector<1x16xf32> to vector<16xf32>
      %add3A_3694 = arith.addf %get3A_3448, %get3A_3453 : vector<16xf32>
      %add3A_3695 = arith.addf %get3A_3458, %get3A_3463 : vector<16xf32>
      %add3A_3696 = arith.addf %get3A_3468, %get3A_3473 : vector<16xf32>
      %add3A_3697 = arith.addf %get3A_3478, %get3A_3483 : vector<16xf32>
      %add3A_3698 = arith.addf %get3A_3488, %get3A_3493 : vector<16xf32>
      %add3A_3699 = arith.addf %get3A_3498, %get3A_3503 : vector<16xf32>
      %add3A_3700 = arith.addf %get3A_3508, %get3A_3513 : vector<16xf32>
      %add3A_3701 = arith.addf %get3A_3518, %get3A_3523 : vector<16xf32>
      %add3A_3702 = arith.addf %get3A_3528, %get3A_3533 : vector<16xf32>
      %add3A_3703 = arith.addf %get3A_3538, %get3A_3543 : vector<16xf32>
      %add3A_3704 = arith.addf %get3A_3548, %get3A_3553 : vector<16xf32>
      %add3A_3705 = arith.addf %get3A_3558, %get3A_3563 : vector<16xf32>
      %add3A_3706 = arith.addf %get3A_3568, %get3A_3573 : vector<16xf32>
      %add3A_3707 = arith.addf %get3A_3578, %get3A_3583 : vector<16xf32>
      %add3A_3708 = arith.addf %get3A_3588, %get3A_3593 : vector<16xf32>
      %add3A_3709 = arith.addf %get3A_3598, %get3A_3603 : vector<16xf32>
      %add3A_3710 = arith.addf %get3A_3608, %get3A_3613 : vector<16xf32>
      %add3A_3711 = arith.addf %get3A_3618, %get3A_3623 : vector<16xf32>
      %add3A_3712 = arith.addf %get3A_3628, %get3A_3633 : vector<16xf32>
      %add3A_3713 = arith.addf %get3A_3638, %get3A_3643 : vector<16xf32>
      %add3A_3714 = arith.addf %get3A_3648, %get3A_3653 : vector<16xf32>
      %add3A_3715 = arith.addf %get3A_3658, %get3A_3663 : vector<16xf32>
      %add3A_3716 = arith.addf %get3A_3668, %get3A_3673 : vector<16xf32>
      %add3A_3717 = arith.addf %get3A_3678, %get3A_3683 : vector<16xf32>
      %add3A_3718 = arith.addf %get3A_3688, %get3A_3693 : vector<16xf32>
      %add3A_3719 = arith.addf %add3A_3694, %add3A_3695 : vector<16xf32>
      %add3A_3720 = arith.addf %add3A_3696, %add3A_3697 : vector<16xf32>
      %add3A_3721 = arith.addf %add3A_3698, %add3A_3699 : vector<16xf32>
      %add3A_3722 = arith.addf %add3A_3700, %add3A_3701 : vector<16xf32>
      %add3A_3723 = arith.addf %add3A_3702, %add3A_3703 : vector<16xf32>
      %add3A_3724 = arith.addf %add3A_3704, %add3A_3705 : vector<16xf32>
      %add3A_3725 = arith.addf %add3A_3706, %add3A_3707 : vector<16xf32>
      %add3A_3726 = arith.addf %add3A_3708, %add3A_3709 : vector<16xf32>
      %add3A_3727 = arith.addf %add3A_3710, %add3A_3711 : vector<16xf32>
      %add3A_3728 = arith.addf %add3A_3712, %add3A_3713 : vector<16xf32>
      %add3A_3729 = arith.addf %add3A_3714, %add3A_3715 : vector<16xf32>
      %add3A_3730 = arith.addf %add3A_3716, %add3A_3717 : vector<16xf32>
      %add3A_3731 = arith.addf %add3A_3719, %add3A_3720 : vector<16xf32>
      %add3A_3732 = arith.addf %add3A_3721, %add3A_3722 : vector<16xf32>
      %add3A_3733 = arith.addf %add3A_3723, %add3A_3724 : vector<16xf32>
      %add3A_3734 = arith.addf %add3A_3725, %add3A_3726 : vector<16xf32>
      %add3A_3735 = arith.addf %add3A_3727, %add3A_3728 : vector<16xf32>
      %add3A_3736 = arith.addf %add3A_3729, %add3A_3730 : vector<16xf32>
      %add3A_3737 = arith.addf %add3A_3731, %add3A_3732 : vector<16xf32>
      %add3A_3738 = arith.addf %add3A_3733, %add3A_3734 : vector<16xf32>
      %add3A_3739 = arith.addf %add3A_3735, %add3A_3736 : vector<16xf32>
      %add3A_3740 = arith.addf %add3A_3737, %add3A_3738 : vector<16xf32>
      %add3A_3741 = arith.addf %add3A_3739, %add3A_3718 : vector<16xf32>
      %add3A_3742 = arith.addf %add3A_3740, %add3A_3741 : vector<16xf32>
      %add3A_3743 = arith.constant 0 : i32
      %add3A_3744 = arith.addi %add3A_2516, %add3A_3743 : i32
      %mul3A_3745 = arith.constant 64 : i32
      %mul3A_3746 = arith.muli %add3A_3744, %mul3A_3745 : i32
      %add3A_3747 = arith.constant 48 : i32
      %add3A_3748 = arith.addi %mul3A_3746, %add3A_3747 : i32
      %swap3A_3749 = arith.index_cast %add3A_3748 : i32 to index
      %swap3A_3750 = tpu.vector_load %arg8[%swap3A_3749] {strides = array<i32>} : memref<8192xf32, #tpu.memory_space<vmem>>, vector<16xf32>,
      %swap3A_3751 = vector.shape_cast %swap3A_3750 : vector<16xf32> to vector<16xf32>
      %swap3A_3752 = vector.shape_cast %add3A_3742 : vector<16xf32> to vector<16xf32>
      tpu.vector_store %arg8[%swap3A_3749], %swap3A_3752 {strides = array<i32>} : memref<8192xf32, #tpu.memory_space<vmem>>, vector<16xf32>,
      %get3A_3753 = arith.constant 56 : i32
      %get3A_3754 = arith.index_cast %get3A_3753 : i32 to index
      %get3A_3755 = arith.constant 0 : index
      %get3A_3756 = tpu.vector_load %arg7[%get3A_3754, %get3A_3755] {strides = array<i32>} : memref<112x64xf32, #tpu.memory_space<vmem>>, vector<1x16xf32>,
      %get3A_3757 = vector.shape_cast %get3A_3756 : vector<1x16xf32> to vector<16xf32>
      %get3A_3758 = arith.constant 57 : i32
      %get3A_3759 = arith.index_cast %get3A_3758 : i32 to index
      %get3A_3760 = arith.constant 0 : index
      %get3A_3761 = tpu.vector_load %arg7[%get3A_3759, %get3A_3760] {strides = array<i32>} : memref<112x64xf32, #tpu.memory_space<vmem>>, vector<1x16xf32>,
      %get3A_3762 = vector.shape_cast %get3A_3761 : vector<1x16xf32> to vector<16xf32>
      %get3A_3763 = arith.constant 58 : i32
      %get3A_3764 = arith.index_cast %get3A_3763 : i32 to index
      %get3A_3765 = arith.constant 0 : index
      %get3A_3766 = tpu.vector_load %arg7[%get3A_3764, %get3A_3765] {strides = array<i32>} : memref<112x64xf32, #tpu.memory_space<vmem>>, vector<1x16xf32>,
      %get3A_3767 = vector.shape_cast %get3A_3766 : vector<1x16xf32> to vector<16xf32>
      %get3A_3768 = arith.constant 59 : i32
      %get3A_3769 = arith.index_cast %get3A_3768 : i32 to index
      %get3A_3770 = arith.constant 0 : index
      %get3A_3771 = tpu.vector_load %arg7[%get3A_3769, %get3A_3770] {strides = array<i32>} : memref<112x64xf32, #tpu.memory_space<vmem>>, vector<1x16xf32>,
      %get3A_3772 = vector.shape_cast %get3A_3771 : vector<1x16xf32> to vector<16xf32>
      %get3A_3773 = arith.constant 60 : i32
      %get3A_3774 = arith.index_cast %get3A_3773 : i32 to index
      %get3A_3775 = arith.constant 0 : index
      %get3A_3776 = tpu.vector_load %arg7[%get3A_3774, %get3A_3775] {strides = array<i32>} : memref<112x64xf32, #tpu.memory_space<vmem>>, vector<1x16xf32>,
      %get3A_3777 = vector.shape_cast %get3A_3776 : vector<1x16xf32> to vector<16xf32>
      %get3A_3778 = arith.constant 61 : i32
      %get3A_3779 = arith.index_cast %get3A_3778 : i32 to index
      %get3A_3780 = arith.constant 0 : index
      %get3A_3781 = tpu.vector_load %arg7[%get3A_3779, %get3A_3780] {strides = array<i32>} : memref<112x64xf32, #tpu.memory_space<vmem>>, vector<1x16xf32>,
      %get3A_3782 = vector.shape_cast %get3A_3781 : vector<1x16xf32> to vector<16xf32>
      %get3A_3783 = arith.constant 62 : i32
      %get3A_3784 = arith.index_cast %get3A_3783 : i32 to index
      %get3A_3785 = arith.constant 0 : index
      %get3A_3786 = tpu.vector_load %arg7[%get3A_3784, %get3A_3785] {strides = array<i32>} : memref<112x64xf32, #tpu.memory_space<vmem>>, vector<1x16xf32>,
      %get3A_3787 = vector.shape_cast %get3A_3786 : vector<1x16xf32> to vector<16xf32>
      %get3A_3788 = arith.constant 63 : i32
      %get3A_3789 = arith.index_cast %get3A_3788 : i32 to index
      %get3A_3790 = arith.constant 0 : index
      %get3A_3791 = tpu.vector_load %arg7[%get3A_3789, %get3A_3790] {strides = array<i32>} : memref<112x64xf32, #tpu.memory_space<vmem>>, vector<1x16xf32>,
      %get3A_3792 = vector.shape_cast %get3A_3791 : vector<1x16xf32> to vector<16xf32>
      %get3A_3793 = arith.constant 64 : i32
      %get3A_3794 = arith.index_cast %get3A_3793 : i32 to index
      %get3A_3795 = arith.constant 0 : index
      %get3A_3796 = tpu.vector_load %arg7[%get3A_3794, %get3A_3795] {strides = array<i32>} : memref<112x64xf32, #tpu.memory_space<vmem>>, vector<1x16xf32>,
      %get3A_3797 = vector.shape_cast %get3A_3796 : vector<1x16xf32> to vector<16xf32>
      %get3A_3798 = arith.constant 65 : i32
      %get3A_3799 = arith.index_cast %get3A_3798 : i32 to index
      %get3A_3800 = arith.constant 0 : index
      %get3A_3801 = tpu.vector_load %arg7[%get3A_3799, %get3A_3800] {strides = array<i32>} : memref<112x64xf32, #tpu.memory_space<vmem>>, vector<1x16xf32>,
      %get3A_3802 = vector.shape_cast %get3A_3801 : vector<1x16xf32> to vector<16xf32>
      %get3A_3803 = arith.constant 66 : i32
      %get3A_3804 = arith.index_cast %get3A_3803 : i32 to index
      %get3A_3805 = arith.constant 0 : index
      %get3A_3806 = tpu.vector_load %arg7[%get3A_3804, %get3A_3805] {strides = array<i32>} : memref<112x64xf32, #tpu.memory_space<vmem>>, vector<1x16xf32>,
      %get3A_3807 = vector.shape_cast %get3A_3806 : vector<1x16xf32> to vector<16xf32>
      %get3A_3808 = arith.constant 67 : i32
      %get3A_3809 = arith.index_cast %get3A_3808 : i32 to index
      %get3A_3810 = arith.constant 0 : index
      %get3A_3811 = tpu.vector_load %arg7[%get3A_3809, %get3A_3810] {strides = array<i32>} : memref<112x64xf32, #tpu.memory_space<vmem>>, vector<1x16xf32>,
      %get3A_3812 = vector.shape_cast %get3A_3811 : vector<1x16xf32> to vector<16xf32>
      %get3A_3813 = arith.constant 68 : i32
      %get3A_3814 = arith.index_cast %get3A_3813 : i32 to index
      %get3A_3815 = arith.constant 0 : index
      %get3A_3816 = tpu.vector_load %arg7[%get3A_3814, %get3A_3815] {strides = array<i32>} : memref<112x64xf32, #tpu.memory_space<vmem>>, vector<1x16xf32>,
      %get3A_3817 = vector.shape_cast %get3A_3816 : vector<1x16xf32> to vector<16xf32>
      %get3A_3818 = arith.constant 69 : i32
      %get3A_3819 = arith.index_cast %get3A_3818 : i32 to index
      %get3A_3820 = arith.constant 0 : index
      %get3A_3821 = tpu.vector_load %arg7[%get3A_3819, %get3A_3820] {strides = array<i32>} : memref<112x64xf32, #tpu.memory_space<vmem>>, vector<1x16xf32>,
      %get3A_3822 = vector.shape_cast %get3A_3821 : vector<1x16xf32> to vector<16xf32>
      %get3A_3823 = arith.constant 70 : i32
      %get3A_3824 = arith.index_cast %get3A_3823 : i32 to index
      %get3A_3825 = arith.constant 0 : index
      %get3A_3826 = tpu.vector_load %arg7[%get3A_3824, %get3A_3825] {strides = array<i32>} : memref<112x64xf32, #tpu.memory_space<vmem>>, vector<1x16xf32>,
      %get3A_3827 = vector.shape_cast %get3A_3826 : vector<1x16xf32> to vector<16xf32>
      %get3A_3828 = arith.constant 71 : i32
      %get3A_3829 = arith.index_cast %get3A_3828 : i32 to index
      %get3A_3830 = arith.constant 0 : index
      %get3A_3831 = tpu.vector_load %arg7[%get3A_3829, %get3A_3830] {strides = array<i32>} : memref<112x64xf32, #tpu.memory_space<vmem>>, vector<1x16xf32>,
      %get3A_3832 = vector.shape_cast %get3A_3831 : vector<1x16xf32> to vector<16xf32>
      %get3A_3833 = arith.constant 72 : i32
      %get3A_3834 = arith.index_cast %get3A_3833 : i32 to index
      %get3A_3835 = arith.constant 0 : index
      %get3A_3836 = tpu.vector_load %arg7[%get3A_3834, %get3A_3835] {strides = array<i32>} : memref<112x64xf32, #tpu.memory_space<vmem>>, vector<1x16xf32>,
      %get3A_3837 = vector.shape_cast %get3A_3836 : vector<1x16xf32> to vector<16xf32>
      %get3A_3838 = arith.constant 73 : i32
      %get3A_3839 = arith.index_cast %get3A_3838 : i32 to index
      %get3A_3840 = arith.constant 0 : index
      %get3A_3841 = tpu.vector_load %arg7[%get3A_3839, %get3A_3840] {strides = array<i32>} : memref<112x64xf32, #tpu.memory_space<vmem>>, vector<1x16xf32>,
      %get3A_3842 = vector.shape_cast %get3A_3841 : vector<1x16xf32> to vector<16xf32>
      %get3A_3843 = arith.constant 74 : i32
      %get3A_3844 = arith.index_cast %get3A_3843 : i32 to index
      %get3A_3845 = arith.constant 0 : index
      %get3A_3846 = tpu.vector_load %arg7[%get3A_3844, %get3A_3845] {strides = array<i32>} : memref<112x64xf32, #tpu.memory_space<vmem>>, vector<1x16xf32>,
      %get3A_3847 = vector.shape_cast %get3A_3846 : vector<1x16xf32> to vector<16xf32>
      %get3A_3848 = arith.constant 75 : i32
      %get3A_3849 = arith.index_cast %get3A_3848 : i32 to index
      %get3A_3850 = arith.constant 0 : index
      %get3A_3851 = tpu.vector_load %arg7[%get3A_3849, %get3A_3850] {strides = array<i32>} : memref<112x64xf32, #tpu.memory_space<vmem>>, vector<1x16xf32>,
      %get3A_3852 = vector.shape_cast %get3A_3851 : vector<1x16xf32> to vector<16xf32>
      %get3A_3853 = arith.constant 76 : i32
      %get3A_3854 = arith.index_cast %get3A_3853 : i32 to index
      %get3A_3855 = arith.constant 0 : index
      %get3A_3856 = tpu.vector_load %arg7[%get3A_3854, %get3A_3855] {strides = array<i32>} : memref<112x64xf32, #tpu.memory_space<vmem>>, vector<1x16xf32>,
      %get3A_3857 = vector.shape_cast %get3A_3856 : vector<1x16xf32> to vector<16xf32>
      %get3A_3858 = arith.constant 77 : i32
      %get3A_3859 = arith.index_cast %get3A_3858 : i32 to index
      %get3A_3860 = arith.constant 0 : index
      %get3A_3861 = tpu.vector_load %arg7[%get3A_3859, %get3A_3860] {strides = array<i32>} : memref<112x64xf32, #tpu.memory_space<vmem>>, vector<1x16xf32>,
      %get3A_3862 = vector.shape_cast %get3A_3861 : vector<1x16xf32> to vector<16xf32>
      %get3A_3863 = arith.constant 78 : i32
      %get3A_3864 = arith.index_cast %get3A_3863 : i32 to index
      %get3A_3865 = arith.constant 0 : index
      %get3A_3866 = tpu.vector_load %arg7[%get3A_3864, %get3A_3865] {strides = array<i32>} : memref<112x64xf32, #tpu.memory_space<vmem>>, vector<1x16xf32>,
      %get3A_3867 = vector.shape_cast %get3A_3866 : vector<1x16xf32> to vector<16xf32>
      %get3A_3868 = arith.constant 79 : i32
      %get3A_3869 = arith.index_cast %get3A_3868 : i32 to index
      %get3A_3870 = arith.constant 0 : index
      %get3A_3871 = tpu.vector_load %arg7[%get3A_3869, %get3A_3870] {strides = array<i32>} : memref<112x64xf32, #tpu.memory_space<vmem>>, vector<1x16xf32>,
      %get3A_3872 = vector.shape_cast %get3A_3871 : vector<1x16xf32> to vector<16xf32>
      %get3A_3873 = arith.constant 80 : i32
      %get3A_3874 = arith.index_cast %get3A_3873 : i32 to index
      %get3A_3875 = arith.constant 0 : index
      %get3A_3876 = tpu.vector_load %arg7[%get3A_3874, %get3A_3875] {strides = array<i32>} : memref<112x64xf32, #tpu.memory_space<vmem>>, vector<1x16xf32>,
      %get3A_3877 = vector.shape_cast %get3A_3876 : vector<1x16xf32> to vector<16xf32>
      %get3A_3878 = arith.constant 81 : i32
      %get3A_3879 = arith.index_cast %get3A_3878 : i32 to index
      %get3A_3880 = arith.constant 0 : index
      %get3A_3881 = tpu.vector_load %arg7[%get3A_3879, %get3A_3880] {strides = array<i32>} : memref<112x64xf32, #tpu.memory_space<vmem>>, vector<1x16xf32>,
      %get3A_3882 = vector.shape_cast %get3A_3881 : vector<1x16xf32> to vector<16xf32>
      %get3A_3883 = arith.constant 82 : i32
      %get3A_3884 = arith.index_cast %get3A_3883 : i32 to index
      %get3A_3885 = arith.constant 0 : index
      %get3A_3886 = tpu.vector_load %arg7[%get3A_3884, %get3A_3885] {strides = array<i32>} : memref<112x64xf32, #tpu.memory_space<vmem>>, vector<1x16xf32>,
      %get3A_3887 = vector.shape_cast %get3A_3886 : vector<1x16xf32> to vector<16xf32>
      %get3A_3888 = arith.constant 83 : i32
      %get3A_3889 = arith.index_cast %get3A_3888 : i32 to index
      %get3A_3890 = arith.constant 0 : index
      %get3A_3891 = tpu.vector_load %arg7[%get3A_3889, %get3A_3890] {strides = array<i32>} : memref<112x64xf32, #tpu.memory_space<vmem>>, vector<1x16xf32>,
      %get3A_3892 = vector.shape_cast %get3A_3891 : vector<1x16xf32> to vector<16xf32>
      %get3A_3893 = arith.constant 84 : i32
      %get3A_3894 = arith.index_cast %get3A_3893 : i32 to index
      %get3A_3895 = arith.constant 0 : index
      %get3A_3896 = tpu.vector_load %arg7[%get3A_3894, %get3A_3895] {strides = array<i32>} : memref<112x64xf32, #tpu.memory_space<vmem>>, vector<1x16xf32>,
      %get3A_3897 = vector.shape_cast %get3A_3896 : vector<1x16xf32> to vector<16xf32>
      %get3A_3898 = arith.constant 85 : i32
      %get3A_3899 = arith.index_cast %get3A_3898 : i32 to index
      %get3A_3900 = arith.constant 0 : index
      %get3A_3901 = tpu.vector_load %arg7[%get3A_3899, %get3A_3900] {strides = array<i32>} : memref<112x64xf32, #tpu.memory_space<vmem>>, vector<1x16xf32>,
      %get3A_3902 = vector.shape_cast %get3A_3901 : vector<1x16xf32> to vector<16xf32>
      %get3A_3903 = arith.constant 86 : i32
      %get3A_3904 = arith.index_cast %get3A_3903 : i32 to index
      %get3A_3905 = arith.constant 0 : index
      %get3A_3906 = tpu.vector_load %arg7[%get3A_3904, %get3A_3905] {strides = array<i32>} : memref<112x64xf32, #tpu.memory_space<vmem>>, vector<1x16xf32>,
      %get3A_3907 = vector.shape_cast %get3A_3906 : vector<1x16xf32> to vector<16xf32>
      %get3A_3908 = arith.constant 87 : i32
      %get3A_3909 = arith.index_cast %get3A_3908 : i32 to index
      %get3A_3910 = arith.constant 0 : index
      %get3A_3911 = tpu.vector_load %arg7[%get3A_3909, %get3A_3910] {strides = array<i32>} : memref<112x64xf32, #tpu.memory_space<vmem>>, vector<1x16xf32>,
      %get3A_3912 = vector.shape_cast %get3A_3911 : vector<1x16xf32> to vector<16xf32>
      %get3A_3913 = arith.constant 88 : i32
      %get3A_3914 = arith.index_cast %get3A_3913 : i32 to index
      %get3A_3915 = arith.constant 0 : index
      %get3A_3916 = tpu.vector_load %arg7[%get3A_3914, %get3A_3915] {strides = array<i32>} : memref<112x64xf32, #tpu.memory_space<vmem>>, vector<1x16xf32>,
      %get3A_3917 = vector.shape_cast %get3A_3916 : vector<1x16xf32> to vector<16xf32>
      %get3A_3918 = arith.constant 89 : i32
      %get3A_3919 = arith.index_cast %get3A_3918 : i32 to index
      %get3A_3920 = arith.constant 0 : index
      %get3A_3921 = tpu.vector_load %arg7[%get3A_3919, %get3A_3920] {strides = array<i32>} : memref<112x64xf32, #tpu.memory_space<vmem>>, vector<1x16xf32>,
      %get3A_3922 = vector.shape_cast %get3A_3921 : vector<1x16xf32> to vector<16xf32>
      %get3A_3923 = arith.constant 90 : i32
      %get3A_3924 = arith.index_cast %get3A_3923 : i32 to index
      %get3A_3925 = arith.constant 0 : index
      %get3A_3926 = tpu.vector_load %arg7[%get3A_3924, %get3A_3925] {strides = array<i32>} : memref<112x64xf32, #tpu.memory_space<vmem>>, vector<1x16xf32>,
      %get3A_3927 = vector.shape_cast %get3A_3926 : vector<1x16xf32> to vector<16xf32>
      %get3A_3928 = arith.constant 91 : i32
      %get3A_3929 = arith.index_cast %get3A_3928 : i32 to index
      %get3A_3930 = arith.constant 0 : index
      %get3A_3931 = tpu.vector_load %arg7[%get3A_3929, %get3A_3930] {strides = array<i32>} : memref<112x64xf32, #tpu.memory_space<vmem>>, vector<1x16xf32>,
      %get3A_3932 = vector.shape_cast %get3A_3931 : vector<1x16xf32> to vector<16xf32>
      %get3A_3933 = arith.constant 92 : i32
      %get3A_3934 = arith.index_cast %get3A_3933 : i32 to index
      %get3A_3935 = arith.constant 0 : index
      %get3A_3936 = tpu.vector_load %arg7[%get3A_3934, %get3A_3935] {strides = array<i32>} : memref<112x64xf32, #tpu.memory_space<vmem>>, vector<1x16xf32>,
      %get3A_3937 = vector.shape_cast %get3A_3936 : vector<1x16xf32> to vector<16xf32>
      %get3A_3938 = arith.constant 93 : i32
      %get3A_3939 = arith.index_cast %get3A_3938 : i32 to index
      %get3A_3940 = arith.constant 0 : index
      %get3A_3941 = tpu.vector_load %arg7[%get3A_3939, %get3A_3940] {strides = array<i32>} : memref<112x64xf32, #tpu.memory_space<vmem>>, vector<1x16xf32>,
      %get3A_3942 = vector.shape_cast %get3A_3941 : vector<1x16xf32> to vector<16xf32>
      %get3A_3943 = arith.constant 94 : i32
      %get3A_3944 = arith.index_cast %get3A_3943 : i32 to index
      %get3A_3945 = arith.constant 0 : index
      %get3A_3946 = tpu.vector_load %arg7[%get3A_3944, %get3A_3945] {strides = array<i32>} : memref<112x64xf32, #tpu.memory_space<vmem>>, vector<1x16xf32>,
      %get3A_3947 = vector.shape_cast %get3A_3946 : vector<1x16xf32> to vector<16xf32>
      %get3A_3948 = arith.constant 95 : i32
      %get3A_3949 = arith.index_cast %get3A_3948 : i32 to index
      %get3A_3950 = arith.constant 0 : index
      %get3A_3951 = tpu.vector_load %arg7[%get3A_3949, %get3A_3950] {strides = array<i32>} : memref<112x64xf32, #tpu.memory_space<vmem>>, vector<1x16xf32>,
      %get3A_3952 = vector.shape_cast %get3A_3951 : vector<1x16xf32> to vector<16xf32>
      %get3A_3953 = arith.constant 96 : i32
      %get3A_3954 = arith.index_cast %get3A_3953 : i32 to index
      %get3A_3955 = arith.constant 0 : index
      %get3A_3956 = tpu.vector_load %arg7[%get3A_3954, %get3A_3955] {strides = array<i32>} : memref<112x64xf32, #tpu.memory_space<vmem>>, vector<1x16xf32>,
      %get3A_3957 = vector.shape_cast %get3A_3956 : vector<1x16xf32> to vector<16xf32>
      %get3A_3958 = arith.constant 97 : i32
      %get3A_3959 = arith.index_cast %get3A_3958 : i32 to index
      %get3A_3960 = arith.constant 0 : index
      %get3A_3961 = tpu.vector_load %arg7[%get3A_3959, %get3A_3960] {strides = array<i32>} : memref<112x64xf32, #tpu.memory_space<vmem>>, vector<1x16xf32>,
      %get3A_3962 = vector.shape_cast %get3A_3961 : vector<1x16xf32> to vector<16xf32>
      %get3A_3963 = arith.constant 98 : i32
      %get3A_3964 = arith.index_cast %get3A_3963 : i32 to index
      %get3A_3965 = arith.constant 0 : index
      %get3A_3966 = tpu.vector_load %arg7[%get3A_3964, %get3A_3965] {strides = array<i32>} : memref<112x64xf32, #tpu.memory_space<vmem>>, vector<1x16xf32>,
      %get3A_3967 = vector.shape_cast %get3A_3966 : vector<1x16xf32> to vector<16xf32>
      %get3A_3968 = arith.constant 99 : i32
      %get3A_3969 = arith.index_cast %get3A_3968 : i32 to index
      %get3A_3970 = arith.constant 0 : index
      %get3A_3971 = tpu.vector_load %arg7[%get3A_3969, %get3A_3970] {strides = array<i32>} : memref<112x64xf32, #tpu.memory_space<vmem>>, vector<1x16xf32>,
      %get3A_3972 = vector.shape_cast %get3A_3971 : vector<1x16xf32> to vector<16xf32>
      %get3A_3973 = arith.constant 100 : i32
      %get3A_3974 = arith.index_cast %get3A_3973 : i32 to index
      %get3A_3975 = arith.constant 0 : index
      %get3A_3976 = tpu.vector_load %arg7[%get3A_3974, %get3A_3975] {strides = array<i32>} : memref<112x64xf32, #tpu.memory_space<vmem>>, vector<1x16xf32>,
      %get3A_3977 = vector.shape_cast %get3A_3976 : vector<1x16xf32> to vector<16xf32>
      %get3A_3978 = arith.constant 101 : i32
      %get3A_3979 = arith.index_cast %get3A_3978 : i32 to index
      %get3A_3980 = arith.constant 0 : index
      %get3A_3981 = tpu.vector_load %arg7[%get3A_3979, %get3A_3980] {strides = array<i32>} : memref<112x64xf32, #tpu.memory_space<vmem>>, vector<1x16xf32>,
      %get3A_3982 = vector.shape_cast %get3A_3981 : vector<1x16xf32> to vector<16xf32>
      %get3A_3983 = arith.constant 102 : i32
      %get3A_3984 = arith.index_cast %get3A_3983 : i32 to index
      %get3A_3985 = arith.constant 0 : index
      %get3A_3986 = tpu.vector_load %arg7[%get3A_3984, %get3A_3985] {strides = array<i32>} : memref<112x64xf32, #tpu.memory_space<vmem>>, vector<1x16xf32>,
      %get3A_3987 = vector.shape_cast %get3A_3986 : vector<1x16xf32> to vector<16xf32>
      %get3A_3988 = arith.constant 103 : i32
      %get3A_3989 = arith.index_cast %get3A_3988 : i32 to index
      %get3A_3990 = arith.constant 0 : index
      %get3A_3991 = tpu.vector_load %arg7[%get3A_3989, %get3A_3990] {strides = array<i32>} : memref<112x64xf32, #tpu.memory_space<vmem>>, vector<1x16xf32>,
      %get3A_3992 = vector.shape_cast %get3A_3991 : vector<1x16xf32> to vector<16xf32>
      %get3A_3993 = arith.constant 104 : i32
      %get3A_3994 = arith.index_cast %get3A_3993 : i32 to index
      %get3A_3995 = arith.constant 0 : index
      %get3A_3996 = tpu.vector_load %arg7[%get3A_3994, %get3A_3995] {strides = array<i32>} : memref<112x64xf32, #tpu.memory_space<vmem>>, vector<1x16xf32>,
      %get3A_3997 = vector.shape_cast %get3A_3996 : vector<1x16xf32> to vector<16xf32>
      %get3A_3998 = arith.constant 105 : i32
      %get3A_3999 = arith.index_cast %get3A_3998 : i32 to index
      %get3A_4000 = arith.constant 0 : index
      %get3A_4001 = tpu.vector_load %arg7[%get3A_3999, %get3A_4000] {strides = array<i32>} : memref<112x64xf32, #tpu.memory_space<vmem>>, vector<1x16xf32>,
      %get3A_4002 = vector.shape_cast %get3A_4001 : vector<1x16xf32> to vector<16xf32>
      %add3A_4003 = arith.addf %get3A_3757, %get3A_3762 : vector<16xf32>
      %add3A_4004 = arith.addf %get3A_3767, %get3A_3772 : vector<16xf32>
      %add3A_4005 = arith.addf %get3A_3777, %get3A_3782 : vector<16xf32>
      %add3A_4006 = arith.addf %get3A_3787, %get3A_3792 : vector<16xf32>
      %add3A_4007 = arith.addf %get3A_3797, %get3A_3802 : vector<16xf32>
      %add3A_4008 = arith.addf %get3A_3807, %get3A_3812 : vector<16xf32>
      %add3A_4009 = arith.addf %get3A_3817, %get3A_3822 : vector<16xf32>
      %add3A_4010 = arith.addf %get3A_3827, %get3A_3832 : vector<16xf32>
      %add3A_4011 = arith.addf %get3A_3837, %get3A_3842 : vector<16xf32>
      %add3A_4012 = arith.addf %get3A_3847, %get3A_3852 : vector<16xf32>
      %add3A_4013 = arith.addf %get3A_3857, %get3A_3862 : vector<16xf32>
      %add3A_4014 = arith.addf %get3A_3867, %get3A_3872 : vector<16xf32>
      %add3A_4015 = arith.addf %get3A_3877, %get3A_3882 : vector<16xf32>
      %add3A_4016 = arith.addf %get3A_3887, %get3A_3892 : vector<16xf32>
      %add3A_4017 = arith.addf %get3A_3897, %get3A_3902 : vector<16xf32>
      %add3A_4018 = arith.addf %get3A_3907, %get3A_3912 : vector<16xf32>
      %add3A_4019 = arith.addf %get3A_3917, %get3A_3922 : vector<16xf32>
      %add3A_4020 = arith.addf %get3A_3927, %get3A_3932 : vector<16xf32>
      %add3A_4021 = arith.addf %get3A_3937, %get3A_3942 : vector<16xf32>
      %add3A_4022 = arith.addf %get3A_3947, %get3A_3952 : vector<16xf32>
      %add3A_4023 = arith.addf %get3A_3957, %get3A_3962 : vector<16xf32>
      %add3A_4024 = arith.addf %get3A_3967, %get3A_3972 : vector<16xf32>
      %add3A_4025 = arith.addf %get3A_3977, %get3A_3982 : vector<16xf32>
      %add3A_4026 = arith.addf %get3A_3987, %get3A_3992 : vector<16xf32>
      %add3A_4027 = arith.addf %get3A_3997, %get3A_4002 : vector<16xf32>
      %add3A_4028 = arith.addf %add3A_4003, %add3A_4004 : vector<16xf32>
      %add3A_4029 = arith.addf %add3A_4005, %add3A_4006 : vector<16xf32>
      %add3A_4030 = arith.addf %add3A_4007, %add3A_4008 : vector<16xf32>
      %add3A_4031 = arith.addf %add3A_4009, %add3A_4010 : vector<16xf32>
      %add3A_4032 = arith.addf %add3A_4011, %add3A_4012 : vector<16xf32>
      %add3A_4033 = arith.addf %add3A_4013, %add3A_4014 : vector<16xf32>
      %add3A_4034 = arith.addf %add3A_4015, %add3A_4016 : vector<16xf32>
      %add3A_4035 = arith.addf %add3A_4017, %add3A_4018 : vector<16xf32>
      %add3A_4036 = arith.addf %add3A_4019, %add3A_4020 : vector<16xf32>
      %add3A_4037 = arith.addf %add3A_4021, %add3A_4022 : vector<16xf32>
      %add3A_4038 = arith.addf %add3A_4023, %add3A_4024 : vector<16xf32>
      %add3A_4039 = arith.addf %add3A_4025, %add3A_4026 : vector<16xf32>
      %add3A_4040 = arith.addf %add3A_4028, %add3A_4029 : vector<16xf32>
      %add3A_4041 = arith.addf %add3A_4030, %add3A_4031 : vector<16xf32>
      %add3A_4042 = arith.addf %add3A_4032, %add3A_4033 : vector<16xf32>
      %add3A_4043 = arith.addf %add3A_4034, %add3A_4035 : vector<16xf32>
      %add3A_4044 = arith.addf %add3A_4036, %add3A_4037 : vector<16xf32>
      %add3A_4045 = arith.addf %add3A_4038, %add3A_4039 : vector<16xf32>
      %add3A_4046 = arith.addf %add3A_4040, %add3A_4041 : vector<16xf32>
      %add3A_4047 = arith.addf %add3A_4042, %add3A_4043 : vector<16xf32>
      %add3A_4048 = arith.addf %add3A_4044, %add3A_4045 : vector<16xf32>
      %add3A_4049 = arith.addf %add3A_4046, %add3A_4047 : vector<16xf32>
      %add3A_4050 = arith.addf %add3A_4048, %add3A_4027 : vector<16xf32>
      %add3A_4051 = arith.addf %add3A_4049, %add3A_4050 : vector<16xf32>
      %add3A_4052 = arith.constant 1 : i32
      %add3A_4053 = arith.addi %add3A_2516, %add3A_4052 : i32
      %mul3A_4054 = arith.constant 64 : i32
      %mul3A_4055 = arith.muli %add3A_4053, %mul3A_4054 : i32
      %add3A_4056 = arith.constant 0 : i32
      %add3A_4057 = arith.addi %mul3A_4055, %add3A_4056 : i32
      %swap3A_4058 = arith.index_cast %add3A_4057 : i32 to index
      %swap3A_4059 = tpu.vector_load %arg8[%swap3A_4058] {strides = array<i32>} : memref<8192xf32, #tpu.memory_space<vmem>>, vector<16xf32>,
      %swap3A_4060 = vector.shape_cast %swap3A_4059 : vector<16xf32> to vector<16xf32>
      %swap3A_4061 = vector.shape_cast %add3A_4051 : vector<16xf32> to vector<16xf32>
      tpu.vector_store %arg8[%swap3A_4058], %swap3A_4061 {strides = array<i32>} : memref<8192xf32, #tpu.memory_space<vmem>>, vector<16xf32>,
      %get3A_4062 = arith.constant 56 : i32
      %get3A_4063 = arith.index_cast %get3A_4062 : i32 to index
      %get3A_4064 = arith.constant 16 : index
      %get3A_4065 = tpu.vector_load %arg7[%get3A_4063, %get3A_4064] {strides = array<i32>} : memref<112x64xf32, #tpu.memory_space<vmem>>, vector<1x16xf32>,
      %get3A_4066 = vector.shape_cast %get3A_4065 : vector<1x16xf32> to vector<16xf32>
      %get3A_4067 = arith.constant 57 : i32
      %get3A_4068 = arith.index_cast %get3A_4067 : i32 to index
      %get3A_4069 = arith.constant 16 : index
      %get3A_4070 = tpu.vector_load %arg7[%get3A_4068, %get3A_4069] {strides = array<i32>} : memref<112x64xf32, #tpu.memory_space<vmem>>, vector<1x16xf32>,
      %get3A_4071 = vector.shape_cast %get3A_4070 : vector<1x16xf32> to vector<16xf32>
      %get3A_4072 = arith.constant 58 : i32
      %get3A_4073 = arith.index_cast %get3A_4072 : i32 to index
      %get3A_4074 = arith.constant 16 : index
      %get3A_4075 = tpu.vector_load %arg7[%get3A_4073, %get3A_4074] {strides = array<i32>} : memref<112x64xf32, #tpu.memory_space<vmem>>, vector<1x16xf32>,
      %get3A_4076 = vector.shape_cast %get3A_4075 : vector<1x16xf32> to vector<16xf32>
      %get3A_4077 = arith.constant 59 : i32
      %get3A_4078 = arith.index_cast %get3A_4077 : i32 to index
      %get3A_4079 = arith.constant 16 : index
      %get3A_4080 = tpu.vector_load %arg7[%get3A_4078, %get3A_4079] {strides = array<i32>} : memref<112x64xf32, #tpu.memory_space<vmem>>, vector<1x16xf32>,
      %get3A_4081 = vector.shape_cast %get3A_4080 : vector<1x16xf32> to vector<16xf32>
      %get3A_4082 = arith.constant 60 : i32
      %get3A_4083 = arith.index_cast %get3A_4082 : i32 to index
      %get3A_4084 = arith.constant 16 : index
      %get3A_4085 = tpu.vector_load %arg7[%get3A_4083, %get3A_4084] {strides = array<i32>} : memref<112x64xf32, #tpu.memory_space<vmem>>, vector<1x16xf32>,
      %get3A_4086 = vector.shape_cast %get3A_4085 : vector<1x16xf32> to vector<16xf32>
      %get3A_4087 = arith.constant 61 : i32
      %get3A_4088 = arith.index_cast %get3A_4087 : i32 to index
      %get3A_4089 = arith.constant 16 : index
      %get3A_4090 = tpu.vector_load %arg7[%get3A_4088, %get3A_4089] {strides = array<i32>} : memref<112x64xf32, #tpu.memory_space<vmem>>, vector<1x16xf32>,
      %get3A_4091 = vector.shape_cast %get3A_4090 : vector<1x16xf32> to vector<16xf32>
      %get3A_4092 = arith.constant 62 : i32
      %get3A_4093 = arith.index_cast %get3A_4092 : i32 to index
      %get3A_4094 = arith.constant 16 : index
      %get3A_4095 = tpu.vector_load %arg7[%get3A_4093, %get3A_4094] {strides = array<i32>} : memref<112x64xf32, #tpu.memory_space<vmem>>, vector<1x16xf32>,
      %get3A_4096 = vector.shape_cast %get3A_4095 : vector<1x16xf32> to vector<16xf32>
      %get3A_4097 = arith.constant 63 : i32
      %get3A_4098 = arith.index_cast %get3A_4097 : i32 to index
      %get3A_4099 = arith.constant 16 : index
      %get3A_4100 = tpu.vector_load %arg7[%get3A_4098, %get3A_4099] {strides = array<i32>} : memref<112x64xf32, #tpu.memory_space<vmem>>, vector<1x16xf32>,
      %get3A_4101 = vector.shape_cast %get3A_4100 : vector<1x16xf32> to vector<16xf32>
      %get3A_4102 = arith.constant 64 : i32
      %get3A_4103 = arith.index_cast %get3A_4102 : i32 to index
      %get3A_4104 = arith.constant 16 : index
      %get3A_4105 = tpu.vector_load %arg7[%get3A_4103, %get3A_4104] {strides = array<i32>} : memref<112x64xf32, #tpu.memory_space<vmem>>, vector<1x16xf32>,
      %get3A_4106 = vector.shape_cast %get3A_4105 : vector<1x16xf32> to vector<16xf32>
      %get3A_4107 = arith.constant 65 : i32
      %get3A_4108 = arith.index_cast %get3A_4107 : i32 to index
      %get3A_4109 = arith.constant 16 : index
      %get3A_4110 = tpu.vector_load %arg7[%get3A_4108, %get3A_4109] {strides = array<i32>} : memref<112x64xf32, #tpu.memory_space<vmem>>, vector<1x16xf32>,
      %get3A_4111 = vector.shape_cast %get3A_4110 : vector<1x16xf32> to vector<16xf32>
      %get3A_4112 = arith.constant 66 : i32
      %get3A_4113 = arith.index_cast %get3A_4112 : i32 to index
      %get3A_4114 = arith.constant 16 : index
      %get3A_4115 = tpu.vector_load %arg7[%get3A_4113, %get3A_4114] {strides = array<i32>} : memref<112x64xf32, #tpu.memory_space<vmem>>, vector<1x16xf32>,
      %get3A_4116 = vector.shape_cast %get3A_4115 : vector<1x16xf32> to vector<16xf32>
      %get3A_4117 = arith.constant 67 : i32
      %get3A_4118 = arith.index_cast %get3A_4117 : i32 to index
      %get3A_4119 = arith.constant 16 : index
      %get3A_4120 = tpu.vector_load %arg7[%get3A_4118, %get3A_4119] {strides = array<i32>} : memref<112x64xf32, #tpu.memory_space<vmem>>, vector<1x16xf32>,
      %get3A_4121 = vector.shape_cast %get3A_4120 : vector<1x16xf32> to vector<16xf32>
      %get3A_4122 = arith.constant 68 : i32
      %get3A_4123 = arith.index_cast %get3A_4122 : i32 to index
      %get3A_4124 = arith.constant 16 : index
      %get3A_4125 = tpu.vector_load %arg7[%get3A_4123, %get3A_4124] {strides = array<i32>} : memref<112x64xf32, #tpu.memory_space<vmem>>, vector<1x16xf32>,
      %get3A_4126 = vector.shape_cast %get3A_4125 : vector<1x16xf32> to vector<16xf32>
      %get3A_4127 = arith.constant 69 : i32
      %get3A_4128 = arith.index_cast %get3A_4127 : i32 to index
      %get3A_4129 = arith.constant 16 : index
      %get3A_4130 = tpu.vector_load %arg7[%get3A_4128, %get3A_4129] {strides = array<i32>} : memref<112x64xf32, #tpu.memory_space<vmem>>, vector<1x16xf32>,
      %get3A_4131 = vector.shape_cast %get3A_4130 : vector<1x16xf32> to vector<16xf32>
      %get3A_4132 = arith.constant 70 : i32
      %get3A_4133 = arith.index_cast %get3A_4132 : i32 to index
      %get3A_4134 = arith.constant 16 : index
      %get3A_4135 = tpu.vector_load %arg7[%get3A_4133, %get3A_4134] {strides = array<i32>} : memref<112x64xf32, #tpu.memory_space<vmem>>, vector<1x16xf32>,
      %get3A_4136 = vector.shape_cast %get3A_4135 : vector<1x16xf32> to vector<16xf32>
      %get3A_4137 = arith.constant 71 : i32
      %get3A_4138 = arith.index_cast %get3A_4137 : i32 to index
      %get3A_4139 = arith.constant 16 : index
      %get3A_4140 = tpu.vector_load %arg7[%get3A_4138, %get3A_4139] {strides = array<i32>} : memref<112x64xf32, #tpu.memory_space<vmem>>, vector<1x16xf32>,
      %get3A_4141 = vector.shape_cast %get3A_4140 : vector<1x16xf32> to vector<16xf32>
      %get3A_4142 = arith.constant 72 : i32
      %get3A_4143 = arith.index_cast %get3A_4142 : i32 to index
      %get3A_4144 = arith.constant 16 : index
      %get3A_4145 = tpu.vector_load %arg7[%get3A_4143, %get3A_4144] {strides = array<i32>} : memref<112x64xf32, #tpu.memory_space<vmem>>, vector<1x16xf32>,
      %get3A_4146 = vector.shape_cast %get3A_4145 : vector<1x16xf32> to vector<16xf32>
      %get3A_4147 = arith.constant 73 : i32
      %get3A_4148 = arith.index_cast %get3A_4147 : i32 to index
      %get3A_4149 = arith.constant 16 : index
      %get3A_4150 = tpu.vector_load %arg7[%get3A_4148, %get3A_4149] {strides = array<i32>} : memref<112x64xf32, #tpu.memory_space<vmem>>, vector<1x16xf32>,
      %get3A_4151 = vector.shape_cast %get3A_4150 : vector<1x16xf32> to vector<16xf32>
      %get3A_4152 = arith.constant 74 : i32
      %get3A_4153 = arith.index_cast %get3A_4152 : i32 to index
      %get3A_4154 = arith.constant 16 : index
      %get3A_4155 = tpu.vector_load %arg7[%get3A_4153, %get3A_4154] {strides = array<i32>} : memref<112x64xf32, #tpu.memory_space<vmem>>, vector<1x16xf32>,
      %get3A_4156 = vector.shape_cast %get3A_4155 : vector<1x16xf32> to vector<16xf32>
      %get3A_4157 = arith.constant 75 : i32
      %get3A_4158 = arith.index_cast %get3A_4157 : i32 to index
      %get3A_4159 = arith.constant 16 : index
      %get3A_4160 = tpu.vector_load %arg7[%get3A_4158, %get3A_4159] {strides = array<i32>} : memref<112x64xf32, #tpu.memory_space<vmem>>, vector<1x16xf32>,
      %get3A_4161 = vector.shape_cast %get3A_4160 : vector<1x16xf32> to vector<16xf32>
      %get3A_4162 = arith.constant 76 : i32
      %get3A_4163 = arith.index_cast %get3A_4162 : i32 to index
      %get3A_4164 = arith.constant 16 : index
      %get3A_4165 = tpu.vector_load %arg7[%get3A_4163, %get3A_4164] {strides = array<i32>} : memref<112x64xf32, #tpu.memory_space<vmem>>, vector<1x16xf32>,
      %get3A_4166 = vector.shape_cast %get3A_4165 : vector<1x16xf32> to vector<16xf32>
      %get3A_4167 = arith.constant 77 : i32
      %get3A_4168 = arith.index_cast %get3A_4167 : i32 to index
      %get3A_4169 = arith.constant 16 : index
      %get3A_4170 = tpu.vector_load %arg7[%get3A_4168, %get3A_4169] {strides = array<i32>} : memref<112x64xf32, #tpu.memory_space<vmem>>, vector<1x16xf32>,
      %get3A_4171 = vector.shape_cast %get3A_4170 : vector<1x16xf32> to vector<16xf32>
      %get3A_4172 = arith.constant 78 : i32
      %get3A_4173 = arith.index_cast %get3A_4172 : i32 to index
      %get3A_4174 = arith.constant 16 : index
      %get3A_4175 = tpu.vector_load %arg7[%get3A_4173, %get3A_4174] {strides = array<i32>} : memref<112x64xf32, #tpu.memory_space<vmem>>, vector<1x16xf32>,
      %get3A_4176 = vector.shape_cast %get3A_4175 : vector<1x16xf32> to vector<16xf32>
      %get3A_4177 = arith.constant 79 : i32
      %get3A_4178 = arith.index_cast %get3A_4177 : i32 to index
      %get3A_4179 = arith.constant 16 : index
      %get3A_4180 = tpu.vector_load %arg7[%get3A_4178, %get3A_4179] {strides = array<i32>} : memref<112x64xf32, #tpu.memory_space<vmem>>, vector<1x16xf32>,
      %get3A_4181 = vector.shape_cast %get3A_4180 : vector<1x16xf32> to vector<16xf32>
      %get3A_4182 = arith.constant 80 : i32
      %get3A_4183 = arith.index_cast %get3A_4182 : i32 to index
      %get3A_4184 = arith.constant 16 : index
      %get3A_4185 = tpu.vector_load %arg7[%get3A_4183, %get3A_4184] {strides = array<i32>} : memref<112x64xf32, #tpu.memory_space<vmem>>, vector<1x16xf32>,
      %get3A_4186 = vector.shape_cast %get3A_4185 : vector<1x16xf32> to vector<16xf32>
      %get3A_4187 = arith.constant 81 : i32
      %get3A_4188 = arith.index_cast %get3A_4187 : i32 to index
      %get3A_4189 = arith.constant 16 : index
      %get3A_4190 = tpu.vector_load %arg7[%get3A_4188, %get3A_4189] {strides = array<i32>} : memref<112x64xf32, #tpu.memory_space<vmem>>, vector<1x16xf32>,
      %get3A_4191 = vector.shape_cast %get3A_4190 : vector<1x16xf32> to vector<16xf32>
      %get3A_4192 = arith.constant 82 : i32
      %get3A_4193 = arith.index_cast %get3A_4192 : i32 to index
      %get3A_4194 = arith.constant 16 : index
      %get3A_4195 = tpu.vector_load %arg7[%get3A_4193, %get3A_4194] {strides = array<i32>} : memref<112x64xf32, #tpu.memory_space<vmem>>, vector<1x16xf32>,
      %get3A_4196 = vector.shape_cast %get3A_4195 : vector<1x16xf32> to vector<16xf32>
      %get3A_4197 = arith.constant 83 : i32
      %get3A_4198 = arith.index_cast %get3A_4197 : i32 to index
      %get3A_4199 = arith.constant 16 : index
      %get3A_4200 = tpu.vector_load %arg7[%get3A_4198, %get3A_4199] {strides = array<i32>} : memref<112x64xf32, #tpu.memory_space<vmem>>, vector<1x16xf32>,
      %get3A_4201 = vector.shape_cast %get3A_4200 : vector<1x16xf32> to vector<16xf32>
      %get3A_4202 = arith.constant 84 : i32
      %get3A_4203 = arith.index_cast %get3A_4202 : i32 to index
      %get3A_4204 = arith.constant 16 : index
      %get3A_4205 = tpu.vector_load %arg7[%get3A_4203, %get3A_4204] {strides = array<i32>} : memref<112x64xf32, #tpu.memory_space<vmem>>, vector<1x16xf32>,
      %get3A_4206 = vector.shape_cast %get3A_4205 : vector<1x16xf32> to vector<16xf32>
      %get3A_4207 = arith.constant 85 : i32
      %get3A_4208 = arith.index_cast %get3A_4207 : i32 to index
      %get3A_4209 = arith.constant 16 : index
      %get3A_4210 = tpu.vector_load %arg7[%get3A_4208, %get3A_4209] {strides = array<i32>} : memref<112x64xf32, #tpu.memory_space<vmem>>, vector<1x16xf32>,
      %get3A_4211 = vector.shape_cast %get3A_4210 : vector<1x16xf32> to vector<16xf32>
      %get3A_4212 = arith.constant 86 : i32
      %get3A_4213 = arith.index_cast %get3A_4212 : i32 to index
      %get3A_4214 = arith.constant 16 : index
      %get3A_4215 = tpu.vector_load %arg7[%get3A_4213, %get3A_4214] {strides = array<i32>} : memref<112x64xf32, #tpu.memory_space<vmem>>, vector<1x16xf32>,
      %get3A_4216 = vector.shape_cast %get3A_4215 : vector<1x16xf32> to vector<16xf32>
      %get3A_4217 = arith.constant 87 : i32
      %get3A_4218 = arith.index_cast %get3A_4217 : i32 to index
      %get3A_4219 = arith.constant 16 : index
      %get3A_4220 = tpu.vector_load %arg7[%get3A_4218, %get3A_4219] {strides = array<i32>} : memref<112x64xf32, #tpu.memory_space<vmem>>, vector<1x16xf32>,
      %get3A_4221 = vector.shape_cast %get3A_4220 : vector<1x16xf32> to vector<16xf32>
      %get3A_4222 = arith.constant 88 : i32
      %get3A_4223 = arith.index_cast %get3A_4222 : i32 to index
      %get3A_4224 = arith.constant 16 : index
      %get3A_4225 = tpu.vector_load %arg7[%get3A_4223, %get3A_4224] {strides = array<i32>} : memref<112x64xf32, #tpu.memory_space<vmem>>, vector<1x16xf32>,
      %get3A_4226 = vector.shape_cast %get3A_4225 : vector<1x16xf32> to vector<16xf32>
      %get3A_4227 = arith.constant 89 : i32
      %get3A_4228 = arith.index_cast %get3A_4227 : i32 to index
      %get3A_4229 = arith.constant 16 : index
      %get3A_4230 = tpu.vector_load %arg7[%get3A_4228, %get3A_4229] {strides = array<i32>} : memref<112x64xf32, #tpu.memory_space<vmem>>, vector<1x16xf32>,
      %get3A_4231 = vector.shape_cast %get3A_4230 : vector<1x16xf32> to vector<16xf32>
      %get3A_4232 = arith.constant 90 : i32
      %get3A_4233 = arith.index_cast %get3A_4232 : i32 to index
      %get3A_4234 = arith.constant 16 : index
      %get3A_4235 = tpu.vector_load %arg7[%get3A_4233, %get3A_4234] {strides = array<i32>} : memref<112x64xf32, #tpu.memory_space<vmem>>, vector<1x16xf32>,
      %get3A_4236 = vector.shape_cast %get3A_4235 : vector<1x16xf32> to vector<16xf32>
      %get3A_4237 = arith.constant 91 : i32
      %get3A_4238 = arith.index_cast %get3A_4237 : i32 to index
      %get3A_4239 = arith.constant 16 : index
      %get3A_4240 = tpu.vector_load %arg7[%get3A_4238, %get3A_4239] {strides = array<i32>} : memref<112x64xf32, #tpu.memory_space<vmem>>, vector<1x16xf32>,
      %get3A_4241 = vector.shape_cast %get3A_4240 : vector<1x16xf32> to vector<16xf32>
      %get3A_4242 = arith.constant 92 : i32
      %get3A_4243 = arith.index_cast %get3A_4242 : i32 to index
      %get3A_4244 = arith.constant 16 : index
      %get3A_4245 = tpu.vector_load %arg7[%get3A_4243, %get3A_4244] {strides = array<i32>} : memref<112x64xf32, #tpu.memory_space<vmem>>, vector<1x16xf32>,
      %get3A_4246 = vector.shape_cast %get3A_4245 : vector<1x16xf32> to vector<16xf32>
      %get3A_4247 = arith.constant 93 : i32
      %get3A_4248 = arith.index_cast %get3A_4247 : i32 to index
      %get3A_4249 = arith.constant 16 : index
      %get3A_4250 = tpu.vector_load %arg7[%get3A_4248, %get3A_4249] {strides = array<i32>} : memref<112x64xf32, #tpu.memory_space<vmem>>, vector<1x16xf32>,
      %get3A_4251 = vector.shape_cast %get3A_4250 : vector<1x16xf32> to vector<16xf32>
      %get3A_4252 = arith.constant 94 : i32
      %get3A_4253 = arith.index_cast %get3A_4252 : i32 to index
      %get3A_4254 = arith.constant 16 : index
      %get3A_4255 = tpu.vector_load %arg7[%get3A_4253, %get3A_4254] {strides = array<i32>} : memref<112x64xf32, #tpu.memory_space<vmem>>, vector<1x16xf32>,
      %get3A_4256 = vector.shape_cast %get3A_4255 : vector<1x16xf32> to vector<16xf32>
      %get3A_4257 = arith.constant 95 : i32
      %get3A_4258 = arith.index_cast %get3A_4257 : i32 to index
      %get3A_4259 = arith.constant 16 : index
      %get3A_4260 = tpu.vector_load %arg7[%get3A_4258, %get3A_4259] {strides = array<i32>} : memref<112x64xf32, #tpu.memory_space<vmem>>, vector<1x16xf32>,
      %get3A_4261 = vector.shape_cast %get3A_4260 : vector<1x16xf32> to vector<16xf32>
      %get3A_4262 = arith.constant 96 : i32
      %get3A_4263 = arith.index_cast %get3A_4262 : i32 to index
      %get3A_4264 = arith.constant 16 : index
      %get3A_4265 = tpu.vector_load %arg7[%get3A_4263, %get3A_4264] {strides = array<i32>} : memref<112x64xf32, #tpu.memory_space<vmem>>, vector<1x16xf32>,
      %get3A_4266 = vector.shape_cast %get3A_4265 : vector<1x16xf32> to vector<16xf32>
      %get3A_4267 = arith.constant 97 : i32
      %get3A_4268 = arith.index_cast %get3A_4267 : i32 to index
      %get3A_4269 = arith.constant 16 : index
      %get3A_4270 = tpu.vector_load %arg7[%get3A_4268, %get3A_4269] {strides = array<i32>} : memref<112x64xf32, #tpu.memory_space<vmem>>, vector<1x16xf32>,
      %get3A_4271 = vector.shape_cast %get3A_4270 : vector<1x16xf32> to vector<16xf32>
      %get3A_4272 = arith.constant 98 : i32
      %get3A_4273 = arith.index_cast %get3A_4272 : i32 to index
      %get3A_4274 = arith.constant 16 : index
      %get3A_4275 = tpu.vector_load %arg7[%get3A_4273, %get3A_4274] {strides = array<i32>} : memref<112x64xf32, #tpu.memory_space<vmem>>, vector<1x16xf32>,
      %get3A_4276 = vector.shape_cast %get3A_4275 : vector<1x16xf32> to vector<16xf32>
      %get3A_4277 = arith.constant 99 : i32
      %get3A_4278 = arith.index_cast %get3A_4277 : i32 to index
      %get3A_4279 = arith.constant 16 : index
      %get3A_4280 = tpu.vector_load %arg7[%get3A_4278, %get3A_4279] {strides = array<i32>} : memref<112x64xf32, #tpu.memory_space<vmem>>, vector<1x16xf32>,
      %get3A_4281 = vector.shape_cast %get3A_4280 : vector<1x16xf32> to vector<16xf32>
      %get3A_4282 = arith.constant 100 : i32
      %get3A_4283 = arith.index_cast %get3A_4282 : i32 to index
      %get3A_4284 = arith.constant 16 : index
      %get3A_4285 = tpu.vector_load %arg7[%get3A_4283, %get3A_4284] {strides = array<i32>} : memref<112x64xf32, #tpu.memory_space<vmem>>, vector<1x16xf32>,
      %get3A_4286 = vector.shape_cast %get3A_4285 : vector<1x16xf32> to vector<16xf32>
      %get3A_4287 = arith.constant 101 : i32
      %get3A_4288 = arith.index_cast %get3A_4287 : i32 to index
      %get3A_4289 = arith.constant 16 : index
      %get3A_4290 = tpu.vector_load %arg7[%get3A_4288, %get3A_4289] {strides = array<i32>} : memref<112x64xf32, #tpu.memory_space<vmem>>, vector<1x16xf32>,
      %get3A_4291 = vector.shape_cast %get3A_4290 : vector<1x16xf32> to vector<16xf32>
      %get3A_4292 = arith.constant 102 : i32
      %get3A_4293 = arith.index_cast %get3A_4292 : i32 to index
      %get3A_4294 = arith.constant 16 : index
      %get3A_4295 = tpu.vector_load %arg7[%get3A_4293, %get3A_4294] {strides = array<i32>} : memref<112x64xf32, #tpu.memory_space<vmem>>, vector<1x16xf32>,
      %get3A_4296 = vector.shape_cast %get3A_4295 : vector<1x16xf32> to vector<16xf32>
      %get3A_4297 = arith.constant 103 : i32
      %get3A_4298 = arith.index_cast %get3A_4297 : i32 to index
      %get3A_4299 = arith.constant 16 : index
      %get3A_4300 = tpu.vector_load %arg7[%get3A_4298, %get3A_4299] {strides = array<i32>} : memref<112x64xf32, #tpu.memory_space<vmem>>, vector<1x16xf32>,
      %get3A_4301 = vector.shape_cast %get3A_4300 : vector<1x16xf32> to vector<16xf32>
      %get3A_4302 = arith.constant 104 : i32
      %get3A_4303 = arith.index_cast %get3A_4302 : i32 to index
      %get3A_4304 = arith.constant 16 : index
      %get3A_4305 = tpu.vector_load %arg7[%get3A_4303, %get3A_4304] {strides = array<i32>} : memref<112x64xf32, #tpu.memory_space<vmem>>, vector<1x16xf32>,
      %get3A_4306 = vector.shape_cast %get3A_4305 : vector<1x16xf32> to vector<16xf32>
      %get3A_4307 = arith.constant 105 : i32
      %get3A_4308 = arith.index_cast %get3A_4307 : i32 to index
      %get3A_4309 = arith.constant 16 : index
      %get3A_4310 = tpu.vector_load %arg7[%get3A_4308, %get3A_4309] {strides = array<i32>} : memref<112x64xf32, #tpu.memory_space<vmem>>, vector<1x16xf32>,
      %get3A_4311 = vector.shape_cast %get3A_4310 : vector<1x16xf32> to vector<16xf32>
      %add3A_4312 = arith.addf %get3A_4066, %get3A_4071 : vector<16xf32>
      %add3A_4313 = arith.addf %get3A_4076, %get3A_4081 : vector<16xf32>
      %add3A_4314 = arith.addf %get3A_4086, %get3A_4091 : vector<16xf32>
      %add3A_4315 = arith.addf %get3A_4096, %get3A_4101 : vector<16xf32>
      %add3A_4316 = arith.addf %get3A_4106, %get3A_4111 : vector<16xf32>
      %add3A_4317 = arith.addf %get3A_4116, %get3A_4121 : vector<16xf32>
      %add3A_4318 = arith.addf %get3A_4126, %get3A_4131 : vector<16xf32>
      %add3A_4319 = arith.addf %get3A_4136, %get3A_4141 : vector<16xf32>
      %add3A_4320 = arith.addf %get3A_4146, %get3A_4151 : vector<16xf32>
      %add3A_4321 = arith.addf %get3A_4156, %get3A_4161 : vector<16xf32>
      %add3A_4322 = arith.addf %get3A_4166, %get3A_4171 : vector<16xf32>
      %add3A_4323 = arith.addf %get3A_4176, %get3A_4181 : vector<16xf32>
      %add3A_4324 = arith.addf %get3A_4186, %get3A_4191 : vector<16xf32>
      %add3A_4325 = arith.addf %get3A_4196, %get3A_4201 : vector<16xf32>
      %add3A_4326 = arith.addf %get3A_4206, %get3A_4211 : vector<16xf32>
      %add3A_4327 = arith.addf %get3A_4216, %get3A_4221 : vector<16xf32>
      %add3A_4328 = arith.addf %get3A_4226, %get3A_4231 : vector<16xf32>
      %add3A_4329 = arith.addf %get3A_4236, %get3A_4241 : vector<16xf32>
      %add3A_4330 = arith.addf %get3A_4246, %get3A_4251 : vector<16xf32>
      %add3A_4331 = arith.addf %get3A_4256, %get3A_4261 : vector<16xf32>
      %add3A_4332 = arith.addf %get3A_4266, %get3A_4271 : vector<16xf32>
      %add3A_4333 = arith.addf %get3A_4276, %get3A_4281 : vector<16xf32>
      %add3A_4334 = arith.addf %get3A_4286, %get3A_4291 : vector<16xf32>
      %add3A_4335 = arith.addf %get3A_4296, %get3A_4301 : vector<16xf32>
      %add3A_4336 = arith.addf %get3A_4306, %get3A_4311 : vector<16xf32>
      %add3A_4337 = arith.addf %add3A_4312, %add3A_4313 : vector<16xf32>
      %add3A_4338 = arith.addf %add3A_4314, %add3A_4315 : vector<16xf32>
      %add3A_4339 = arith.addf %add3A_4316, %add3A_4317 : vector<16xf32>
      %add3A_4340 = arith.addf %add3A_4318, %add3A_4319 : vector<16xf32>
      %add3A_4341 = arith.addf %add3A_4320, %add3A_4321 : vector<16xf32>
      %add3A_4342 = arith.addf %add3A_4322, %add3A_4323 : vector<16xf32>
      %add3A_4343 = arith.addf %add3A_4324, %add3A_4325 : vector<16xf32>
      %add3A_4344 = arith.addf %add3A_4326, %add3A_4327 : vector<16xf32>
      %add3A_4345 = arith.addf %add3A_4328, %add3A_4329 : vector<16xf32>
      %add3A_4346 = arith.addf %add3A_4330, %add3A_4331 : vector<16xf32>
      %add3A_4347 = arith.addf %add3A_4332, %add3A_4333 : vector<16xf32>
      %add3A_4348 = arith.addf %add3A_4334, %add3A_4335 : vector<16xf32>
      %add3A_4349 = arith.addf %add3A_4337, %add3A_4338 : vector<16xf32>
      %add3A_4350 = arith.addf %add3A_4339, %add3A_4340 : vector<16xf32>
      %add3A_4351 = arith.addf %add3A_4341, %add3A_4342 : vector<16xf32>
      %add3A_4352 = arith.addf %add3A_4343, %add3A_4344 : vector<16xf32>
      %add3A_4353 = arith.addf %add3A_4345, %add3A_4346 : vector<16xf32>
      %add3A_4354 = arith.addf %add3A_4347, %add3A_4348 : vector<16xf32>
      %add3A_4355 = arith.addf %add3A_4349, %add3A_4350 : vector<16xf32>
      %add3A_4356 = arith.addf %add3A_4351, %add3A_4352 : vector<16xf32>
      %add3A_4357 = arith.addf %add3A_4353, %add3A_4354 : vector<16xf32>
      %add3A_4358 = arith.addf %add3A_4355, %add3A_4356 : vector<16xf32>
      %add3A_4359 = arith.addf %add3A_4357, %add3A_4336 : vector<16xf32>
      %add3A_4360 = arith.addf %add3A_4358, %add3A_4359 : vector<16xf32>
      %add3A_4361 = arith.constant 1 : i32
      %add3A_4362 = arith.addi %add3A_2516, %add3A_4361 : i32
      %mul3A_4363 = arith.constant 64 : i32
      %mul3A_4364 = arith.muli %add3A_4362, %mul3A_4363 : i32
      %add3A_4365 = arith.constant 16 : i32
      %add3A_4366 = arith.addi %mul3A_4364, %add3A_4365 : i32
      %swap3A_4367 = arith.index_cast %add3A_4366 : i32 to index
      %swap3A_4368 = tpu.vector_load %arg8[%swap3A_4367] {strides = array<i32>} : memref<8192xf32, #tpu.memory_space<vmem>>, vector<16xf32>,
      %swap3A_4369 = vector.shape_cast %swap3A_4368 : vector<16xf32> to vector<16xf32>
      %swap3A_4370 = vector.shape_cast %add3A_4360 : vector<16xf32> to vector<16xf32>
      tpu.vector_store %arg8[%swap3A_4367], %swap3A_4370 {strides = array<i32>} : memref<8192xf32, #tpu.memory_space<vmem>>, vector<16xf32>,
      %get3A_4371 = arith.constant 56 : i32
      %get3A_4372 = arith.index_cast %get3A_4371 : i32 to index
      %get3A_4373 = arith.constant 32 : index
      %get3A_4374 = tpu.vector_load %arg7[%get3A_4372, %get3A_4373] {strides = array<i32>} : memref<112x64xf32, #tpu.memory_space<vmem>>, vector<1x16xf32>,
      %get3A_4375 = vector.shape_cast %get3A_4374 : vector<1x16xf32> to vector<16xf32>
      %get3A_4376 = arith.constant 57 : i32
      %get3A_4377 = arith.index_cast %get3A_4376 : i32 to index
      %get3A_4378 = arith.constant 32 : index
      %get3A_4379 = tpu.vector_load %arg7[%get3A_4377, %get3A_4378] {strides = array<i32>} : memref<112x64xf32, #tpu.memory_space<vmem>>, vector<1x16xf32>,
      %get3A_4380 = vector.shape_cast %get3A_4379 : vector<1x16xf32> to vector<16xf32>
      %get3A_4381 = arith.constant 58 : i32
      %get3A_4382 = arith.index_cast %get3A_4381 : i32 to index
      %get3A_4383 = arith.constant 32 : index
      %get3A_4384 = tpu.vector_load %arg7[%get3A_4382, %get3A_4383] {strides = array<i32>} : memref<112x64xf32, #tpu.memory_space<vmem>>, vector<1x16xf32>,
      %get3A_4385 = vector.shape_cast %get3A_4384 : vector<1x16xf32> to vector<16xf32>
      %get3A_4386 = arith.constant 59 : i32
      %get3A_4387 = arith.index_cast %get3A_4386 : i32 to index
      %get3A_4388 = arith.constant 32 : index
      %get3A_4389 = tpu.vector_load %arg7[%get3A_4387, %get3A_4388] {strides = array<i32>} : memref<112x64xf32, #tpu.memory_space<vmem>>, vector<1x16xf32>,
      %get3A_4390 = vector.shape_cast %get3A_4389 : vector<1x16xf32> to vector<16xf32>
      %get3A_4391 = arith.constant 60 : i32
      %get3A_4392 = arith.index_cast %get3A_4391 : i32 to index
      %get3A_4393 = arith.constant 32 : index
      %get3A_4394 = tpu.vector_load %arg7[%get3A_4392, %get3A_4393] {strides = array<i32>} : memref<112x64xf32, #tpu.memory_space<vmem>>, vector<1x16xf32>,
      %get3A_4395 = vector.shape_cast %get3A_4394 : vector<1x16xf32> to vector<16xf32>
      %get3A_4396 = arith.constant 61 : i32
      %get3A_4397 = arith.index_cast %get3A_4396 : i32 to index
      %get3A_4398 = arith.constant 32 : index
      %get3A_4399 = tpu.vector_load %arg7[%get3A_4397, %get3A_4398] {strides = array<i32>} : memref<112x64xf32, #tpu.memory_space<vmem>>, vector<1x16xf32>,
      %get3A_4400 = vector.shape_cast %get3A_4399 : vector<1x16xf32> to vector<16xf32>
      %get3A_4401 = arith.constant 62 : i32
      %get3A_4402 = arith.index_cast %get3A_4401 : i32 to index
      %get3A_4403 = arith.constant 32 : index
      %get3A_4404 = tpu.vector_load %arg7[%get3A_4402, %get3A_4403] {strides = array<i32>} : memref<112x64xf32, #tpu.memory_space<vmem>>, vector<1x16xf32>,
      %get3A_4405 = vector.shape_cast %get3A_4404 : vector<1x16xf32> to vector<16xf32>
      %get3A_4406 = arith.constant 63 : i32
      %get3A_4407 = arith.index_cast %get3A_4406 : i32 to index
      %get3A_4408 = arith.constant 32 : index
      %get3A_4409 = tpu.vector_load %arg7[%get3A_4407, %get3A_4408] {strides = array<i32>} : memref<112x64xf32, #tpu.memory_space<vmem>>, vector<1x16xf32>,
      %get3A_4410 = vector.shape_cast %get3A_4409 : vector<1x16xf32> to vector<16xf32>
      %get3A_4411 = arith.constant 64 : i32
      %get3A_4412 = arith.index_cast %get3A_4411 : i32 to index
      %get3A_4413 = arith.constant 32 : index
      %get3A_4414 = tpu.vector_load %arg7[%get3A_4412, %get3A_4413] {strides = array<i32>} : memref<112x64xf32, #tpu.memory_space<vmem>>, vector<1x16xf32>,
      %get3A_4415 = vector.shape_cast %get3A_4414 : vector<1x16xf32> to vector<16xf32>
      %get3A_4416 = arith.constant 65 : i32
      %get3A_4417 = arith.index_cast %get3A_4416 : i32 to index
      %get3A_4418 = arith.constant 32 : index
      %get3A_4419 = tpu.vector_load %arg7[%get3A_4417, %get3A_4418] {strides = array<i32>} : memref<112x64xf32, #tpu.memory_space<vmem>>, vector<1x16xf32>,
      %get3A_4420 = vector.shape_cast %get3A_4419 : vector<1x16xf32> to vector<16xf32>
      %get3A_4421 = arith.constant 66 : i32
      %get3A_4422 = arith.index_cast %get3A_4421 : i32 to index
      %get3A_4423 = arith.constant 32 : index
      %get3A_4424 = tpu.vector_load %arg7[%get3A_4422, %get3A_4423] {strides = array<i32>} : memref<112x64xf32, #tpu.memory_space<vmem>>, vector<1x16xf32>,
      %get3A_4425 = vector.shape_cast %get3A_4424 : vector<1x16xf32> to vector<16xf32>
      %get3A_4426 = arith.constant 67 : i32
      %get3A_4427 = arith.index_cast %get3A_4426 : i32 to index
      %get3A_4428 = arith.constant 32 : index
      %get3A_4429 = tpu.vector_load %arg7[%get3A_4427, %get3A_4428] {strides = array<i32>} : memref<112x64xf32, #tpu.memory_space<vmem>>, vector<1x16xf32>,
      %get3A_4430 = vector.shape_cast %get3A_4429 : vector<1x16xf32> to vector<16xf32>
      %get3A_4431 = arith.constant 68 : i32
      %get3A_4432 = arith.index_cast %get3A_4431 : i32 to index
      %get3A_4433 = arith.constant 32 : index
      %get3A_4434 = tpu.vector_load %arg7[%get3A_4432, %get3A_4433] {strides = array<i32>} : memref<112x64xf32, #tpu.memory_space<vmem>>, vector<1x16xf32>,
      %get3A_4435 = vector.shape_cast %get3A_4434 : vector<1x16xf32> to vector<16xf32>
      %get3A_4436 = arith.constant 69 : i32
      %get3A_4437 = arith.index_cast %get3A_4436 : i32 to index
      %get3A_4438 = arith.constant 32 : index
      %get3A_4439 = tpu.vector_load %arg7[%get3A_4437, %get3A_4438] {strides = array<i32>} : memref<112x64xf32, #tpu.memory_space<vmem>>, vector<1x16xf32>,
      %get3A_4440 = vector.shape_cast %get3A_4439 : vector<1x16xf32> to vector<16xf32>
      %get3A_4441 = arith.constant 70 : i32
      %get3A_4442 = arith.index_cast %get3A_4441 : i32 to index
      %get3A_4443 = arith.constant 32 : index
      %get3A_4444 = tpu.vector_load %arg7[%get3A_4442, %get3A_4443] {strides = array<i32>} : memref<112x64xf32, #tpu.memory_space<vmem>>, vector<1x16xf32>,
      %get3A_4445 = vector.shape_cast %get3A_4444 : vector<1x16xf32> to vector<16xf32>
      %get3A_4446 = arith.constant 71 : i32
      %get3A_4447 = arith.index_cast %get3A_4446 : i32 to index
      %get3A_4448 = arith.constant 32 : index
      %get3A_4449 = tpu.vector_load %arg7[%get3A_4447, %get3A_4448] {strides = array<i32>} : memref<112x64xf32, #tpu.memory_space<vmem>>, vector<1x16xf32>,
      %get3A_4450 = vector.shape_cast %get3A_4449 : vector<1x16xf32> to vector<16xf32>
      %get3A_4451 = arith.constant 72 : i32
      %get3A_4452 = arith.index_cast %get3A_4451 : i32 to index
      %get3A_4453 = arith.constant 32 : index
      %get3A_4454 = tpu.vector_load %arg7[%get3A_4452, %get3A_4453] {strides = array<i32>} : memref<112x64xf32, #tpu.memory_space<vmem>>, vector<1x16xf32>,
      %get3A_4455 = vector.shape_cast %get3A_4454 : vector<1x16xf32> to vector<16xf32>
      %get3A_4456 = arith.constant 73 : i32
      %get3A_4457 = arith.index_cast %get3A_4456 : i32 to index
      %get3A_4458 = arith.constant 32 : index
      %get3A_4459 = tpu.vector_load %arg7[%get3A_4457, %get3A_4458] {strides = array<i32>} : memref<112x64xf32, #tpu.memory_space<vmem>>, vector<1x16xf32>,
      %get3A_4460 = vector.shape_cast %get3A_4459 : vector<1x16xf32> to vector<16xf32>
      %get3A_4461 = arith.constant 74 : i32
      %get3A_4462 = arith.index_cast %get3A_4461 : i32 to index
      %get3A_4463 = arith.constant 32 : index
      %get3A_4464 = tpu.vector_load %arg7[%get3A_4462, %get3A_4463] {strides = array<i32>} : memref<112x64xf32, #tpu.memory_space<vmem>>, vector<1x16xf32>,
      %get3A_4465 = vector.shape_cast %get3A_4464 : vector<1x16xf32> to vector<16xf32>
      %get3A_4466 = arith.constant 75 : i32
      %get3A_4467 = arith.index_cast %get3A_4466 : i32 to index
      %get3A_4468 = arith.constant 32 : index
      %get3A_4469 = tpu.vector_load %arg7[%get3A_4467, %get3A_4468] {strides = array<i32>} : memref<112x64xf32, #tpu.memory_space<vmem>>, vector<1x16xf32>,
      %get3A_4470 = vector.shape_cast %get3A_4469 : vector<1x16xf32> to vector<16xf32>
      %get3A_4471 = arith.constant 76 : i32
      %get3A_4472 = arith.index_cast %get3A_4471 : i32 to index
      %get3A_4473 = arith.constant 32 : index
      %get3A_4474 = tpu.vector_load %arg7[%get3A_4472, %get3A_4473] {strides = array<i32>} : memref<112x64xf32, #tpu.memory_space<vmem>>, vector<1x16xf32>,
      %get3A_4475 = vector.shape_cast %get3A_4474 : vector<1x16xf32> to vector<16xf32>
      %get3A_4476 = arith.constant 77 : i32
      %get3A_4477 = arith.index_cast %get3A_4476 : i32 to index
      %get3A_4478 = arith.constant 32 : index
      %get3A_4479 = tpu.vector_load %arg7[%get3A_4477, %get3A_4478] {strides = array<i32>} : memref<112x64xf32, #tpu.memory_space<vmem>>, vector<1x16xf32>,
      %get3A_4480 = vector.shape_cast %get3A_4479 : vector<1x16xf32> to vector<16xf32>
      %get3A_4481 = arith.constant 78 : i32
      %get3A_4482 = arith.index_cast %get3A_4481 : i32 to index
      %get3A_4483 = arith.constant 32 : index
      %get3A_4484 = tpu.vector_load %arg7[%get3A_4482, %get3A_4483] {strides = array<i32>} : memref<112x64xf32, #tpu.memory_space<vmem>>, vector<1x16xf32>,
      %get3A_4485 = vector.shape_cast %get3A_4484 : vector<1x16xf32> to vector<16xf32>
      %get3A_4486 = arith.constant 79 : i32
      %get3A_4487 = arith.index_cast %get3A_4486 : i32 to index
      %get3A_4488 = arith.constant 32 : index
      %get3A_4489 = tpu.vector_load %arg7[%get3A_4487, %get3A_4488] {strides = array<i32>} : memref<112x64xf32, #tpu.memory_space<vmem>>, vector<1x16xf32>,
      %get3A_4490 = vector.shape_cast %get3A_4489 : vector<1x16xf32> to vector<16xf32>
      %get3A_4491 = arith.constant 80 : i32
      %get3A_4492 = arith.index_cast %get3A_4491 : i32 to index
      %get3A_4493 = arith.constant 32 : index
      %get3A_4494 = tpu.vector_load %arg7[%get3A_4492, %get3A_4493] {strides = array<i32>} : memref<112x64xf32, #tpu.memory_space<vmem>>, vector<1x16xf32>,
      %get3A_4495 = vector.shape_cast %get3A_4494 : vector<1x16xf32> to vector<16xf32>
      %get3A_4496 = arith.constant 81 : i32
      %get3A_4497 = arith.index_cast %get3A_4496 : i32 to index
      %get3A_4498 = arith.constant 32 : index
      %get3A_4499 = tpu.vector_load %arg7[%get3A_4497, %get3A_4498] {strides = array<i32>} : memref<112x64xf32, #tpu.memory_space<vmem>>, vector<1x16xf32>,
      %get3A_4500 = vector.shape_cast %get3A_4499 : vector<1x16xf32> to vector<16xf32>
      %get3A_4501 = arith.constant 82 : i32
      %get3A_4502 = arith.index_cast %get3A_4501 : i32 to index
      %get3A_4503 = arith.constant 32 : index
      %get3A_4504 = tpu.vector_load %arg7[%get3A_4502, %get3A_4503] {strides = array<i32>} : memref<112x64xf32, #tpu.memory_space<vmem>>, vector<1x16xf32>,
      %get3A_4505 = vector.shape_cast %get3A_4504 : vector<1x16xf32> to vector<16xf32>
      %get3A_4506 = arith.constant 83 : i32
      %get3A_4507 = arith.index_cast %get3A_4506 : i32 to index
      %get3A_4508 = arith.constant 32 : index
      %get3A_4509 = tpu.vector_load %arg7[%get3A_4507, %get3A_4508] {strides = array<i32>} : memref<112x64xf32, #tpu.memory_space<vmem>>, vector<1x16xf32>,
      %get3A_4510 = vector.shape_cast %get3A_4509 : vector<1x16xf32> to vector<16xf32>
      %get3A_4511 = arith.constant 84 : i32
      %get3A_4512 = arith.index_cast %get3A_4511 : i32 to index
      %get3A_4513 = arith.constant 32 : index
      %get3A_4514 = tpu.vector_load %arg7[%get3A_4512, %get3A_4513] {strides = array<i32>} : memref<112x64xf32, #tpu.memory_space<vmem>>, vector<1x16xf32>,
      %get3A_4515 = vector.shape_cast %get3A_4514 : vector<1x16xf32> to vector<16xf32>
      %get3A_4516 = arith.constant 85 : i32
      %get3A_4517 = arith.index_cast %get3A_4516 : i32 to index
      %get3A_4518 = arith.constant 32 : index
      %get3A_4519 = tpu.vector_load %arg7[%get3A_4517, %get3A_4518] {strides = array<i32>} : memref<112x64xf32, #tpu.memory_space<vmem>>, vector<1x16xf32>,
      %get3A_4520 = vector.shape_cast %get3A_4519 : vector<1x16xf32> to vector<16xf32>
      %get3A_4521 = arith.constant 86 : i32
      %get3A_4522 = arith.index_cast %get3A_4521 : i32 to index
      %get3A_4523 = arith.constant 32 : index
      %get3A_4524 = tpu.vector_load %arg7[%get3A_4522, %get3A_4523] {strides = array<i32>} : memref<112x64xf32, #tpu.memory_space<vmem>>, vector<1x16xf32>,
      %get3A_4525 = vector.shape_cast %get3A_4524 : vector<1x16xf32> to vector<16xf32>
      %get3A_4526 = arith.constant 87 : i32
      %get3A_4527 = arith.index_cast %get3A_4526 : i32 to index
      %get3A_4528 = arith.constant 32 : index
      %get3A_4529 = tpu.vector_load %arg7[%get3A_4527, %get3A_4528] {strides = array<i32>} : memref<112x64xf32, #tpu.memory_space<vmem>>, vector<1x16xf32>,
      %get3A_4530 = vector.shape_cast %get3A_4529 : vector<1x16xf32> to vector<16xf32>
      %get3A_4531 = arith.constant 88 : i32
      %get3A_4532 = arith.index_cast %get3A_4531 : i32 to index
      %get3A_4533 = arith.constant 32 : index
      %get3A_4534 = tpu.vector_load %arg7[%get3A_4532, %get3A_4533] {strides = array<i32>} : memref<112x64xf32, #tpu.memory_space<vmem>>, vector<1x16xf32>,
      %get3A_4535 = vector.shape_cast %get3A_4534 : vector<1x16xf32> to vector<16xf32>
      %get3A_4536 = arith.constant 89 : i32
      %get3A_4537 = arith.index_cast %get3A_4536 : i32 to index
      %get3A_4538 = arith.constant 32 : index
      %get3A_4539 = tpu.vector_load %arg7[%get3A_4537, %get3A_4538] {strides = array<i32>} : memref<112x64xf32, #tpu.memory_space<vmem>>, vector<1x16xf32>,
      %get3A_4540 = vector.shape_cast %get3A_4539 : vector<1x16xf32> to vector<16xf32>
      %get3A_4541 = arith.constant 90 : i32
      %get3A_4542 = arith.index_cast %get3A_4541 : i32 to index
      %get3A_4543 = arith.constant 32 : index
      %get3A_4544 = tpu.vector_load %arg7[%get3A_4542, %get3A_4543] {strides = array<i32>} : memref<112x64xf32, #tpu.memory_space<vmem>>, vector<1x16xf32>,
      %get3A_4545 = vector.shape_cast %get3A_4544 : vector<1x16xf32> to vector<16xf32>
      %get3A_4546 = arith.constant 91 : i32
      %get3A_4547 = arith.index_cast %get3A_4546 : i32 to index
      %get3A_4548 = arith.constant 32 : index
      %get3A_4549 = tpu.vector_load %arg7[%get3A_4547, %get3A_4548] {strides = array<i32>} : memref<112x64xf32, #tpu.memory_space<vmem>>, vector<1x16xf32>,
      %get3A_4550 = vector.shape_cast %get3A_4549 : vector<1x16xf32> to vector<16xf32>
      %get3A_4551 = arith.constant 92 : i32
      %get3A_4552 = arith.index_cast %get3A_4551 : i32 to index
      %get3A_4553 = arith.constant 32 : index
      %get3A_4554 = tpu.vector_load %arg7[%get3A_4552, %get3A_4553] {strides = array<i32>} : memref<112x64xf32, #tpu.memory_space<vmem>>, vector<1x16xf32>,
      %get3A_4555 = vector.shape_cast %get3A_4554 : vector<1x16xf32> to vector<16xf32>
      %get3A_4556 = arith.constant 93 : i32
      %get3A_4557 = arith.index_cast %get3A_4556 : i32 to index
      %get3A_4558 = arith.constant 32 : index
      %get3A_4559 = tpu.vector_load %arg7[%get3A_4557, %get3A_4558] {strides = array<i32>} : memref<112x64xf32, #tpu.memory_space<vmem>>, vector<1x16xf32>,
      %get3A_4560 = vector.shape_cast %get3A_4559 : vector<1x16xf32> to vector<16xf32>
      %get3A_4561 = arith.constant 94 : i32
      %get3A_4562 = arith.index_cast %get3A_4561 : i32 to index
      %get3A_4563 = arith.constant 32 : index
      %get3A_4564 = tpu.vector_load %arg7[%get3A_4562, %get3A_4563] {strides = array<i32>} : memref<112x64xf32, #tpu.memory_space<vmem>>, vector<1x16xf32>,
      %get3A_4565 = vector.shape_cast %get3A_4564 : vector<1x16xf32> to vector<16xf32>
      %get3A_4566 = arith.constant 95 : i32
      %get3A_4567 = arith.index_cast %get3A_4566 : i32 to index
      %get3A_4568 = arith.constant 32 : index
      %get3A_4569 = tpu.vector_load %arg7[%get3A_4567, %get3A_4568] {strides = array<i32>} : memref<112x64xf32, #tpu.memory_space<vmem>>, vector<1x16xf32>,
      %get3A_4570 = vector.shape_cast %get3A_4569 : vector<1x16xf32> to vector<16xf32>
      %get3A_4571 = arith.constant 96 : i32
      %get3A_4572 = arith.index_cast %get3A_4571 : i32 to index
      %get3A_4573 = arith.constant 32 : index
      %get3A_4574 = tpu.vector_load %arg7[%get3A_4572, %get3A_4573] {strides = array<i32>} : memref<112x64xf32, #tpu.memory_space<vmem>>, vector<1x16xf32>,
      %get3A_4575 = vector.shape_cast %get3A_4574 : vector<1x16xf32> to vector<16xf32>
      %get3A_4576 = arith.constant 97 : i32
      %get3A_4577 = arith.index_cast %get3A_4576 : i32 to index
      %get3A_4578 = arith.constant 32 : index
      %get3A_4579 = tpu.vector_load %arg7[%get3A_4577, %get3A_4578] {strides = array<i32>} : memref<112x64xf32, #tpu.memory_space<vmem>>, vector<1x16xf32>,
      %get3A_4580 = vector.shape_cast %get3A_4579 : vector<1x16xf32> to vector<16xf32>
      %get3A_4581 = arith.constant 98 : i32
      %get3A_4582 = arith.index_cast %get3A_4581 : i32 to index
      %get3A_4583 = arith.constant 32 : index
      %get3A_4584 = tpu.vector_load %arg7[%get3A_4582, %get3A_4583] {strides = array<i32>} : memref<112x64xf32, #tpu.memory_space<vmem>>, vector<1x16xf32>,
      %get3A_4585 = vector.shape_cast %get3A_4584 : vector<1x16xf32> to vector<16xf32>
      %get3A_4586 = arith.constant 99 : i32
      %get3A_4587 = arith.index_cast %get3A_4586 : i32 to index
      %get3A_4588 = arith.constant 32 : index
      %get3A_4589 = tpu.vector_load %arg7[%get3A_4587, %get3A_4588] {strides = array<i32>} : memref<112x64xf32, #tpu.memory_space<vmem>>, vector<1x16xf32>,
      %get3A_4590 = vector.shape_cast %get3A_4589 : vector<1x16xf32> to vector<16xf32>
      %get3A_4591 = arith.constant 100 : i32
      %get3A_4592 = arith.index_cast %get3A_4591 : i32 to index
      %get3A_4593 = arith.constant 32 : index
      %get3A_4594 = tpu.vector_load %arg7[%get3A_4592, %get3A_4593] {strides = array<i32>} : memref<112x64xf32, #tpu.memory_space<vmem>>, vector<1x16xf32>,
      %get3A_4595 = vector.shape_cast %get3A_4594 : vector<1x16xf32> to vector<16xf32>
      %get3A_4596 = arith.constant 101 : i32
      %get3A_4597 = arith.index_cast %get3A_4596 : i32 to index
      %get3A_4598 = arith.constant 32 : index
      %get3A_4599 = tpu.vector_load %arg7[%get3A_4597, %get3A_4598] {strides = array<i32>} : memref<112x64xf32, #tpu.memory_space<vmem>>, vector<1x16xf32>,
      %get3A_4600 = vector.shape_cast %get3A_4599 : vector<1x16xf32> to vector<16xf32>
      %get3A_4601 = arith.constant 102 : i32
      %get3A_4602 = arith.index_cast %get3A_4601 : i32 to index
      %get3A_4603 = arith.constant 32 : index
      %get3A_4604 = tpu.vector_load %arg7[%get3A_4602, %get3A_4603] {strides = array<i32>} : memref<112x64xf32, #tpu.memory_space<vmem>>, vector<1x16xf32>,
      %get3A_4605 = vector.shape_cast %get3A_4604 : vector<1x16xf32> to vector<16xf32>
      %get3A_4606 = arith.constant 103 : i32
      %get3A_4607 = arith.index_cast %get3A_4606 : i32 to index
      %get3A_4608 = arith.constant 32 : index
      %get3A_4609 = tpu.vector_load %arg7[%get3A_4607, %get3A_4608] {strides = array<i32>} : memref<112x64xf32, #tpu.memory_space<vmem>>, vector<1x16xf32>,
      %get3A_4610 = vector.shape_cast %get3A_4609 : vector<1x16xf32> to vector<16xf32>
      %get3A_4611 = arith.constant 104 : i32
      %get3A_4612 = arith.index_cast %get3A_4611 : i32 to index
      %get3A_4613 = arith.constant 32 : index
      %get3A_4614 = tpu.vector_load %arg7[%get3A_4612, %get3A_4613] {strides = array<i32>} : memref<112x64xf32, #tpu.memory_space<vmem>>, vector<1x16xf32>,
      %get3A_4615 = vector.shape_cast %get3A_4614 : vector<1x16xf32> to vector<16xf32>
      %get3A_4616 = arith.constant 105 : i32
      %get3A_4617 = arith.index_cast %get3A_4616 : i32 to index
      %get3A_4618 = arith.constant 32 : index
      %get3A_4619 = tpu.vector_load %arg7[%get3A_4617, %get3A_4618] {strides = array<i32>} : memref<112x64xf32, #tpu.memory_space<vmem>>, vector<1x16xf32>,
      %get3A_4620 = vector.shape_cast %get3A_4619 : vector<1x16xf32> to vector<16xf32>
      %add3A_4621 = arith.addf %get3A_4375, %get3A_4380 : vector<16xf32>
      %add3A_4622 = arith.addf %get3A_4385, %get3A_4390 : vector<16xf32>
      %add3A_4623 = arith.addf %get3A_4395, %get3A_4400 : vector<16xf32>
      %add3A_4624 = arith.addf %get3A_4405, %get3A_4410 : vector<16xf32>
      %add3A_4625 = arith.addf %get3A_4415, %get3A_4420 : vector<16xf32>
      %add3A_4626 = arith.addf %get3A_4425, %get3A_4430 : vector<16xf32>
      %add3A_4627 = arith.addf %get3A_4435, %get3A_4440 : vector<16xf32>
      %add3A_4628 = arith.addf %get3A_4445, %get3A_4450 : vector<16xf32>
      %add3A_4629 = arith.addf %get3A_4455, %get3A_4460 : vector<16xf32>
      %add3A_4630 = arith.addf %get3A_4465, %get3A_4470 : vector<16xf32>
      %add3A_4631 = arith.addf %get3A_4475, %get3A_4480 : vector<16xf32>
      %add3A_4632 = arith.addf %get3A_4485, %get3A_4490 : vector<16xf32>
      %add3A_4633 = arith.addf %get3A_4495, %get3A_4500 : vector<16xf32>
      %add3A_4634 = arith.addf %get3A_4505, %get3A_4510 : vector<16xf32>
      %add3A_4635 = arith.addf %get3A_4515, %get3A_4520 : vector<16xf32>
      %add3A_4636 = arith.addf %get3A_4525, %get3A_4530 : vector<16xf32>
      %add3A_4637 = arith.addf %get3A_4535, %get3A_4540 : vector<16xf32>
      %add3A_4638 = arith.addf %get3A_4545, %get3A_4550 : vector<16xf32>
      %add3A_4639 = arith.addf %get3A_4555, %get3A_4560 : vector<16xf32>
      %add3A_4640 = arith.addf %get3A_4565, %get3A_4570 : vector<16xf32>
      %add3A_4641 = arith.addf %get3A_4575, %get3A_4580 : vector<16xf32>
      %add3A_4642 = arith.addf %get3A_4585, %get3A_4590 : vector<16xf32>
      %add3A_4643 = arith.addf %get3A_4595, %get3A_4600 : vector<16xf32>
      %add3A_4644 = arith.addf %get3A_4605, %get3A_4610 : vector<16xf32>
      %add3A_4645 = arith.addf %get3A_4615, %get3A_4620 : vector<16xf32>
      %add3A_4646 = arith.addf %add3A_4621, %add3A_4622 : vector<16xf32>
      %add3A_4647 = arith.addf %add3A_4623, %add3A_4624 : vector<16xf32>
      %add3A_4648 = arith.addf %add3A_4625, %add3A_4626 : vector<16xf32>
      %add3A_4649 = arith.addf %add3A_4627, %add3A_4628 : vector<16xf32>
      %add3A_4650 = arith.addf %add3A_4629, %add3A_4630 : vector<16xf32>
      %add3A_4651 = arith.addf %add3A_4631, %add3A_4632 : vector<16xf32>
      %add3A_4652 = arith.addf %add3A_4633, %add3A_4634 : vector<16xf32>
      %add3A_4653 = arith.addf %add3A_4635, %add3A_4636 : vector<16xf32>
      %add3A_4654 = arith.addf %add3A_4637, %add3A_4638 : vector<16xf32>
      %add3A_4655 = arith.addf %add3A_4639, %add3A_4640 : vector<16xf32>
      %add3A_4656 = arith.addf %add3A_4641, %add3A_4642 : vector<16xf32>
      %add3A_4657 = arith.addf %add3A_4643, %add3A_4644 : vector<16xf32>
      %add3A_4658 = arith.addf %add3A_4646, %add3A_4647 : vector<16xf32>
      %add3A_4659 = arith.addf %add3A_4648, %add3A_4649 : vector<16xf32>
      %add3A_4660 = arith.addf %add3A_4650, %add3A_4651 : vector<16xf32>
      %add3A_4661 = arith.addf %add3A_4652, %add3A_4653 : vector<16xf32>
      %add3A_4662 = arith.addf %add3A_4654, %add3A_4655 : vector<16xf32>
      %add3A_4663 = arith.addf %add3A_4656, %add3A_4657 : vector<16xf32>
      %add3A_4664 = arith.addf %add3A_4658, %add3A_4659 : vector<16xf32>
      %add3A_4665 = arith.addf %add3A_4660, %add3A_4661 : vector<16xf32>
      %add3A_4666 = arith.addf %add3A_4662, %add3A_4663 : vector<16xf32>
      %add3A_4667 = arith.addf %add3A_4664, %add3A_4665 : vector<16xf32>
      %add3A_4668 = arith.addf %add3A_4666, %add3A_4645 : vector<16xf32>
      %add3A_4669 = arith.addf %add3A_4667, %add3A_4668 : vector<16xf32>
      %add3A_4670 = arith.constant 1 : i32
      %add3A_4671 = arith.addi %add3A_2516, %add3A_4670 : i32
      %mul3A_4672 = arith.constant 64 : i32
      %mul3A_4673 = arith.muli %add3A_4671, %mul3A_4672 : i32
      %add3A_4674 = arith.constant 32 : i32
      %add3A_4675 = arith.addi %mul3A_4673, %add3A_4674 : i32
      %swap3A_4676 = arith.index_cast %add3A_4675 : i32 to index
      %swap3A_4677 = tpu.vector_load %arg8[%swap3A_4676] {strides = array<i32>} : memref<8192xf32, #tpu.memory_space<vmem>>, vector<16xf32>,
      %swap3A_4678 = vector.shape_cast %swap3A_4677 : vector<16xf32> to vector<16xf32>
      %swap3A_4679 = vector.shape_cast %add3A_4669 : vector<16xf32> to vector<16xf32>
      tpu.vector_store %arg8[%swap3A_4676], %swap3A_4679 {strides = array<i32>} : memref<8192xf32, #tpu.memory_space<vmem>>, vector<16xf32>,
      %get3A_4680 = arith.constant 56 : i32
      %get3A_4681 = arith.index_cast %get3A_4680 : i32 to index
      %get3A_4682 = arith.constant 48 : index
      %get3A_4683 = tpu.vector_load %arg7[%get3A_4681, %get3A_4682] {strides = array<i32>} : memref<112x64xf32, #tpu.memory_space<vmem>>, vector<1x16xf32>,
      %get3A_4684 = vector.shape_cast %get3A_4683 : vector<1x16xf32> to vector<16xf32>
      %get3A_4685 = arith.constant 57 : i32
      %get3A_4686 = arith.index_cast %get3A_4685 : i32 to index
      %get3A_4687 = arith.constant 48 : index
      %get3A_4688 = tpu.vector_load %arg7[%get3A_4686, %get3A_4687] {strides = array<i32>} : memref<112x64xf32, #tpu.memory_space<vmem>>, vector<1x16xf32>,
      %get3A_4689 = vector.shape_cast %get3A_4688 : vector<1x16xf32> to vector<16xf32>
      %get3A_4690 = arith.constant 58 : i32
      %get3A_4691 = arith.index_cast %get3A_4690 : i32 to index
      %get3A_4692 = arith.constant 48 : index
      %get3A_4693 = tpu.vector_load %arg7[%get3A_4691, %get3A_4692] {strides = array<i32>} : memref<112x64xf32, #tpu.memory_space<vmem>>, vector<1x16xf32>,
      %get3A_4694 = vector.shape_cast %get3A_4693 : vector<1x16xf32> to vector<16xf32>
      %get3A_4695 = arith.constant 59 : i32
      %get3A_4696 = arith.index_cast %get3A_4695 : i32 to index
      %get3A_4697 = arith.constant 48 : index
      %get3A_4698 = tpu.vector_load %arg7[%get3A_4696, %get3A_4697] {strides = array<i32>} : memref<112x64xf32, #tpu.memory_space<vmem>>, vector<1x16xf32>,
      %get3A_4699 = vector.shape_cast %get3A_4698 : vector<1x16xf32> to vector<16xf32>
      %get3A_4700 = arith.constant 60 : i32
      %get3A_4701 = arith.index_cast %get3A_4700 : i32 to index
      %get3A_4702 = arith.constant 48 : index
      %get3A_4703 = tpu.vector_load %arg7[%get3A_4701, %get3A_4702] {strides = array<i32>} : memref<112x64xf32, #tpu.memory_space<vmem>>, vector<1x16xf32>,
      %get3A_4704 = vector.shape_cast %get3A_4703 : vector<1x16xf32> to vector<16xf32>
      %get3A_4705 = arith.constant 61 : i32
      %get3A_4706 = arith.index_cast %get3A_4705 : i32 to index
      %get3A_4707 = arith.constant 48 : index
      %get3A_4708 = tpu.vector_load %arg7[%get3A_4706, %get3A_4707] {strides = array<i32>} : memref<112x64xf32, #tpu.memory_space<vmem>>, vector<1x16xf32>,
      %get3A_4709 = vector.shape_cast %get3A_4708 : vector<1x16xf32> to vector<16xf32>
      %get3A_4710 = arith.constant 62 : i32
      %get3A_4711 = arith.index_cast %get3A_4710 : i32 to index
      %get3A_4712 = arith.constant 48 : index
      %get3A_4713 = tpu.vector_load %arg7[%get3A_4711, %get3A_4712] {strides = array<i32>} : memref<112x64xf32, #tpu.memory_space<vmem>>, vector<1x16xf32>,
      %get3A_4714 = vector.shape_cast %get3A_4713 : vector<1x16xf32> to vector<16xf32>
      %get3A_4715 = arith.constant 63 : i32
      %get3A_4716 = arith.index_cast %get3A_4715 : i32 to index
      %get3A_4717 = arith.constant 48 : index
      %get3A_4718 = tpu.vector_load %arg7[%get3A_4716, %get3A_4717] {strides = array<i32>} : memref<112x64xf32, #tpu.memory_space<vmem>>, vector<1x16xf32>,
      %get3A_4719 = vector.shape_cast %get3A_4718 : vector<1x16xf32> to vector<16xf32>
      %get3A_4720 = arith.constant 64 : i32
      %get3A_4721 = arith.index_cast %get3A_4720 : i32 to index
      %get3A_4722 = arith.constant 48 : index
      %get3A_4723 = tpu.vector_load %arg7[%get3A_4721, %get3A_4722] {strides = array<i32>} : memref<112x64xf32, #tpu.memory_space<vmem>>, vector<1x16xf32>,
      %get3A_4724 = vector.shape_cast %get3A_4723 : vector<1x16xf32> to vector<16xf32>
      %get3A_4725 = arith.constant 65 : i32
      %get3A_4726 = arith.index_cast %get3A_4725 : i32 to index
      %get3A_4727 = arith.constant 48 : index
      %get3A_4728 = tpu.vector_load %arg7[%get3A_4726, %get3A_4727] {strides = array<i32>} : memref<112x64xf32, #tpu.memory_space<vmem>>, vector<1x16xf32>,
      %get3A_4729 = vector.shape_cast %get3A_4728 : vector<1x16xf32> to vector<16xf32>
      %get3A_4730 = arith.constant 66 : i32
      %get3A_4731 = arith.index_cast %get3A_4730 : i32 to index
      %get3A_4732 = arith.constant 48 : index
      %get3A_4733 = tpu.vector_load %arg7[%get3A_4731, %get3A_4732] {strides = array<i32>} : memref<112x64xf32, #tpu.memory_space<vmem>>, vector<1x16xf32>,
      %get3A_4734 = vector.shape_cast %get3A_4733 : vector<1x16xf32> to vector<16xf32>
      %get3A_4735 = arith.constant 67 : i32
      %get3A_4736 = arith.index_cast %get3A_4735 : i32 to index
      %get3A_4737 = arith.constant 48 : index
      %get3A_4738 = tpu.vector_load %arg7[%get3A_4736, %get3A_4737] {strides = array<i32>} : memref<112x64xf32, #tpu.memory_space<vmem>>, vector<1x16xf32>,
      %get3A_4739 = vector.shape_cast %get3A_4738 : vector<1x16xf32> to vector<16xf32>
      %get3A_4740 = arith.constant 68 : i32
      %get3A_4741 = arith.index_cast %get3A_4740 : i32 to index
      %get3A_4742 = arith.constant 48 : index
      %get3A_4743 = tpu.vector_load %arg7[%get3A_4741, %get3A_4742] {strides = array<i32>} : memref<112x64xf32, #tpu.memory_space<vmem>>, vector<1x16xf32>,
      %get3A_4744 = vector.shape_cast %get3A_4743 : vector<1x16xf32> to vector<16xf32>
      %get3A_4745 = arith.constant 69 : i32
      %get3A_4746 = arith.index_cast %get3A_4745 : i32 to index
      %get3A_4747 = arith.constant 48 : index
      %get3A_4748 = tpu.vector_load %arg7[%get3A_4746, %get3A_4747] {strides = array<i32>} : memref<112x64xf32, #tpu.memory_space<vmem>>, vector<1x16xf32>,
      %get3A_4749 = vector.shape_cast %get3A_4748 : vector<1x16xf32> to vector<16xf32>
      %get3A_4750 = arith.constant 70 : i32
      %get3A_4751 = arith.index_cast %get3A_4750 : i32 to index
      %get3A_4752 = arith.constant 48 : index
      %get3A_4753 = tpu.vector_load %arg7[%get3A_4751, %get3A_4752] {strides = array<i32>} : memref<112x64xf32, #tpu.memory_space<vmem>>, vector<1x16xf32>,
      %get3A_4754 = vector.shape_cast %get3A_4753 : vector<1x16xf32> to vector<16xf32>
      %get3A_4755 = arith.constant 71 : i32
      %get3A_4756 = arith.index_cast %get3A_4755 : i32 to index
      %get3A_4757 = arith.constant 48 : index
      %get3A_4758 = tpu.vector_load %arg7[%get3A_4756, %get3A_4757] {strides = array<i32>} : memref<112x64xf32, #tpu.memory_space<vmem>>, vector<1x16xf32>,
      %get3A_4759 = vector.shape_cast %get3A_4758 : vector<1x16xf32> to vector<16xf32>
      %get3A_4760 = arith.constant 72 : i32
      %get3A_4761 = arith.index_cast %get3A_4760 : i32 to index
      %get3A_4762 = arith.constant 48 : index
      %get3A_4763 = tpu.vector_load %arg7[%get3A_4761, %get3A_4762] {strides = array<i32>} : memref<112x64xf32, #tpu.memory_space<vmem>>, vector<1x16xf32>,
      %get3A_4764 = vector.shape_cast %get3A_4763 : vector<1x16xf32> to vector<16xf32>
      %get3A_4765 = arith.constant 73 : i32
      %get3A_4766 = arith.index_cast %get3A_4765 : i32 to index
      %get3A_4767 = arith.constant 48 : index
      %get3A_4768 = tpu.vector_load %arg7[%get3A_4766, %get3A_4767] {strides = array<i32>} : memref<112x64xf32, #tpu.memory_space<vmem>>, vector<1x16xf32>,
      %get3A_4769 = vector.shape_cast %get3A_4768 : vector<1x16xf32> to vector<16xf32>
      %get3A_4770 = arith.constant 74 : i32
      %get3A_4771 = arith.index_cast %get3A_4770 : i32 to index
      %get3A_4772 = arith.constant 48 : index
      %get3A_4773 = tpu.vector_load %arg7[%get3A_4771, %get3A_4772] {strides = array<i32>} : memref<112x64xf32, #tpu.memory_space<vmem>>, vector<1x16xf32>,
      %get3A_4774 = vector.shape_cast %get3A_4773 : vector<1x16xf32> to vector<16xf32>
      %get3A_4775 = arith.constant 75 : i32
      %get3A_4776 = arith.index_cast %get3A_4775 : i32 to index
      %get3A_4777 = arith.constant 48 : index
      %get3A_4778 = tpu.vector_load %arg7[%get3A_4776, %get3A_4777] {strides = array<i32>} : memref<112x64xf32, #tpu.memory_space<vmem>>, vector<1x16xf32>,
      %get3A_4779 = vector.shape_cast %get3A_4778 : vector<1x16xf32> to vector<16xf32>
      %get3A_4780 = arith.constant 76 : i32
      %get3A_4781 = arith.index_cast %get3A_4780 : i32 to index
      %get3A_4782 = arith.constant 48 : index
      %get3A_4783 = tpu.vector_load %arg7[%get3A_4781, %get3A_4782] {strides = array<i32>} : memref<112x64xf32, #tpu.memory_space<vmem>>, vector<1x16xf32>,
      %get3A_4784 = vector.shape_cast %get3A_4783 : vector<1x16xf32> to vector<16xf32>
      %get3A_4785 = arith.constant 77 : i32
      %get3A_4786 = arith.index_cast %get3A_4785 : i32 to index
      %get3A_4787 = arith.constant 48 : index
      %get3A_4788 = tpu.vector_load %arg7[%get3A_4786, %get3A_4787] {strides = array<i32>} : memref<112x64xf32, #tpu.memory_space<vmem>>, vector<1x16xf32>,
      %get3A_4789 = vector.shape_cast %get3A_4788 : vector<1x16xf32> to vector<16xf32>
      %get3A_4790 = arith.constant 78 : i32
      %get3A_4791 = arith.index_cast %get3A_4790 : i32 to index
      %get3A_4792 = arith.constant 48 : index
      %get3A_4793 = tpu.vector_load %arg7[%get3A_4791, %get3A_4792] {strides = array<i32>} : memref<112x64xf32, #tpu.memory_space<vmem>>, vector<1x16xf32>,
      %get3A_4794 = vector.shape_cast %get3A_4793 : vector<1x16xf32> to vector<16xf32>
      %get3A_4795 = arith.constant 79 : i32
      %get3A_4796 = arith.index_cast %get3A_4795 : i32 to index
      %get3A_4797 = arith.constant 48 : index
      %get3A_4798 = tpu.vector_load %arg7[%get3A_4796, %get3A_4797] {strides = array<i32>} : memref<112x64xf32, #tpu.memory_space<vmem>>, vector<1x16xf32>,
      %get3A_4799 = vector.shape_cast %get3A_4798 : vector<1x16xf32> to vector<16xf32>
      %get3A_4800 = arith.constant 80 : i32
      %get3A_4801 = arith.index_cast %get3A_4800 : i32 to index
      %get3A_4802 = arith.constant 48 : index
      %get3A_4803 = tpu.vector_load %arg7[%get3A_4801, %get3A_4802] {strides = array<i32>} : memref<112x64xf32, #tpu.memory_space<vmem>>, vector<1x16xf32>,
      %get3A_4804 = vector.shape_cast %get3A_4803 : vector<1x16xf32> to vector<16xf32>
      %get3A_4805 = arith.constant 81 : i32
      %get3A_4806 = arith.index_cast %get3A_4805 : i32 to index
      %get3A_4807 = arith.constant 48 : index
      %get3A_4808 = tpu.vector_load %arg7[%get3A_4806, %get3A_4807] {strides = array<i32>} : memref<112x64xf32, #tpu.memory_space<vmem>>, vector<1x16xf32>,
      %get3A_4809 = vector.shape_cast %get3A_4808 : vector<1x16xf32> to vector<16xf32>
      %get3A_4810 = arith.constant 82 : i32
      %get3A_4811 = arith.index_cast %get3A_4810 : i32 to index
      %get3A_4812 = arith.constant 48 : index
      %get3A_4813 = tpu.vector_load %arg7[%get3A_4811, %get3A_4812] {strides = array<i32>} : memref<112x64xf32, #tpu.memory_space<vmem>>, vector<1x16xf32>,
      %get3A_4814 = vector.shape_cast %get3A_4813 : vector<1x16xf32> to vector<16xf32>
      %get3A_4815 = arith.constant 83 : i32
      %get3A_4816 = arith.index_cast %get3A_4815 : i32 to index
      %get3A_4817 = arith.constant 48 : index
      %get3A_4818 = tpu.vector_load %arg7[%get3A_4816, %get3A_4817] {strides = array<i32>} : memref<112x64xf32, #tpu.memory_space<vmem>>, vector<1x16xf32>,
      %get3A_4819 = vector.shape_cast %get3A_4818 : vector<1x16xf32> to vector<16xf32>
      %get3A_4820 = arith.constant 84 : i32
      %get3A_4821 = arith.index_cast %get3A_4820 : i32 to index
      %get3A_4822 = arith.constant 48 : index
      %get3A_4823 = tpu.vector_load %arg7[%get3A_4821, %get3A_4822] {strides = array<i32>} : memref<112x64xf32, #tpu.memory_space<vmem>>, vector<1x16xf32>,
      %get3A_4824 = vector.shape_cast %get3A_4823 : vector<1x16xf32> to vector<16xf32>
      %get3A_4825 = arith.constant 85 : i32
      %get3A_4826 = arith.index_cast %get3A_4825 : i32 to index
      %get3A_4827 = arith.constant 48 : index
      %get3A_4828 = tpu.vector_load %arg7[%get3A_4826, %get3A_4827] {strides = array<i32>} : memref<112x64xf32, #tpu.memory_space<vmem>>, vector<1x16xf32>,
      %get3A_4829 = vector.shape_cast %get3A_4828 : vector<1x16xf32> to vector<16xf32>
      %get3A_4830 = arith.constant 86 : i32
      %get3A_4831 = arith.index_cast %get3A_4830 : i32 to index
      %get3A_4832 = arith.constant 48 : index
      %get3A_4833 = tpu.vector_load %arg7[%get3A_4831, %get3A_4832] {strides = array<i32>} : memref<112x64xf32, #tpu.memory_space<vmem>>, vector<1x16xf32>,
      %get3A_4834 = vector.shape_cast %get3A_4833 : vector<1x16xf32> to vector<16xf32>
      %get3A_4835 = arith.constant 87 : i32
      %get3A_4836 = arith.index_cast %get3A_4835 : i32 to index
      %get3A_4837 = arith.constant 48 : index
      %get3A_4838 = tpu.vector_load %arg7[%get3A_4836, %get3A_4837] {strides = array<i32>} : memref<112x64xf32, #tpu.memory_space<vmem>>, vector<1x16xf32>,
      %get3A_4839 = vector.shape_cast %get3A_4838 : vector<1x16xf32> to vector<16xf32>
      %get3A_4840 = arith.constant 88 : i32
      %get3A_4841 = arith.index_cast %get3A_4840 : i32 to index
      %get3A_4842 = arith.constant 48 : index
      %get3A_4843 = tpu.vector_load %arg7[%get3A_4841, %get3A_4842] {strides = array<i32>} : memref<112x64xf32, #tpu.memory_space<vmem>>, vector<1x16xf32>,
      %get3A_4844 = vector.shape_cast %get3A_4843 : vector<1x16xf32> to vector<16xf32>
      %get3A_4845 = arith.constant 89 : i32
      %get3A_4846 = arith.index_cast %get3A_4845 : i32 to index
      %get3A_4847 = arith.constant 48 : index
      %get3A_4848 = tpu.vector_load %arg7[%get3A_4846, %get3A_4847] {strides = array<i32>} : memref<112x64xf32, #tpu.memory_space<vmem>>, vector<1x16xf32>,
      %get3A_4849 = vector.shape_cast %get3A_4848 : vector<1x16xf32> to vector<16xf32>
      %get3A_4850 = arith.constant 90 : i32
      %get3A_4851 = arith.index_cast %get3A_4850 : i32 to index
      %get3A_4852 = arith.constant 48 : index
      %get3A_4853 = tpu.vector_load %arg7[%get3A_4851, %get3A_4852] {strides = array<i32>} : memref<112x64xf32, #tpu.memory_space<vmem>>, vector<1x16xf32>,
      %get3A_4854 = vector.shape_cast %get3A_4853 : vector<1x16xf32> to vector<16xf32>
      %get3A_4855 = arith.constant 91 : i32
      %get3A_4856 = arith.index_cast %get3A_4855 : i32 to index
      %get3A_4857 = arith.constant 48 : index
      %get3A_4858 = tpu.vector_load %arg7[%get3A_4856, %get3A_4857] {strides = array<i32>} : memref<112x64xf32, #tpu.memory_space<vmem>>, vector<1x16xf32>,
      %get3A_4859 = vector.shape_cast %get3A_4858 : vector<1x16xf32> to vector<16xf32>
      %get3A_4860 = arith.constant 92 : i32
      %get3A_4861 = arith.index_cast %get3A_4860 : i32 to index
      %get3A_4862 = arith.constant 48 : index
      %get3A_4863 = tpu.vector_load %arg7[%get3A_4861, %get3A_4862] {strides = array<i32>} : memref<112x64xf32, #tpu.memory_space<vmem>>, vector<1x16xf32>,
      %get3A_4864 = vector.shape_cast %get3A_4863 : vector<1x16xf32> to vector<16xf32>
      %get3A_4865 = arith.constant 93 : i32
      %get3A_4866 = arith.index_cast %get3A_4865 : i32 to index
      %get3A_4867 = arith.constant 48 : index
      %get3A_4868 = tpu.vector_load %arg7[%get3A_4866, %get3A_4867] {strides = array<i32>} : memref<112x64xf32, #tpu.memory_space<vmem>>, vector<1x16xf32>,
      %get3A_4869 = vector.shape_cast %get3A_4868 : vector<1x16xf32> to vector<16xf32>
      %get3A_4870 = arith.constant 94 : i32
      %get3A_4871 = arith.index_cast %get3A_4870 : i32 to index
      %get3A_4872 = arith.constant 48 : index
      %get3A_4873 = tpu.vector_load %arg7[%get3A_4871, %get3A_4872] {strides = array<i32>} : memref<112x64xf32, #tpu.memory_space<vmem>>, vector<1x16xf32>,
      %get3A_4874 = vector.shape_cast %get3A_4873 : vector<1x16xf32> to vector<16xf32>
      %get3A_4875 = arith.constant 95 : i32
      %get3A_4876 = arith.index_cast %get3A_4875 : i32 to index
      %get3A_4877 = arith.constant 48 : index
      %get3A_4878 = tpu.vector_load %arg7[%get3A_4876, %get3A_4877] {strides = array<i32>} : memref<112x64xf32, #tpu.memory_space<vmem>>, vector<1x16xf32>,
      %get3A_4879 = vector.shape_cast %get3A_4878 : vector<1x16xf32> to vector<16xf32>
      %get3A_4880 = arith.constant 96 : i32
      %get3A_4881 = arith.index_cast %get3A_4880 : i32 to index
      %get3A_4882 = arith.constant 48 : index
      %get3A_4883 = tpu.vector_load %arg7[%get3A_4881, %get3A_4882] {strides = array<i32>} : memref<112x64xf32, #tpu.memory_space<vmem>>, vector<1x16xf32>,
      %get3A_4884 = vector.shape_cast %get3A_4883 : vector<1x16xf32> to vector<16xf32>
      %get3A_4885 = arith.constant 97 : i32
      %get3A_4886 = arith.index_cast %get3A_4885 : i32 to index
      %get3A_4887 = arith.constant 48 : index
      %get3A_4888 = tpu.vector_load %arg7[%get3A_4886, %get3A_4887] {strides = array<i32>} : memref<112x64xf32, #tpu.memory_space<vmem>>, vector<1x16xf32>,
      %get3A_4889 = vector.shape_cast %get3A_4888 : vector<1x16xf32> to vector<16xf32>
      %get3A_4890 = arith.constant 98 : i32
      %get3A_4891 = arith.index_cast %get3A_4890 : i32 to index
      %get3A_4892 = arith.constant 48 : index
      %get3A_4893 = tpu.vector_load %arg7[%get3A_4891, %get3A_4892] {strides = array<i32>} : memref<112x64xf32, #tpu.memory_space<vmem>>, vector<1x16xf32>,
      %get3A_4894 = vector.shape_cast %get3A_4893 : vector<1x16xf32> to vector<16xf32>
      %get3A_4895 = arith.constant 99 : i32
      %get3A_4896 = arith.index_cast %get3A_4895 : i32 to index
      %get3A_4897 = arith.constant 48 : index
      %get3A_4898 = tpu.vector_load %arg7[%get3A_4896, %get3A_4897] {strides = array<i32>} : memref<112x64xf32, #tpu.memory_space<vmem>>, vector<1x16xf32>,
      %get3A_4899 = vector.shape_cast %get3A_4898 : vector<1x16xf32> to vector<16xf32>
      %get3A_4900 = arith.constant 100 : i32
      %get3A_4901 = arith.index_cast %get3A_4900 : i32 to index
      %get3A_4902 = arith.constant 48 : index
      %get3A_4903 = tpu.vector_load %arg7[%get3A_4901, %get3A_4902] {strides = array<i32>} : memref<112x64xf32, #tpu.memory_space<vmem>>, vector<1x16xf32>,
      %get3A_4904 = vector.shape_cast %get3A_4903 : vector<1x16xf32> to vector<16xf32>
      %get3A_4905 = arith.constant 101 : i32
      %get3A_4906 = arith.index_cast %get3A_4905 : i32 to index
      %get3A_4907 = arith.constant 48 : index
      %get3A_4908 = tpu.vector_load %arg7[%get3A_4906, %get3A_4907] {strides = array<i32>} : memref<112x64xf32, #tpu.memory_space<vmem>>, vector<1x16xf32>,
      %get3A_4909 = vector.shape_cast %get3A_4908 : vector<1x16xf32> to vector<16xf32>
      %get3A_4910 = arith.constant 102 : i32
      %get3A_4911 = arith.index_cast %get3A_4910 : i32 to index
      %get3A_4912 = arith.constant 48 : index
      %get3A_4913 = tpu.vector_load %arg7[%get3A_4911, %get3A_4912] {strides = array<i32>} : memref<112x64xf32, #tpu.memory_space<vmem>>, vector<1x16xf32>,
      %get3A_4914 = vector.shape_cast %get3A_4913 : vector<1x16xf32> to vector<16xf32>
      %get3A_4915 = arith.constant 103 : i32
      %get3A_4916 = arith.index_cast %get3A_4915 : i32 to index
      %get3A_4917 = arith.constant 48 : index
      %get3A_4918 = tpu.vector_load %arg7[%get3A_4916, %get3A_4917] {strides = array<i32>} : memref<112x64xf32, #tpu.memory_space<vmem>>, vector<1x16xf32>,
      %get3A_4919 = vector.shape_cast %get3A_4918 : vector<1x16xf32> to vector<16xf32>
      %get3A_4920 = arith.constant 104 : i32
      %get3A_4921 = arith.index_cast %get3A_4920 : i32 to index
      %get3A_4922 = arith.constant 48 : index
      %get3A_4923 = tpu.vector_load %arg7[%get3A_4921, %get3A_4922] {strides = array<i32>} : memref<112x64xf32, #tpu.memory_space<vmem>>, vector<1x16xf32>,
      %get3A_4924 = vector.shape_cast %get3A_4923 : vector<1x16xf32> to vector<16xf32>
      %get3A_4925 = arith.constant 105 : i32
      %get3A_4926 = arith.index_cast %get3A_4925 : i32 to index
      %get3A_4927 = arith.constant 48 : index
      %get3A_4928 = tpu.vector_load %arg7[%get3A_4926, %get3A_4927] {strides = array<i32>} : memref<112x64xf32, #tpu.memory_space<vmem>>, vector<1x16xf32>,
      %get3A_4929 = vector.shape_cast %get3A_4928 : vector<1x16xf32> to vector<16xf32>
      %add3A_4930 = arith.addf %get3A_4684, %get3A_4689 : vector<16xf32>
      %add3A_4931 = arith.addf %get3A_4694, %get3A_4699 : vector<16xf32>
      %add3A_4932 = arith.addf %get3A_4704, %get3A_4709 : vector<16xf32>
      %add3A_4933 = arith.addf %get3A_4714, %get3A_4719 : vector<16xf32>
      %add3A_4934 = arith.addf %get3A_4724, %get3A_4729 : vector<16xf32>
      %add3A_4935 = arith.addf %get3A_4734, %get3A_4739 : vector<16xf32>
      %add3A_4936 = arith.addf %get3A_4744, %get3A_4749 : vector<16xf32>
      %add3A_4937 = arith.addf %get3A_4754, %get3A_4759 : vector<16xf32>
      %add3A_4938 = arith.addf %get3A_4764, %get3A_4769 : vector<16xf32>
      %add3A_4939 = arith.addf %get3A_4774, %get3A_4779 : vector<16xf32>
      %add3A_4940 = arith.addf %get3A_4784, %get3A_4789 : vector<16xf32>
      %add3A_4941 = arith.addf %get3A_4794, %get3A_4799 : vector<16xf32>
      %add3A_4942 = arith.addf %get3A_4804, %get3A_4809 : vector<16xf32>
      %add3A_4943 = arith.addf %get3A_4814, %get3A_4819 : vector<16xf32>
      %add3A_4944 = arith.addf %get3A_4824, %get3A_4829 : vector<16xf32>
      %add3A_4945 = arith.addf %get3A_4834, %get3A_4839 : vector<16xf32>
      %add3A_4946 = arith.addf %get3A_4844, %get3A_4849 : vector<16xf32>
      %add3A_4947 = arith.addf %get3A_4854, %get3A_4859 : vector<16xf32>
      %add3A_4948 = arith.addf %get3A_4864, %get3A_4869 : vector<16xf32>
      %add3A_4949 = arith.addf %get3A_4874, %get3A_4879 : vector<16xf32>
      %add3A_4950 = arith.addf %get3A_4884, %get3A_4889 : vector<16xf32>
      %add3A_4951 = arith.addf %get3A_4894, %get3A_4899 : vector<16xf32>
      %add3A_4952 = arith.addf %get3A_4904, %get3A_4909 : vector<16xf32>
      %add3A_4953 = arith.addf %get3A_4914, %get3A_4919 : vector<16xf32>
      %add3A_4954 = arith.addf %get3A_4924, %get3A_4929 : vector<16xf32>
      %add3A_4955 = arith.addf %add3A_4930, %add3A_4931 : vector<16xf32>
      %add3A_4956 = arith.addf %add3A_4932, %add3A_4933 : vector<16xf32>
      %add3A_4957 = arith.addf %add3A_4934, %add3A_4935 : vector<16xf32>
      %add3A_4958 = arith.addf %add3A_4936, %add3A_4937 : vector<16xf32>
      %add3A_4959 = arith.addf %add3A_4938, %add3A_4939 : vector<16xf32>
      %add3A_4960 = arith.addf %add3A_4940, %add3A_4941 : vector<16xf32>
      %add3A_4961 = arith.addf %add3A_4942, %add3A_4943 : vector<16xf32>
      %add3A_4962 = arith.addf %add3A_4944, %add3A_4945 : vector<16xf32>
      %add3A_4963 = arith.addf %add3A_4946, %add3A_4947 : vector<16xf32>
      %add3A_4964 = arith.addf %add3A_4948, %add3A_4949 : vector<16xf32>
      %add3A_4965 = arith.addf %add3A_4950, %add3A_4951 : vector<16xf32>
      %add3A_4966 = arith.addf %add3A_4952, %add3A_4953 : vector<16xf32>
      %add3A_4967 = arith.addf %add3A_4955, %add3A_4956 : vector<16xf32>
      %add3A_4968 = arith.addf %add3A_4957, %add3A_4958 : vector<16xf32>
      %add3A_4969 = arith.addf %add3A_4959, %add3A_4960 : vector<16xf32>
      %add3A_4970 = arith.addf %add3A_4961, %add3A_4962 : vector<16xf32>
      %add3A_4971 = arith.addf %add3A_4963, %add3A_4964 : vector<16xf32>
      %add3A_4972 = arith.addf %add3A_4965, %add3A_4966 : vector<16xf32>
      %add3A_4973 = arith.addf %add3A_4967, %add3A_4968 : vector<16xf32>
      %add3A_4974 = arith.addf %add3A_4969, %add3A_4970 : vector<16xf32>
      %add3A_4975 = arith.addf %add3A_4971, %add3A_4972 : vector<16xf32>
      %add3A_4976 = arith.addf %add3A_4973, %add3A_4974 : vector<16xf32>
      %add3A_4977 = arith.addf %add3A_4975, %add3A_4954 : vector<16xf32>
      %add3A_4978 = arith.addf %add3A_4976, %add3A_4977 : vector<16xf32>
      %add3A_4979 = arith.constant 1 : i32
      %add3A_4980 = arith.addi %add3A_2516, %add3A_4979 : i32
      %mul3A_4981 = arith.constant 64 : i32
      %mul3A_4982 = arith.muli %add3A_4980, %mul3A_4981 : i32
      %add3A_4983 = arith.constant 48 : i32
      %add3A_4984 = arith.addi %mul3A_4982, %add3A_4983 : i32
      %swap3A_4985 = arith.index_cast %add3A_4984 : i32 to index
      %swap3A_4986 = tpu.vector_load %arg8[%swap3A_4985] {strides = array<i32>} : memref<8192xf32, #tpu.memory_space<vmem>>, vector<16xf32>,
      %swap3A_4987 = vector.shape_cast %swap3A_4986 : vector<16xf32> to vector<16xf32>
      %swap3A_4988 = vector.shape_cast %add3A_4978 : vector<16xf32> to vector<16xf32>
      tpu.vector_store %arg8[%swap3A_4985], %swap3A_4988 {strides = array<i32>} : memref<8192xf32, #tpu.memory_space<vmem>>, vector<16xf32>,
      %rem3A_4989 = arith.constant 32 : i32
      %rem3A_4990 = arith.remsi %scan3A_15, %rem3A_4989 : i32
      %eq3A = arith.constant 31 : i32
      %eq3A_4991 = arith.cmpi eq, %rem3A_4990, %eq3A : i32
      %convert_element_type3A_4992 = arith.extui %eq3A_4991 : i1 to i32
      %cond3A_4993 = arith.constant 0 : i32
      %cond3A_4994 = arith.cmpi ne, %convert_element_type3A_4992, %cond3A_4993 : i32
      scf.if %cond3A_4994 {
        %div3A = arith.constant 32 : i32
        %div3A_4996 = arith.divsi %scan3A_15, %div3A : i32
        %mul3A_4997 = arith.constant 8192 : i32
        %mul3A_4998 = arith.muli %div3A_4996, %mul3A_4997 : i32
        %add3A_4999 = arith.addi %mul3A_4, %mul3A_4998 : i32
        "tpu.region"() ({
          %run_scoped3A = tpu.sem_alloc : memref<!tpu.dma_semaphore, #tpu.memory_space<semaphore_mem>>
          %dma_start3A_5000 = tpu.memref_slice %arg4[%add3A_4999] : memref<1048576xf32, #tpu.memory_space<hbm>> -> memref<8192xf32, #tpu.memory_space<hbm>>
          %dma_start3A_5001 = tpu.memref_slice %arg4[%add3A_4999] : memref<1048576xf32, #tpu.memory_space<hbm>> -> memref<8192xf32, #tpu.memory_space<hbm>>
          tpu.enqueue_dma source(%arg8 : memref<8192xf32, #tpu.memory_space<vmem>>) target(%dma_start3A_5001 : memref<8192xf32, #tpu.memory_space<hbm>>) target_semaphore(%run_scoped3A : memref<!tpu.dma_semaphore, #tpu.memory_space<semaphore_mem>>)
          %dma_wait3A_5002 = tpu.memref_slice %arg4[%add3A_4999] : memref<1048576xf32, #tpu.memory_space<hbm>> -> memref<8192xf32, #tpu.memory_space<hbm>>
          %dma_wait3A_5003 = tpu.memref_slice %arg4[%add3A_4999] : memref<1048576xf32, #tpu.memory_space<hbm>> -> memref<8192xf32, #tpu.memory_space<hbm>>
          tpu.wait_dma2 semaphore(%run_scoped3A : memref<!tpu.dma_semaphore, #tpu.memory_space<semaphore_mem>>) src(%arg8 : memref<8192xf32, #tpu.memory_space<vmem>>) dst(%dma_wait3A_5003 : memref<8192xf32, #tpu.memory_space<hbm>>)
          tpu.yield
        }) : () -> ()
      } else {
      }
      %scan3A_4995 = arith.constant 0 : i32
      scf.yield %scan3A_4995 : i32
    }
    %scan3A_14 = arith.constant 128 : i32
    return
  }
}

module attributes {stable_mosaic.version = 14 : i64} {
  func.func @_ffnn_body(%arg0: i32, %arg1: memref<1024x64xf32, #tpu.memory_space<vmem>>, %arg2: memref<64x256xf32, #tpu.memory_space<vmem>>, %arg3: memref<1x256xf32, #tpu.memory_space<vmem>>, %arg4: memref<256x128xf32, #tpu.memory_space<vmem>>, %arg5: memref<1x128xf32, #tpu.memory_space<vmem>>, %arg6: memref<1024x128xf32, #tpu.memory_space<vmem>>) attributes {dimension_semantics = [#tpu.dimension_semantics<arbitrary>], iteration_bounds = array<i64: 16>, scalar_prefetch = 0 : i64, scratch_operands = 0 : i64, tpu.core_type = #tpu.core_type<tc>, window_params = [{transform_indices = @transform_0, window_bounds = array<i64: 1024, 64>}, {pipeline_mode = #tpu.pipeline_mode<synchronous>, transform_indices = @transform_1, window_bounds = array<i64: 64, 256>}, {pipeline_mode = #tpu.pipeline_mode<synchronous>, transform_indices = @transform_2, window_bounds = array<i64: 1, 256>}, {pipeline_mode = #tpu.pipeline_mode<synchronous>, transform_indices = @transform_3, window_bounds = array<i64: 256, 128>}, {pipeline_mode = #tpu.pipeline_mode<synchronous>, transform_indices = @transform_4, window_bounds = array<i64: 1, 128>}, {transform_indices = @transform_5, window_bounds = array<i64: 1024, 128>}]} {
    %get3A = arith.constant 0 : index
    %get3A_0 = arith.constant 0 : index
    %get3A_1 = vector.load %arg1[%get3A, %get3A_0] : memref<1024x64xf32, #tpu.memory_space<vmem>>, vector<1024x64xf32>
    %mul3A = arith.constant 2.000000e-02 : f32
    %mul3A_2 = vector.broadcast %mul3A : f32 to vector<1024x64xf32>
    %mul3A_3 = arith.mulf %get3A_1, %mul3A_2 : vector<1024x64xf32>
    %get3A_4 = arith.constant 0 : index
    %get3A_5 = arith.constant 0 : index
    %get3A_6 = vector.load %arg2[%get3A_4, %get3A_5] : memref<64x256xf32, #tpu.memory_space<vmem>>, vector<64x256xf32>
    %dot_general3A = arith.constant dense<0.000000e+00> : vector<1024x256xf32>
    %dot_general3A_7 = tpu.matmul %mul3A_3, %get3A_6, %dot_general3A {dimension_numbers = #tpu.dot_dimension_numbers<[1], [0], [0], [1], [0, 0, 1, 1], [], []>, transpose_lhs_hint = false} : vector<1024x64xf32>, vector<64x256xf32>, vector<1024x256xf32> -> vector<1024x256xf32>
    %get3A_8 = arith.constant 0 : index
    %get3A_9 = arith.constant 0 : index
    %get3A_10 = vector.load %arg3[%get3A_8, %get3A_9] : memref<1x256xf32, #tpu.memory_space<vmem>>, vector<1x256xf32>
    %add3A = vector.broadcast %get3A_10 : vector<1x256xf32> to vector<1024x256xf32>
    %add3A_11 = arith.addf %dot_general3A_7, %add3A : vector<1024x256xf32>
    %max3A = arith.constant 0.000000e+00 : f32
    %max3A_12 = vector.broadcast %max3A : f32 to vector<1024x256xf32>
    %max3A_13 = arith.maximumf %add3A_11, %max3A_12 : vector<1024x256xf32>
    %get3A_14 = arith.constant 0 : index
    %get3A_15 = arith.constant 0 : index
    %get3A_16 = vector.load %arg4[%get3A_14, %get3A_15] : memref<256x128xf32, #tpu.memory_space<vmem>>, vector<256x128xf32>
    %dot_general3A_17 = arith.constant dense<0.000000e+00> : vector<1024x128xf32>
    %dot_general3A_18 = tpu.matmul %max3A_13, %get3A_16, %dot_general3A_17 {dimension_numbers = #tpu.dot_dimension_numbers<[1], [0], [0], [1], [0, 0, 1, 1], [], []>, transpose_lhs_hint = false} : vector<1024x256xf32>, vector<256x128xf32>, vector<1024x128xf32> -> vector<1024x128xf32>
    %get3A_19 = arith.constant 0 : index
    %get3A_20 = arith.constant 0 : index
    %get3A_21 = vector.load %arg5[%get3A_19, %get3A_20] : memref<1x128xf32, #tpu.memory_space<vmem>>, vector<1x128xf32>
    %add3A_22 = vector.broadcast %get3A_21 : vector<1x128xf32> to vector<1024x128xf32>
    %add3A_23 = arith.addf %dot_general3A_18, %add3A_22 : vector<1024x128xf32>
    %reduce_max3A = arith.constant dense<0xFF800000> : vector<1024xf32>
    %reduce_max3A_24 = vector.multi_reduction <maximumf>, %add3A_23, %reduce_max3A [1] : vector<1024x128xf32> to vector<1024xf32>
    %broadcast_in_dim3A = vector.shape_cast %reduce_max3A_24 : vector<1024xf32> to vector<1024x1xf32>
    %sub3A = vector.broadcast %broadcast_in_dim3A : vector<1024x1xf32> to vector<1024x128xf32>
    %sub3A_25 = arith.subf %add3A_23, %sub3A : vector<1024x128xf32>
    %exp3A = math.exp %sub3A_25 : vector<1024x128xf32>
    %reduce_sum3A = arith.constant dense<0.000000e+00> : vector<1024xf32>
    %reduce_sum3A_26 = vector.multi_reduction <add>, %exp3A, %reduce_sum3A [1] : vector<1024x128xf32> to vector<1024xf32>
    %broadcast_in_dim3A_27 = vector.shape_cast %reduce_sum3A_26 : vector<1024xf32> to vector<1024x1xf32>
    %log3A = math.log %broadcast_in_dim3A_27 : vector<1024x1xf32>
    %sub3A_28 = vector.broadcast %log3A : vector<1024x1xf32> to vector<1024x128xf32>
    %sub3A_29 = arith.subf %sub3A_25, %sub3A_28 : vector<1024x128xf32>
    %swap3A = arith.constant 0 : index
    %swap3A_30 = arith.constant 0 : index
    %swap3A_31 = vector.load %arg6[%swap3A, %swap3A_30] : memref<1024x128xf32, #tpu.memory_space<vmem>>, vector<1024x128xf32>
    tpu.vector_store %arg6[%swap3A, %swap3A_30], %sub3A_29 {strides = array<i32>} : memref<1024x128xf32, #tpu.memory_space<vmem>>, vector<1024x128xf32>,
    return
  }
  func.func @transform_0(%arg0: i32) -> (i32, i32) {
    %c0_i32 = arith.constant 0 : i32
    %c0_i32_0 = arith.constant 0 : i32
    return %arg0, %c0_i32 : i32, i32
  }
  func.func @transform_1(%arg0: i32) -> (i32, i32) {
    %c0_i32 = arith.constant 0 : i32
    %c0_i32_0 = arith.constant 0 : i32
    %c0_i32_1 = arith.constant 0 : i32
    return %c0_i32, %c0_i32_0 : i32, i32
  }
  func.func @transform_2(%arg0: i32) -> (i32, i32) {
    %c0_i32 = arith.constant 0 : i32
    %c0_i32_0 = arith.constant 0 : i32
    %c0_i32_1 = arith.constant 0 : i32
    return %c0_i32, %c0_i32_0 : i32, i32
  }
  func.func @transform_3(%arg0: i32) -> (i32, i32) {
    %c0_i32 = arith.constant 0 : i32
    %c0_i32_0 = arith.constant 0 : i32
    %c0_i32_1 = arith.constant 0 : i32
    return %c0_i32, %c0_i32_0 : i32, i32
  }
  func.func @transform_4(%arg0: i32) -> (i32, i32) {
    %c0_i32 = arith.constant 0 : i32
    %c0_i32_0 = arith.constant 0 : i32
    %c0_i32_1 = arith.constant 0 : i32
    return %c0_i32, %c0_i32_0 : i32, i32
  }
  func.func @transform_5(%arg0: i32) -> (i32, i32) {
    %c0_i32 = arith.constant 0 : i32
    %c0_i32_0 = arith.constant 0 : i32
    return %arg0, %c0_i32 : i32, i32
  }
}

</mosaic_0001>

<sc_bundles>
// kernel: kernel.4.cloned.1.call-start
scs
__scs_entry_jumppad:
0x0: {  	(pc) =	sbr.rel $0x88, $3  }
0x1: {  	(tag) =	ssettag $0x0;
	lr =	simm.s32 $0x1  }
0x2: {  	[smem:$0x3F9B] =	sst lr;
	_ =	strace $0xD0000000  }
0x3: {  	_ = 	snop  }
0x4: {  	_ = 	snop  }
0x5: {  	_ = 	snop  }
0x6: {  	_ = 	snop  }
0x7: {  	_ = 	snop  }
__scs_overlays_trampoline_lowered:
0x8: {  	[smem:$0x3FAA] =	sst s0  }
0x9: {  	[smem:$0x3FAB] =	sst s1  }
0xa: {  	[smem:$0x3FAC] =	sst s2  }
0xb: {  	[smem:$0x3FAD] =	sst s3  }
0xc: {  	[smem:$0x3FAE] =	sst s4  }
0xd: {  	[smem:$0x3FAF] =	sst s5  }
0xe: {  	[smem:$0x3FB0] =	sst s6  }
0xf: {  	[smem:$0x3FB1] =	sst s7  }
0x10: {  	[smem:$0x3FB2] =	sst s8  }
0x11: {  	[smem:$0x3FB3] =	sst s9;
	s0 =	simm.s32 @!p0 $0x0  }
0x12: {  	s1 =	sld [smem:$0x3F99];
	s0 =	simm.s32 @p0 $0x1  }
0x13: {  	[smem:$0x3FB4] =	sst s0;
	s0 =	simm.s32 @!p1 $0x0  }
0x14: {  	s2 =	sld [smem:$0x3F98];
	s0 =	simm.s32 @p1 $0x1  }
0x15: {  	[smem:$0x3FB5] =	sst s0;
	s0 =	simm.s32 @!p2 $0x0  }
0x16: {  	s3 =	sld [smem:$0x3FDB];
	s0 =	simm.s32 @p2 $0x1  }
0x17: {  	s4 =	simm.s32 $0x1BF5;
	[smem:$0x3FB7] =	sst s0  }
0x18: {  	s0 =	sld [smem:$0x3F9A];
	_ =	swait.ge [sflag:s4], $0x0  }
0x19: {  	s7 =	sld [smem:$0x3F9B]  }
0x1a: {  	s8 =	sadd.s32 $0xFFFFE003, lr  }
0x1b: {  	s9 =	sadd.s32 $0xFFFFFEF7, lr;
	s5 =	simm.s32 $0xFFFFFFFF;
	p2 =	slt.u32 s8, $0xFFFFF086  }
0x1c: {  	p1 =	slt.u32 s9, $0xF7A;
	s5 =	simm.s32 @!p2 $0x0  }
0x1d: {  	s5 =	simm.s32 @p1 $0x1;
	p0 =	seq.s32 s7, s2  }
0x1e: {  	s7 =	smul.u32 @!p0 $0xF7A, s2;
	p2 =	seq.s32 @!p0 s5, $0x0  }
0x1f: {  	s9 =	smul.u32 $0xF7A, s1;
	s8 =	simm.s32 @!p0 $0x1BF5;
	p2 =	por !p2, p0  }
0x20: {  	[sflag:s8] =	ssyncset.s32 @!p0 $0xFFFFF086;
	s6 =	sadd.s32 @!p0 s3, s7;
	s7 =	simm.s32 @!p0 $0x108  }
0x21: {  	s3 =	sadd.s32 s3, s9;
	s6 =	sadd.s32 @!p0 $0x88, s6;
	s7 =	simm.s32 @p2 $0x1082  }
0x22: {  	[simem:s7], [sflag:s8] =	dma.local @!p0 [hbm:s6], $0xF7A  }
0x23: {  	s9 =	sor.u32 $0xD0000000, s2;
	s6 =	simm.s32 $0x108;
	_ =	swait.ge @!p0 [sflag:s8], $0x0  }
0x24: {  	s3 =	sadd.s32 $0x88, s3;
	s6 =	simm.s32 @!p1 $0x1082;
	[sflag:s4] =	ssyncset.s32 $0xFFFFF086  }
0x25: {  	[simem:s6], [sflag:s4] =	dma.local [hbm:s3], $0xF7A  }
0x26: {  	[smem:$0x3F9B] =	sst s1;
	(tag) =	ssettag s2;
	_ =	strace s9  }
0x27: {  	s1 =	sld [smem:$0x3FAB]  }
0x28: {  	s2 =	sld [smem:$0x3FAC]  }
0x29: {  	s4 =	sld [smem:$0x3FAE]  }
0x2a: {  	p0 =	seq.s32 s5, $0x0;
	s5 =	sld [smem:$0x3FAF]  }
0x2b: {  	s6 =	sld [smem:$0x3FB0]  }
0x2c: {  	s7 =	sld [smem:$0x3FB1]  }
0x2d: {  	s3 =	simm.s32 $0x108;
	s8 =	sld [smem:$0x3FB2]  }
0x2e: {  	s3 =	simm.s32 @!p0 $0x1082;
	s9 =	sld [smem:$0x3FB3]  }
0x2f: {  	lr =	sadd.s32 s0, s3;
	s0 =	sld [smem:$0x3FAA]  }
0x30: {  	s3 =	sld [smem:$0x3FAD]  }
0x31: {  	[smem:$0x3FB6] =	sst s10  }
0x32: {  	s10 =	sld [smem:$0x3FB4];
	_ =	sdelay $0x3  }
0x33: {  	p0 =	seq.s32 s10, $0x1;
	s10 =	sld [smem:$0x3FB6];
	_ =	sdelay $0x3  }
0x34: {  	[smem:$0x3FB6] =	sst s10  }
0x35: {  	s10 =	sld [smem:$0x3FB5];
	_ =	sdelay $0x3  }
0x36: {  	p1 =	seq.s32 s10, $0x1;
	s10 =	sld [smem:$0x3FB6];
	_ =	sdelay $0x3  }
0x37: {  	[smem:$0x3FB6] =	sst s10  }
0x38: {  	s10 =	sld [smem:$0x3FB7]  }
0x39: {  	_ = 	snop;
	(pc) =	sbr.ind lr, $3  }
0x3a: {  	_ = 	snop  }
0x3b: {  	_ = 	snop  }
0x3c: {  	p2 =	seq.s32 s10, $0x1;
	s10 =	sld [smem:$0x3FB6]  }
0x3d: {  	_ =	shalt  }
0x3e: {  	_ =	shalt  }
0x3f: {  	_ =	shalt  }
0x40: {  	_ =	shalt  }
0x41: {  	_ =	shalt  }
0x42: {  	_ =	shalt  }
0x43: {  	_ =	shalt  }
0x44: {  	_ =	shalt  }
0x45: {  	_ =	shalt  }
0x46: {  	_ =	shalt  }
0x47: {  	_ =	shalt  }
0x48: {  	_ =	shalt  }
0x49: {  	_ =	shalt  }
0x4a: {  	_ =	shalt  }
0x4b: {  	_ =	shalt  }
0x4c: {  	_ =	shalt  }
0x4d: {  	_ =	shalt  }
0x4e: {  	_ =	shalt  }
0x4f: {  	_ =	shalt  }
0x50: {  	_ =	shalt  }
0x51: {  	_ =	shalt  }
0x52: {  	_ =	shalt  }
0x53: {  	_ =	shalt  }
0x54: {  	_ =	shalt  }
0x55: {  	_ =	shalt  }
0x56: {  	_ =	shalt  }
0x57: {  	_ =	shalt  }
0x58: {  	_ =	shalt  }
0x59: {  	_ =	shalt  }
0x5a: {  	_ =	shalt  }
0x5b: {  	_ =	shalt  }
0x5c: {  	_ =	shalt  }
0x5d: {  	_ =	shalt  }
0x5e: {  	_ =	shalt  }
0x5f: {  	_ =	shalt  }
0x60: {  	_ =	shalt  }
0x61: {  	_ =	shalt  }
0x62: {  	_ =	shalt  }
0x63: {  	_ =	shalt  }
0x64: {  	_ =	shalt  }
0x65: {  	_ =	shalt  }
0x66: {  	_ =	shalt  }
0x67: {  	_ =	shalt  }
0x68: {  	_ =	shalt  }
0x69: {  	_ =	shalt  }
0x6a: {  	_ =	shalt  }
0x6b: {  	_ =	shalt  }
0x6c: {  	_ =	shalt  }
0x6d: {  	_ =	shalt  }
0x6e: {  	_ =	shalt  }
0x6f: {  	_ =	shalt  }
0x70: {  	_ =	shalt  }
0x71: {  	_ =	shalt  }
0x72: {  	_ =	shalt  }
0x73: {  	_ =	shalt  }
0x74: {  	_ =	shalt  }
0x75: {  	_ =	shalt  }
0x76: {  	_ =	shalt  }
0x77: {  	_ =	shalt  }
0x78: {  	_ =	shalt  }
0x79: {  	_ =	shalt  }
0x7a: {  	_ =	shalt  }
0x7b: {  	_ =	shalt  }
0x7c: {  	_ =	shalt  }
0x7d: {  	_ =	shalt  }
0x7e: {  	_ =	shalt  }
0x7f: {  	_ =	shalt  }
0x80: {  	_ =	shalt  }
0x81: {  	_ =	shalt  }
0x82: {  	_ =	shalt  }
0x83: {  	_ =	shalt  }
0x84: {  	_ =	shalt  }
0x85: {  	_ =	shalt  }
0x86: {  	_ =	shalt  }
0x87: {  	_ =	shalt  }
.Lfunc_end0:
.L_simem_size_0:
called_computation_lowered:
.L_overlay_start_0:
0x88: {  	s2 =	sld [smem:$0x3FD9]  }
0x89: {  	s3 =	sld [smem:$0x3FFE];
	_ =	sdelay $0x1  }
0x8a: {  	s1 =	srdreg.scid  }
0x8b: {  	s0 =	sand.u32 $0x1, s1  }
0x8c: {  	s17 =	sshll.u32 s0, $0xA;
	s2 =	sadd.s32 s3, s2  }
0x8d: {  	s2 =	sadd.s32 s2, s17  }
0x8e: {  	[smem:$0x3FC2] =	sst s2  }
0x8f: {  	_ = 	snop  }
0x90: {  	s2 =	sld [smem:$0x3FD0];
	(tm) =	ssettm $0x1  }
0x91: {  	s18 =	sld [smem:$0x3FFB];
	_ =	sdelay $0x3  }
0x92: {  	_ =	strace s18  }
0x93: {  	s3 =	sld [smem:$0x3FFC];
	_ =	sdelay $0x3  }
0x94: {  	_ =	strace s3  }
0x95: {  	s3 =	sld [smem:$0x3FFD];
	_ =	sdelay $0x3  }
0x96: {  	_ =	strace s3  }
0x97: {  	_ =	strace $0x8FFFFFFF  }
0x98: {  	s19 =	sld [smem:$0x3FDB];
	_ =	sdelay $0x1  }
0x99: {  	s4 =	simm.s32 $_scs_section_size  }
0x9a: {  	s5 =	simm.s32 $_size__tile_overlayer_lowered;
	s6 =	simm.s32 $_tile_overlayer_lowered  }
0x9b: {  	s22 =	simm.s32 $0x1BFF;
	s21 =	sshll.u32 s6, $0x1;
	s3 =	sadd.s32 s4, s19  }
0x9c: {  	s7 =	simm.s32 $0x0;
	s20 =	sshll.u32 s5, $0x1;
	s5 =	sadd.s32 s21, s3  }
0x9d: {  	[timem:s7], [sflag:s22] =	dma.local [hbm:s5], s20  }
0x9e: {  	_ =	swait.ge [sflag:s22], s20  }
0x9f: {  	s4 =	ssub.s32 $0x0, s20;
	[sflag:s22] =	ssyncset.done $0x0  }
0xa0: {  	[sflag:s22] =	ssyncadd.s32 s4;
	_ =	sdelay $0x1  }
0xa1: {  	s23 =	simm.s32 $0x1B8B  }
0xa2: {  	_ =	swait.ge [sflag:s23], $0x1  }
0xa3: {  	[sflag:s23] =	ssyncset.done $0x0  }
0xa4: {  	s25 =	simm.s32 $0x1B8E;
	s24 =	sld [smem:$0x3FFE];
	[sflag:s23] =	ssyncadd.s32 $0xFFFFFFFF  }
0xa5: {  	s26 =	simm.s32 $execute0_lowered;
	[smem:$0x3FD2] =	sst s25  }
0xa6: {  	s5 =	sshll.u32 s26, $0x1;
	_ =	strace $0x80000046;
	[dreg:$0x1] =	wrdreg $0xFFFFFFFF  }
0xa7: {  	s28 =	simm.s32 $_size_execute0_lowered;
	s3 =	sadd.s32 s3, s5;
	[dreg:$0x0] =	wrdreg $0x0  }
0xa8: {  	s5 =	sshll.u32 s28, $0x1;
	[dreg:$0x2] =	wrdreg s3  }
0xa9: {  	[dreg:$0x3] =	wrdreg s5  }
0xaa: {  	[dreg:$0x4] =	wrdreg $0xC0  }
0xab: {  	_ =	task [dreg:s7], $0x5FFFF  }
0xac: {  	[dreg:$0x1] =	wrdreg $0xFFFFFFFF  }
0xad: {  	[dreg:$0x0] =	wrdreg $0x60  }
0xae: {  	[dreg:$0x2] =	wrdreg s24  }
0xaf: {  	[dreg:$0x3] =	wrdreg s2  }
0xb0: {  	[dreg:$0x4] =	wrdreg $0x9  }
0xb1: {  	_ =	task.clear_ibuf [dreg:s7], $0x5FFFF;
	_ =	strace $0x90000046  }
0xb2: {  	s29 =	simm.s32 $0x9;
	_ =	strace $0x80000048  }
0xb3: {  	_ =	swait.ge [sflag:s29], $0x1  }
0xb4: {  	[sflag:s29] =	ssyncadd.s32 $0xFFFFFFFF  }
0xb5: {  	_ =	strace $0x90000048  }
0xb6: {  	_ =	sfence  }
0xb7: {  	s30 =	sld [smem:$0x0];
	_ =	sdelay $0x2  }
0xb8: {  	s31 =	sshll.u32 s1, $0xD;
	s1 =	sshrl.u32 s1, $0x2  }
0xb9: {  	s3 =	sand.u32 $0x4000, s31;
	s1 =	sadd.s32 s1, s30  }
0xba: {  	s0 =	sor.u32 s3, s0;
	s1 =	sshll.u32 s1, $0x11  }
0xbb: {  	s0 =	sor.u32 s1, s0  }
0xbc: {  	s0 =	sadd.s32 $0x8F2B, s0  }
0xbd: {  	[sflag:s0] =	ssyncadd.remote.s32 $0x1  }
0xbe: {  	_ =	sfence.sel $0xFFFF  }
0xbf: {  	[dreg:$0x0] =	wrdreg $0xFFFFFFFF;
	(pc) =	sbr.abs _section_cstart, $3  }
0xc0: {  	[dreg:$0x1] =	wrdreg $0xFFFFFFFF  }
0xc1: {  	_ =	task.clear_ibuf [dreg:s7], $0x2FFFF;
	_ =	strace $0x9FFFFFFF  }
0xc2: {  	(tm) =	ssettm $0x7FFFFFFF  }
0xc3: {  	_ =	shalt  }
tec
execute0_lowered:
.L_overlay_start_1:
0x0: {  	(tag) =	ssettag $0x1  }
0x1: {  	s3 =	rddreg [dreg:$0x0];
	s1 =	srdreg.scid  }
0x2: {  	s0 =	stileid.u32;
	s5 =	rddreg [dreg:$0x1]  }
0x3: {  	s2 =	simm.s32 $0x0;
	s9 =	simm.s32 $0x7000;
	s10 =	simm.s32 $0x8C00  }
0x4: {  	s11 =	simm.s32 $0x1;
	s12 =	simm.s32 $0x2;
	s13 =	simm.s32 $0x0  }
0x5: {  	s4 =	sand.u32 $0x1, s1;
	s6 =	sshll.u32 s0, $0x1;
	s1 =	rddreg [dreg:$0x2]  }
0x6: {  	[smem:$0x7FF] =	sst s2;
	s6 =	sor.u32 s4, s6;
	s4 =	ssub.s32 $0x2, s4  }
0x7: {  	s7 =	smul.u32 $0xE00, s6;
	s8 =	sshrl.u32 s4, $0x1;
	s6 =	sshll.u32 s6, $0xC  }
0x8: {  	_ =	strace $0x80000047;
	s8 =	ssub.s32 s4, s8;
	s5 =	sadd.s32 s5, s6  }
0x9: {  	s7 =	sadd.s32 s7, s3;
	s3 =	sadd.s32 $0xF43600, s3;
	s6 =	smax.u32 s8, $0x1  }
0xa: {  	s8 =	simm.s32 $0x70;
	s4 =	sadd.s32 $0x1200, s7;
	s7 =	simm.s32 $0x3  }
.LBB2_1:
0xb: {  	[tilespmem:s2], [sflag:$0x3] =	stream.linear.gather [hbm4b:s4+s2], $0x7000, $0x38;
	[tilespmem:$0xC800] =	vst v63  }
0xc: {  	_ =	swait.ge [sflag:s7], $0x7000  }
0xd: {  	s14 =	simm.s32 $0xE0;
	[sflag:s7] =	ssyncset.done $0x0  }
0xe: {  	s15 =	simm.s32 $0x0;
	s16 =	simm.s32 $0x0;
	[sflag:s7] =	ssyncadd.s32 $0xFFFF9000  }
0xf: {  	[tilespmem:s9], [sflag:$0x1] =	stream.indirect.gather [hbm4b:s3+s8], $0x40, s2, s8, $0xb8;
	[tilespmem:$0xC800] =	vst v63  }
.LBB2_2:
0x10: {  	s17 =	sadd.s32 $0xFFFFFF90, s14  }
0x11: {  	[tilespmem:s10], [sflag:$0x2] =	stream.indirect.gather [hbm4b:s3+s8], $0x40, s17, s8, $0xb8;
	[tilespmem:$0xC800] =	vst v63  }
0x12: {  	_ =	swait.ge [sflag:s11], $0x1C00  }
0x13: {  	[sflag:s11] =	ssyncset.done $0x0  }
0x14: {  	[sflag:s11] =	ssyncadd.s32 $0xFFFFE400  }
0x15: {  	v0 =	vld [tilespmem:$0x7000]  }
0x16: {  	v1 =	vld [tilespmem:$0x7040]  }
0x17: {  	v2 =	vld [tilespmem:$0x7080]  }
0x18: {  	v3 =	vld [tilespmem:$0x70C0]  }
0x19: {  	v4 =	vld [tilespmem:$0x7100]  }
0x1a: {  	v5 =	vld [tilespmem:$0x7140]  }
0x1b: {  	v6 =	vld [tilespmem:$0x7180]  }
0x1c: {  	v7 =	vld [tilespmem:$0x71C0]  }
0x1d: {  	v8 =	vld [tilespmem:$0x7200]  }
0x1e: {  	v9 =	vld [tilespmem:$0x7240]  }
0x1f: {  	v10 =	vld [tilespmem:$0x7280]  }
0x20: {  	v11 =	vld [tilespmem:$0x72C0]  }
0x21: {  	v12 =	vld [tilespmem:$0x7300]  }
0x22: {  	v13 =	vld [tilespmem:$0x7340]  }
0x23: {  	v14 =	vld [tilespmem:$0x7380]  }
0x24: {  	v15 =	vld [tilespmem:$0x73C0]  }
0x25: {  	v16 =	vld [tilespmem:$0x7400]  }
0x26: {  	v17 =	vld [tilespmem:$0x7440]  }
0x27: {  	v18 =	vld [tilespmem:$0x7480]  }
0x28: {  	v19 =	vld [tilespmem:$0x74C0]  }
0x29: {  	v20 =	vld [tilespmem:$0x7500]  }
0x2a: {  	v21 =	vld [tilespmem:$0x7540]  }
0x2b: {  	v22 =	vld [tilespmem:$0x7580]  }
0x2c: {  	v23 =	vld [tilespmem:$0x75C0]  }
0x2d: {  	v24 =	vld [tilespmem:$0x7600]  }
0x2e: {  	v25 =	vld [tilespmem:$0x7640]  }
0x2f: {  	v26 =	vld [tilespmem:$0x7680]  }
0x30: {  	v27 =	vld [tilespmem:$0x76C0]  }
0x31: {  	v28 =	vld [tilespmem:$0x7700]  }
0x32: {  	v29 =	vld [tilespmem:$0x7740]  }
0x33: {  	v30 =	vld [tilespmem:$0x7780]  }
0x34: {  	v31 =	vld [tilespmem:$0x77C0]  }
0x35: {  	v32 =	vld [tilespmem:$0x7800]  }
0x36: {  	v33 =	vld [tilespmem:$0x7840]  }
0x37: {  	v34 =	vld [tilespmem:$0x7880]  }
0x38: {  	v35 =	vld [tilespmem:$0x78C0]  }
0x39: {  	v36 =	vld [tilespmem:$0x7900]  }
0x3a: {  	v37 =	vld [tilespmem:$0x7940]  }
0x3b: {  	v38 =	vld [tilespmem:$0x7980];
	v0 =	vadd.f32 v1, v0;
	v1 =	vadd.f32 v3, v2  }
0x3c: {  	v39 =	vld [tilespmem:$0x79C0];
	v3 =	vadd.f32 v5, v4;
	v4 =	vadd.f32 v7, v6  }
0x3d: {  	v40 =	vld [tilespmem:$0x7A00];
	v42 =	vadd.f32 v9, v8;
	v43 =	vadd.f32 v11, v10  }
0x3e: {  	v41 =	vld [tilespmem:$0x7A40];
	v45 =	vadd.f32 v13, v12;
	v46 =	vadd.f32 v15, v14  }
0x3f: {  	v50 =	vld [tilespmem:$0x7B80];
	v48 =	vadd.f32 v17, v16;
	v49 =	vadd.f32 v19, v18  }
0x40: {  	v53 =	vld [tilespmem:$0x7BC0];
	v51 =	vadd.f32 v21, v20;
	v52 =	vadd.f32 v23, v22  }
0x41: {  	v54 =	vadd.f32 v25, v24;
	v55 =	vadd.f32 v27, v26  }
0x42: {  	v56 =	vadd.f32 v29, v28;
	v57 =	vadd.f32 v31, v30  }
0x43: {  	v63 =	vld [tilespmem:$0x7AC0];
	v58 =	vadd.f32 v33, v32;
	v59 =	vadd.f32 v35, v34  }
0x44: {  	v44 =	vld [tilespmem:$0x7B00];
	v60 =	vadd.f32 v37, v36;
	v61 =	vadd.f32 v39, v38  }
0x45: {  	v47 =	vld [tilespmem:$0x7B40];
	v62 =	vadd.f32 v41, v40;
	v17 =	vadd.f32 v53, v50  }
0x46: {  	v2 =	vld [tilespmem:$0x7A80];
	v0 =	vadd.f32 v1, v0;
	v27 =	vadd.f32 v4, v3  }
0x47: {  	v28 =	vadd.f32 v43, v42;
	v29 =	vadd.f32 v46, v45  }
0x48: {  	v30 =	vadd.f32 v49, v48;
	v31 =	vadd.f32 v52, v51  }
0x49: {  	v33 =	vadd.f32 v55, v54;
	v34 =	vadd.f32 v57, v56  }
0x4a: {  	v32 =	vld [tilespmem:$0x7C00];
	v36 =	vadd.f32 v59, v58;
	v37 =	vadd.f32 v61, v60  }
0x4b: {  	v35 =	vld [tilespmem:$0x7C40];
	v2 =	vadd.f32 v63, v2;
	v63 =	vadd.f32 v47, v44  }
0x4c: {  	v0 =	vadd.f32 v27, v0;
	v38 =	vadd.f32 v29, v28  }
0x4d: {  	v2 =	vadd.f32 v2, v62;
	v5 =	vadd.f32 v17, v63  }
0x4e: {  	v39 =	vadd.f32 v31, v30;
	v40 =	vadd.f32 v34, v33  }
0x4f: {  	v41 =	vadd.f32 v37, v36;
	v2 =	vadd.f32 v5, v2  }
0x50: {  	v42 =	vadd.f32 v35, v32;
	v0 =	vadd.f32 v38, v0  }
0x51: {  	v43 =	vadd.f32 v40, v39;
	v2 =	vadd.f32 v2, v41;
	_ =	sdelay $0x1  }
0x52: {  	v0 =	vadd.f32 v43, v0;
	v44 =	vadd.f32 v2, v42;
	_ =	sdelay $0x1  }
0x53: {  	s31 =	sand.u32 $0x1F, s16;
	v0 =	vadd.f32 v44, v0  }
0x54: {  	s18 =	sshll.u32 s31, $0x8  }
0x55: {  	[tilespmem:s18+$0xA800] =	vst v0  }
0x56: {  	v0 =	vld [tilespmem:$0x7010]  }
0x57: {  	v1 =	vld [tilespmem:$0x7050]  }
0x58: {  	v45 =	vld [tilespmem:$0x7090]  }
0x59: {  	v46 =	vld [tilespmem:$0x70D0]  }
0x5a: {  	v4 =	vld [tilespmem:$0x7110]  }
0x5b: {  	v47 =	vld [tilespmem:$0x7150]  }
0x5c: {  	v48 =	vld [tilespmem:$0x7190]  }
0x5d: {  	v49 =	vld [tilespmem:$0x71D0]  }
0x5e: {  	v8 =	vld [tilespmem:$0x7210]  }
0x5f: {  	v50 =	vld [tilespmem:$0x7250]  }
0x60: {  	v51 =	vld [tilespmem:$0x7290]  }
0x61: {  	v52 =	vld [tilespmem:$0x72D0]  }
0x62: {  	v12 =	vld [tilespmem:$0x7310]  }
0x63: {  	v53 =	vld [tilespmem:$0x7350]  }
0x64: {  	v54 =	vld [tilespmem:$0x7390]  }
0x65: {  	v55 =	vld [tilespmem:$0x73D0]  }
0x66: {  	v16 =	vld [tilespmem:$0x7410]  }
0x67: {  	v56 =	vld [tilespmem:$0x7450]  }
0x68: {  	v57 =	vld [tilespmem:$0x7490]  }
0x69: {  	v58 =	vld [tilespmem:$0x74D0]  }
0x6a: {  	v20 =	vld [tilespmem:$0x7510]  }
0x6b: {  	v59 =	vld [tilespmem:$0x7550]  }
0x6c: {  	v60 =	vld [tilespmem:$0x7590]  }
0x6d: {  	v61 =	vld [tilespmem:$0x75D0]  }
0x6e: {  	v24 =	vld [tilespmem:$0x7610]  }
0x6f: {  	v62 =	vld [tilespmem:$0x7650]  }
0x70: {  	v26 =	vld [tilespmem:$0x7690]  }
0x71: {  	v63 =	vld [tilespmem:$0x76D0]  }
0x72: {  	v28 =	vld [tilespmem:$0x7710]  }
0x73: {  	v29 =	vld [tilespmem:$0x7750]  }
0x74: {  	v30 =	vld [tilespmem:$0x7790]  }
0x75: {  	v31 =	vld [tilespmem:$0x77D0]  }
0x76: {  	v32 =	vld [tilespmem:$0x7810]  }
0x77: {  	v33 =	vld [tilespmem:$0x7850]  }
0x78: {  	v34 =	vld [tilespmem:$0x7890]  }
0x79: {  	v35 =	vld [tilespmem:$0x78D0]  }
0x7a: {  	v36 =	vld [tilespmem:$0x7910]  }
0x7b: {  	v37 =	vld [tilespmem:$0x7950]  }
0x7c: {  	v38 =	vld [tilespmem:$0x7990];
	v0 =	vadd.f32 v1, v0;
	v45 =	vadd.f32 v46, v45  }
0x7d: {  	v39 =	vld [tilespmem:$0x79D0];
	v47 =	vadd.f32 v47, v4;
	v48 =	vadd.f32 v49, v48  }
0x7e: {  	v40 =	vld [tilespmem:$0x7A10];
	v50 =	vadd.f32 v50, v8;
	v51 =	vadd.f32 v52, v51  }
0x7f: {  	v44 =	vld [tilespmem:$0x7A50];
	v53 =	vadd.f32 v53, v12;
	v54 =	vadd.f32 v55, v54  }
0x80: {  	v46 =	vld [tilespmem:$0x7A90];
	v56 =	vadd.f32 v56, v16;
	v57 =	vadd.f32 v58, v57  }
0x81: {  	v49 =	vld [tilespmem:$0x7AD0];
	v59 =	vadd.f32 v59, v20;
	v60 =	vadd.f32 v61, v60  }
0x82: {  	v52 =	vld [tilespmem:$0x7B10];
	v62 =	vadd.f32 v62, v24;
	v63 =	vadd.f32 v63, v26  }
0x83: {  	v55 =	vld [tilespmem:$0x7B50];
	v29 =	vadd.f32 v29, v28;
	v31 =	vadd.f32 v31, v30  }
0x84: {  	v58 =	vld [tilespmem:$0x7B90];
	v33 =	vadd.f32 v33, v32;
	v35 =	vadd.f32 v35, v34  }
0x85: {  	v61 =	vld [tilespmem:$0x7BD0];
	v37 =	vadd.f32 v37, v36;
	v39 =	vadd.f32 v39, v38  }
0x86: {  	v42 =	vadd.f32 v44, v40;
	v0 =	vadd.f32 v45, v0  }
0x87: {  	v45 =	vadd.f32 v48, v47;
	v47 =	vadd.f32 v54, v53  }
0x88: {  	v48 =	vadd.f32 v57, v56;
	v54 =	vadd.f32 v35, v33  }
0x89: {  	v0 =	vadd.f32 v45, v0;
	v2 =	vadd.f32 v49, v46  }
0x8a: {  	v43 =	vadd.f32 v55, v52;
	v44 =	vadd.f32 v61, v58  }
0x8b: {  	v46 =	vadd.f32 v51, v50;
	v49 =	vadd.f32 v60, v59  }
0x8c: {  	v53 =	vld [tilespmem:$0x7C50];
	v51 =	vadd.f32 v63, v62;
	v52 =	vadd.f32 v31, v29  }
0x8d: {  	v50 =	vld [tilespmem:$0x7C10];
	v55 =	vadd.f32 v39, v37;
	v2 =	vadd.f32 v2, v42  }
0x8e: {  	v5 =	vadd.f32 v44, v43;
	v56 =	vadd.f32 v47, v46  }
0x8f: {  	v57 =	vadd.f32 v49, v48;
	v58 =	vadd.f32 v52, v51  }
0x90: {  	v59 =	vadd.f32 v55, v54;
	v2 =	vadd.f32 v5, v2  }
0x91: {  	v0 =	vadd.f32 v56, v0;
	v61 =	vadd.f32 v58, v57  }
0x92: {  	v60 =	vadd.f32 v53, v50;
	v2 =	vadd.f32 v2, v59;
	_ =	sdelay $0x1  }
0x93: {  	v0 =	vadd.f32 v61, v0;
	v62 =	vadd.f32 v2, v60;
	_ =	sdelay $0x1  }
0x94: {  	v0 =	vadd.f32 v62, v0;
	_ =	sdelay $0x1  }
0x95: {  	[tilespmem:s18+$0xA810] =	vst v0  }
0x96: {  	v0 =	vld [tilespmem:$0x7020]  }
0x97: {  	v1 =	vld [tilespmem:$0x7060]  }
0x98: {  	v2 =	vld [tilespmem:$0x70A0]  }
0x99: {  	v3 =	vld [tilespmem:$0x70E0]  }
0x9a: {  	v4 =	vld [tilespmem:$0x7120]  }
0x9b: {  	v5 =	vld [tilespmem:$0x7160]  }
0x9c: {  	v6 =	vld [tilespmem:$0x71A0]  }
0x9d: {  	v63 =	vld [tilespmem:$0x71E0]  }
0x9e: {  	v8 =	vld [tilespmem:$0x7220]  }
0x9f: {  	v9 =	vld [tilespmem:$0x7260]  }
0xa0: {  	v10 =	vld [tilespmem:$0x72A0]  }
0xa1: {  	v44 =	vld [tilespmem:$0x72E0]  }
0xa2: {  	v12 =	vld [tilespmem:$0x7320]  }
0xa3: {  	v45 =	vld [tilespmem:$0x7360]  }
0xa4: {  	v46 =	vld [tilespmem:$0x73A0]  }
0xa5: {  	v47 =	vld [tilespmem:$0x73E0]  }
0xa6: {  	v16 =	vld [tilespmem:$0x7420]  }
0xa7: {  	v48 =	vld [tilespmem:$0x7460]  }
0xa8: {  	v49 =	vld [tilespmem:$0x74A0]  }
0xa9: {  	v50 =	vld [tilespmem:$0x74E0]  }
0xaa: {  	v20 =	vld [tilespmem:$0x7520]  }
0xab: {  	v51 =	vld [tilespmem:$0x7560]  }
0xac: {  	v52 =	vld [tilespmem:$0x75A0]  }
0xad: {  	v53 =	vld [tilespmem:$0x75E0]  }
0xae: {  	v24 =	vld [tilespmem:$0x7620]  }
0xaf: {  	v54 =	vld [tilespmem:$0x7660]  }
0xb0: {  	v26 =	vld [tilespmem:$0x76A0]  }
0xb1: {  	v55 =	vld [tilespmem:$0x76E0]  }
0xb2: {  	v28 =	vld [tilespmem:$0x7720]  }
0xb3: {  	v56 =	vld [tilespmem:$0x7760]  }
0xb4: {  	v30 =	vld [tilespmem:$0x77A0]  }
0xb5: {  	v57 =	vld [tilespmem:$0x77E0]  }
0xb6: {  	v32 =	vld [tilespmem:$0x7820]  }
0xb7: {  	v58 =	vld [tilespmem:$0x7860]  }
0xb8: {  	v34 =	vld [tilespmem:$0x78A0]  }
0xb9: {  	v59 =	vld [tilespmem:$0x78E0]  }
0xba: {  	v36 =	vld [tilespmem:$0x7920];
	v0 =	vadd.f32 v1, v0;
	v1 =	vadd.f32 v3, v2  }
0xbb: {  	v60 =	vld [tilespmem:$0x7960];
	v3 =	vadd.f32 v5, v4;
	v4 =	vadd.f32 v63, v6  }
0xbc: {  	v38 =	vld [tilespmem:$0x79A0];
	v42 =	vadd.f32 v9, v8;
	v43 =	vadd.f32 v44, v10  }
0xbd: {  	v61 =	vld [tilespmem:$0x79E0];
	v45 =	vadd.f32 v45, v12;
	v46 =	vadd.f32 v47, v46  }
0xbe: {  	v40 =	vld [tilespmem:$0x7A20];
	v48 =	vadd.f32 v48, v16;
	v49 =	vadd.f32 v50, v49  }
0xbf: {  	v62 =	vld [tilespmem:$0x7A60];
	v51 =	vadd.f32 v51, v20;
	v52 =	vadd.f32 v53, v52  }
0xc0: {  	v2 =	vld [tilespmem:$0x7AA0];
	v54 =	vadd.f32 v54, v24;
	v55 =	vadd.f32 v55, v26  }
0xc1: {  	v63 =	vld [tilespmem:$0x7AE0];
	v56 =	vadd.f32 v56, v28;
	v57 =	vadd.f32 v57, v30  }
0xc2: {  	v44 =	vld [tilespmem:$0x7B20];
	v58 =	vadd.f32 v58, v32;
	v59 =	vadd.f32 v59, v34  }
0xc3: {  	v47 =	vld [tilespmem:$0x7B60];
	v60 =	vadd.f32 v60, v36;
	v61 =	vadd.f32 v61, v38  }
0xc4: {  	v50 =	vld [tilespmem:$0x7BA0];
	v62 =	vadd.f32 v62, v40;
	v0 =	vadd.f32 v1, v0  }
0xc5: {  	v53 =	vld [tilespmem:$0x7BE0];
	v27 =	vadd.f32 v4, v3;
	v28 =	vadd.f32 v43, v42  }
0xc6: {  	v29 =	vadd.f32 v46, v45;
	v30 =	vadd.f32 v49, v48  }
0xc7: {  	v31 =	vadd.f32 v52, v51;
	v33 =	vadd.f32 v55, v54  }
0xc8: {  	v34 =	vadd.f32 v57, v56;
	v36 =	vadd.f32 v59, v58  }
0xc9: {  	v35 =	vld [tilespmem:$0x7C60];
	v37 =	vadd.f32 v61, v60;
	v2 =	vadd.f32 v63, v2  }
0xca: {  	v32 =	vld [tilespmem:$0x7C20];
	v63 =	vadd.f32 v47, v44;
	v17 =	vadd.f32 v53, v50  }
0xcb: {  	v0 =	vadd.f32 v27, v0;
	v38 =	vadd.f32 v29, v28  }
0xcc: {  	v2 =	vadd.f32 v2, v62;
	v5 =	vadd.f32 v17, v63  }
0xcd: {  	v39 =	vadd.f32 v31, v30;
	v40 =	vadd.f32 v34, v33  }
0xce: {  	v41 =	vadd.f32 v37, v36;
	v2 =	vadd.f32 v5, v2  }
0xcf: {  	v42 =	vadd.f32 v35, v32;
	v0 =	vadd.f32 v38, v0  }
0xd0: {  	v43 =	vadd.f32 v40, v39;
	v2 =	vadd.f32 v2, v41;
	_ =	sdelay $0x1  }
0xd1: {  	v0 =	vadd.f32 v43, v0;
	v44 =	vadd.f32 v2, v42;
	_ =	sdelay $0x1  }
0xd2: {  	v0 =	vadd.f32 v44, v0;
	_ =	sdelay $0x1  }
0xd3: {  	[tilespmem:s18+$0xA820] =	vst v0  }
0xd4: {  	v0 =	vld [tilespmem:$0x7030]  }
0xd5: {  	v1 =	vld [tilespmem:$0x7070]  }
0xd6: {  	v45 =	vld [tilespmem:$0x70B0]  }
0xd7: {  	v46 =	vld [tilespmem:$0x70F0]  }
0xd8: {  	v4 =	vld [tilespmem:$0x7130]  }
0xd9: {  	v47 =	vld [tilespmem:$0x7170]  }
0xda: {  	v48 =	vld [tilespmem:$0x71B0]  }
0xdb: {  	v49 =	vld [tilespmem:$0x71F0]  }
0xdc: {  	v8 =	vld [tilespmem:$0x7230]  }
0xdd: {  	v50 =	vld [tilespmem:$0x7270]  }
0xde: {  	v51 =	vld [tilespmem:$0x72B0]  }
0xdf: {  	v52 =	vld [tilespmem:$0x72F0]  }
0xe0: {  	v12 =	vld [tilespmem:$0x7330]  }
0xe1: {  	v53 =	vld [tilespmem:$0x7370]  }
0xe2: {  	v54 =	vld [tilespmem:$0x73B0]  }
0xe3: {  	v55 =	vld [tilespmem:$0x73F0]  }
0xe4: {  	v16 =	vld [tilespmem:$0x7430]  }
0xe5: {  	v56 =	vld [tilespmem:$0x7470]  }
0xe6: {  	v57 =	vld [tilespmem:$0x74B0]  }
0xe7: {  	v58 =	vld [tilespmem:$0x74F0]  }
0xe8: {  	v20 =	vld [tilespmem:$0x7530]  }
0xe9: {  	v59 =	vld [tilespmem:$0x7570]  }
0xea: {  	v60 =	vld [tilespmem:$0x75B0]  }
0xeb: {  	v61 =	vld [tilespmem:$0x75F0]  }
0xec: {  	v24 =	vld [tilespmem:$0x7630]  }
0xed: {  	v62 =	vld [tilespmem:$0x7670]  }
0xee: {  	v26 =	vld [tilespmem:$0x76B0]  }
0xef: {  	v63 =	vld [tilespmem:$0x76F0]  }
0xf0: {  	v28 =	vld [tilespmem:$0x7730]  }
0xf1: {  	v29 =	vld [tilespmem:$0x7770]  }
0xf2: {  	v30 =	vld [tilespmem:$0x77B0]  }
0xf3: {  	v31 =	vld [tilespmem:$0x77F0]  }
0xf4: {  	v32 =	vld [tilespmem:$0x7830]  }
0xf5: {  	v33 =	vld [tilespmem:$0x7870]  }
0xf6: {  	v34 =	vld [tilespmem:$0x78B0]  }
0xf7: {  	v35 =	vld [tilespmem:$0x78F0]  }
0xf8: {  	v36 =	vld [tilespmem:$0x7930]  }
0xf9: {  	v37 =	vld [tilespmem:$0x7970]  }
0xfa: {  	v38 =	vld [tilespmem:$0x79B0];
	v0 =	vadd.f32 v1, v0;
	v45 =	vadd.f32 v46, v45  }
0xfb: {  	v39 =	vld [tilespmem:$0x79F0];
	v47 =	vadd.f32 v47, v4;
	v48 =	vadd.f32 v49, v48  }
0xfc: {  	v40 =	vld [tilespmem:$0x7A30];
	v50 =	vadd.f32 v50, v8;
	v51 =	vadd.f32 v52, v51  }
0xfd: {  	v44 =	vld [tilespmem:$0x7A70];
	v53 =	vadd.f32 v53, v12;
	v54 =	vadd.f32 v55, v54  }
0xfe: {  	v46 =	vld [tilespmem:$0x7AB0];
	v56 =	vadd.f32 v56, v16;
	v57 =	vadd.f32 v58, v57  }
0xff: {  	v49 =	vld [tilespmem:$0x7AF0];
	v59 =	vadd.f32 v59, v20;
	v60 =	vadd.f32 v61, v60  }
0x100: {  	v52 =	vld [tilespmem:$0x7B30];
	v62 =	vadd.f32 v62, v24;
	v63 =	vadd.f32 v63, v26  }
0x101: {  	v55 =	vld [tilespmem:$0x7B70];
	v29 =	vadd.f32 v29, v28;
	v31 =	vadd.f32 v31, v30  }
0x102: {  	v58 =	vld [tilespmem:$0x7BB0];
	v33 =	vadd.f32 v33, v32;
	v35 =	vadd.f32 v35, v34  }
0x103: {  	v61 =	vld [tilespmem:$0x7BF0];
	v37 =	vadd.f32 v37, v36;
	v39 =	vadd.f32 v39, v38  }
0x104: {  	v42 =	vadd.f32 v44, v40;
	v0 =	vadd.f32 v45, v0  }
0x105: {  	v45 =	vadd.f32 v48, v47;
	v47 =	vadd.f32 v54, v53  }
0x106: {  	v48 =	vadd.f32 v57, v56;
	v54 =	vadd.f32 v35, v33  }
0x107: {  	v0 =	vadd.f32 v45, v0;
	v2 =	vadd.f32 v49, v46  }
0x108: {  	v43 =	vadd.f32 v55, v52;
	v44 =	vadd.f32 v61, v58  }
0x109: {  	v46 =	vadd.f32 v51, v50;
	v49 =	vadd.f32 v60, v59  }
0x10a: {  	v53 =	vld [tilespmem:$0x7C70];
	v51 =	vadd.f32 v63, v62;
	v52 =	vadd.f32 v31, v29  }
0x10b: {  	v50 =	vld [tilespmem:$0x7C30];
	v55 =	vadd.f32 v39, v37;
	v2 =	vadd.f32 v2, v42  }
0x10c: {  	v5 =	vadd.f32 v44, v43;
	v56 =	vadd.f32 v47, v46  }
0x10d: {  	v57 =	vadd.f32 v49, v48;
	v58 =	vadd.f32 v52, v51  }
0x10e: {  	v59 =	vadd.f32 v55, v54;
	v2 =	vadd.f32 v5, v2  }
0x10f: {  	v0 =	vadd.f32 v56, v0;
	v61 =	vadd.f32 v58, v57  }
0x110: {  	v60 =	vadd.f32 v53, v50;
	v2 =	vadd.f32 v2, v59;
	_ =	sdelay $0x1  }
0x111: {  	v0 =	vadd.f32 v61, v0;
	v62 =	vadd.f32 v2, v60;
	_ =	sdelay $0x1  }
0x112: {  	v0 =	vadd.f32 v62, v0;
	_ =	sdelay $0x1  }
0x113: {  	[tilespmem:s18+$0xA830] =	vst v0  }
0x114: {  	v0 =	vld [tilespmem:$0x7E00]  }
0x115: {  	v1 =	vld [tilespmem:$0x7E40]  }
0x116: {  	v2 =	vld [tilespmem:$0x7E80]  }
0x117: {  	v3 =	vld [tilespmem:$0x7EC0]  }
0x118: {  	v4 =	vld [tilespmem:$0x7F00]  }
0x119: {  	v5 =	vld [tilespmem:$0x7F40]  }
0x11a: {  	v6 =	vld [tilespmem:$0x7F80]  }
0x11b: {  	v63 =	vld [tilespmem:$0x7FC0]  }
0x11c: {  	v8 =	vld [tilespmem:$0x8000]  }
0x11d: {  	v9 =	vld [tilespmem:$0x8040]  }
0x11e: {  	v10 =	vld [tilespmem:$0x8080]  }
0x11f: {  	v44 =	vld [tilespmem:$0x80C0]  }
0x120: {  	v12 =	vld [tilespmem:$0x8100]  }
0x121: {  	v45 =	vld [tilespmem:$0x8140]  }
0x122: {  	v46 =	vld [tilespmem:$0x8180]  }
0x123: {  	v47 =	vld [tilespmem:$0x81C0]  }
0x124: {  	v16 =	vld [tilespmem:$0x8200]  }
0x125: {  	v48 =	vld [tilespmem:$0x8240]  }
0x126: {  	v49 =	vld [tilespmem:$0x8280]  }
0x127: {  	v50 =	vld [tilespmem:$0x82C0]  }
0x128: {  	v20 =	vld [tilespmem:$0x8300]  }
0x129: {  	v51 =	vld [tilespmem:$0x8340]  }
0x12a: {  	v52 =	vld [tilespmem:$0x8380]  }
0x12b: {  	v53 =	vld [tilespmem:$0x83C0]  }
0x12c: {  	v24 =	vld [tilespmem:$0x8400]  }
0x12d: {  	v54 =	vld [tilespmem:$0x8440]  }
0x12e: {  	v26 =	vld [tilespmem:$0x8480]  }
0x12f: {  	v55 =	vld [tilespmem:$0x84C0]  }
0x130: {  	v28 =	vld [tilespmem:$0x8500]  }
0x131: {  	v56 =	vld [tilespmem:$0x8540]  }
0x132: {  	v30 =	vld [tilespmem:$0x8580]  }
0x133: {  	v57 =	vld [tilespmem:$0x85C0]  }
0x134: {  	v32 =	vld [tilespmem:$0x8600]  }
0x135: {  	v58 =	vld [tilespmem:$0x8640]  }
0x136: {  	v34 =	vld [tilespmem:$0x8680]  }
0x137: {  	v59 =	vld [tilespmem:$0x86C0]  }
0x138: {  	v36 =	vld [tilespmem:$0x8700];
	v0 =	vadd.f32 v1, v0;
	v1 =	vadd.f32 v3, v2  }
0x139: {  	v60 =	vld [tilespmem:$0x8740];
	v3 =	vadd.f32 v5, v4;
	v4 =	vadd.f32 v63, v6  }
0x13a: {  	v38 =	vld [tilespmem:$0x8780];
	v42 =	vadd.f32 v9, v8;
	v43 =	vadd.f32 v44, v10  }
0x13b: {  	v61 =	vld [tilespmem:$0x87C0];
	v45 =	vadd.f32 v45, v12;
	v46 =	vadd.f32 v47, v46  }
0x13c: {  	v40 =	vld [tilespmem:$0x8800];
	v48 =	vadd.f32 v48, v16;
	v49 =	vadd.f32 v50, v49  }
0x13d: {  	v62 =	vld [tilespmem:$0x8840];
	v51 =	vadd.f32 v51, v20;
	v52 =	vadd.f32 v53, v52  }
0x13e: {  	v2 =	vld [tilespmem:$0x8880];
	v54 =	vadd.f32 v54, v24;
	v55 =	vadd.f32 v55, v26  }
0x13f: {  	v63 =	vld [tilespmem:$0x88C0];
	v56 =	vadd.f32 v56, v28;
	v57 =	vadd.f32 v57, v30  }
0x140: {  	v44 =	vld [tilespmem:$0x8900];
	v58 =	vadd.f32 v58, v32;
	v59 =	vadd.f32 v59, v34  }
0x141: {  	v47 =	vld [tilespmem:$0x8940];
	v60 =	vadd.f32 v60, v36;
	v61 =	vadd.f32 v61, v38  }
0x142: {  	v50 =	vld [tilespmem:$0x8980];
	v62 =	vadd.f32 v62, v40;
	v0 =	vadd.f32 v1, v0  }
0x143: {  	v53 =	vld [tilespmem:$0x89C0];
	v27 =	vadd.f32 v4, v3;
	v28 =	vadd.f32 v43, v42  }
0x144: {  	v29 =	vadd.f32 v46, v45;
	v30 =	vadd.f32 v49, v48  }
0x145: {  	v31 =	vadd.f32 v52, v51;
	v33 =	vadd.f32 v55, v54  }
0x146: {  	v34 =	vadd.f32 v57, v56;
	v36 =	vadd.f32 v59, v58  }
0x147: {  	v35 =	vld [tilespmem:$0x8A40];
	v37 =	vadd.f32 v61, v60;
	v2 =	vadd.f32 v63, v2  }
0x148: {  	v32 =	vld [tilespmem:$0x8A00];
	v63 =	vadd.f32 v47, v44;
	v17 =	vadd.f32 v53, v50  }
0x149: {  	v0 =	vadd.f32 v27, v0;
	v38 =	vadd.f32 v29, v28  }
0x14a: {  	v2 =	vadd.f32 v2, v62;
	v5 =	vadd.f32 v17, v63  }
0x14b: {  	v39 =	vadd.f32 v31, v30;
	v40 =	vadd.f32 v34, v33  }
0x14c: {  	v41 =	vadd.f32 v37, v36;
	v2 =	vadd.f32 v5, v2  }
0x14d: {  	v42 =	vadd.f32 v35, v32;
	v0 =	vadd.f32 v38, v0  }
0x14e: {  	v43 =	vadd.f32 v40, v39;
	v2 =	vadd.f32 v2, v41;
	_ =	sdelay $0x1  }
0x14f: {  	v0 =	vadd.f32 v43, v0;
	v44 =	vadd.f32 v2, v42;
	_ =	sdelay $0x1  }
0x150: {  	v0 =	vadd.f32 v44, v0;
	_ =	sdelay $0x1  }
0x151: {  	[tilespmem:s18+$0xA840] =	vst v0  }
0x152: {  	v0 =	vld [tilespmem:$0x7E10]  }
0x153: {  	v1 =	vld [tilespmem:$0x7E50]  }
0x154: {  	v45 =	vld [tilespmem:$0x7E90]  }
0x155: {  	v46 =	vld [tilespmem:$0x7ED0]  }
0x156: {  	v4 =	vld [tilespmem:$0x7F10]  }
0x157: {  	v47 =	vld [tilespmem:$0x7F50]  }
0x158: {  	v48 =	vld [tilespmem:$0x7F90]  }
0x159: {  	v49 =	vld [tilespmem:$0x7FD0]  }
0x15a: {  	v8 =	vld [tilespmem:$0x8010]  }
0x15b: {  	v50 =	vld [tilespmem:$0x8050]  }
0x15c: {  	v51 =	vld [tilespmem:$0x8090]  }
0x15d: {  	v52 =	vld [tilespmem:$0x80D0]  }
0x15e: {  	v12 =	vld [tilespmem:$0x8110]  }
0x15f: {  	v53 =	vld [tilespmem:$0x8150]  }
0x160: {  	v54 =	vld [tilespmem:$0x8190]  }
0x161: {  	v55 =	vld [tilespmem:$0x81D0]  }
0x162: {  	v16 =	vld [tilespmem:$0x8210]  }
0x163: {  	v56 =	vld [tilespmem:$0x8250]  }
0x164: {  	v57 =	vld [tilespmem:$0x8290]  }
0x165: {  	v58 =	vld [tilespmem:$0x82D0]  }
0x166: {  	v20 =	vld [tilespmem:$0x8310]  }
0x167: {  	v59 =	vld [tilespmem:$0x8350]  }
0x168: {  	v60 =	vld [tilespmem:$0x8390]  }
0x169: {  	v61 =	vld [tilespmem:$0x83D0]  }
0x16a: {  	v24 =	vld [tilespmem:$0x8410]  }
0x16b: {  	v62 =	vld [tilespmem:$0x8450]  }
0x16c: {  	v26 =	vld [tilespmem:$0x8490]  }
0x16d: {  	v63 =	vld [tilespmem:$0x84D0]  }
0x16e: {  	v28 =	vld [tilespmem:$0x8510]  }
0x16f: {  	v29 =	vld [tilespmem:$0x8550]  }
0x170: {  	v30 =	vld [tilespmem:$0x8590]  }
0x171: {  	v31 =	vld [tilespmem:$0x85D0]  }
0x172: {  	v32 =	vld [tilespmem:$0x8610]  }
0x173: {  	v33 =	vld [tilespmem:$0x8650]  }
0x174: {  	v34 =	vld [tilespmem:$0x8690]  }
0x175: {  	v35 =	vld [tilespmem:$0x86D0]  }
0x176: {  	v36 =	vld [tilespmem:$0x8710]  }
0x177: {  	v37 =	vld [tilespmem:$0x8750]  }
0x178: {  	v38 =	vld [tilespmem:$0x8790];
	v0 =	vadd.f32 v1, v0;
	v45 =	vadd.f32 v46, v45  }
0x179: {  	v39 =	vld [tilespmem:$0x87D0];
	v47 =	vadd.f32 v47, v4;
	v48 =	vadd.f32 v49, v48  }
0x17a: {  	v40 =	vld [tilespmem:$0x8810];
	v50 =	vadd.f32 v50, v8;
	v51 =	vadd.f32 v52, v51  }
0x17b: {  	v44 =	vld [tilespmem:$0x8850];
	v53 =	vadd.f32 v53, v12;
	v54 =	vadd.f32 v55, v54  }
0x17c: {  	v46 =	vld [tilespmem:$0x8890];
	v56 =	vadd.f32 v56, v16;
	v57 =	vadd.f32 v58, v57  }
0x17d: {  	v49 =	vld [tilespmem:$0x88D0];
	v59 =	vadd.f32 v59, v20;
	v60 =	vadd.f32 v61, v60  }
0x17e: {  	v52 =	vld [tilespmem:$0x8910];
	v62 =	vadd.f32 v62, v24;
	v63 =	vadd.f32 v63, v26  }
0x17f: {  	v55 =	vld [tilespmem:$0x8950];
	v29 =	vadd.f32 v29, v28;
	v31 =	vadd.f32 v31, v30  }
0x180: {  	v58 =	vld [tilespmem:$0x8990];
	v33 =	vadd.f32 v33, v32;
	v35 =	vadd.f32 v35, v34  }
0x181: {  	v61 =	vld [tilespmem:$0x89D0];
	v37 =	vadd.f32 v37, v36;
	v39 =	vadd.f32 v39, v38  }
0x182: {  	v42 =	vadd.f32 v44, v40;
	v0 =	vadd.f32 v45, v0  }
0x183: {  	v45 =	vadd.f32 v48, v47;
	v47 =	vadd.f32 v54, v53  }
0x184: {  	v48 =	vadd.f32 v57, v56;
	v54 =	vadd.f32 v35, v33  }
0x185: {  	v0 =	vadd.f32 v45, v0;
	v2 =	vadd.f32 v49, v46  }
0x186: {  	v43 =	vadd.f32 v55, v52;
	v44 =	vadd.f32 v61, v58  }
0x187: {  	v46 =	vadd.f32 v51, v50;
	v49 =	vadd.f32 v60, v59  }
0x188: {  	v53 =	vld [tilespmem:$0x8A50];
	v51 =	vadd.f32 v63, v62;
	v52 =	vadd.f32 v31, v29  }
0x189: {  	v50 =	vld [tilespmem:$0x8A10];
	v55 =	vadd.f32 v39, v37;
	v2 =	vadd.f32 v2, v42  }
0x18a: {  	v5 =	vadd.f32 v44, v43;
	v56 =	vadd.f32 v47, v46  }
0x18b: {  	v57 =	vadd.f32 v49, v48;
	v58 =	vadd.f32 v52, v51  }
0x18c: {  	v59 =	vadd.f32 v55, v54;
	v2 =	vadd.f32 v5, v2  }
0x18d: {  	v0 =	vadd.f32 v56, v0;
	v61 =	vadd.f32 v58, v57  }
0x18e: {  	v60 =	vadd.f32 v53, v50;
	v2 =	vadd.f32 v2, v59;
	_ =	sdelay $0x1  }
0x18f: {  	v0 =	vadd.f32 v61, v0;
	v62 =	vadd.f32 v2, v60;
	_ =	sdelay $0x1  }
0x190: {  	v0 =	vadd.f32 v62, v0;
	_ =	sdelay $0x1  }
0x191: {  	[tilespmem:s18+$0xA850] =	vst v0  }
0x192: {  	v0 =	vld [tilespmem:$0x7E20]  }
0x193: {  	v1 =	vld [tilespmem:$0x7E60]  }
0x194: {  	v2 =	vld [tilespmem:$0x7EA0]  }
0x195: {  	v3 =	vld [tilespmem:$0x7EE0]  }
0x196: {  	v4 =	vld [tilespmem:$0x7F20]  }
0x197: {  	v5 =	vld [tilespmem:$0x7F60]  }
0x198: {  	v6 =	vld [tilespmem:$0x7FA0]  }
0x199: {  	v63 =	vld [tilespmem:$0x7FE0]  }
0x19a: {  	v8 =	vld [tilespmem:$0x8020]  }
0x19b: {  	v9 =	vld [tilespmem:$0x8060]  }
0x19c: {  	v10 =	vld [tilespmem:$0x80A0]  }
0x19d: {  	v44 =	vld [tilespmem:$0x80E0]  }
0x19e: {  	v12 =	vld [tilespmem:$0x8120]  }
0x19f: {  	v45 =	vld [tilespmem:$0x8160]  }
0x1a0: {  	v46 =	vld [tilespmem:$0x81A0]  }
0x1a1: {  	v47 =	vld [tilespmem:$0x81E0]  }
0x1a2: {  	v16 =	vld [tilespmem:$0x8220]  }
0x1a3: {  	v48 =	vld [tilespmem:$0x8260]  }
0x1a4: {  	v49 =	vld [tilespmem:$0x82A0]  }
0x1a5: {  	v50 =	vld [tilespmem:$0x82E0]  }
0x1a6: {  	v20 =	vld [tilespmem:$0x8320]  }
0x1a7: {  	v51 =	vld [tilespmem:$0x8360]  }
0x1a8: {  	v52 =	vld [tilespmem:$0x83A0]  }
0x1a9: {  	v53 =	vld [tilespmem:$0x83E0]  }
0x1aa: {  	v24 =	vld [tilespmem:$0x8420]  }
0x1ab: {  	v54 =	vld [tilespmem:$0x8460]  }
0x1ac: {  	v26 =	vld [tilespmem:$0x84A0]  }
0x1ad: {  	v55 =	vld [tilespmem:$0x84E0]  }
0x1ae: {  	v28 =	vld [tilespmem:$0x8520]  }
0x1af: {  	v56 =	vld [tilespmem:$0x8560]  }
0x1b0: {  	v30 =	vld [tilespmem:$0x85A0]  }
0x1b1: {  	v57 =	vld [tilespmem:$0x85E0]  }
0x1b2: {  	v32 =	vld [tilespmem:$0x8620]  }
0x1b3: {  	v58 =	vld [tilespmem:$0x8660]  }
0x1b4: {  	v34 =	vld [tilespmem:$0x86A0]  }
0x1b5: {  	v59 =	vld [tilespmem:$0x86E0]  }
0x1b6: {  	v36 =	vld [tilespmem:$0x8720];
	v0 =	vadd.f32 v1, v0;
	v1 =	vadd.f32 v3, v2  }
0x1b7: {  	v60 =	vld [tilespmem:$0x8760];
	v3 =	vadd.f32 v5, v4;
	v4 =	vadd.f32 v63, v6  }
0x1b8: {  	v38 =	vld [tilespmem:$0x87A0];
	v42 =	vadd.f32 v9, v8;
	v43 =	vadd.f32 v44, v10  }
0x1b9: {  	v61 =	vld [tilespmem:$0x87E0];
	v45 =	vadd.f32 v45, v12;
	v46 =	vadd.f32 v47, v46  }
0x1ba: {  	v40 =	vld [tilespmem:$0x8820];
	v48 =	vadd.f32 v48, v16;
	v49 =	vadd.f32 v50, v49  }
0x1bb: {  	v62 =	vld [tilespmem:$0x8860];
	v51 =	vadd.f32 v51, v20;
	v52 =	vadd.f32 v53, v52  }
0x1bc: {  	v2 =	vld [tilespmem:$0x88A0];
	v54 =	vadd.f32 v54, v24;
	v55 =	vadd.f32 v55, v26  }
0x1bd: {  	v63 =	vld [tilespmem:$0x88E0];
	v56 =	vadd.f32 v56, v28;
	v57 =	vadd.f32 v57, v30  }
0x1be: {  	v44 =	vld [tilespmem:$0x8920];
	v58 =	vadd.f32 v58, v32;
	v59 =	vadd.f32 v59, v34  }
0x1bf: {  	v47 =	vld [tilespmem:$0x8960];
	v60 =	vadd.f32 v60, v36;
	v61 =	vadd.f32 v61, v38  }
0x1c0: {  	v50 =	vld [tilespmem:$0x89A0];
	v62 =	vadd.f32 v62, v40;
	v0 =	vadd.f32 v1, v0  }
0x1c1: {  	v53 =	vld [tilespmem:$0x89E0];
	v27 =	vadd.f32 v4, v3;
	v28 =	vadd.f32 v43, v42  }
0x1c2: {  	v29 =	vadd.f32 v46, v45;
	v30 =	vadd.f32 v49, v48  }
0x1c3: {  	v31 =	vadd.f32 v52, v51;
	v33 =	vadd.f32 v55, v54  }
0x1c4: {  	v34 =	vadd.f32 v57, v56;
	v36 =	vadd.f32 v59, v58  }
0x1c5: {  	v35 =	vld [tilespmem:$0x8A60];
	v37 =	vadd.f32 v61, v60;
	v2 =	vadd.f32 v63, v2  }
0x1c6: {  	v32 =	vld [tilespmem:$0x8A20];
	v63 =	vadd.f32 v47, v44;
	v17 =	vadd.f32 v53, v50  }
0x1c7: {  	v0 =	vadd.f32 v27, v0;
	v38 =	vadd.f32 v29, v28  }
0x1c8: {  	v2 =	vadd.f32 v2, v62;
	v5 =	vadd.f32 v17, v63  }
0x1c9: {  	v39 =	vadd.f32 v31, v30;
	v40 =	vadd.f32 v34, v33  }
0x1ca: {  	v41 =	vadd.f32 v37, v36;
	v2 =	vadd.f32 v5, v2  }
0x1cb: {  	v42 =	vadd.f32 v35, v32;
	v0 =	vadd.f32 v38, v0  }
0x1cc: {  	v43 =	vadd.f32 v40, v39;
	v2 =	vadd.f32 v2, v41;
	_ =	sdelay $0x1  }
0x1cd: {  	v0 =	vadd.f32 v43, v0;
	v44 =	vadd.f32 v2, v42;
	_ =	sdelay $0x1  }
0x1ce: {  	v0 =	vadd.f32 v44, v0;
	_ =	sdelay $0x1  }
0x1cf: {  	[tilespmem:s18+$0xA860] =	vst v0  }
0x1d0: {  	v0 =	vld [tilespmem:$0x7E30]  }
0x1d1: {  	v1 =	vld [tilespmem:$0x7E70]  }
0x1d2: {  	v45 =	vld [tilespmem:$0x7EB0]  }
0x1d3: {  	v46 =	vld [tilespmem:$0x7EF0]  }
0x1d4: {  	v4 =	vld [tilespmem:$0x7F30]  }
0x1d5: {  	v47 =	vld [tilespmem:$0x7F70]  }
0x1d6: {  	v48 =	vld [tilespmem:$0x7FB0]  }
0x1d7: {  	v49 =	vld [tilespmem:$0x7FF0]  }
0x1d8: {  	v8 =	vld [tilespmem:$0x8030]  }
0x1d9: {  	v50 =	vld [tilespmem:$0x8070]  }
0x1da: {  	v51 =	vld [tilespmem:$0x80B0]  }
0x1db: {  	v52 =	vld [tilespmem:$0x80F0]  }
0x1dc: {  	v12 =	vld [tilespmem:$0x8130]  }
0x1dd: {  	v53 =	vld [tilespmem:$0x8170]  }
0x1de: {  	v54 =	vld [tilespmem:$0x81B0]  }
0x1df: {  	v55 =	vld [tilespmem:$0x81F0]  }
0x1e0: {  	v16 =	vld [tilespmem:$0x8230]  }
0x1e1: {  	v56 =	vld [tilespmem:$0x8270]  }
0x1e2: {  	v57 =	vld [tilespmem:$0x82B0]  }
0x1e3: {  	v58 =	vld [tilespmem:$0x82F0]  }
0x1e4: {  	v20 =	vld [tilespmem:$0x8330]  }
0x1e5: {  	v59 =	vld [tilespmem:$0x8370]  }
0x1e6: {  	v60 =	vld [tilespmem:$0x83B0]  }
0x1e7: {  	v61 =	vld [tilespmem:$0x83F0]  }
0x1e8: {  	v24 =	vld [tilespmem:$0x8430]  }
0x1e9: {  	v62 =	vld [tilespmem:$0x8470]  }
0x1ea: {  	v26 =	vld [tilespmem:$0x84B0]  }
0x1eb: {  	v63 =	vld [tilespmem:$0x84F0]  }
0x1ec: {  	v28 =	vld [tilespmem:$0x8530]  }
0x1ed: {  	v29 =	vld [tilespmem:$0x8570]  }
0x1ee: {  	v30 =	vld [tilespmem:$0x85B0]  }
0x1ef: {  	v31 =	vld [tilespmem:$0x85F0]  }
0x1f0: {  	v32 =	vld [tilespmem:$0x8630]  }
0x1f1: {  	v33 =	vld [tilespmem:$0x8670]  }
0x1f2: {  	v34 =	vld [tilespmem:$0x86B0]  }
0x1f3: {  	v35 =	vld [tilespmem:$0x86F0]  }
0x1f4: {  	v36 =	vld [tilespmem:$0x8730]  }
0x1f5: {  	v37 =	vld [tilespmem:$0x8770]  }
0x1f6: {  	v38 =	vld [tilespmem:$0x87B0];
	v0 =	vadd.f32 v1, v0;
	v45 =	vadd.f32 v46, v45  }
0x1f7: {  	v39 =	vld [tilespmem:$0x87F0];
	v47 =	vadd.f32 v47, v4;
	v48 =	vadd.f32 v49, v48  }
0x1f8: {  	v40 =	vld [tilespmem:$0x8830];
	v50 =	vadd.f32 v50, v8;
	v51 =	vadd.f32 v52, v51  }
0x1f9: {  	v44 =	vld [tilespmem:$0x8870];
	v53 =	vadd.f32 v53, v12;
	v54 =	vadd.f32 v55, v54  }
0x1fa: {  	v46 =	vld [tilespmem:$0x88B0];
	v56 =	vadd.f32 v56, v16;
	v57 =	vadd.f32 v58, v57  }
0x1fb: {  	v49 =	vld [tilespmem:$0x88F0];
	v59 =	vadd.f32 v59, v20;
	v60 =	vadd.f32 v61, v60  }
0x1fc: {  	v52 =	vld [tilespmem:$0x8930];
	v62 =	vadd.f32 v62, v24;
	v63 =	vadd.f32 v63, v26  }
0x1fd: {  	v55 =	vld [tilespmem:$0x8970];
	v29 =	vadd.f32 v29, v28;
	v31 =	vadd.f32 v31, v30  }
0x1fe: {  	v58 =	vld [tilespmem:$0x89B0];
	v33 =	vadd.f32 v33, v32;
	v35 =	vadd.f32 v35, v34  }
0x1ff: {  	v61 =	vld [tilespmem:$0x89F0];
	v37 =	vadd.f32 v37, v36;
	v39 =	vadd.f32 v39, v38  }
0x200: {  	v42 =	vadd.f32 v44, v40;
	v0 =	vadd.f32 v45, v0  }
0x201: {  	v45 =	vadd.f32 v48, v47;
	v47 =	vadd.f32 v54, v53  }
0x202: {  	v48 =	vadd.f32 v57, v56;
	v54 =	vadd.f32 v35, v33  }
0x203: {  	v0 =	vadd.f32 v45, v0;
	v2 =	vadd.f32 v49, v46  }
0x204: {  	v43 =	vadd.f32 v55, v52;
	v44 =	vadd.f32 v61, v58  }
0x205: {  	v46 =	vadd.f32 v51, v50;
	v49 =	vadd.f32 v60, v59  }
0x206: {  	v53 =	vld [tilespmem:$0x8A70];
	v51 =	vadd.f32 v63, v62;
	v52 =	vadd.f32 v31, v29  }
0x207: {  	v50 =	vld [tilespmem:$0x8A30];
	v55 =	vadd.f32 v39, v37;
	v2 =	vadd.f32 v2, v42  }
0x208: {  	v5 =	vadd.f32 v44, v43;
	v56 =	vadd.f32 v47, v46  }
0x209: {  	v57 =	vadd.f32 v49, v48;
	v58 =	vadd.f32 v52, v51  }
0x20a: {  	v59 =	vadd.f32 v55, v54;
	v2 =	vadd.f32 v5, v2  }
0x20b: {  	v0 =	vadd.f32 v56, v0;
	v61 =	vadd.f32 v58, v57  }
0x20c: {  	v60 =	vadd.f32 v53, v50;
	v2 =	vadd.f32 v2, v59;
	_ =	sdelay $0x1  }
0x20d: {  	v0 =	vadd.f32 v61, v0;
	v62 =	vadd.f32 v2, v60;
	_ =	sdelay $0x1  }
0x20e: {  	v0 =	vadd.f32 v62, v0  }
0x20f: {  	p0 =	seq.s32 s15, $0xFE0  }
0x210: {  	s19 =	simm.s32 @!p0 $0x70;
	s20 =	simm.s32 @!p0 $0x7000;
	[tilespmem:s18+$0xA870] =	vst v0  }
0x211: {  	[tilespmem:s20], [sflag:$0x1] =	stream.indirect.gather @!p0 [hbm4b:s3+s19], $0x40, s14, s19, $0xb8;
	[tilespmem:$0xC800] =	vst v63  }
0x212: {  	_ =	swait.ge [sflag:s12], $0x1C00  }
0x213: {  	[sflag:s12] =	ssyncset.done $0x0  }
0x214: {  	[sflag:s12] =	ssyncadd.s32 $0xFFFFE400  }
0x215: {  	v0 =	vld [tilespmem:$0x8C00]  }
0x216: {  	v1 =	vld [tilespmem:$0x8C40]  }
0x217: {  	v2 =	vld [tilespmem:$0x8C80]  }
0x218: {  	v3 =	vld [tilespmem:$0x8CC0]  }
0x219: {  	v4 =	vld [tilespmem:$0x8D00]  }
0x21a: {  	v5 =	vld [tilespmem:$0x8D40]  }
0x21b: {  	v6 =	vld [tilespmem:$0x8D80]  }
0x21c: {  	v63 =	vld [tilespmem:$0x8DC0]  }
0x21d: {  	v8 =	vld [tilespmem:$0x8E00]  }
0x21e: {  	v9 =	vld [tilespmem:$0x8E40]  }
0x21f: {  	v10 =	vld [tilespmem:$0x8E80]  }
0x220: {  	v44 =	vld [tilespmem:$0x8EC0]  }
0x221: {  	v12 =	vld [tilespmem:$0x8F00]  }
0x222: {  	v45 =	vld [tilespmem:$0x8F40]  }
0x223: {  	v46 =	vld [tilespmem:$0x8F80]  }
0x224: {  	v47 =	vld [tilespmem:$0x8FC0]  }
0x225: {  	v16 =	vld [tilespmem:$0x9000]  }
0x226: {  	v48 =	vld [tilespmem:$0x9040]  }
0x227: {  	v49 =	vld [tilespmem:$0x9080]  }
0x228: {  	v50 =	vld [tilespmem:$0x90C0]  }
0x229: {  	v20 =	vld [tilespmem:$0x9100]  }
0x22a: {  	v51 =	vld [tilespmem:$0x9140]  }
0x22b: {  	v52 =	vld [tilespmem:$0x9180]  }
0x22c: {  	v53 =	vld [tilespmem:$0x91C0]  }
0x22d: {  	v24 =	vld [tilespmem:$0x9200]  }
0x22e: {  	v54 =	vld [tilespmem:$0x9240]  }
0x22f: {  	v26 =	vld [tilespmem:$0x9280]  }
0x230: {  	v55 =	vld [tilespmem:$0x92C0]  }
0x231: {  	v28 =	vld [tilespmem:$0x9300]  }
0x232: {  	v56 =	vld [tilespmem:$0x9340]  }
0x233: {  	v30 =	vld [tilespmem:$0x9380]  }
0x234: {  	v57 =	vld [tilespmem:$0x93C0]  }
0x235: {  	v32 =	vld [tilespmem:$0x9400]  }
0x236: {  	v58 =	vld [tilespmem:$0x9440]  }
0x237: {  	v34 =	vld [tilespmem:$0x9480]  }
0x238: {  	v59 =	vld [tilespmem:$0x94C0]  }
0x239: {  	v36 =	vld [tilespmem:$0x9500];
	v0 =	vadd.f32 v1, v0;
	v1 =	vadd.f32 v3, v2  }
0x23a: {  	v60 =	vld [tilespmem:$0x9540];
	v3 =	vadd.f32 v5, v4;
	v4 =	vadd.f32 v63, v6  }
0x23b: {  	v38 =	vld [tilespmem:$0x9580];
	v42 =	vadd.f32 v9, v8;
	v43 =	vadd.f32 v44, v10  }
0x23c: {  	v61 =	vld [tilespmem:$0x95C0];
	v45 =	vadd.f32 v45, v12;
	v46 =	vadd.f32 v47, v46  }
0x23d: {  	v40 =	vld [tilespmem:$0x9600];
	v48 =	vadd.f32 v48, v16;
	v49 =	vadd.f32 v50, v49  }
0x23e: {  	v62 =	vld [tilespmem:$0x9640];
	v51 =	vadd.f32 v51, v20;
	v52 =	vadd.f32 v53, v52  }
0x23f: {  	v2 =	vld [tilespmem:$0x9680];
	v54 =	vadd.f32 v54, v24;
	v55 =	vadd.f32 v55, v26  }
0x240: {  	v63 =	vld [tilespmem:$0x96C0];
	v56 =	vadd.f32 v56, v28;
	v57 =	vadd.f32 v57, v30  }
0x241: {  	v44 =	vld [tilespmem:$0x9700];
	v58 =	vadd.f32 v58, v32;
	v59 =	vadd.f32 v59, v34  }
0x242: {  	v47 =	vld [tilespmem:$0x9740];
	v60 =	vadd.f32 v60, v36;
	v61 =	vadd.f32 v61, v38  }
0x243: {  	v50 =	vld [tilespmem:$0x9780];
	v62 =	vadd.f32 v62, v40;
	v0 =	vadd.f32 v1, v0  }
0x244: {  	v53 =	vld [tilespmem:$0x97C0];
	v27 =	vadd.f32 v4, v3;
	v28 =	vadd.f32 v43, v42  }
0x245: {  	v29 =	vadd.f32 v46, v45;
	v30 =	vadd.f32 v49, v48  }
0x246: {  	v31 =	vadd.f32 v52, v51;
	v33 =	vadd.f32 v55, v54  }
0x247: {  	v34 =	vadd.f32 v57, v56;
	v36 =	vadd.f32 v59, v58  }
0x248: {  	v35 =	vld [tilespmem:$0x9840];
	v37 =	vadd.f32 v61, v60;
	v2 =	vadd.f32 v63, v2  }
0x249: {  	v32 =	vld [tilespmem:$0x9800];
	v63 =	vadd.f32 v47, v44;
	v17 =	vadd.f32 v53, v50  }
0x24a: {  	v0 =	vadd.f32 v27, v0;
	v38 =	vadd.f32 v29, v28  }
0x24b: {  	v2 =	vadd.f32 v2, v62;
	v5 =	vadd.f32 v17, v63  }
0x24c: {  	v39 =	vadd.f32 v31, v30;
	v40 =	vadd.f32 v34, v33  }
0x24d: {  	v41 =	vadd.f32 v37, v36;
	v2 =	vadd.f32 v5, v2  }
0x24e: {  	v42 =	vadd.f32 v35, v32;
	v0 =	vadd.f32 v38, v0  }
0x24f: {  	v43 =	vadd.f32 v40, v39;
	v2 =	vadd.f32 v2, v41;
	_ =	sdelay $0x1  }
0x250: {  	v0 =	vadd.f32 v43, v0;
	v44 =	vadd.f32 v2, v42;
	_ =	sdelay $0x1  }
0x251: {  	v0 =	vadd.f32 v44, v0;
	_ =	sdelay $0x1  }
0x252: {  	[tilespmem:s18+$0xA880] =	vst v0  }
0x253: {  	v0 =	vld [tilespmem:$0x8C10]  }
0x254: {  	v1 =	vld [tilespmem:$0x8C50]  }
0x255: {  	v45 =	vld [tilespmem:$0x8C90]  }
0x256: {  	v46 =	vld [tilespmem:$0x8CD0]  }
0x257: {  	v4 =	vld [tilespmem:$0x8D10]  }
0x258: {  	v47 =	vld [tilespmem:$0x8D50]  }
0x259: {  	v48 =	vld [tilespmem:$0x8D90]  }
0x25a: {  	v49 =	vld [tilespmem:$0x8DD0]  }
0x25b: {  	v8 =	vld [tilespmem:$0x8E10]  }
0x25c: {  	v50 =	vld [tilespmem:$0x8E50]  }
0x25d: {  	v51 =	vld [tilespmem:$0x8E90]  }
0x25e: {  	v52 =	vld [tilespmem:$0x8ED0]  }
0x25f: {  	v12 =	vld [tilespmem:$0x8F10]  }
0x260: {  	v53 =	vld [tilespmem:$0x8F50]  }
0x261: {  	v54 =	vld [tilespmem:$0x8F90]  }
0x262: {  	v55 =	vld [tilespmem:$0x8FD0]  }
0x263: {  	v16 =	vld [tilespmem:$0x9010]  }
0x264: {  	v56 =	vld [tilespmem:$0x9050]  }
0x265: {  	v57 =	vld [tilespmem:$0x9090]  }
0x266: {  	v58 =	vld [tilespmem:$0x90D0]  }
0x267: {  	v20 =	vld [tilespmem:$0x9110]  }
0x268: {  	v59 =	vld [tilespmem:$0x9150]  }
0x269: {  	v60 =	vld [tilespmem:$0x9190]  }
0x26a: {  	v61 =	vld [tilespmem:$0x91D0]  }
0x26b: {  	v24 =	vld [tilespmem:$0x9210]  }
0x26c: {  	v62 =	vld [tilespmem:$0x9250]  }
0x26d: {  	v26 =	vld [tilespmem:$0x9290]  }
0x26e: {  	v63 =	vld [tilespmem:$0x92D0]  }
0x26f: {  	v28 =	vld [tilespmem:$0x9310]  }
0x270: {  	v29 =	vld [tilespmem:$0x9350]  }
0x271: {  	v30 =	vld [tilespmem:$0x9390]  }
0x272: {  	v31 =	vld [tilespmem:$0x93D0]  }
0x273: {  	v32 =	vld [tilespmem:$0x9410]  }
0x274: {  	v33 =	vld [tilespmem:$0x9450]  }
0x275: {  	v34 =	vld [tilespmem:$0x9490]  }
0x276: {  	v35 =	vld [tilespmem:$0x94D0]  }
0x277: {  	v36 =	vld [tilespmem:$0x9510]  }
0x278: {  	v37 =	vld [tilespmem:$0x9550]  }
0x279: {  	v38 =	vld [tilespmem:$0x9590];
	v0 =	vadd.f32 v1, v0;
	v45 =	vadd.f32 v46, v45  }
0x27a: {  	v39 =	vld [tilespmem:$0x95D0];
	v47 =	vadd.f32 v47, v4;
	v48 =	vadd.f32 v49, v48  }
0x27b: {  	v40 =	vld [tilespmem:$0x9610];
	v50 =	vadd.f32 v50, v8;
	v51 =	vadd.f32 v52, v51  }
0x27c: {  	v44 =	vld [tilespmem:$0x9650];
	v53 =	vadd.f32 v53, v12;
	v54 =	vadd.f32 v55, v54  }
0x27d: {  	v46 =	vld [tilespmem:$0x9690];
	v56 =	vadd.f32 v56, v16;
	v57 =	vadd.f32 v58, v57  }
0x27e: {  	v49 =	vld [tilespmem:$0x96D0];
	v59 =	vadd.f32 v59, v20;
	v60 =	vadd.f32 v61, v60  }
0x27f: {  	v52 =	vld [tilespmem:$0x9710];
	v62 =	vadd.f32 v62, v24;
	v63 =	vadd.f32 v63, v26  }
0x280: {  	v55 =	vld [tilespmem:$0x9750];
	v29 =	vadd.f32 v29, v28;
	v31 =	vadd.f32 v31, v30  }
0x281: {  	v58 =	vld [tilespmem:$0x9790];
	v33 =	vadd.f32 v33, v32;
	v35 =	vadd.f32 v35, v34  }
0x282: {  	v61 =	vld [tilespmem:$0x97D0];
	v37 =	vadd.f32 v37, v36;
	v39 =	vadd.f32 v39, v38  }
0x283: {  	v42 =	vadd.f32 v44, v40;
	v0 =	vadd.f32 v45, v0  }
0x284: {  	v45 =	vadd.f32 v48, v47;
	v47 =	vadd.f32 v54, v53  }
0x285: {  	v48 =	vadd.f32 v57, v56;
	v54 =	vadd.f32 v35, v33  }
0x286: {  	v0 =	vadd.f32 v45, v0;
	v2 =	vadd.f32 v49, v46  }
0x287: {  	v43 =	vadd.f32 v55, v52;
	v44 =	vadd.f32 v61, v58  }
0x288: {  	v46 =	vadd.f32 v51, v50;
	v49 =	vadd.f32 v60, v59  }
0x289: {  	v53 =	vld [tilespmem:$0x9850];
	v51 =	vadd.f32 v63, v62;
	v52 =	vadd.f32 v31, v29  }
0x28a: {  	v50 =	vld [tilespmem:$0x9810];
	v55 =	vadd.f32 v39, v37;
	v2 =	vadd.f32 v2, v42  }
0x28b: {  	v5 =	vadd.f32 v44, v43;
	v56 =	vadd.f32 v47, v46  }
0x28c: {  	v57 =	vadd.f32 v49, v48;
	v58 =	vadd.f32 v52, v51  }
0x28d: {  	v59 =	vadd.f32 v55, v54;
	v2 =	vadd.f32 v5, v2  }
0x28e: {  	v0 =	vadd.f32 v56, v0;
	v61 =	vadd.f32 v58, v57  }
0x28f: {  	v60 =	vadd.f32 v53, v50;
	v2 =	vadd.f32 v2, v59;
	_ =	sdelay $0x1  }
0x290: {  	v0 =	vadd.f32 v61, v0;
	v62 =	vadd.f32 v2, v60;
	_ =	sdelay $0x1  }
0x291: {  	v0 =	vadd.f32 v62, v0;
	_ =	sdelay $0x1  }
0x292: {  	[tilespmem:s18+$0xA890] =	vst v0  }
0x293: {  	v0 =	vld [tilespmem:$0x8C20]  }
0x294: {  	v1 =	vld [tilespmem:$0x8C60]  }
0x295: {  	v2 =	vld [tilespmem:$0x8CA0]  }
0x296: {  	v3 =	vld [tilespmem:$0x8CE0]  }
0x297: {  	v4 =	vld [tilespmem:$0x8D20]  }
0x298: {  	v5 =	vld [tilespmem:$0x8D60]  }
0x299: {  	v6 =	vld [tilespmem:$0x8DA0]  }
0x29a: {  	v63 =	vld [tilespmem:$0x8DE0]  }
0x29b: {  	v8 =	vld [tilespmem:$0x8E20]  }
0x29c: {  	v9 =	vld [tilespmem:$0x8E60]  }
0x29d: {  	v10 =	vld [tilespmem:$0x8EA0]  }
0x29e: {  	v44 =	vld [tilespmem:$0x8EE0]  }
0x29f: {  	v12 =	vld [tilespmem:$0x8F20]  }
0x2a0: {  	v45 =	vld [tilespmem:$0x8F60]  }
0x2a1: {  	v46 =	vld [tilespmem:$0x8FA0]  }
0x2a2: {  	v47 =	vld [tilespmem:$0x8FE0]  }
0x2a3: {  	v16 =	vld [tilespmem:$0x9020]  }
0x2a4: {  	v48 =	vld [tilespmem:$0x9060]  }
0x2a5: {  	v49 =	vld [tilespmem:$0x90A0]  }
0x2a6: {  	v50 =	vld [tilespmem:$0x90E0]  }
0x2a7: {  	v20 =	vld [tilespmem:$0x9120]  }
0x2a8: {  	v51 =	vld [tilespmem:$0x9160]  }
0x2a9: {  	v52 =	vld [tilespmem:$0x91A0]  }
0x2aa: {  	v53 =	vld [tilespmem:$0x91E0]  }
0x2ab: {  	v24 =	vld [tilespmem:$0x9220]  }
0x2ac: {  	v54 =	vld [tilespmem:$0x9260]  }
0x2ad: {  	v26 =	vld [tilespmem:$0x92A0]  }
0x2ae: {  	v55 =	vld [tilespmem:$0x92E0]  }
0x2af: {  	v28 =	vld [tilespmem:$0x9320]  }
0x2b0: {  	v56 =	vld [tilespmem:$0x9360]  }
0x2b1: {  	v30 =	vld [tilespmem:$0x93A0]  }
0x2b2: {  	v57 =	vld [tilespmem:$0x93E0]  }
0x2b3: {  	v32 =	vld [tilespmem:$0x9420]  }
0x2b4: {  	v58 =	vld [tilespmem:$0x9460]  }
0x2b5: {  	v34 =	vld [tilespmem:$0x94A0]  }
0x2b6: {  	v59 =	vld [tilespmem:$0x94E0]  }
0x2b7: {  	v36 =	vld [tilespmem:$0x9520];
	v0 =	vadd.f32 v1, v0;
	v1 =	vadd.f32 v3, v2  }
0x2b8: {  	v60 =	vld [tilespmem:$0x9560];
	v3 =	vadd.f32 v5, v4;
	v4 =	vadd.f32 v63, v6  }
0x2b9: {  	v38 =	vld [tilespmem:$0x95A0];
	v42 =	vadd.f32 v9, v8;
	v43 =	vadd.f32 v44, v10  }
0x2ba: {  	v61 =	vld [tilespmem:$0x95E0];
	v45 =	vadd.f32 v45, v12;
	v46 =	vadd.f32 v47, v46  }
0x2bb: {  	v40 =	vld [tilespmem:$0x9620];
	v48 =	vadd.f32 v48, v16;
	v49 =	vadd.f32 v50, v49  }
0x2bc: {  	v62 =	vld [tilespmem:$0x9660];
	v51 =	vadd.f32 v51, v20;
	v52 =	vadd.f32 v53, v52  }
0x2bd: {  	v2 =	vld [tilespmem:$0x96A0];
	v54 =	vadd.f32 v54, v24;
	v55 =	vadd.f32 v55, v26  }
0x2be: {  	v63 =	vld [tilespmem:$0x96E0];
	v56 =	vadd.f32 v56, v28;
	v57 =	vadd.f32 v57, v30  }
0x2bf: {  	v44 =	vld [tilespmem:$0x9720];
	v58 =	vadd.f32 v58, v32;
	v59 =	vadd.f32 v59, v34  }
0x2c0: {  	v47 =	vld [tilespmem:$0x9760];
	v60 =	vadd.f32 v60, v36;
	v61 =	vadd.f32 v61, v38  }
0x2c1: {  	v50 =	vld [tilespmem:$0x97A0];
	v62 =	vadd.f32 v62, v40;
	v0 =	vadd.f32 v1, v0  }
0x2c2: {  	v53 =	vld [tilespmem:$0x97E0];
	v27 =	vadd.f32 v4, v3;
	v28 =	vadd.f32 v43, v42  }
0x2c3: {  	v29 =	vadd.f32 v46, v45;
	v30 =	vadd.f32 v49, v48  }
0x2c4: {  	v31 =	vadd.f32 v52, v51;
	v33 =	vadd.f32 v55, v54  }
0x2c5: {  	v34 =	vadd.f32 v57, v56;
	v36 =	vadd.f32 v59, v58  }
0x2c6: {  	v35 =	vld [tilespmem:$0x9860];
	v37 =	vadd.f32 v61, v60;
	v2 =	vadd.f32 v63, v2  }
0x2c7: {  	v32 =	vld [tilespmem:$0x9820];
	v63 =	vadd.f32 v47, v44;
	v17 =	vadd.f32 v53, v50  }
0x2c8: {  	v0 =	vadd.f32 v27, v0;
	v38 =	vadd.f32 v29, v28  }
0x2c9: {  	v2 =	vadd.f32 v2, v62;
	v5 =	vadd.f32 v17, v63  }
0x2ca: {  	v39 =	vadd.f32 v31, v30;
	v40 =	vadd.f32 v34, v33  }
0x2cb: {  	v41 =	vadd.f32 v37, v36;
	v2 =	vadd.f32 v5, v2  }
0x2cc: {  	v42 =	vadd.f32 v35, v32;
	v0 =	vadd.f32 v38, v0  }
0x2cd: {  	v43 =	vadd.f32 v40, v39;
	v2 =	vadd.f32 v2, v41;
	_ =	sdelay $0x1  }
0x2ce: {  	v0 =	vadd.f32 v43, v0;
	v44 =	vadd.f32 v2, v42;
	_ =	sdelay $0x1  }
0x2cf: {  	v0 =	vadd.f32 v44, v0;
	_ =	sdelay $0x1  }
0x2d0: {  	[tilespmem:s18+$0xA8A0] =	vst v0  }
0x2d1: {  	v0 =	vld [tilespmem:$0x8C30]  }
0x2d2: {  	v1 =	vld [tilespmem:$0x8C70]  }
0x2d3: {  	v45 =	vld [tilespmem:$0x8CB0]  }
0x2d4: {  	v46 =	vld [tilespmem:$0x8CF0]  }
0x2d5: {  	v4 =	vld [tilespmem:$0x8D30]  }
0x2d6: {  	v47 =	vld [tilespmem:$0x8D70]  }
0x2d7: {  	v48 =	vld [tilespmem:$0x8DB0]  }
0x2d8: {  	v49 =	vld [tilespmem:$0x8DF0]  }
0x2d9: {  	v8 =	vld [tilespmem:$0x8E30]  }
0x2da: {  	v50 =	vld [tilespmem:$0x8E70]  }
0x2db: {  	v51 =	vld [tilespmem:$0x8EB0]  }
0x2dc: {  	v52 =	vld [tilespmem:$0x8EF0]  }
0x2dd: {  	v12 =	vld [tilespmem:$0x8F30]  }
0x2de: {  	v53 =	vld [tilespmem:$0x8F70]  }
0x2df: {  	v54 =	vld [tilespmem:$0x8FB0]  }
0x2e0: {  	v55 =	vld [tilespmem:$0x8FF0]  }
0x2e1: {  	v16 =	vld [tilespmem:$0x9030]  }
0x2e2: {  	v56 =	vld [tilespmem:$0x9070]  }
0x2e3: {  	v57 =	vld [tilespmem:$0x90B0]  }
0x2e4: {  	v58 =	vld [tilespmem:$0x90F0]  }
0x2e5: {  	v20 =	vld [tilespmem:$0x9130]  }
0x2e6: {  	v59 =	vld [tilespmem:$0x9170]  }
0x2e7: {  	v60 =	vld [tilespmem:$0x91B0]  }
0x2e8: {  	v61 =	vld [tilespmem:$0x91F0]  }
0x2e9: {  	v24 =	vld [tilespmem:$0x9230]  }
0x2ea: {  	v62 =	vld [tilespmem:$0x9270]  }
0x2eb: {  	v26 =	vld [tilespmem:$0x92B0]  }
0x2ec: {  	v63 =	vld [tilespmem:$0x92F0]  }
0x2ed: {  	v28 =	vld [tilespmem:$0x9330]  }
0x2ee: {  	v29 =	vld [tilespmem:$0x9370]  }
0x2ef: {  	v30 =	vld [tilespmem:$0x93B0]  }
0x2f0: {  	v31 =	vld [tilespmem:$0x93F0]  }
0x2f1: {  	v32 =	vld [tilespmem:$0x9430]  }
0x2f2: {  	v33 =	vld [tilespmem:$0x9470]  }
0x2f3: {  	v34 =	vld [tilespmem:$0x94B0]  }
0x2f4: {  	v35 =	vld [tilespmem:$0x94F0]  }
0x2f5: {  	v36 =	vld [tilespmem:$0x9530]  }
0x2f6: {  	v37 =	vld [tilespmem:$0x9570]  }
0x2f7: {  	v38 =	vld [tilespmem:$0x95B0];
	v0 =	vadd.f32 v1, v0;
	v45 =	vadd.f32 v46, v45  }
0x2f8: {  	v39 =	vld [tilespmem:$0x95F0];
	v47 =	vadd.f32 v47, v4;
	v48 =	vadd.f32 v49, v48  }
0x2f9: {  	v40 =	vld [tilespmem:$0x9630];
	v50 =	vadd.f32 v50, v8;
	v51 =	vadd.f32 v52, v51  }
0x2fa: {  	v44 =	vld [tilespmem:$0x9670];
	v53 =	vadd.f32 v53, v12;
	v54 =	vadd.f32 v55, v54  }
0x2fb: {  	v46 =	vld [tilespmem:$0x96B0];
	v56 =	vadd.f32 v56, v16;
	v57 =	vadd.f32 v58, v57  }
0x2fc: {  	v49 =	vld [tilespmem:$0x96F0];
	v59 =	vadd.f32 v59, v20;
	v60 =	vadd.f32 v61, v60  }
0x2fd: {  	v52 =	vld [tilespmem:$0x9730];
	v62 =	vadd.f32 v62, v24;
	v63 =	vadd.f32 v63, v26  }
0x2fe: {  	v55 =	vld [tilespmem:$0x9770];
	v29 =	vadd.f32 v29, v28;
	v31 =	vadd.f32 v31, v30  }
0x2ff: {  	v58 =	vld [tilespmem:$0x97B0];
	v33 =	vadd.f32 v33, v32;
	v35 =	vadd.f32 v35, v34  }
0x300: {  	v61 =	vld [tilespmem:$0x97F0];
	v37 =	vadd.f32 v37, v36;
	v39 =	vadd.f32 v39, v38  }
0x301: {  	v42 =	vadd.f32 v44, v40;
	v0 =	vadd.f32 v45, v0  }
0x302: {  	v45 =	vadd.f32 v48, v47;
	v47 =	vadd.f32 v54, v53  }
0x303: {  	v48 =	vadd.f32 v57, v56;
	v54 =	vadd.f32 v35, v33  }
0x304: {  	v0 =	vadd.f32 v45, v0;
	v2 =	vadd.f32 v49, v46  }
0x305: {  	v43 =	vadd.f32 v55, v52;
	v44 =	vadd.f32 v61, v58  }
0x306: {  	v46 =	vadd.f32 v51, v50;
	v49 =	vadd.f32 v60, v59  }
0x307: {  	v53 =	vld [tilespmem:$0x9870];
	v51 =	vadd.f32 v63, v62;
	v52 =	vadd.f32 v31, v29  }
0x308: {  	v50 =	vld [tilespmem:$0x9830];
	v55 =	vadd.f32 v39, v37;
	v2 =	vadd.f32 v2, v42  }
0x309: {  	v5 =	vadd.f32 v44, v43;
	v56 =	vadd.f32 v47, v46  }
0x30a: {  	v57 =	vadd.f32 v49, v48;
	v58 =	vadd.f32 v52, v51  }
0x30b: {  	v59 =	vadd.f32 v55, v54;
	v2 =	vadd.f32 v5, v2  }
0x30c: {  	v0 =	vadd.f32 v56, v0;
	v61 =	vadd.f32 v58, v57  }
0x30d: {  	v60 =	vadd.f32 v53, v50;
	v2 =	vadd.f32 v2, v59;
	_ =	sdelay $0x1  }
0x30e: {  	v0 =	vadd.f32 v61, v0;
	v62 =	vadd.f32 v2, v60;
	_ =	sdelay $0x1  }
0x30f: {  	v0 =	vadd.f32 v62, v0;
	_ =	sdelay $0x1  }
0x310: {  	[tilespmem:s18+$0xA8B0] =	vst v0  }
0x311: {  	v0 =	vld [tilespmem:$0x9A00]  }
0x312: {  	v1 =	vld [tilespmem:$0x9A40]  }
0x313: {  	v2 =	vld [tilespmem:$0x9A80]  }
0x314: {  	v3 =	vld [tilespmem:$0x9AC0]  }
0x315: {  	v4 =	vld [tilespmem:$0x9B00]  }
0x316: {  	v5 =	vld [tilespmem:$0x9B40]  }
0x317: {  	v6 =	vld [tilespmem:$0x9B80]  }
0x318: {  	v63 =	vld [tilespmem:$0x9BC0]  }
0x319: {  	v8 =	vld [tilespmem:$0x9C00]  }
0x31a: {  	v9 =	vld [tilespmem:$0x9C40]  }
0x31b: {  	v10 =	vld [tilespmem:$0x9C80]  }
0x31c: {  	v44 =	vld [tilespmem:$0x9CC0]  }
0x31d: {  	v12 =	vld [tilespmem:$0x9D00]  }
0x31e: {  	v45 =	vld [tilespmem:$0x9D40]  }
0x31f: {  	v46 =	vld [tilespmem:$0x9D80]  }
0x320: {  	v47 =	vld [tilespmem:$0x9DC0]  }
0x321: {  	v16 =	vld [tilespmem:$0x9E00]  }
0x322: {  	v48 =	vld [tilespmem:$0x9E40]  }
0x323: {  	v49 =	vld [tilespmem:$0x9E80]  }
0x324: {  	v50 =	vld [tilespmem:$0x9EC0]  }
0x325: {  	v20 =	vld [tilespmem:$0x9F00]  }
0x326: {  	v51 =	vld [tilespmem:$0x9F40]  }
0x327: {  	v52 =	vld [tilespmem:$0x9F80]  }
0x328: {  	v53 =	vld [tilespmem:$0x9FC0]  }
0x329: {  	v24 =	vld [tilespmem:$0xA000]  }
0x32a: {  	v54 =	vld [tilespmem:$0xA040]  }
0x32b: {  	v26 =	vld [tilespmem:$0xA080]  }
0x32c: {  	v55 =	vld [tilespmem:$0xA0C0]  }
0x32d: {  	v28 =	vld [tilespmem:$0xA100]  }
0x32e: {  	v56 =	vld [tilespmem:$0xA140]  }
0x32f: {  	v30 =	vld [tilespmem:$0xA180]  }
0x330: {  	v57 =	vld [tilespmem:$0xA1C0]  }
0x331: {  	v32 =	vld [tilespmem:$0xA200]  }
0x332: {  	v58 =	vld [tilespmem:$0xA240]  }
0x333: {  	v34 =	vld [tilespmem:$0xA280]  }
0x334: {  	v59 =	vld [tilespmem:$0xA2C0]  }
0x335: {  	v36 =	vld [tilespmem:$0xA300];
	v0 =	vadd.f32 v1, v0;
	v1 =	vadd.f32 v3, v2  }
0x336: {  	v60 =	vld [tilespmem:$0xA340];
	v3 =	vadd.f32 v5, v4;
	v4 =	vadd.f32 v63, v6  }
0x337: {  	v38 =	vld [tilespmem:$0xA380];
	v42 =	vadd.f32 v9, v8;
	v43 =	vadd.f32 v44, v10  }
0x338: {  	v61 =	vld [tilespmem:$0xA3C0];
	v45 =	vadd.f32 v45, v12;
	v46 =	vadd.f32 v47, v46  }
0x339: {  	v40 =	vld [tilespmem:$0xA400];
	v48 =	vadd.f32 v48, v16;
	v49 =	vadd.f32 v50, v49  }
0x33a: {  	v62 =	vld [tilespmem:$0xA440];
	v51 =	vadd.f32 v51, v20;
	v52 =	vadd.f32 v53, v52  }
0x33b: {  	v2 =	vld [tilespmem:$0xA480];
	v54 =	vadd.f32 v54, v24;
	v55 =	vadd.f32 v55, v26  }
0x33c: {  	v63 =	vld [tilespmem:$0xA4C0];
	v56 =	vadd.f32 v56, v28;
	v57 =	vadd.f32 v57, v30  }
0x33d: {  	v44 =	vld [tilespmem:$0xA500];
	v58 =	vadd.f32 v58, v32;
	v59 =	vadd.f32 v59, v34  }
0x33e: {  	v47 =	vld [tilespmem:$0xA540];
	v60 =	vadd.f32 v60, v36;
	v61 =	vadd.f32 v61, v38  }
0x33f: {  	v50 =	vld [tilespmem:$0xA580];
	v62 =	vadd.f32 v62, v40;
	v0 =	vadd.f32 v1, v0  }
0x340: {  	v53 =	vld [tilespmem:$0xA5C0];
	v27 =	vadd.f32 v4, v3;
	v28 =	vadd.f32 v43, v42  }
0x341: {  	v29 =	vadd.f32 v46, v45;
	v30 =	vadd.f32 v49, v48  }
0x342: {  	v31 =	vadd.f32 v52, v51;
	v33 =	vadd.f32 v55, v54  }
0x343: {  	v34 =	vadd.f32 v57, v56;
	v36 =	vadd.f32 v59, v58  }
0x344: {  	v35 =	vld [tilespmem:$0xA640];
	v37 =	vadd.f32 v61, v60;
	v2 =	vadd.f32 v63, v2  }
0x345: {  	v32 =	vld [tilespmem:$0xA600];
	v63 =	vadd.f32 v47, v44;
	v17 =	vadd.f32 v53, v50  }
0x346: {  	v0 =	vadd.f32 v27, v0;
	v38 =	vadd.f32 v29, v28  }
0x347: {  	v2 =	vadd.f32 v2, v62;
	v5 =	vadd.f32 v17, v63  }
0x348: {  	v39 =	vadd.f32 v31, v30;
	v40 =	vadd.f32 v34, v33  }
0x349: {  	v41 =	vadd.f32 v37, v36;
	v2 =	vadd.f32 v5, v2  }
0x34a: {  	v42 =	vadd.f32 v35, v32;
	v0 =	vadd.f32 v38, v0  }
0x34b: {  	v43 =	vadd.f32 v40, v39;
	v2 =	vadd.f32 v2, v41;
	_ =	sdelay $0x1  }
0x34c: {  	v0 =	vadd.f32 v43, v0;
	v44 =	vadd.f32 v2, v42;
	_ =	sdelay $0x1  }
0x34d: {  	v0 =	vadd.f32 v44, v0;
	_ =	sdelay $0x1  }
0x34e: {  	[tilespmem:s18+$0xA8C0] =	vst v0  }
0x34f: {  	v0 =	vld [tilespmem:$0x9A10]  }
0x350: {  	v1 =	vld [tilespmem:$0x9A50]  }
0x351: {  	v45 =	vld [tilespmem:$0x9A90]  }
0x352: {  	v46 =	vld [tilespmem:$0x9AD0]  }
0x353: {  	v4 =	vld [tilespmem:$0x9B10]  }
0x354: {  	v47 =	vld [tilespmem:$0x9B50]  }
0x355: {  	v48 =	vld [tilespmem:$0x9B90]  }
0x356: {  	v49 =	vld [tilespmem:$0x9BD0]  }
0x357: {  	v8 =	vld [tilespmem:$0x9C10]  }
0x358: {  	v50 =	vld [tilespmem:$0x9C50]  }
0x359: {  	v51 =	vld [tilespmem:$0x9C90]  }
0x35a: {  	v52 =	vld [tilespmem:$0x9CD0]  }
0x35b: {  	v12 =	vld [tilespmem:$0x9D10]  }
0x35c: {  	v53 =	vld [tilespmem:$0x9D50]  }
0x35d: {  	v54 =	vld [tilespmem:$0x9D90]  }
0x35e: {  	v55 =	vld [tilespmem:$0x9DD0]  }
0x35f: {  	v16 =	vld [tilespmem:$0x9E10]  }
0x360: {  	v56 =	vld [tilespmem:$0x9E50]  }
0x361: {  	v57 =	vld [tilespmem:$0x9E90]  }
0x362: {  	v58 =	vld [tilespmem:$0x9ED0]  }
0x363: {  	v20 =	vld [tilespmem:$0x9F10]  }
0x364: {  	v59 =	vld [tilespmem:$0x9F50]  }
0x365: {  	v60 =	vld [tilespmem:$0x9F90]  }
0x366: {  	v61 =	vld [tilespmem:$0x9FD0]  }
0x367: {  	v24 =	vld [tilespmem:$0xA010]  }
0x368: {  	v62 =	vld [tilespmem:$0xA050]  }
0x369: {  	v26 =	vld [tilespmem:$0xA090]  }
0x36a: {  	v63 =	vld [tilespmem:$0xA0D0]  }
0x36b: {  	v28 =	vld [tilespmem:$0xA110]  }
0x36c: {  	v29 =	vld [tilespmem:$0xA150]  }
0x36d: {  	v30 =	vld [tilespmem:$0xA190]  }
0x36e: {  	v31 =	vld [tilespmem:$0xA1D0]  }
0x36f: {  	v32 =	vld [tilespmem:$0xA210]  }
0x370: {  	v33 =	vld [tilespmem:$0xA250]  }
0x371: {  	v34 =	vld [tilespmem:$0xA290]  }
0x372: {  	v35 =	vld [tilespmem:$0xA2D0]  }
0x373: {  	v36 =	vld [tilespmem:$0xA310]  }
0x374: {  	v37 =	vld [tilespmem:$0xA350]  }
0x375: {  	v38 =	vld [tilespmem:$0xA390];
	v0 =	vadd.f32 v1, v0;
	v45 =	vadd.f32 v46, v45  }
0x376: {  	v39 =	vld [tilespmem:$0xA3D0];
	v47 =	vadd.f32 v47, v4;
	v48 =	vadd.f32 v49, v48  }
0x377: {  	v40 =	vld [tilespmem:$0xA410];
	v50 =	vadd.f32 v50, v8;
	v51 =	vadd.f32 v52, v51  }
0x378: {  	v44 =	vld [tilespmem:$0xA450];
	v53 =	vadd.f32 v53, v12;
	v54 =	vadd.f32 v55, v54  }
0x379: {  	v46 =	vld [tilespmem:$0xA490];
	v56 =	vadd.f32 v56, v16;
	v57 =	vadd.f32 v58, v57  }
0x37a: {  	v49 =	vld [tilespmem:$0xA4D0];
	v59 =	vadd.f32 v59, v20;
	v60 =	vadd.f32 v61, v60  }
0x37b: {  	v52 =	vld [tilespmem:$0xA510];
	v62 =	vadd.f32 v62, v24;
	v63 =	vadd.f32 v63, v26  }
0x37c: {  	v55 =	vld [tilespmem:$0xA550];
	v29 =	vadd.f32 v29, v28;
	v31 =	vadd.f32 v31, v30  }
0x37d: {  	v58 =	vld [tilespmem:$0xA590];
	v33 =	vadd.f32 v33, v32;
	v35 =	vadd.f32 v35, v34  }
0x37e: {  	v61 =	vld [tilespmem:$0xA5D0];
	v37 =	vadd.f32 v37, v36;
	v39 =	vadd.f32 v39, v38  }
0x37f: {  	v42 =	vadd.f32 v44, v40;
	v0 =	vadd.f32 v45, v0  }
0x380: {  	v45 =	vadd.f32 v48, v47;
	v47 =	vadd.f32 v54, v53  }
0x381: {  	v48 =	vadd.f32 v57, v56;
	v54 =	vadd.f32 v35, v33  }
0x382: {  	v0 =	vadd.f32 v45, v0;
	v2 =	vadd.f32 v49, v46  }
0x383: {  	v43 =	vadd.f32 v55, v52;
	v44 =	vadd.f32 v61, v58  }
0x384: {  	v46 =	vadd.f32 v51, v50;
	v49 =	vadd.f32 v60, v59  }
0x385: {  	v53 =	vld [tilespmem:$0xA650];
	v51 =	vadd.f32 v63, v62;
	v52 =	vadd.f32 v31, v29  }
0x386: {  	v50 =	vld [tilespmem:$0xA610];
	v55 =	vadd.f32 v39, v37;
	v2 =	vadd.f32 v2, v42  }
0x387: {  	v5 =	vadd.f32 v44, v43;
	v56 =	vadd.f32 v47, v46  }
0x388: {  	v57 =	vadd.f32 v49, v48;
	v58 =	vadd.f32 v52, v51  }
0x389: {  	v59 =	vadd.f32 v55, v54;
	v2 =	vadd.f32 v5, v2  }
0x38a: {  	v0 =	vadd.f32 v56, v0;
	v61 =	vadd.f32 v58, v57  }
0x38b: {  	v60 =	vadd.f32 v53, v50;
	v2 =	vadd.f32 v2, v59;
	_ =	sdelay $0x1  }
0x38c: {  	v0 =	vadd.f32 v61, v0;
	v62 =	vadd.f32 v2, v60;
	_ =	sdelay $0x1  }
0x38d: {  	v0 =	vadd.f32 v62, v0;
	_ =	sdelay $0x1  }
0x38e: {  	[tilespmem:s18+$0xA8D0] =	vst v0  }
0x38f: {  	v0 =	vld [tilespmem:$0x9A20]  }
0x390: {  	v1 =	vld [tilespmem:$0x9A60]  }
0x391: {  	v2 =	vld [tilespmem:$0x9AA0]  }
0x392: {  	v3 =	vld [tilespmem:$0x9AE0]  }
0x393: {  	v4 =	vld [tilespmem:$0x9B20]  }
0x394: {  	v5 =	vld [tilespmem:$0x9B60]  }
0x395: {  	v6 =	vld [tilespmem:$0x9BA0]  }
0x396: {  	v63 =	vld [tilespmem:$0x9BE0]  }
0x397: {  	v8 =	vld [tilespmem:$0x9C20]  }
0x398: {  	v9 =	vld [tilespmem:$0x9C60]  }
0x399: {  	v10 =	vld [tilespmem:$0x9CA0]  }
0x39a: {  	v44 =	vld [tilespmem:$0x9CE0]  }
0x39b: {  	v12 =	vld [tilespmem:$0x9D20]  }
0x39c: {  	v45 =	vld [tilespmem:$0x9D60]  }
0x39d: {  	v46 =	vld [tilespmem:$0x9DA0]  }
0x39e: {  	v47 =	vld [tilespmem:$0x9DE0]  }
0x39f: {  	v16 =	vld [tilespmem:$0x9E20]  }
0x3a0: {  	v48 =	vld [tilespmem:$0x9E60]  }
0x3a1: {  	v49 =	vld [tilespmem:$0x9EA0]  }
0x3a2: {  	v50 =	vld [tilespmem:$0x9EE0]  }
0x3a3: {  	v20 =	vld [tilespmem:$0x9F20]  }
0x3a4: {  	v51 =	vld [tilespmem:$0x9F60]  }
0x3a5: {  	v52 =	vld [tilespmem:$0x9FA0]  }
0x3a6: {  	v53 =	vld [tilespmem:$0x9FE0]  }
0x3a7: {  	v24 =	vld [tilespmem:$0xA020]  }
0x3a8: {  	v54 =	vld [tilespmem:$0xA060]  }
0x3a9: {  	v26 =	vld [tilespmem:$0xA0A0]  }
0x3aa: {  	v55 =	vld [tilespmem:$0xA0E0]  }
0x3ab: {  	v28 =	vld [tilespmem:$0xA120]  }
0x3ac: {  	v56 =	vld [tilespmem:$0xA160]  }
0x3ad: {  	v30 =	vld [tilespmem:$0xA1A0]  }
0x3ae: {  	v57 =	vld [tilespmem:$0xA1E0]  }
0x3af: {  	v32 =	vld [tilespmem:$0xA220]  }
0x3b0: {  	v58 =	vld [tilespmem:$0xA260]  }
0x3b1: {  	v34 =	vld [tilespmem:$0xA2A0]  }
0x3b2: {  	v59 =	vld [tilespmem:$0xA2E0]  }
0x3b3: {  	v36 =	vld [tilespmem:$0xA320];
	v0 =	vadd.f32 v1, v0;
	v1 =	vadd.f32 v3, v2  }
0x3b4: {  	v60 =	vld [tilespmem:$0xA360];
	v3 =	vadd.f32 v5, v4;
	v4 =	vadd.f32 v63, v6  }
0x3b5: {  	v38 =	vld [tilespmem:$0xA3A0];
	v42 =	vadd.f32 v9, v8;
	v43 =	vadd.f32 v44, v10  }
0x3b6: {  	v61 =	vld [tilespmem:$0xA3E0];
	v45 =	vadd.f32 v45, v12;
	v46 =	vadd.f32 v47, v46  }
0x3b7: {  	v40 =	vld [tilespmem:$0xA420];
	v48 =	vadd.f32 v48, v16;
	v49 =	vadd.f32 v50, v49  }
0x3b8: {  	v62 =	vld [tilespmem:$0xA460];
	v51 =	vadd.f32 v51, v20;
	v52 =	vadd.f32 v53, v52  }
0x3b9: {  	v2 =	vld [tilespmem:$0xA4A0];
	v54 =	vadd.f32 v54, v24;
	v55 =	vadd.f32 v55, v26  }
0x3ba: {  	v63 =	vld [tilespmem:$0xA4E0];
	v56 =	vadd.f32 v56, v28;
	v57 =	vadd.f32 v57, v30  }
0x3bb: {  	v44 =	vld [tilespmem:$0xA520];
	v58 =	vadd.f32 v58, v32;
	v59 =	vadd.f32 v59, v34  }
0x3bc: {  	v47 =	vld [tilespmem:$0xA560];
	v60 =	vadd.f32 v60, v36;
	v61 =	vadd.f32 v61, v38  }
0x3bd: {  	v50 =	vld [tilespmem:$0xA5A0];
	v62 =	vadd.f32 v62, v40;
	v0 =	vadd.f32 v1, v0  }
0x3be: {  	v53 =	vld [tilespmem:$0xA5E0];
	v28 =	vadd.f32 v4, v3;
	v29 =	vadd.f32 v43, v42  }
0x3bf: {  	v30 =	vadd.f32 v46, v45;
	v31 =	vadd.f32 v49, v48  }
0x3c0: {  	v32 =	vadd.f32 v52, v51;
	v34 =	vadd.f32 v55, v54  }
0x3c1: {  	v35 =	vadd.f32 v57, v56;
	v37 =	vadd.f32 v59, v58  }
0x3c2: {  	v33 =	vld [tilespmem:$0xA620];
	v38 =	vadd.f32 v61, v60;
	v2 =	vadd.f32 v63, v2  }
0x3c3: {  	v36 =	vld [tilespmem:$0xA660];
	v63 =	vadd.f32 v47, v44;
	v27 =	vadd.f32 v53, v50  }
0x3c4: {  	v0 =	vadd.f32 v28, v0;
	v39 =	vadd.f32 v30, v29  }
0x3c5: {  	v2 =	vadd.f32 v2, v62;
	v5 =	vadd.f32 v27, v63  }
0x3c6: {  	v40 =	vadd.f32 v32, v31;
	v41 =	vadd.f32 v35, v34  }
0x3c7: {  	v42 =	vadd.f32 v38, v37;
	v2 =	vadd.f32 v5, v2  }
0x3c8: {  	v43 =	vadd.f32 v36, v33;
	v0 =	vadd.f32 v39, v0  }
0x3c9: {  	v44 =	vadd.f32 v41, v40;
	v2 =	vadd.f32 v2, v42;
	_ =	sdelay $0x1  }
0x3ca: {  	v0 =	vadd.f32 v44, v0;
	v45 =	vadd.f32 v2, v43;
	_ =	sdelay $0x1  }
0x3cb: {  	v0 =	vadd.f32 v45, v0;
	_ =	sdelay $0x1  }
0x3cc: {  	[tilespmem:s18+$0xA8E0] =	vst v0  }
0x3cd: {  	v0 =	vld [tilespmem:$0x9A30]  }
0x3ce: {  	v1 =	vld [tilespmem:$0x9A70]  }
0x3cf: {  	v2 =	vld [tilespmem:$0x9AB0]  }
0x3d0: {  	v46 =	vld [tilespmem:$0x9AF0]  }
0x3d1: {  	v4 =	vld [tilespmem:$0x9B30]  }
0x3d2: {  	v47 =	vld [tilespmem:$0x9B70]  }
0x3d3: {  	v48 =	vld [tilespmem:$0x9BB0]  }
0x3d4: {  	v49 =	vld [tilespmem:$0x9BF0]  }
0x3d5: {  	v8 =	vld [tilespmem:$0x9C30]  }
0x3d6: {  	v50 =	vld [tilespmem:$0x9C70]  }
0x3d7: {  	v51 =	vld [tilespmem:$0x9CB0]  }
0x3d8: {  	v52 =	vld [tilespmem:$0x9CF0]  }
0x3d9: {  	v12 =	vld [tilespmem:$0x9D30]  }
0x3da: {  	v53 =	vld [tilespmem:$0x9D70]  }
0x3db: {  	v54 =	vld [tilespmem:$0x9DB0]  }
0x3dc: {  	v55 =	vld [tilespmem:$0x9DF0]  }
0x3dd: {  	v16 =	vld [tilespmem:$0x9E30]  }
0x3de: {  	v56 =	vld [tilespmem:$0x9E70]  }
0x3df: {  	v57 =	vld [tilespmem:$0x9EB0]  }
0x3e0: {  	v58 =	vld [tilespmem:$0x9EF0]  }
0x3e1: {  	v20 =	vld [tilespmem:$0x9F30]  }
0x3e2: {  	v59 =	vld [tilespmem:$0x9F70]  }
0x3e3: {  	v60 =	vld [tilespmem:$0x9FB0]  }
0x3e4: {  	v61 =	vld [tilespmem:$0x9FF0]  }
0x3e5: {  	v24 =	vld [tilespmem:$0xA030]  }
0x3e6: {  	v62 =	vld [tilespmem:$0xA070]  }
0x3e7: {  	v26 =	vld [tilespmem:$0xA0B0]  }
0x3e8: {  	v63 =	vld [tilespmem:$0xA0F0]  }
0x3e9: {  	v28 =	vld [tilespmem:$0xA130]  }
0x3ea: {  	v29 =	vld [tilespmem:$0xA170]  }
0x3eb: {  	v30 =	vld [tilespmem:$0xA1B0]  }
0x3ec: {  	v31 =	vld [tilespmem:$0xA1F0]  }
0x3ed: {  	v32 =	vld [tilespmem:$0xA230]  }
0x3ee: {  	v33 =	vld [tilespmem:$0xA270]  }
0x3ef: {  	v34 =	vld [tilespmem:$0xA2B0]  }
0x3f0: {  	v35 =	vld [tilespmem:$0xA2F0]  }
0x3f1: {  	v36 =	vld [tilespmem:$0xA330]  }
0x3f2: {  	v37 =	vld [tilespmem:$0xA370]  }
0x3f3: {  	v38 =	vld [tilespmem:$0xA3B0]  }
0x3f4: {  	v39 =	vld [tilespmem:$0xA3F0]  }
0x3f5: {  	v44 =	vld [tilespmem:$0xA430];
	v0 =	vadd.f32 v1, v0;
	v1 =	vadd.f32 v46, v2  }
0x3f6: {  	v45 =	vld [tilespmem:$0xA470];
	v47 =	vadd.f32 v47, v4;
	v48 =	vadd.f32 v49, v48  }
0x3f7: {  	v46 =	vld [tilespmem:$0xA4B0];
	v50 =	vadd.f32 v50, v8;
	v51 =	vadd.f32 v52, v51  }
0x3f8: {  	v49 =	vld [tilespmem:$0xA4F0];
	v53 =	vadd.f32 v53, v12;
	v54 =	vadd.f32 v55, v54  }
0x3f9: {  	v52 =	vld [tilespmem:$0xA530];
	v56 =	vadd.f32 v56, v16;
	v57 =	vadd.f32 v58, v57  }
0x3fa: {  	v55 =	vld [tilespmem:$0xA570];
	v59 =	vadd.f32 v59, v20;
	v60 =	vadd.f32 v61, v60  }
0x3fb: {  	v58 =	vld [tilespmem:$0xA5B0];
	v62 =	vadd.f32 v62, v24;
	v63 =	vadd.f32 v63, v26  }
0x3fc: {  	v61 =	vld [tilespmem:$0xA5F0];
	v29 =	vadd.f32 v29, v28;
	v31 =	vadd.f32 v31, v30  }
0x3fd: {  	v33 =	vadd.f32 v33, v32;
	v35 =	vadd.f32 v35, v34  }
0x3fe: {  	v37 =	vadd.f32 v37, v36;
	v42 =	vadd.f32 v39, v38  }
0x3ff: {  	v43 =	vadd.f32 v45, v44;
	v0 =	vadd.f32 v1, v0  }
0x400: {  	v2 =	vadd.f32 v49, v46;
	v44 =	vadd.f32 v55, v52  }
0x401: {  	v45 =	vadd.f32 v61, v58;
	v46 =	vadd.f32 v48, v47  }
0x402: {  	v47 =	vadd.f32 v51, v50;
	v48 =	vadd.f32 v54, v53  }
0x403: {  	v49 =	vadd.f32 v57, v56;
	v50 =	vadd.f32 v60, v59  }
0x404: {  	v52 =	vadd.f32 v63, v62;
	v53 =	vadd.f32 v31, v29  }
0x405: {  	v51 =	vld [tilespmem:$0xA630];
	v55 =	vadd.f32 v35, v33;
	v56 =	vadd.f32 v42, v37  }
0x406: {  	v54 =	vld [tilespmem:$0xA670];
	v2 =	vadd.f32 v2, v43;
	v5 =	vadd.f32 v45, v44  }
0x407: {  	v0 =	vadd.f32 v46, v0;
	v57 =	vadd.f32 v48, v47  }
0x408: {  	v58 =	vadd.f32 v50, v49;
	v59 =	vadd.f32 v53, v52  }
0x409: {  	v60 =	vadd.f32 v56, v55;
	v2 =	vadd.f32 v5, v2  }
0x40a: {  	v0 =	vadd.f32 v57, v0;
	v62 =	vadd.f32 v59, v58  }
0x40b: {  	v61 =	vadd.f32 v54, v51;
	v2 =	vadd.f32 v2, v60;
	_ =	sdelay $0x1  }
0x40c: {  	v0 =	vadd.f32 v62, v0;
	v63 =	vadd.f32 v2, v61;
	_ =	sdelay $0x1  }
0x40d: {  	p0 =	sne.s32 s31, $0x1F;
	v0 =	vadd.f32 v63, v0  }
0x40e: {  	s17 =	sand.u32 @!p0 $0xC00, s15;
	s19 =	simm.s32 @!p0 $0xA800;
	s15 =	sadd.s32 $0x20, s15  }
0x40f: {  	s17 =	sadd.s32 @!p0 s17, s5;
	p1 =	sne.s32 s15, $0x1000;
	[tilespmem:s18+$0xA8F0] =	vst v0;
	s18 =	simm.s32 @!p0 $0x0  }
0x410: {  	[hbm4b:s17+s18] =	stream.linear.scatter @!p0 [tilespmem:s19], [sflag:$0x3], $0x2000, $0x38;
	[tilespmem:$0xC800] =	vst v63  }
.Ltmp0:
0x411: {  	_ = 	snop;
	(pc) =	sbr.rel @p1 .LBB2_2-.Ltmp0, $4  }
0x412: {  	s17 =	simm.s32 @!p0 $0x3  }
0x413: {  	_ =	swait.ge @!p0 [sflag:s17], $0x2000  }
0x414: {  	[sflag:s17] =	ssyncset.done @!p0 $0x0  }
0x415: {  	s16 =	sadd.s32 $0x1, s16;
	s14 =	sadd.s32 $0xE0, s14;
	[sflag:s17] =	ssyncadd.s32 @!p0 $0xFFFFE000  }
0x416: {  	s13 =	sadd.s32 $0x1, s13  }
0x417: {  	p0 =	sne.s32 s13, s6  }
.Ltmp1:
0x418: {  	_ = 	snop;
	(pc) =	sbr.rel @p0 .LBB2_1-.Ltmp1, $1  }
0x419: {  	_ =	sdelay $0x3  }
0x41a: {  	_ =	sfence.sel $0x180000  }
0x41b: {  	[bflag:$0x0] =	sbarrier.arrive $0xFFFF  }
0x41c: {  	p0 =	sne.s32 s0, $0x0;
	_ =	strace $0x90000047  }
0x41d: {  	s0 =	sadd.s32 @!p0 $0x100000, s1;
	[bflag:$0x2] =	sbarrier.arrive $0xFFFF  }
0x41e: {  	[sflag:s0] =	ssyncadd.tile.s32 @!p0 $0x1;
	_ =	shalt  }
.Lfunc_end2:
_tile_overlayer_lowered:
.L_overlay_start_2:
0x41f: {  	(tag) =	ssettag $0x2  }
0x420: {  	s0 =	rddreg [dreg:$0x0];
	s2 =	stileid.u32  }
0x421: {  	s1 =	rddreg [dreg:$0x1];
	p0 =	sne.s32 s2, $0x0  }
0x422: {  	s3 =	rddreg [dreg:$0x2];
	[bflag:$0x3] =	sbarrier.arrive $0xFFFF;
	s2 =	simm.s32 @!p0 $0x1C03  }
0x423: {  	[timem:s3], [sflag:s2] =	dma.local @!p0 [hbm:s0], s1  }
0x424: {  	s0 =	simm.s32 @!p0 $0x3  }
0x425: {  	_ =	swait.ge @!p0 [sflag:s0], s1  }
0x426: {  	s1 =	ssub.s32 @!p0 $0x0, s1;
	[sflag:s0] =	ssyncset.done @!p0 $0x0  }
0x427: {  	[sflag:s0] =	ssyncadd.s32 @!p0 s1  }
0x428: {  	[bflag:$0x3] =	sbarrier.arrive $0xFFFF  }
0x429: {  	_ =	shalt  }

</sc_bundles>
